<compile_context>
chip_gen: v7x
topology: tpu7x:2x2x1
jax: 0.10.2.dev20260603
libtpu: 0.0.44.dev20260713+nightly
codegen_flags: <defaults>
</compile_context>

<pallas_src>
import functools

import jax
import jax.numpy as jnp
from jax import lax
from jax.experimental import pallas as pl
from jax.experimental.pallas import tpu as pltpu
from jax.experimental.pallas import tpu_sc as plsc

_info = plsc.get_sparse_core_info()
_NC = _info.num_cores
_NS = _info.num_subcores
_NW = _NC * _NS


def _iota16():
  return jax.lax.iota(jnp.int32, 16)




@functools.lru_cache(maxsize=None)
def _make_table_linear(vocab, dim):
  nblk = vocab // 128
  rem = vocab - nblk * 128
  per_w = nblk // _NW
  extra = nblk - per_w * _NW
  mesh = plsc.VectorSubcoreMesh(core_axis_name="c", subcore_axis_name="s")

  @functools.partial(
      pl.kernel,
      mesh=mesh,
      out_type=jax.ShapeDtypeStruct((vocab * dim,), jnp.float32),
      compiler_params=pltpu.CompilerParams(
          use_tc_tiling_on_sc=True, needs_layout_passes=False
      ),
      scratch_types=[
          pltpu.VMEM((dim, 128), jnp.float32),
          pltpu.VMEM((dim, 128), jnp.float32),
          pltpu.VMEM((128 * dim,), jnp.float32),
          pltpu.VMEM((128 * dim,), jnp.float32),
      ]
      + [pltpu.SemaphoreType.DMA] * 4,
  )
  def detile(tt_hbm, tail_hbm, out_hbm, tile_v0, tile_v1, lin_v0, lin_v1,
             *sems):
    tile_v = (tile_v0, tile_v1)
    lin_v = (lin_v0, lin_v1)
    isem = sems[:2]
    osem = sems[2:]
    w = lax.axis_index("s") * _NC + lax.axis_index("c")
    iota = _iota16()
    perm = [(iota + k) & 15 for k in range(16)]
    vk = [(((iota + k) & 15) * dim) + iota for k in range(16)]

    def c0_of(j):
      return (w * per_w + j) * 128

    def start_in(p, j):
      pltpu.async_copy(
          tt_hbm.at[pl.ds(0, dim), pl.ds(c0_of(j), 128)],
          tile_v[p],
          isem[p],
      )

    def wait_in(p):
      pltpu.make_async_copy(
          tt_hbm.at[pl.ds(0, dim), pl.ds(0, 128)], tile_v[p], isem[p]
      ).wait()

    def start_out(p, j):
      pltpu.async_copy(
          lin_v[p], out_hbm.at[pl.ds(c0_of(j) * dim, 128 * dim)], osem[p]
      )

    def wait_out(p):
      pltpu.make_async_copy(
          out_hbm.at[pl.ds(0, 128 * dim)], lin_v[p], osem[p]
      ).wait()

    def transpose_block(p, width):
      def strip(ci, carry):
        cl0 = ci * 16
        for d0 in range(0, dim, 16):
          base = cl0 * dim + d0
          for k in range(16):
            x = plsc.load_gather(
                tile_v[p], [iota + d0, perm[k] + cl0]
            )
            plsc.store_scatter(lin_v[p], [vk[k] + base], x)
        return carry

      lax.fori_loop(0, width // 16, strip, 0)

    start_in(0, 0)
    start_in(1, 1)

    def body(j2, carry):
      for p in range(2):
        j = 2 * j2 + p
        wait_in(p)

        @pl.when(j2 >= 1)
        def _():
          wait_out(p)

        transpose_block(p, 128)

        @pl.when(j < per_w - 2)
        def _():
          start_in(p, j + 2)

        start_out(p, j)
      return carry

    lax.fori_loop(0, per_w // 2, body, 0)
    wait_out(0)
    wait_out(1)

    if extra:

      @pl.when(w < extra)
      def _():
        je = per_w * _NW + w - w * per_w
        start_in(0, je)
        wait_in(0)
        transpose_block(0, 128)
        start_out(0, je)
        wait_out(0)

    if rem:

      @pl.when(w == _NW - 1)
      def _():
        nt = rem * dim
        pltpu.sync_copy(tail_hbm, lin_v1.at[pl.ds(0, nt)])
        pltpu.sync_copy(
            lin_v1.at[pl.ds(0, nt)],
            out_hbm.at[pl.ds(nblk * 128 * dim, nt)],
        )

  return detile




@functools.lru_cache(maxsize=None)
def _make_gather_pack(vocab, seq, n_bt, dim):
  st_n = seq // 8
  mesh = plsc.VectorSubcoreMesh(core_axis_name="c", subcore_axis_name="s")

  nbuf = 2

  @functools.partial(
      pl.kernel,
      mesh=mesh,
      out_type=jax.ShapeDtypeStruct((seq, dim // 8, n_bt, 1024),
                                    jnp.float32),
      compiler_params=pltpu.CompilerParams(
          use_tc_tiling_on_sc=False, needs_layout_passes=False
      ),
      scratch_types=[
          pltpu.VMEM((st_n, 8, 128), jnp.int32),
          pltpu.VMEM((nbuf, 128, dim), jnp.float32),
          pltpu.VMEM((nbuf, dim // 8, 1024), jnp.float32),
      ]
      + [pltpu.SemaphoreType.DMA] * (2 * nbuf),
  )
  def gather_pack(table_hbm, inp4_hbm, out_hbm, idx_v, rows_v, t_v, *sems):
    gsem = sems[:nbuf]
    osem = sems[nbuf:]
    w = lax.axis_index("s") * _NC + lax.axis_index("c")
    pltpu.sync_copy(inp4_hbm.at[pl.ds(0, st_n), w], idx_v)

    iota = _iota16()
    perm = [(iota + k) & 15 for k in range(16)]
    gk = [((iota + k) & 15) >> 3 for k in range(16)]
    jk = [(((iota + k) & 7) * 128) + iota for k in range(16)]

    def start_gather(p, s):
      pltpu.async_copy(
          table_hbm.at[idx_v.at[s // 8, s % 8]], rows_v.at[p], gsem[p]
      )

    def wait_gather(p):
      pltpu.make_async_copy(
          table_hbm.at[pl.ds(0, 128)], rows_v.at[p], gsem[p]
      ).wait()

    def start_write(p, s):
      pltpu.async_copy(
          t_v.at[p], out_hbm.at[s, pl.ds(0, dim // 8), w], osem[p]
      )

    def wait_write(p):
      pltpu.make_async_copy(
          out_hbm.at[0, pl.ds(0, dim // 8), 0], t_v.at[p], osem[p]
      ).wait()

    for p in range(nbuf):
      start_gather(p, p)

    def body(s4, carry):
      for p in range(nbuf):
        s = nbuf * s4 + p
        wait_gather(p)

        @pl.when(s4 >= 1)
        def _():
          wait_write(p)

        def strip(ti, carry):
          t0 = ti * 16
          rvec = iota + t0
          for k in range(16):
            jvec = jk[k] + t0
            for d0 in range(0, dim, 16):
              x = plsc.load_gather(
                  rows_v.at[p], [rvec, perm[k] + d0]
              )
              plsc.store_scatter(
                  t_v.at[p], [gk[k] + (d0 >> 3), jvec], x
              )
          return carry

        lax.fori_loop(0, 8, strip, 0)

        @pl.when(s4 < seq // nbuf - 1)
        def _():
          start_gather(p, s + nbuf)

        start_write(p, s)
      return carry

    lax.fori_loop(0, seq // nbuf, body, 0)
    for p in range(nbuf):
      wait_write(p)

  return gather_pack




@functools.lru_cache(maxsize=None)
def _make_gather(vocab, dim, n, chunk, nbuf):
  n_per_w = n // _NW
  n_chunks = n_per_w // chunk
  n_groups = n_chunks // nbuf
  mesh = plsc.VectorSubcoreMesh(core_axis_name="c", subcore_axis_name="s")

  @functools.partial(
      pl.kernel,
      mesh=mesh,
      out_type=jax.ShapeDtypeStruct((n, dim), jnp.float32),
      compiler_params=pltpu.CompilerParams(use_tc_tiling_on_sc=False),
      scratch_types=[
          pltpu.VMEM((n_per_w,), jnp.int32),
          pltpu.VMEM((nbuf, chunk, dim), jnp.float32),
      ]
      + [pltpu.SemaphoreType.DMA] * (2 * nbuf),
  )
  def gather_kernel(table_hbm, idx_hbm, out_hbm, idx_v, rows_v, *sems):
    gsem = sems[:nbuf]
    osem = sems[nbuf:]
    wid = lax.axis_index("s") * _NC + lax.axis_index("c")
    base = wid * n_per_w
    pltpu.sync_copy(idx_hbm.at[pl.ds(base, n_per_w)], idx_v)

    def start_gather(b, c):
      pltpu.async_copy(
          table_hbm.at[idx_v.at[pl.ds(c * chunk, chunk)]],
          rows_v.at[b],
          gsem[b],
      )

    def wait_gather(b):
      pltpu.make_async_copy(
          table_hbm.at[pl.ds(0, chunk)], rows_v.at[b], gsem[b]
      ).wait()

    def start_out(b, c):
      pltpu.async_copy(
          rows_v.at[b], out_hbm.at[pl.ds(base + c * chunk, chunk)], osem[b]
      )

    def wait_out(b):
      pltpu.make_async_copy(
          out_hbm.at[pl.ds(base, chunk)], rows_v.at[b], osem[b]
      ).wait()

    for b in range(nbuf):
      start_gather(b, b)

    def group_body(g, carry):
      c0 = g * nbuf
      for b in range(nbuf):
        wait_gather(b)
        start_out(b, c0 + b)
      for b in range(nbuf):
        wait_out(b)
        start_gather(b, c0 + nbuf + b)
      return carry

    lax.fori_loop(0, n_groups - 1, group_body, 0)

    c0 = (n_groups - 1) * nbuf
    for b in range(nbuf):
      wait_gather(b)
      start_out(b, c0 + b)
    for b in range(nbuf):
      wait_out(b)

  return gather_kernel


def kernel(inp, table):
  b, s = inp.shape
  vocab, dim = table.shape
  n = b * s
  inp = inp.astype(jnp.int32)

  per_w = (vocab // 128) // _NW
  fast = (
      b == 128 * _NW
      and s % 8 == 0
      and dim == 32
      and vocab % 16 == 0
      and per_w >= 2
      and per_w % 2 == 0
  )
  if fast:
    n_bt = b // 128
    nblk = vocab // 128
    rem = vocab - nblk * 128
    if rem:
      tail = table[nblk * 128 :].reshape(rem * dim)
    else:
      tail = jnp.zeros((128,), jnp.float32)
    table_lin = _make_table_linear(vocab, dim)(table.T, tail)
    table_rm = table_lin.reshape(vocab, dim)
    inp4 = inp.T.reshape(s // 8, 8, n_bt, 128).transpose(0, 2, 1, 3)
    out4 = _make_gather_pack(vocab, s, n_bt, dim)(table_rm, inp4)
    out5 = out4.reshape(s, dim // 8, n_bt, 8, 128)
    return out5.transpose(2, 4, 0, 1, 3).reshape(b, s, dim)

  flat = inp.reshape(n)
  chunk, nbuf = 640, 5
  pad = (-n) % (_NW * chunk * nbuf)
  if pad:
    flat = jnp.concatenate([flat, jnp.zeros((pad,), jnp.int32)])
  rows = _make_gather(vocab, dim, n + pad, chunk, nbuf)(table, flat)
  if pad:
    rows = rows[:n]
  return rows.reshape(b, s, dim)

# --- scband reference (transcript-rebuilt; emitter-appended) ---
"""Pipeline reference for scband-embbeding-1030792151057 (READ-ONLY COPY).

The authoritative reference and input builder live on the scoring server;
editing this copy changes nothing except your own understanding.
"""

import jax, jax.numpy as jnp
import numpy as np

LEXICON_SIZE = 1000000
EMBED_DIM = 32
BATCH = 4096
SEQ = 200

def setup_inputs(seed: int = 0) -> dict:
    key = jax.random.key(seed)
    k_idx, k_tab = jax.random.split(key)
    inp = jax.random.randint(k_idx, (BATCH, SEQ), 0, LEXICON_SIZE, dtype=jnp.int64 if jax.config.jax_enable_x64 else jnp.int32)
    table = jax.random.normal(k_tab, (LEXICON_SIZE, EMBED_DIM), dtype=jnp.float32)
    return {"inp": inp, "table": table}

def reference(inp, table):
    # nn.Embedding forward: row gather from the embedding table
    emb = jnp.take(table, inp, axis=0)  # (m, T, embed_dim)
    return emb

if __name__ == "__main__":
    import jax
    _d = setup_inputs()
    print(jax.jit(kernel)(*tuple(_d.values())))

</pallas_src>

<mosaic_0001>
#map = affine_map<(d0, d1) -> (0, 0)>
#map1 = affine_map<(d0, d1) -> (0)>
module attributes {stable_mosaic.version = 14 : i64} {
  func.func @detile(%arg0: i32, %arg1: i32, %arg2: memref<32x1000000xf32, #tpu.memory_space<hbm>>, %arg3: memref<2048xf32, #tpu.memory_space<hbm>>, %arg4: memref<32000000xf32, #tpu.memory_space<hbm>>, %arg5: memref<32x128xf32, #tpu.memory_space<vmem>>, %arg6: memref<32x128xf32, #tpu.memory_space<vmem>>, %arg7: memref<4096xf32, #tpu.memory_space<vmem>>, %arg8: memref<4096xf32, #tpu.memory_space<vmem>>, %arg9: memref<!tpu.dma_semaphore, #tpu.memory_space<semaphore_mem>>, %arg10: memref<!tpu.dma_semaphore, #tpu.memory_space<semaphore_mem>>, %arg11: memref<!tpu.dma_semaphore, #tpu.memory_space<semaphore_mem>>, %arg12: memref<!tpu.dma_semaphore, #tpu.memory_space<semaphore_mem>>) attributes {dimension_semantics = [#tpu.dimension_semantics<core_parallel>, #tpu.dimension_semantics<subcore_parallel>], iteration_bounds = array<i64: 2, 16>, scalar_prefetch = 0 : i64, scratch_operands = 8 : i64, tpu.core_type = #tpu.core_type<sc_vector_subcore>, window_params = [{transform_indices = #map}, {transform_indices = #map1}, {transform_indices = #map1}]} {
    %mul3A = arith.constant 2 : i32
    %mul3A_0 = arith.muli %arg1, %mul3A : i32
    %add3A = arith.addi %mul3A_0, %arg0 : i32
    %iota3A = tpu.iota {dimensions = array<i32: 0>} : vector<16xi32>
    %add3A_1 = arith.constant 0 : i32
    %add3A_2 = vector.broadcast %add3A_1 : i32 to vector<16xi32>
    %add3A_3 = arith.addi %iota3A, %add3A_2 : vector<16xi32>
    %and3A = arith.constant 15 : i32
    %and3A_4 = vector.broadcast %and3A : i32 to vector<16xi32>
    %and3A_5 = arith.andi %add3A_3, %and3A_4 : vector<16xi32>
    %add3A_6 = arith.constant 1 : i32
    %add3A_7 = vector.broadcast %add3A_6 : i32 to vector<16xi32>
    %add3A_8 = arith.addi %iota3A, %add3A_7 : vector<16xi32>
    %and3A_9 = arith.constant 15 : i32
    %and3A_10 = vector.broadcast %and3A_9 : i32 to vector<16xi32>
    %and3A_11 = arith.andi %add3A_8, %and3A_10 : vector<16xi32>
    %add3A_12 = arith.constant 2 : i32
    %add3A_13 = vector.broadcast %add3A_12 : i32 to vector<16xi32>
    %add3A_14 = arith.addi %iota3A, %add3A_13 : vector<16xi32>
    %and3A_15 = arith.constant 15 : i32
    %and3A_16 = vector.broadcast %and3A_15 : i32 to vector<16xi32>
    %and3A_17 = arith.andi %add3A_14, %and3A_16 : vector<16xi32>
    %add3A_18 = arith.constant 3 : i32
    %add3A_19 = vector.broadcast %add3A_18 : i32 to vector<16xi32>
    %add3A_20 = arith.addi %iota3A, %add3A_19 : vector<16xi32>
    %and3A_21 = arith.constant 15 : i32
    %and3A_22 = vector.broadcast %and3A_21 : i32 to vector<16xi32>
    %and3A_23 = arith.andi %add3A_20, %and3A_22 : vector<16xi32>
    %add3A_24 = arith.constant 4 : i32
    %add3A_25 = vector.broadcast %add3A_24 : i32 to vector<16xi32>
    %add3A_26 = arith.addi %iota3A, %add3A_25 : vector<16xi32>
    %and3A_27 = arith.constant 15 : i32
    %and3A_28 = vector.broadcast %and3A_27 : i32 to vector<16xi32>
    %and3A_29 = arith.andi %add3A_26, %and3A_28 : vector<16xi32>
    %add3A_30 = arith.constant 5 : i32
    %add3A_31 = vector.broadcast %add3A_30 : i32 to vector<16xi32>
    %add3A_32 = arith.addi %iota3A, %add3A_31 : vector<16xi32>
    %and3A_33 = arith.constant 15 : i32
    %and3A_34 = vector.broadcast %and3A_33 : i32 to vector<16xi32>
    %and3A_35 = arith.andi %add3A_32, %and3A_34 : vector<16xi32>
    %add3A_36 = arith.constant 6 : i32
    %add3A_37 = vector.broadcast %add3A_36 : i32 to vector<16xi32>
    %add3A_38 = arith.addi %iota3A, %add3A_37 : vector<16xi32>
    %and3A_39 = arith.constant 15 : i32
    %and3A_40 = vector.broadcast %and3A_39 : i32 to vector<16xi32>
    %and3A_41 = arith.andi %add3A_38, %and3A_40 : vector<16xi32>
    %add3A_42 = arith.constant 7 : i32
    %add3A_43 = vector.broadcast %add3A_42 : i32 to vector<16xi32>
    %add3A_44 = arith.addi %iota3A, %add3A_43 : vector<16xi32>
    %and3A_45 = arith.constant 15 : i32
    %and3A_46 = vector.broadcast %and3A_45 : i32 to vector<16xi32>
    %and3A_47 = arith.andi %add3A_44, %and3A_46 : vector<16xi32>
    %add3A_48 = arith.constant 8 : i32
    %add3A_49 = vector.broadcast %add3A_48 : i32 to vector<16xi32>
    %add3A_50 = arith.addi %iota3A, %add3A_49 : vector<16xi32>
    %and3A_51 = arith.constant 15 : i32
    %and3A_52 = vector.broadcast %and3A_51 : i32 to vector<16xi32>
    %and3A_53 = arith.andi %add3A_50, %and3A_52 : vector<16xi32>
    %add3A_54 = arith.constant 9 : i32
    %add3A_55 = vector.broadcast %add3A_54 : i32 to vector<16xi32>
    %add3A_56 = arith.addi %iota3A, %add3A_55 : vector<16xi32>
    %and3A_57 = arith.constant 15 : i32
    %and3A_58 = vector.broadcast %and3A_57 : i32 to vector<16xi32>
    %and3A_59 = arith.andi %add3A_56, %and3A_58 : vector<16xi32>
    %add3A_60 = arith.constant 10 : i32
    %add3A_61 = vector.broadcast %add3A_60 : i32 to vector<16xi32>
    %add3A_62 = arith.addi %iota3A, %add3A_61 : vector<16xi32>
    %and3A_63 = arith.constant 15 : i32
    %and3A_64 = vector.broadcast %and3A_63 : i32 to vector<16xi32>
    %and3A_65 = arith.andi %add3A_62, %and3A_64 : vector<16xi32>
    %add3A_66 = arith.constant 11 : i32
    %add3A_67 = vector.broadcast %add3A_66 : i32 to vector<16xi32>
    %add3A_68 = arith.addi %iota3A, %add3A_67 : vector<16xi32>
    %and3A_69 = arith.constant 15 : i32
    %and3A_70 = vector.broadcast %and3A_69 : i32 to vector<16xi32>
    %and3A_71 = arith.andi %add3A_68, %and3A_70 : vector<16xi32>
    %add3A_72 = arith.constant 12 : i32
    %add3A_73 = vector.broadcast %add3A_72 : i32 to vector<16xi32>
    %add3A_74 = arith.addi %iota3A, %add3A_73 : vector<16xi32>
    %and3A_75 = arith.constant 15 : i32
    %and3A_76 = vector.broadcast %and3A_75 : i32 to vector<16xi32>
    %and3A_77 = arith.andi %add3A_74, %and3A_76 : vector<16xi32>
    %add3A_78 = arith.constant 13 : i32
    %add3A_79 = vector.broadcast %add3A_78 : i32 to vector<16xi32>
    %add3A_80 = arith.addi %iota3A, %add3A_79 : vector<16xi32>
    %and3A_81 = arith.constant 15 : i32
    %and3A_82 = vector.broadcast %and3A_81 : i32 to vector<16xi32>
    %and3A_83 = arith.andi %add3A_80, %and3A_82 : vector<16xi32>
    %add3A_84 = arith.constant 14 : i32
    %add3A_85 = vector.broadcast %add3A_84 : i32 to vector<16xi32>
    %add3A_86 = arith.addi %iota3A, %add3A_85 : vector<16xi32>
    %and3A_87 = arith.constant 15 : i32
    %and3A_88 = vector.broadcast %and3A_87 : i32 to vector<16xi32>
    %and3A_89 = arith.andi %add3A_86, %and3A_88 : vector<16xi32>
    %add3A_90 = arith.constant 15 : i32
    %add3A_91 = vector.broadcast %add3A_90 : i32 to vector<16xi32>
    %add3A_92 = arith.addi %iota3A, %add3A_91 : vector<16xi32>
    %and3A_93 = arith.constant 15 : i32
    %and3A_94 = vector.broadcast %and3A_93 : i32 to vector<16xi32>
    %and3A_95 = arith.andi %add3A_92, %and3A_94 : vector<16xi32>
    %add3A_96 = arith.constant 0 : i32
    %add3A_97 = vector.broadcast %add3A_96 : i32 to vector<16xi32>
    %add3A_98 = arith.addi %iota3A, %add3A_97 : vector<16xi32>
    %and3A_99 = arith.constant 15 : i32
    %and3A_100 = vector.broadcast %and3A_99 : i32 to vector<16xi32>
    %and3A_101 = arith.andi %add3A_98, %and3A_100 : vector<16xi32>
    %mul3A_102 = arith.constant 32 : i32
    %mul3A_103 = vector.broadcast %mul3A_102 : i32 to vector<16xi32>
    %mul3A_104 = arith.muli %and3A_101, %mul3A_103 : vector<16xi32>
    %add3A_105 = arith.addi %mul3A_104, %iota3A : vector<16xi32>
    %add3A_106 = arith.constant 1 : i32
    %add3A_107 = vector.broadcast %add3A_106 : i32 to vector<16xi32>
    %add3A_108 = arith.addi %iota3A, %add3A_107 : vector<16xi32>
    %and3A_109 = arith.constant 15 : i32
    %and3A_110 = vector.broadcast %and3A_109 : i32 to vector<16xi32>
    %and3A_111 = arith.andi %add3A_108, %and3A_110 : vector<16xi32>
    %mul3A_112 = arith.constant 32 : i32
    %mul3A_113 = vector.broadcast %mul3A_112 : i32 to vector<16xi32>
    %mul3A_114 = arith.muli %and3A_111, %mul3A_113 : vector<16xi32>
    %add3A_115 = arith.addi %mul3A_114, %iota3A : vector<16xi32>
    %add3A_116 = arith.constant 2 : i32
    %add3A_117 = vector.broadcast %add3A_116 : i32 to vector<16xi32>
    %add3A_118 = arith.addi %iota3A, %add3A_117 : vector<16xi32>
    %and3A_119 = arith.constant 15 : i32
    %and3A_120 = vector.broadcast %and3A_119 : i32 to vector<16xi32>
    %and3A_121 = arith.andi %add3A_118, %and3A_120 : vector<16xi32>
    %mul3A_122 = arith.constant 32 : i32
    %mul3A_123 = vector.broadcast %mul3A_122 : i32 to vector<16xi32>
    %mul3A_124 = arith.muli %and3A_121, %mul3A_123 : vector<16xi32>
    %add3A_125 = arith.addi %mul3A_124, %iota3A : vector<16xi32>
    %add3A_126 = arith.constant 3 : i32
    %add3A_127 = vector.broadcast %add3A_126 : i32 to vector<16xi32>
    %add3A_128 = arith.addi %iota3A, %add3A_127 : vector<16xi32>
    %and3A_129 = arith.constant 15 : i32
    %and3A_130 = vector.broadcast %and3A_129 : i32 to vector<16xi32>
    %and3A_131 = arith.andi %add3A_128, %and3A_130 : vector<16xi32>
    %mul3A_132 = arith.constant 32 : i32
    %mul3A_133 = vector.broadcast %mul3A_132 : i32 to vector<16xi32>
    %mul3A_134 = arith.muli %and3A_131, %mul3A_133 : vector<16xi32>
    %add3A_135 = arith.addi %mul3A_134, %iota3A : vector<16xi32>
    %add3A_136 = arith.constant 4 : i32
    %add3A_137 = vector.broadcast %add3A_136 : i32 to vector<16xi32>
    %add3A_138 = arith.addi %iota3A, %add3A_137 : vector<16xi32>
    %and3A_139 = arith.constant 15 : i32
    %and3A_140 = vector.broadcast %and3A_139 : i32 to vector<16xi32>
    %and3A_141 = arith.andi %add3A_138, %and3A_140 : vector<16xi32>
    %mul3A_142 = arith.constant 32 : i32
    %mul3A_143 = vector.broadcast %mul3A_142 : i32 to vector<16xi32>
    %mul3A_144 = arith.muli %and3A_141, %mul3A_143 : vector<16xi32>
    %add3A_145 = arith.addi %mul3A_144, %iota3A : vector<16xi32>
    %add3A_146 = arith.constant 5 : i32
    %add3A_147 = vector.broadcast %add3A_146 : i32 to vector<16xi32>
    %add3A_148 = arith.addi %iota3A, %add3A_147 : vector<16xi32>
    %and3A_149 = arith.constant 15 : i32
    %and3A_150 = vector.broadcast %and3A_149 : i32 to vector<16xi32>
    %and3A_151 = arith.andi %add3A_148, %and3A_150 : vector<16xi32>
    %mul3A_152 = arith.constant 32 : i32
    %mul3A_153 = vector.broadcast %mul3A_152 : i32 to vector<16xi32>
    %mul3A_154 = arith.muli %and3A_151, %mul3A_153 : vector<16xi32>
    %add3A_155 = arith.addi %mul3A_154, %iota3A : vector<16xi32>
    %add3A_156 = arith.constant 6 : i32
    %add3A_157 = vector.broadcast %add3A_156 : i32 to vector<16xi32>
    %add3A_158 = arith.addi %iota3A, %add3A_157 : vector<16xi32>
    %and3A_159 = arith.constant 15 : i32
    %and3A_160 = vector.broadcast %and3A_159 : i32 to vector<16xi32>
    %and3A_161 = arith.andi %add3A_158, %and3A_160 : vector<16xi32>
    %mul3A_162 = arith.constant 32 : i32
    %mul3A_163 = vector.broadcast %mul3A_162 : i32 to vector<16xi32>
    %mul3A_164 = arith.muli %and3A_161, %mul3A_163 : vector<16xi32>
    %add3A_165 = arith.addi %mul3A_164, %iota3A : vector<16xi32>
    %add3A_166 = arith.constant 7 : i32
    %add3A_167 = vector.broadcast %add3A_166 : i32 to vector<16xi32>
    %add3A_168 = arith.addi %iota3A, %add3A_167 : vector<16xi32>
    %and3A_169 = arith.constant 15 : i32
    %and3A_170 = vector.broadcast %and3A_169 : i32 to vector<16xi32>
    %and3A_171 = arith.andi %add3A_168, %and3A_170 : vector<16xi32>
    %mul3A_172 = arith.constant 32 : i32
    %mul3A_173 = vector.broadcast %mul3A_172 : i32 to vector<16xi32>
    %mul3A_174 = arith.muli %and3A_171, %mul3A_173 : vector<16xi32>
    %add3A_175 = arith.addi %mul3A_174, %iota3A : vector<16xi32>
    %add3A_176 = arith.constant 8 : i32
    %add3A_177 = vector.broadcast %add3A_176 : i32 to vector<16xi32>
    %add3A_178 = arith.addi %iota3A, %add3A_177 : vector<16xi32>
    %and3A_179 = arith.constant 15 : i32
    %and3A_180 = vector.broadcast %and3A_179 : i32 to vector<16xi32>
    %and3A_181 = arith.andi %add3A_178, %and3A_180 : vector<16xi32>
    %mul3A_182 = arith.constant 32 : i32
    %mul3A_183 = vector.broadcast %mul3A_182 : i32 to vector<16xi32>
    %mul3A_184 = arith.muli %and3A_181, %mul3A_183 : vector<16xi32>
    %add3A_185 = arith.addi %mul3A_184, %iota3A : vector<16xi32>
    %add3A_186 = arith.constant 9 : i32
    %add3A_187 = vector.broadcast %add3A_186 : i32 to vector<16xi32>
    %add3A_188 = arith.addi %iota3A, %add3A_187 : vector<16xi32>
    %and3A_189 = arith.constant 15 : i32
    %and3A_190 = vector.broadcast %and3A_189 : i32 to vector<16xi32>
    %and3A_191 = arith.andi %add3A_188, %and3A_190 : vector<16xi32>
    %mul3A_192 = arith.constant 32 : i32
    %mul3A_193 = vector.broadcast %mul3A_192 : i32 to vector<16xi32>
    %mul3A_194 = arith.muli %and3A_191, %mul3A_193 : vector<16xi32>
    %add3A_195 = arith.addi %mul3A_194, %iota3A : vector<16xi32>
    %add3A_196 = arith.constant 10 : i32
    %add3A_197 = vector.broadcast %add3A_196 : i32 to vector<16xi32>
    %add3A_198 = arith.addi %iota3A, %add3A_197 : vector<16xi32>
    %and3A_199 = arith.constant 15 : i32
    %and3A_200 = vector.broadcast %and3A_199 : i32 to vector<16xi32>
    %and3A_201 = arith.andi %add3A_198, %and3A_200 : vector<16xi32>
    %mul3A_202 = arith.constant 32 : i32
    %mul3A_203 = vector.broadcast %mul3A_202 : i32 to vector<16xi32>
    %mul3A_204 = arith.muli %and3A_201, %mul3A_203 : vector<16xi32>
    %add3A_205 = arith.addi %mul3A_204, %iota3A : vector<16xi32>
    %add3A_206 = arith.constant 11 : i32
    %add3A_207 = vector.broadcast %add3A_206 : i32 to vector<16xi32>
    %add3A_208 = arith.addi %iota3A, %add3A_207 : vector<16xi32>
    %and3A_209 = arith.constant 15 : i32
    %and3A_210 = vector.broadcast %and3A_209 : i32 to vector<16xi32>
    %and3A_211 = arith.andi %add3A_208, %and3A_210 : vector<16xi32>
    %mul3A_212 = arith.constant 32 : i32
    %mul3A_213 = vector.broadcast %mul3A_212 : i32 to vector<16xi32>
    %mul3A_214 = arith.muli %and3A_211, %mul3A_213 : vector<16xi32>
    %add3A_215 = arith.addi %mul3A_214, %iota3A : vector<16xi32>
    %add3A_216 = arith.constant 12 : i32
    %add3A_217 = vector.broadcast %add3A_216 : i32 to vector<16xi32>
    %add3A_218 = arith.addi %iota3A, %add3A_217 : vector<16xi32>
    %and3A_219 = arith.constant 15 : i32
    %and3A_220 = vector.broadcast %and3A_219 : i32 to vector<16xi32>
    %and3A_221 = arith.andi %add3A_218, %and3A_220 : vector<16xi32>
    %mul3A_222 = arith.constant 32 : i32
    %mul3A_223 = vector.broadcast %mul3A_222 : i32 to vector<16xi32>
    %mul3A_224 = arith.muli %and3A_221, %mul3A_223 : vector<16xi32>
    %add3A_225 = arith.addi %mul3A_224, %iota3A : vector<16xi32>
    %add3A_226 = arith.constant 13 : i32
    %add3A_227 = vector.broadcast %add3A_226 : i32 to vector<16xi32>
    %add3A_228 = arith.addi %iota3A, %add3A_227 : vector<16xi32>
    %and3A_229 = arith.constant 15 : i32
    %and3A_230 = vector.broadcast %and3A_229 : i32 to vector<16xi32>
    %and3A_231 = arith.andi %add3A_228, %and3A_230 : vector<16xi32>
    %mul3A_232 = arith.constant 32 : i32
    %mul3A_233 = vector.broadcast %mul3A_232 : i32 to vector<16xi32>
    %mul3A_234 = arith.muli %and3A_231, %mul3A_233 : vector<16xi32>
    %add3A_235 = arith.addi %mul3A_234, %iota3A : vector<16xi32>
    %add3A_236 = arith.constant 14 : i32
    %add3A_237 = vector.broadcast %add3A_236 : i32 to vector<16xi32>
    %add3A_238 = arith.addi %iota3A, %add3A_237 : vector<16xi32>
    %and3A_239 = arith.constant 15 : i32
    %and3A_240 = vector.broadcast %and3A_239 : i32 to vector<16xi32>
    %and3A_241 = arith.andi %add3A_238, %and3A_240 : vector<16xi32>
    %mul3A_242 = arith.constant 32 : i32
    %mul3A_243 = vector.broadcast %mul3A_242 : i32 to vector<16xi32>
    %mul3A_244 = arith.muli %and3A_241, %mul3A_243 : vector<16xi32>
    %add3A_245 = arith.addi %mul3A_244, %iota3A : vector<16xi32>
    %add3A_246 = arith.constant 15 : i32
    %add3A_247 = vector.broadcast %add3A_246 : i32 to vector<16xi32>
    %add3A_248 = arith.addi %iota3A, %add3A_247 : vector<16xi32>
    %and3A_249 = arith.constant 15 : i32
    %and3A_250 = vector.broadcast %and3A_249 : i32 to vector<16xi32>
    %and3A_251 = arith.andi %add3A_248, %and3A_250 : vector<16xi32>
    %mul3A_252 = arith.constant 32 : i32
    %mul3A_253 = vector.broadcast %mul3A_252 : i32 to vector<16xi32>
    %mul3A_254 = arith.muli %and3A_251, %mul3A_253 : vector<16xi32>
    %add3A_255 = arith.addi %mul3A_254, %iota3A : vector<16xi32>
    %mul3A_256 = arith.constant 244 : i32
    %mul3A_257 = arith.muli %add3A, %mul3A_256 : i32
    %add3A_258 = arith.constant 0 : i32
    %add3A_259 = arith.addi %mul3A_257, %add3A_258 : i32
    %mul3A_260 = arith.constant 128 : i32
    %mul3A_261 = arith.muli %add3A_259, %mul3A_260 : i32
    %dma_start3A = arith.constant 0 : i32
    %dma_start3A_262 = tpu.memref_slice %arg2[%dma_start3A, %mul3A_261] : memref<32x1000000xf32, #tpu.memory_space<hbm>> -> memref<32x128xf32, #tpu.memory_space<hbm>>
    %dma_start3A_263 = arith.constant 0 : i32
    %dma_start3A_264 = tpu.memref_slice %arg2[%dma_start3A_263, %mul3A_261] : memref<32x1000000xf32, #tpu.memory_space<hbm>> -> memref<32x128xf32, #tpu.memory_space<hbm>>
    tpu.enqueue_dma source(%dma_start3A_264 : memref<32x128xf32, #tpu.memory_space<hbm>>) target(%arg5 : memref<32x128xf32, #tpu.memory_space<vmem>>) target_semaphore(%arg9 : memref<!tpu.dma_semaphore, #tpu.memory_space<semaphore_mem>>)
    %mul3A_265 = arith.constant 244 : i32
    %mul3A_266 = arith.muli %add3A, %mul3A_265 : i32
    %add3A_267 = arith.constant 1 : i32
    %add3A_268 = arith.addi %mul3A_266, %add3A_267 : i32
    %mul3A_269 = arith.constant 128 : i32
    %mul3A_270 = arith.muli %add3A_268, %mul3A_269 : i32
    %dma_start3A_271 = arith.constant 0 : i32
    %dma_start3A_272 = tpu.memref_slice %arg2[%dma_start3A_271, %mul3A_270] : memref<32x1000000xf32, #tpu.memory_space<hbm>> -> memref<32x128xf32, #tpu.memory_space<hbm>>
    %dma_start3A_273 = arith.constant 0 : i32
    %dma_start3A_274 = tpu.memref_slice %arg2[%dma_start3A_273, %mul3A_270] : memref<32x1000000xf32, #tpu.memory_space<hbm>> -> memref<32x128xf32, #tpu.memory_space<hbm>>
    tpu.enqueue_dma source(%dma_start3A_274 : memref<32x128xf32, #tpu.memory_space<hbm>>) target(%arg6 : memref<32x128xf32, #tpu.memory_space<vmem>>) target_semaphore(%arg10 : memref<!tpu.dma_semaphore, #tpu.memory_space<semaphore_mem>>)
    %scan3A = arith.constant 0 : i32
    %scan3A_275 = arith.constant 0 : i32
    %scan3A_276 = arith.constant 122 : i32
    %scan3A_277 = arith.addi %scan3A_275, %scan3A_276 : i32
    %scan3A_278 = arith.constant 1 : i32
    scf.for %scan3A_293 = %scan3A_275 to %scan3A_277 step %scan3A_278  : i32 {
      %mul3A_294 = arith.constant 2 : i32
      %mul3A_295 = arith.muli %mul3A_294, %scan3A_293 : i32
      %add3A_296 = arith.constant 0 : i32
      %add3A_297 = arith.addi %mul3A_295, %add3A_296 : i32
      %dma_wait3A_298 = arith.constant 0 : i32
      %dma_wait3A_299 = arith.constant 0 : i32
      %dma_wait3A_300 = tpu.memref_slice %arg2[%dma_wait3A_298, %dma_wait3A_299] : memref<32x1000000xf32, #tpu.memory_space<hbm>> -> memref<32x128xf32, #tpu.memory_space<hbm>>
      %dma_wait3A_301 = arith.constant 0 : i32
      %dma_wait3A_302 = arith.constant 0 : i32
      %dma_wait3A_303 = tpu.memref_slice %arg2[%dma_wait3A_301, %dma_wait3A_302] : memref<32x1000000xf32, #tpu.memory_space<hbm>> -> memref<32x128xf32, #tpu.memory_space<hbm>>
      tpu.wait_dma2 semaphore(%arg9 : memref<!tpu.dma_semaphore, #tpu.memory_space<semaphore_mem>>) src(%dma_wait3A_303 : memref<32x128xf32, #tpu.memory_space<hbm>>) dst(%arg5 : memref<32x128xf32, #tpu.memory_space<vmem>>)
      %ge3A = arith.constant 1 : i32
      %ge3A_304 = arith.cmpi sge, %scan3A_293, %ge3A : i32
      %convert_element_type3A_305 = arith.extui %ge3A_304 : i1 to i32
      %cond3A_306 = arith.constant 0 : i32
      %cond3A_307 = arith.cmpi ne, %convert_element_type3A_305, %cond3A_306 : i32
      scf.if %cond3A_307 {
        %dma_wait3A_363 = arith.constant 0 : i32
        %dma_wait3A_364 = tpu.memref_slice %arg4[%dma_wait3A_363] : memref<32000000xf32, #tpu.memory_space<hbm>> -> memref<4096xf32, #tpu.memory_space<hbm>>
        %dma_wait3A_365 = arith.constant 0 : i32
        %dma_wait3A_366 = tpu.memref_slice %arg4[%dma_wait3A_365] : memref<32000000xf32, #tpu.memory_space<hbm>> -> memref<4096xf32, #tpu.memory_space<hbm>>
        tpu.wait_dma2 semaphore(%arg11 : memref<!tpu.dma_semaphore, #tpu.memory_space<semaphore_mem>>) src(%dma_wait3A_366 : memref<4096xf32, #tpu.memory_space<hbm>>) dst(%arg7 : memref<4096xf32, #tpu.memory_space<vmem>>)
      } else {
      }
      %scan3A_308 = arith.constant 0 : i32
      %scan3A_309 = arith.constant 0 : i32
      %scan3A_310 = arith.constant 8 : i32
      %scan3A_311 = arith.addi %scan3A_309, %scan3A_310 : i32
      %scan3A_312 = arith.constant 1 : i32
      scf.for %scan3A_363 = %scan3A_309 to %scan3A_311 step %scan3A_312  : i32 {
        %mul3A_364 = arith.constant 16 : i32
        %mul3A_365 = arith.muli %scan3A_363, %mul3A_364 : i32
        %mul3A_366 = arith.constant 32 : i32
        %mul3A_367 = arith.muli %mul3A_365, %mul3A_366 : i32
        %add3A_368 = arith.constant 0 : i32
        %add3A_369 = arith.addi %mul3A_367, %add3A_368 : i32
        %add3A_370 = arith.constant 0 : i32
        %add3A_371 = vector.broadcast %add3A_370 : i32 to vector<16xi32>
        %add3A_372 = arith.addi %iota3A, %add3A_371 : vector<16xi32>
        %add3A_373 = vector.broadcast %mul3A_365 : i32 to vector<16xi32>
        %add3A_374 = arith.addi %and3A_5, %add3A_373 : vector<16xi32>
        %gather3A = tpu.vector_load_idx %arg5[%add3A_372, %add3A_374] : memref<32x128xf32, #tpu.memory_space<vmem>>[vector<16xi32>, vector<16xi32>], vector<16xf32>,
        %add3A_375 = vector.broadcast %add3A_369 : i32 to vector<16xi32>
        %add3A_376 = arith.addi %add3A_105, %add3A_375 : vector<16xi32>
        tpu.vector_store_idx %arg7[%add3A_376], %gather3A : memref<4096xf32, #tpu.memory_space<vmem>>[vector<16xi32>], vector<16xf32>,
        %add3A_377 = arith.constant 0 : i32
        %add3A_378 = vector.broadcast %add3A_377 : i32 to vector<16xi32>
        %add3A_379 = arith.addi %iota3A, %add3A_378 : vector<16xi32>
        %add3A_380 = vector.broadcast %mul3A_365 : i32 to vector<16xi32>
        %add3A_381 = arith.addi %and3A_11, %add3A_380 : vector<16xi32>
        %gather3A_382 = tpu.vector_load_idx %arg5[%add3A_379, %add3A_381] : memref<32x128xf32, #tpu.memory_space<vmem>>[vector<16xi32>, vector<16xi32>], vector<16xf32>,
        %add3A_383 = vector.broadcast %add3A_369 : i32 to vector<16xi32>
        %add3A_384 = arith.addi %add3A_115, %add3A_383 : vector<16xi32>
        tpu.vector_store_idx %arg7[%add3A_384], %gather3A_382 : memref<4096xf32, #tpu.memory_space<vmem>>[vector<16xi32>], vector<16xf32>,
        %add3A_385 = arith.constant 0 : i32
        %add3A_386 = vector.broadcast %add3A_385 : i32 to vector<16xi32>
        %add3A_387 = arith.addi %iota3A, %add3A_386 : vector<16xi32>
        %add3A_388 = vector.broadcast %mul3A_365 : i32 to vector<16xi32>
        %add3A_389 = arith.addi %and3A_17, %add3A_388 : vector<16xi32>
        %gather3A_390 = tpu.vector_load_idx %arg5[%add3A_387, %add3A_389] : memref<32x128xf32, #tpu.memory_space<vmem>>[vector<16xi32>, vector<16xi32>], vector<16xf32>,
        %add3A_391 = vector.broadcast %add3A_369 : i32 to vector<16xi32>
        %add3A_392 = arith.addi %add3A_125, %add3A_391 : vector<16xi32>
        tpu.vector_store_idx %arg7[%add3A_392], %gather3A_390 : memref<4096xf32, #tpu.memory_space<vmem>>[vector<16xi32>], vector<16xf32>,
        %add3A_393 = arith.constant 0 : i32
        %add3A_394 = vector.broadcast %add3A_393 : i32 to vector<16xi32>
        %add3A_395 = arith.addi %iota3A, %add3A_394 : vector<16xi32>
        %add3A_396 = vector.broadcast %mul3A_365 : i32 to vector<16xi32>
        %add3A_397 = arith.addi %and3A_23, %add3A_396 : vector<16xi32>
        %gather3A_398 = tpu.vector_load_idx %arg5[%add3A_395, %add3A_397] : memref<32x128xf32, #tpu.memory_space<vmem>>[vector<16xi32>, vector<16xi32>], vector<16xf32>,
        %add3A_399 = vector.broadcast %add3A_369 : i32 to vector<16xi32>
        %add3A_400 = arith.addi %add3A_135, %add3A_399 : vector<16xi32>
        tpu.vector_store_idx %arg7[%add3A_400], %gather3A_398 : memref<4096xf32, #tpu.memory_space<vmem>>[vector<16xi32>], vector<16xf32>,
        %add3A_401 = arith.constant 0 : i32
        %add3A_402 = vector.broadcast %add3A_401 : i32 to vector<16xi32>
        %add3A_403 = arith.addi %iota3A, %add3A_402 : vector<16xi32>
        %add3A_404 = vector.broadcast %mul3A_365 : i32 to vector<16xi32>
        %add3A_405 = arith.addi %and3A_29, %add3A_404 : vector<16xi32>
        %gather3A_406 = tpu.vector_load_idx %arg5[%add3A_403, %add3A_405] : memref<32x128xf32, #tpu.memory_space<vmem>>[vector<16xi32>, vector<16xi32>], vector<16xf32>,
        %add3A_407 = vector.broadcast %add3A_369 : i32 to vector<16xi32>
        %add3A_408 = arith.addi %add3A_145, %add3A_407 : vector<16xi32>
        tpu.vector_store_idx %arg7[%add3A_408], %gather3A_406 : memref<4096xf32, #tpu.memory_space<vmem>>[vector<16xi32>], vector<16xf32>,
        %add3A_409 = arith.constant 0 : i32
        %add3A_410 = vector.broadcast %add3A_409 : i32 to vector<16xi32>
        %add3A_411 = arith.addi %iota3A, %add3A_410 : vector<16xi32>
        %add3A_412 = vector.broadcast %mul3A_365 : i32 to vector<16xi32>
        %add3A_413 = arith.addi %and3A_35, %add3A_412 : vector<16xi32>
        %gather3A_414 = tpu.vector_load_idx %arg5[%add3A_411, %add3A_413] : memref<32x128xf32, #tpu.memory_space<vmem>>[vector<16xi32>, vector<16xi32>], vector<16xf32>,
        %add3A_415 = vector.broadcast %add3A_369 : i32 to vector<16xi32>
        %add3A_416 = arith.addi %add3A_155, %add3A_415 : vector<16xi32>
        tpu.vector_store_idx %arg7[%add3A_416], %gather3A_414 : memref<4096xf32, #tpu.memory_space<vmem>>[vector<16xi32>], vector<16xf32>,
        %add3A_417 = arith.constant 0 : i32
        %add3A_418 = vector.broadcast %add3A_417 : i32 to vector<16xi32>
        %add3A_419 = arith.addi %iota3A, %add3A_418 : vector<16xi32>
        %add3A_420 = vector.broadcast %mul3A_365 : i32 to vector<16xi32>
        %add3A_421 = arith.addi %and3A_41, %add3A_420 : vector<16xi32>
        %gather3A_422 = tpu.vector_load_idx %arg5[%add3A_419, %add3A_421] : memref<32x128xf32, #tpu.memory_space<vmem>>[vector<16xi32>, vector<16xi32>], vector<16xf32>,
        %add3A_423 = vector.broadcast %add3A_369 : i32 to vector<16xi32>
        %add3A_424 = arith.addi %add3A_165, %add3A_423 : vector<16xi32>
        tpu.vector_store_idx %arg7[%add3A_424], %gather3A_422 : memref<4096xf32, #tpu.memory_space<vmem>>[vector<16xi32>], vector<16xf32>,
        %add3A_425 = arith.constant 0 : i32
        %add3A_426 = vector.broadcast %add3A_425 : i32 to vector<16xi32>
        %add3A_427 = arith.addi %iota3A, %add3A_426 : vector<16xi32>
        %add3A_428 = vector.broadcast %mul3A_365 : i32 to vector<16xi32>
        %add3A_429 = arith.addi %and3A_47, %add3A_428 : vector<16xi32>
        %gather3A_430 = tpu.vector_load_idx %arg5[%add3A_427, %add3A_429] : memref<32x128xf32, #tpu.memory_space<vmem>>[vector<16xi32>, vector<16xi32>], vector<16xf32>,
        %add3A_431 = vector.broadcast %add3A_369 : i32 to vector<16xi32>
        %add3A_432 = arith.addi %add3A_175, %add3A_431 : vector<16xi32>
        tpu.vector_store_idx %arg7[%add3A_432], %gather3A_430 : memref<4096xf32, #tpu.memory_space<vmem>>[vector<16xi32>], vector<16xf32>,
        %add3A_433 = arith.constant 0 : i32
        %add3A_434 = vector.broadcast %add3A_433 : i32 to vector<16xi32>
        %add3A_435 = arith.addi %iota3A, %add3A_434 : vector<16xi32>
        %add3A_436 = vector.broadcast %mul3A_365 : i32 to vector<16xi32>
        %add3A_437 = arith.addi %and3A_53, %add3A_436 : vector<16xi32>
        %gather3A_438 = tpu.vector_load_idx %arg5[%add3A_435, %add3A_437] : memref<32x128xf32, #tpu.memory_space<vmem>>[vector<16xi32>, vector<16xi32>], vector<16xf32>,
        %add3A_439 = vector.broadcast %add3A_369 : i32 to vector<16xi32>
        %add3A_440 = arith.addi %add3A_185, %add3A_439 : vector<16xi32>
        tpu.vector_store_idx %arg7[%add3A_440], %gather3A_438 : memref<4096xf32, #tpu.memory_space<vmem>>[vector<16xi32>], vector<16xf32>,
        %add3A_441 = arith.constant 0 : i32
        %add3A_442 = vector.broadcast %add3A_441 : i32 to vector<16xi32>
        %add3A_443 = arith.addi %iota3A, %add3A_442 : vector<16xi32>
        %add3A_444 = vector.broadcast %mul3A_365 : i32 to vector<16xi32>
        %add3A_445 = arith.addi %and3A_59, %add3A_444 : vector<16xi32>
        %gather3A_446 = tpu.vector_load_idx %arg5[%add3A_443, %add3A_445] : memref<32x128xf32, #tpu.memory_space<vmem>>[vector<16xi32>, vector<16xi32>], vector<16xf32>,
        %add3A_447 = vector.broadcast %add3A_369 : i32 to vector<16xi32>
        %add3A_448 = arith.addi %add3A_195, %add3A_447 : vector<16xi32>
        tpu.vector_store_idx %arg7[%add3A_448], %gather3A_446 : memref<4096xf32, #tpu.memory_space<vmem>>[vector<16xi32>], vector<16xf32>,
        %add3A_449 = arith.constant 0 : i32
        %add3A_450 = vector.broadcast %add3A_449 : i32 to vector<16xi32>
        %add3A_451 = arith.addi %iota3A, %add3A_450 : vector<16xi32>
        %add3A_452 = vector.broadcast %mul3A_365 : i32 to vector<16xi32>
        %add3A_453 = arith.addi %and3A_65, %add3A_452 : vector<16xi32>
        %gather3A_454 = tpu.vector_load_idx %arg5[%add3A_451, %add3A_453] : memref<32x128xf32, #tpu.memory_space<vmem>>[vector<16xi32>, vector<16xi32>], vector<16xf32>,
        %add3A_455 = vector.broadcast %add3A_369 : i32 to vector<16xi32>
        %add3A_456 = arith.addi %add3A_205, %add3A_455 : vector<16xi32>
        tpu.vector_store_idx %arg7[%add3A_456], %gather3A_454 : memref<4096xf32, #tpu.memory_space<vmem>>[vector<16xi32>], vector<16xf32>,
        %add3A_457 = arith.constant 0 : i32
        %add3A_458 = vector.broadcast %add3A_457 : i32 to vector<16xi32>
        %add3A_459 = arith.addi %iota3A, %add3A_458 : vector<16xi32>
        %add3A_460 = vector.broadcast %mul3A_365 : i32 to vector<16xi32>
        %add3A_461 = arith.addi %and3A_71, %add3A_460 : vector<16xi32>
        %gather3A_462 = tpu.vector_load_idx %arg5[%add3A_459, %add3A_461] : memref<32x128xf32, #tpu.memory_space<vmem>>[vector<16xi32>, vector<16xi32>], vector<16xf32>,
        %add3A_463 = vector.broadcast %add3A_369 : i32 to vector<16xi32>
        %add3A_464 = arith.addi %add3A_215, %add3A_463 : vector<16xi32>
        tpu.vector_store_idx %arg7[%add3A_464], %gather3A_462 : memref<4096xf32, #tpu.memory_space<vmem>>[vector<16xi32>], vector<16xf32>,
        %add3A_465 = arith.constant 0 : i32
        %add3A_466 = vector.broadcast %add3A_465 : i32 to vector<16xi32>
        %add3A_467 = arith.addi %iota3A, %add3A_466 : vector<16xi32>
        %add3A_468 = vector.broadcast %mul3A_365 : i32 to vector<16xi32>
        %add3A_469 = arith.addi %and3A_77, %add3A_468 : vector<16xi32>
        %gather3A_470 = tpu.vector_load_idx %arg5[%add3A_467, %add3A_469] : memref<32x128xf32, #tpu.memory_space<vmem>>[vector<16xi32>, vector<16xi32>], vector<16xf32>,
        %add3A_471 = vector.broadcast %add3A_369 : i32 to vector<16xi32>
        %add3A_472 = arith.addi %add3A_225, %add3A_471 : vector<16xi32>
        tpu.vector_store_idx %arg7[%add3A_472], %gather3A_470 : memref<4096xf32, #tpu.memory_space<vmem>>[vector<16xi32>], vector<16xf32>,
        %add3A_473 = arith.constant 0 : i32
        %add3A_474 = vector.broadcast %add3A_473 : i32 to vector<16xi32>
        %add3A_475 = arith.addi %iota3A, %add3A_474 : vector<16xi32>
        %add3A_476 = vector.broadcast %mul3A_365 : i32 to vector<16xi32>
        %add3A_477 = arith.addi %and3A_83, %add3A_476 : vector<16xi32>
        %gather3A_478 = tpu.vector_load_idx %arg5[%add3A_475, %add3A_477] : memref<32x128xf32, #tpu.memory_space<vmem>>[vector<16xi32>, vector<16xi32>], vector<16xf32>,
        %add3A_479 = vector.broadcast %add3A_369 : i32 to vector<16xi32>
        %add3A_480 = arith.addi %add3A_235, %add3A_479 : vector<16xi32>
        tpu.vector_store_idx %arg7[%add3A_480], %gather3A_478 : memref<4096xf32, #tpu.memory_space<vmem>>[vector<16xi32>], vector<16xf32>,
        %add3A_481 = arith.constant 0 : i32
        %add3A_482 = vector.broadcast %add3A_481 : i32 to vector<16xi32>
        %add3A_483 = arith.addi %iota3A, %add3A_482 : vector<16xi32>
        %add3A_484 = vector.broadcast %mul3A_365 : i32 to vector<16xi32>
        %add3A_485 = arith.addi %and3A_89, %add3A_484 : vector<16xi32>
        %gather3A_486 = tpu.vector_load_idx %arg5[%add3A_483, %add3A_485] : memref<32x128xf32, #tpu.memory_space<vmem>>[vector<16xi32>, vector<16xi32>], vector<16xf32>,
        %add3A_487 = vector.broadcast %add3A_369 : i32 to vector<16xi32>
        %add3A_488 = arith.addi %add3A_245, %add3A_487 : vector<16xi32>
        tpu.vector_store_idx %arg7[%add3A_488], %gather3A_486 : memref<4096xf32, #tpu.memory_space<vmem>>[vector<16xi32>], vector<16xf32>,
        %add3A_489 = arith.constant 0 : i32
        %add3A_490 = vector.broadcast %add3A_489 : i32 to vector<16xi32>
        %add3A_491 = arith.addi %iota3A, %add3A_490 : vector<16xi32>
        %add3A_492 = vector.broadcast %mul3A_365 : i32 to vector<16xi32>
        %add3A_493 = arith.addi %and3A_95, %add3A_492 : vector<16xi32>
        %gather3A_494 = tpu.vector_load_idx %arg5[%add3A_491, %add3A_493] : memref<32x128xf32, #tpu.memory_space<vmem>>[vector<16xi32>, vector<16xi32>], vector<16xf32>,
        %add3A_495 = vector.broadcast %add3A_369 : i32 to vector<16xi32>
        %add3A_496 = arith.addi %add3A_255, %add3A_495 : vector<16xi32>
        tpu.vector_store_idx %arg7[%add3A_496], %gather3A_494 : memref<4096xf32, #tpu.memory_space<vmem>>[vector<16xi32>], vector<16xf32>,
        %mul3A_497 = arith.constant 32 : i32
        %mul3A_498 = arith.muli %mul3A_365, %mul3A_497 : i32
        %add3A_499 = arith.constant 16 : i32
        %add3A_500 = arith.addi %mul3A_498, %add3A_499 : i32
        %add3A_501 = arith.constant 16 : i32
        %add3A_502 = vector.broadcast %add3A_501 : i32 to vector<16xi32>
        %add3A_503 = arith.addi %iota3A, %add3A_502 : vector<16xi32>
        %add3A_504 = vector.broadcast %mul3A_365 : i32 to vector<16xi32>
        %add3A_505 = arith.addi %and3A_5, %add3A_504 : vector<16xi32>
        %gather3A_506 = tpu.vector_load_idx %arg5[%add3A_503, %add3A_505] : memref<32x128xf32, #tpu.memory_space<vmem>>[vector<16xi32>, vector<16xi32>], vector<16xf32>,
        %add3A_507 = vector.broadcast %add3A_500 : i32 to vector<16xi32>
        %add3A_508 = arith.addi %add3A_105, %add3A_507 : vector<16xi32>
        tpu.vector_store_idx %arg7[%add3A_508], %gather3A_506 : memref<4096xf32, #tpu.memory_space<vmem>>[vector<16xi32>], vector<16xf32>,
        %add3A_509 = arith.constant 16 : i32
        %add3A_510 = vector.broadcast %add3A_509 : i32 to vector<16xi32>
        %add3A_511 = arith.addi %iota3A, %add3A_510 : vector<16xi32>
        %add3A_512 = vector.broadcast %mul3A_365 : i32 to vector<16xi32>
        %add3A_513 = arith.addi %and3A_11, %add3A_512 : vector<16xi32>
        %gather3A_514 = tpu.vector_load_idx %arg5[%add3A_511, %add3A_513] : memref<32x128xf32, #tpu.memory_space<vmem>>[vector<16xi32>, vector<16xi32>], vector<16xf32>,
        %add3A_515 = vector.broadcast %add3A_500 : i32 to vector<16xi32>
        %add3A_516 = arith.addi %add3A_115, %add3A_515 : vector<16xi32>
        tpu.vector_store_idx %arg7[%add3A_516], %gather3A_514 : memref<4096xf32, #tpu.memory_space<vmem>>[vector<16xi32>], vector<16xf32>,
        %add3A_517 = arith.constant 16 : i32
        %add3A_518 = vector.broadcast %add3A_517 : i32 to vector<16xi32>
        %add3A_519 = arith.addi %iota3A, %add3A_518 : vector<16xi32>
        %add3A_520 = vector.broadcast %mul3A_365 : i32 to vector<16xi32>
        %add3A_521 = arith.addi %and3A_17, %add3A_520 : vector<16xi32>
        %gather3A_522 = tpu.vector_load_idx %arg5[%add3A_519, %add3A_521] : memref<32x128xf32, #tpu.memory_space<vmem>>[vector<16xi32>, vector<16xi32>], vector<16xf32>,
        %add3A_523 = vector.broadcast %add3A_500 : i32 to vector<16xi32>
        %add3A_524 = arith.addi %add3A_125, %add3A_523 : vector<16xi32>
        tpu.vector_store_idx %arg7[%add3A_524], %gather3A_522 : memref<4096xf32, #tpu.memory_space<vmem>>[vector<16xi32>], vector<16xf32>,
        %add3A_525 = arith.constant 16 : i32
        %add3A_526 = vector.broadcast %add3A_525 : i32 to vector<16xi32>
        %add3A_527 = arith.addi %iota3A, %add3A_526 : vector<16xi32>
        %add3A_528 = vector.broadcast %mul3A_365 : i32 to vector<16xi32>
        %add3A_529 = arith.addi %and3A_23, %add3A_528 : vector<16xi32>
        %gather3A_530 = tpu.vector_load_idx %arg5[%add3A_527, %add3A_529] : memref<32x128xf32, #tpu.memory_space<vmem>>[vector<16xi32>, vector<16xi32>], vector<16xf32>,
        %add3A_531 = vector.broadcast %add3A_500 : i32 to vector<16xi32>
        %add3A_532 = arith.addi %add3A_135, %add3A_531 : vector<16xi32>
        tpu.vector_store_idx %arg7[%add3A_532], %gather3A_530 : memref<4096xf32, #tpu.memory_space<vmem>>[vector<16xi32>], vector<16xf32>,
        %add3A_533 = arith.constant 16 : i32
        %add3A_534 = vector.broadcast %add3A_533 : i32 to vector<16xi32>
        %add3A_535 = arith.addi %iota3A, %add3A_534 : vector<16xi32>
        %add3A_536 = vector.broadcast %mul3A_365 : i32 to vector<16xi32>
        %add3A_537 = arith.addi %and3A_29, %add3A_536 : vector<16xi32>
        %gather3A_538 = tpu.vector_load_idx %arg5[%add3A_535, %add3A_537] : memref<32x128xf32, #tpu.memory_space<vmem>>[vector<16xi32>, vector<16xi32>], vector<16xf32>,
        %add3A_539 = vector.broadcast %add3A_500 : i32 to vector<16xi32>
        %add3A_540 = arith.addi %add3A_145, %add3A_539 : vector<16xi32>
        tpu.vector_store_idx %arg7[%add3A_540], %gather3A_538 : memref<4096xf32, #tpu.memory_space<vmem>>[vector<16xi32>], vector<16xf32>,
        %add3A_541 = arith.constant 16 : i32
        %add3A_542 = vector.broadcast %add3A_541 : i32 to vector<16xi32>
        %add3A_543 = arith.addi %iota3A, %add3A_542 : vector<16xi32>
        %add3A_544 = vector.broadcast %mul3A_365 : i32 to vector<16xi32>
        %add3A_545 = arith.addi %and3A_35, %add3A_544 : vector<16xi32>
        %gather3A_546 = tpu.vector_load_idx %arg5[%add3A_543, %add3A_545] : memref<32x128xf32, #tpu.memory_space<vmem>>[vector<16xi32>, vector<16xi32>], vector<16xf32>,
        %add3A_547 = vector.broadcast %add3A_500 : i32 to vector<16xi32>
        %add3A_548 = arith.addi %add3A_155, %add3A_547 : vector<16xi32>
        tpu.vector_store_idx %arg7[%add3A_548], %gather3A_546 : memref<4096xf32, #tpu.memory_space<vmem>>[vector<16xi32>], vector<16xf32>,
        %add3A_549 = arith.constant 16 : i32
        %add3A_550 = vector.broadcast %add3A_549 : i32 to vector<16xi32>
        %add3A_551 = arith.addi %iota3A, %add3A_550 : vector<16xi32>
        %add3A_552 = vector.broadcast %mul3A_365 : i32 to vector<16xi32>
        %add3A_553 = arith.addi %and3A_41, %add3A_552 : vector<16xi32>
        %gather3A_554 = tpu.vector_load_idx %arg5[%add3A_551, %add3A_553] : memref<32x128xf32, #tpu.memory_space<vmem>>[vector<16xi32>, vector<16xi32>], vector<16xf32>,
        %add3A_555 = vector.broadcast %add3A_500 : i32 to vector<16xi32>
        %add3A_556 = arith.addi %add3A_165, %add3A_555 : vector<16xi32>
        tpu.vector_store_idx %arg7[%add3A_556], %gather3A_554 : memref<4096xf32, #tpu.memory_space<vmem>>[vector<16xi32>], vector<16xf32>,
        %add3A_557 = arith.constant 16 : i32
        %add3A_558 = vector.broadcast %add3A_557 : i32 to vector<16xi32>
        %add3A_559 = arith.addi %iota3A, %add3A_558 : vector<16xi32>
        %add3A_560 = vector.broadcast %mul3A_365 : i32 to vector<16xi32>
        %add3A_561 = arith.addi %and3A_47, %add3A_560 : vector<16xi32>
        %gather3A_562 = tpu.vector_load_idx %arg5[%add3A_559, %add3A_561] : memref<32x128xf32, #tpu.memory_space<vmem>>[vector<16xi32>, vector<16xi32>], vector<16xf32>,
        %add3A_563 = vector.broadcast %add3A_500 : i32 to vector<16xi32>
        %add3A_564 = arith.addi %add3A_175, %add3A_563 : vector<16xi32>
        tpu.vector_store_idx %arg7[%add3A_564], %gather3A_562 : memref<4096xf32, #tpu.memory_space<vmem>>[vector<16xi32>], vector<16xf32>,
        %add3A_565 = arith.constant 16 : i32
        %add3A_566 = vector.broadcast %add3A_565 : i32 to vector<16xi32>
        %add3A_567 = arith.addi %iota3A, %add3A_566 : vector<16xi32>
        %add3A_568 = vector.broadcast %mul3A_365 : i32 to vector<16xi32>
        %add3A_569 = arith.addi %and3A_53, %add3A_568 : vector<16xi32>
        %gather3A_570 = tpu.vector_load_idx %arg5[%add3A_567, %add3A_569] : memref<32x128xf32, #tpu.memory_space<vmem>>[vector<16xi32>, vector<16xi32>], vector<16xf32>,
        %add3A_571 = vector.broadcast %add3A_500 : i32 to vector<16xi32>
        %add3A_572 = arith.addi %add3A_185, %add3A_571 : vector<16xi32>
        tpu.vector_store_idx %arg7[%add3A_572], %gather3A_570 : memref<4096xf32, #tpu.memory_space<vmem>>[vector<16xi32>], vector<16xf32>,
        %add3A_573 = arith.constant 16 : i32
        %add3A_574 = vector.broadcast %add3A_573 : i32 to vector<16xi32>
        %add3A_575 = arith.addi %iota3A, %add3A_574 : vector<16xi32>
        %add3A_576 = vector.broadcast %mul3A_365 : i32 to vector<16xi32>
        %add3A_577 = arith.addi %and3A_59, %add3A_576 : vector<16xi32>
        %gather3A_578 = tpu.vector_load_idx %arg5[%add3A_575, %add3A_577] : memref<32x128xf32, #tpu.memory_space<vmem>>[vector<16xi32>, vector<16xi32>], vector<16xf32>,
        %add3A_579 = vector.broadcast %add3A_500 : i32 to vector<16xi32>
        %add3A_580 = arith.addi %add3A_195, %add3A_579 : vector<16xi32>
        tpu.vector_store_idx %arg7[%add3A_580], %gather3A_578 : memref<4096xf32, #tpu.memory_space<vmem>>[vector<16xi32>], vector<16xf32>,
        %add3A_581 = arith.constant 16 : i32
        %add3A_582 = vector.broadcast %add3A_581 : i32 to vector<16xi32>
        %add3A_583 = arith.addi %iota3A, %add3A_582 : vector<16xi32>
        %add3A_584 = vector.broadcast %mul3A_365 : i32 to vector<16xi32>
        %add3A_585 = arith.addi %and3A_65, %add3A_584 : vector<16xi32>
        %gather3A_586 = tpu.vector_load_idx %arg5[%add3A_583, %add3A_585] : memref<32x128xf32, #tpu.memory_space<vmem>>[vector<16xi32>, vector<16xi32>], vector<16xf32>,
        %add3A_587 = vector.broadcast %add3A_500 : i32 to vector<16xi32>
        %add3A_588 = arith.addi %add3A_205, %add3A_587 : vector<16xi32>
        tpu.vector_store_idx %arg7[%add3A_588], %gather3A_586 : memref<4096xf32, #tpu.memory_space<vmem>>[vector<16xi32>], vector<16xf32>,
        %add3A_589 = arith.constant 16 : i32
        %add3A_590 = vector.broadcast %add3A_589 : i32 to vector<16xi32>
        %add3A_591 = arith.addi %iota3A, %add3A_590 : vector<16xi32>
        %add3A_592 = vector.broadcast %mul3A_365 : i32 to vector<16xi32>
        %add3A_593 = arith.addi %and3A_71, %add3A_592 : vector<16xi32>
        %gather3A_594 = tpu.vector_load_idx %arg5[%add3A_591, %add3A_593] : memref<32x128xf32, #tpu.memory_space<vmem>>[vector<16xi32>, vector<16xi32>], vector<16xf32>,
        %add3A_595 = vector.broadcast %add3A_500 : i32 to vector<16xi32>
        %add3A_596 = arith.addi %add3A_215, %add3A_595 : vector<16xi32>
        tpu.vector_store_idx %arg7[%add3A_596], %gather3A_594 : memref<4096xf32, #tpu.memory_space<vmem>>[vector<16xi32>], vector<16xf32>,
        %add3A_597 = arith.constant 16 : i32
        %add3A_598 = vector.broadcast %add3A_597 : i32 to vector<16xi32>
        %add3A_599 = arith.addi %iota3A, %add3A_598 : vector<16xi32>
        %add3A_600 = vector.broadcast %mul3A_365 : i32 to vector<16xi32>
        %add3A_601 = arith.addi %and3A_77, %add3A_600 : vector<16xi32>
        %gather3A_602 = tpu.vector_load_idx %arg5[%add3A_599, %add3A_601] : memref<32x128xf32, #tpu.memory_space<vmem>>[vector<16xi32>, vector<16xi32>], vector<16xf32>,
        %add3A_603 = vector.broadcast %add3A_500 : i32 to vector<16xi32>
        %add3A_604 = arith.addi %add3A_225, %add3A_603 : vector<16xi32>
        tpu.vector_store_idx %arg7[%add3A_604], %gather3A_602 : memref<4096xf32, #tpu.memory_space<vmem>>[vector<16xi32>], vector<16xf32>,
        %add3A_605 = arith.constant 16 : i32
        %add3A_606 = vector.broadcast %add3A_605 : i32 to vector<16xi32>
        %add3A_607 = arith.addi %iota3A, %add3A_606 : vector<16xi32>
        %add3A_608 = vector.broadcast %mul3A_365 : i32 to vector<16xi32>
        %add3A_609 = arith.addi %and3A_83, %add3A_608 : vector<16xi32>
        %gather3A_610 = tpu.vector_load_idx %arg5[%add3A_607, %add3A_609] : memref<32x128xf32, #tpu.memory_space<vmem>>[vector<16xi32>, vector<16xi32>], vector<16xf32>,
        %add3A_611 = vector.broadcast %add3A_500 : i32 to vector<16xi32>
        %add3A_612 = arith.addi %add3A_235, %add3A_611 : vector<16xi32>
        tpu.vector_store_idx %arg7[%add3A_612], %gather3A_610 : memref<4096xf32, #tpu.memory_space<vmem>>[vector<16xi32>], vector<16xf32>,
        %add3A_613 = arith.constant 16 : i32
        %add3A_614 = vector.broadcast %add3A_613 : i32 to vector<16xi32>
        %add3A_615 = arith.addi %iota3A, %add3A_614 : vector<16xi32>
        %add3A_616 = vector.broadcast %mul3A_365 : i32 to vector<16xi32>
        %add3A_617 = arith.addi %and3A_89, %add3A_616 : vector<16xi32>
        %gather3A_618 = tpu.vector_load_idx %arg5[%add3A_615, %add3A_617] : memref<32x128xf32, #tpu.memory_space<vmem>>[vector<16xi32>, vector<16xi32>], vector<16xf32>,
        %add3A_619 = vector.broadcast %add3A_500 : i32 to vector<16xi32>
        %add3A_620 = arith.addi %add3A_245, %add3A_619 : vector<16xi32>
        tpu.vector_store_idx %arg7[%add3A_620], %gather3A_618 : memref<4096xf32, #tpu.memory_space<vmem>>[vector<16xi32>], vector<16xf32>,
        %add3A_621 = arith.constant 16 : i32
        %add3A_622 = vector.broadcast %add3A_621 : i32 to vector<16xi32>
        %add3A_623 = arith.addi %iota3A, %add3A_622 : vector<16xi32>
        %add3A_624 = vector.broadcast %mul3A_365 : i32 to vector<16xi32>
        %add3A_625 = arith.addi %and3A_95, %add3A_624 : vector<16xi32>
        %gather3A_626 = tpu.vector_load_idx %arg5[%add3A_623, %add3A_625] : memref<32x128xf32, #tpu.memory_space<vmem>>[vector<16xi32>, vector<16xi32>], vector<16xf32>,
        %add3A_627 = vector.broadcast %add3A_500 : i32 to vector<16xi32>
        %add3A_628 = arith.addi %add3A_255, %add3A_627 : vector<16xi32>
        tpu.vector_store_idx %arg7[%add3A_628], %gather3A_626 : memref<4096xf32, #tpu.memory_space<vmem>>[vector<16xi32>], vector<16xf32>,
      }
      %scan3A_313 = arith.constant 8 : i32
      %lt3A_314 = arith.constant 242 : i32
      %lt3A_315 = arith.cmpi slt, %add3A_297, %lt3A_314 : i32
      %convert_element_type3A_316 = arith.extui %lt3A_315 : i1 to i32
      %cond3A_317 = arith.constant 0 : i32
      %cond3A_318 = arith.cmpi ne, %convert_element_type3A_316, %cond3A_317 : i32
      scf.if %cond3A_318 {
        %add3A_363 = arith.constant 2 : i32
        %add3A_364 = arith.addi %add3A_297, %add3A_363 : i32
        %mul3A_365 = arith.constant 244 : i32
        %mul3A_366 = arith.muli %add3A, %mul3A_365 : i32
        %add3A_367 = arith.addi %mul3A_366, %add3A_364 : i32
        %mul3A_368 = arith.constant 128 : i32
        %mul3A_369 = arith.muli %add3A_367, %mul3A_368 : i32
        %dma_start3A_370 = arith.constant 0 : i32
        %dma_start3A_371 = tpu.memref_slice %arg2[%dma_start3A_370, %mul3A_369] : memref<32x1000000xf32, #tpu.memory_space<hbm>> -> memref<32x128xf32, #tpu.memory_space<hbm>>
        %dma_start3A_372 = arith.constant 0 : i32
        %dma_start3A_373 = tpu.memref_slice %arg2[%dma_start3A_372, %mul3A_369] : memref<32x1000000xf32, #tpu.memory_space<hbm>> -> memref<32x128xf32, #tpu.memory_space<hbm>>
        tpu.enqueue_dma source(%dma_start3A_373 : memref<32x128xf32, #tpu.memory_space<hbm>>) target(%arg5 : memref<32x128xf32, #tpu.memory_space<vmem>>) target_semaphore(%arg9 : memref<!tpu.dma_semaphore, #tpu.memory_space<semaphore_mem>>)
      } else {
      }
      %mul3A_319 = arith.constant 244 : i32
      %mul3A_320 = arith.muli %add3A, %mul3A_319 : i32
      %add3A_321 = arith.addi %mul3A_320, %add3A_297 : i32
      %mul3A_322 = arith.constant 128 : i32
      %mul3A_323 = arith.muli %add3A_321, %mul3A_322 : i32
      %mul3A_324 = arith.constant 32 : i32
      %mul3A_325 = arith.muli %mul3A_323, %mul3A_324 : i32
      %dma_start3A_326 = tpu.memref_slice %arg4[%mul3A_325] : memref<32000000xf32, #tpu.memory_space<hbm>> -> memref<4096xf32, #tpu.memory_space<hbm>>
      %dma_start3A_327 = tpu.memref_slice %arg4[%mul3A_325] : memref<32000000xf32, #tpu.memory_space<hbm>> -> memref<4096xf32, #tpu.memory_space<hbm>>
      tpu.enqueue_dma source(%arg7 : memref<4096xf32, #tpu.memory_space<vmem>>) target(%dma_start3A_327 : memref<4096xf32, #tpu.memory_space<hbm>>) target_semaphore(%arg11 : memref<!tpu.dma_semaphore, #tpu.memory_space<semaphore_mem>>)
      %mul3A_328 = arith.constant 2 : i32
      %mul3A_329 = arith.muli %mul3A_328, %scan3A_293 : i32
      %add3A_330 = arith.constant 1 : i32
      %add3A_331 = arith.addi %mul3A_329, %add3A_330 : i32
      %dma_wait3A_332 = arith.constant 0 : i32
      %dma_wait3A_333 = arith.constant 0 : i32
      %dma_wait3A_334 = tpu.memref_slice %arg2[%dma_wait3A_332, %dma_wait3A_333] : memref<32x1000000xf32, #tpu.memory_space<hbm>> -> memref<32x128xf32, #tpu.memory_space<hbm>>
      %dma_wait3A_335 = arith.constant 0 : i32
      %dma_wait3A_336 = arith.constant 0 : i32
      %dma_wait3A_337 = tpu.memref_slice %arg2[%dma_wait3A_335, %dma_wait3A_336] : memref<32x1000000xf32, #tpu.memory_space<hbm>> -> memref<32x128xf32, #tpu.memory_space<hbm>>
      tpu.wait_dma2 semaphore(%arg10 : memref<!tpu.dma_semaphore, #tpu.memory_space<semaphore_mem>>) src(%dma_wait3A_337 : memref<32x128xf32, #tpu.memory_space<hbm>>) dst(%arg6 : memref<32x128xf32, #tpu.memory_space<vmem>>)
      %ge3A_338 = arith.constant 1 : i32
      %ge3A_339 = arith.cmpi sge, %scan3A_293, %ge3A_338 : i32
      %convert_element_type3A_340 = arith.extui %ge3A_339 : i1 to i32
      %cond3A_341 = arith.constant 0 : i32
      %cond3A_342 = arith.cmpi ne, %convert_element_type3A_340, %cond3A_341 : i32
      scf.if %cond3A_342 {
        %dma_wait3A_363 = arith.constant 0 : i32
        %dma_wait3A_364 = tpu.memref_slice %arg4[%dma_wait3A_363] : memref<32000000xf32, #tpu.memory_space<hbm>> -> memref<4096xf32, #tpu.memory_space<hbm>>
        %dma_wait3A_365 = arith.constant 0 : i32
        %dma_wait3A_366 = tpu.memref_slice %arg4[%dma_wait3A_365] : memref<32000000xf32, #tpu.memory_space<hbm>> -> memref<4096xf32, #tpu.memory_space<hbm>>
        tpu.wait_dma2 semaphore(%arg12 : memref<!tpu.dma_semaphore, #tpu.memory_space<semaphore_mem>>) src(%dma_wait3A_366 : memref<4096xf32, #tpu.memory_space<hbm>>) dst(%arg8 : memref<4096xf32, #tpu.memory_space<vmem>>)
      } else {
      }
      %scan3A_343 = arith.constant 0 : i32
      %scan3A_344 = arith.constant 0 : i32
      %scan3A_345 = arith.constant 8 : i32
      %scan3A_346 = arith.addi %scan3A_344, %scan3A_345 : i32
      %scan3A_347 = arith.constant 1 : i32
      scf.for %scan3A_363 = %scan3A_344 to %scan3A_346 step %scan3A_347  : i32 {
        %mul3A_364 = arith.constant 16 : i32
        %mul3A_365 = arith.muli %scan3A_363, %mul3A_364 : i32
        %mul3A_366 = arith.constant 32 : i32
        %mul3A_367 = arith.muli %mul3A_365, %mul3A_366 : i32
        %add3A_368 = arith.constant 0 : i32
        %add3A_369 = arith.addi %mul3A_367, %add3A_368 : i32
        %add3A_370 = arith.constant 0 : i32
        %add3A_371 = vector.broadcast %add3A_370 : i32 to vector<16xi32>
        %add3A_372 = arith.addi %iota3A, %add3A_371 : vector<16xi32>
        %add3A_373 = vector.broadcast %mul3A_365 : i32 to vector<16xi32>
        %add3A_374 = arith.addi %and3A_5, %add3A_373 : vector<16xi32>
        %gather3A = tpu.vector_load_idx %arg6[%add3A_372, %add3A_374] : memref<32x128xf32, #tpu.memory_space<vmem>>[vector<16xi32>, vector<16xi32>], vector<16xf32>,
        %add3A_375 = vector.broadcast %add3A_369 : i32 to vector<16xi32>
        %add3A_376 = arith.addi %add3A_105, %add3A_375 : vector<16xi32>
        tpu.vector_store_idx %arg8[%add3A_376], %gather3A : memref<4096xf32, #tpu.memory_space<vmem>>[vector<16xi32>], vector<16xf32>,
        %add3A_377 = arith.constant 0 : i32
        %add3A_378 = vector.broadcast %add3A_377 : i32 to vector<16xi32>
        %add3A_379 = arith.addi %iota3A, %add3A_378 : vector<16xi32>
        %add3A_380 = vector.broadcast %mul3A_365 : i32 to vector<16xi32>
        %add3A_381 = arith.addi %and3A_11, %add3A_380 : vector<16xi32>
        %gather3A_382 = tpu.vector_load_idx %arg6[%add3A_379, %add3A_381] : memref<32x128xf32, #tpu.memory_space<vmem>>[vector<16xi32>, vector<16xi32>], vector<16xf32>,
        %add3A_383 = vector.broadcast %add3A_369 : i32 to vector<16xi32>
        %add3A_384 = arith.addi %add3A_115, %add3A_383 : vector<16xi32>
        tpu.vector_store_idx %arg8[%add3A_384], %gather3A_382 : memref<4096xf32, #tpu.memory_space<vmem>>[vector<16xi32>], vector<16xf32>,
        %add3A_385 = arith.constant 0 : i32
        %add3A_386 = vector.broadcast %add3A_385 : i32 to vector<16xi32>
        %add3A_387 = arith.addi %iota3A, %add3A_386 : vector<16xi32>
        %add3A_388 = vector.broadcast %mul3A_365 : i32 to vector<16xi32>
        %add3A_389 = arith.addi %and3A_17, %add3A_388 : vector<16xi32>
        %gather3A_390 = tpu.vector_load_idx %arg6[%add3A_387, %add3A_389] : memref<32x128xf32, #tpu.memory_space<vmem>>[vector<16xi32>, vector<16xi32>], vector<16xf32>,
        %add3A_391 = vector.broadcast %add3A_369 : i32 to vector<16xi32>
        %add3A_392 = arith.addi %add3A_125, %add3A_391 : vector<16xi32>
        tpu.vector_store_idx %arg8[%add3A_392], %gather3A_390 : memref<4096xf32, #tpu.memory_space<vmem>>[vector<16xi32>], vector<16xf32>,
        %add3A_393 = arith.constant 0 : i32
        %add3A_394 = vector.broadcast %add3A_393 : i32 to vector<16xi32>
        %add3A_395 = arith.addi %iota3A, %add3A_394 : vector<16xi32>
        %add3A_396 = vector.broadcast %mul3A_365 : i32 to vector<16xi32>
        %add3A_397 = arith.addi %and3A_23, %add3A_396 : vector<16xi32>
        %gather3A_398 = tpu.vector_load_idx %arg6[%add3A_395, %add3A_397] : memref<32x128xf32, #tpu.memory_space<vmem>>[vector<16xi32>, vector<16xi32>], vector<16xf32>,
        %add3A_399 = vector.broadcast %add3A_369 : i32 to vector<16xi32>
        %add3A_400 = arith.addi %add3A_135, %add3A_399 : vector<16xi32>
        tpu.vector_store_idx %arg8[%add3A_400], %gather3A_398 : memref<4096xf32, #tpu.memory_space<vmem>>[vector<16xi32>], vector<16xf32>,
        %add3A_401 = arith.constant 0 : i32
        %add3A_402 = vector.broadcast %add3A_401 : i32 to vector<16xi32>
        %add3A_403 = arith.addi %iota3A, %add3A_402 : vector<16xi32>
        %add3A_404 = vector.broadcast %mul3A_365 : i32 to vector<16xi32>
        %add3A_405 = arith.addi %and3A_29, %add3A_404 : vector<16xi32>
        %gather3A_406 = tpu.vector_load_idx %arg6[%add3A_403, %add3A_405] : memref<32x128xf32, #tpu.memory_space<vmem>>[vector<16xi32>, vector<16xi32>], vector<16xf32>,
        %add3A_407 = vector.broadcast %add3A_369 : i32 to vector<16xi32>
        %add3A_408 = arith.addi %add3A_145, %add3A_407 : vector<16xi32>
        tpu.vector_store_idx %arg8[%add3A_408], %gather3A_406 : memref<4096xf32, #tpu.memory_space<vmem>>[vector<16xi32>], vector<16xf32>,
        %add3A_409 = arith.constant 0 : i32
        %add3A_410 = vector.broadcast %add3A_409 : i32 to vector<16xi32>
        %add3A_411 = arith.addi %iota3A, %add3A_410 : vector<16xi32>
        %add3A_412 = vector.broadcast %mul3A_365 : i32 to vector<16xi32>
        %add3A_413 = arith.addi %and3A_35, %add3A_412 : vector<16xi32>
        %gather3A_414 = tpu.vector_load_idx %arg6[%add3A_411, %add3A_413] : memref<32x128xf32, #tpu.memory_space<vmem>>[vector<16xi32>, vector<16xi32>], vector<16xf32>,
        %add3A_415 = vector.broadcast %add3A_369 : i32 to vector<16xi32>
        %add3A_416 = arith.addi %add3A_155, %add3A_415 : vector<16xi32>
        tpu.vector_store_idx %arg8[%add3A_416], %gather3A_414 : memref<4096xf32, #tpu.memory_space<vmem>>[vector<16xi32>], vector<16xf32>,
        %add3A_417 = arith.constant 0 : i32
        %add3A_418 = vector.broadcast %add3A_417 : i32 to vector<16xi32>
        %add3A_419 = arith.addi %iota3A, %add3A_418 : vector<16xi32>
        %add3A_420 = vector.broadcast %mul3A_365 : i32 to vector<16xi32>
        %add3A_421 = arith.addi %and3A_41, %add3A_420 : vector<16xi32>
        %gather3A_422 = tpu.vector_load_idx %arg6[%add3A_419, %add3A_421] : memref<32x128xf32, #tpu.memory_space<vmem>>[vector<16xi32>, vector<16xi32>], vector<16xf32>,
        %add3A_423 = vector.broadcast %add3A_369 : i32 to vector<16xi32>
        %add3A_424 = arith.addi %add3A_165, %add3A_423 : vector<16xi32>
        tpu.vector_store_idx %arg8[%add3A_424], %gather3A_422 : memref<4096xf32, #tpu.memory_space<vmem>>[vector<16xi32>], vector<16xf32>,
        %add3A_425 = arith.constant 0 : i32
        %add3A_426 = vector.broadcast %add3A_425 : i32 to vector<16xi32>
        %add3A_427 = arith.addi %iota3A, %add3A_426 : vector<16xi32>
        %add3A_428 = vector.broadcast %mul3A_365 : i32 to vector<16xi32>
        %add3A_429 = arith.addi %and3A_47, %add3A_428 : vector<16xi32>
        %gather3A_430 = tpu.vector_load_idx %arg6[%add3A_427, %add3A_429] : memref<32x128xf32, #tpu.memory_space<vmem>>[vector<16xi32>, vector<16xi32>], vector<16xf32>,
        %add3A_431 = vector.broadcast %add3A_369 : i32 to vector<16xi32>
        %add3A_432 = arith.addi %add3A_175, %add3A_431 : vector<16xi32>
        tpu.vector_store_idx %arg8[%add3A_432], %gather3A_430 : memref<4096xf32, #tpu.memory_space<vmem>>[vector<16xi32>], vector<16xf32>,
        %add3A_433 = arith.constant 0 : i32
        %add3A_434 = vector.broadcast %add3A_433 : i32 to vector<16xi32>
        %add3A_435 = arith.addi %iota3A, %add3A_434 : vector<16xi32>
        %add3A_436 = vector.broadcast %mul3A_365 : i32 to vector<16xi32>
        %add3A_437 = arith.addi %and3A_53, %add3A_436 : vector<16xi32>
        %gather3A_438 = tpu.vector_load_idx %arg6[%add3A_435, %add3A_437] : memref<32x128xf32, #tpu.memory_space<vmem>>[vector<16xi32>, vector<16xi32>], vector<16xf32>,
        %add3A_439 = vector.broadcast %add3A_369 : i32 to vector<16xi32>
        %add3A_440 = arith.addi %add3A_185, %add3A_439 : vector<16xi32>
        tpu.vector_store_idx %arg8[%add3A_440], %gather3A_438 : memref<4096xf32, #tpu.memory_space<vmem>>[vector<16xi32>], vector<16xf32>,
        %add3A_441 = arith.constant 0 : i32
        %add3A_442 = vector.broadcast %add3A_441 : i32 to vector<16xi32>
        %add3A_443 = arith.addi %iota3A, %add3A_442 : vector<16xi32>
        %add3A_444 = vector.broadcast %mul3A_365 : i32 to vector<16xi32>
        %add3A_445 = arith.addi %and3A_59, %add3A_444 : vector<16xi32>
        %gather3A_446 = tpu.vector_load_idx %arg6[%add3A_443, %add3A_445] : memref<32x128xf32, #tpu.memory_space<vmem>>[vector<16xi32>, vector<16xi32>], vector<16xf32>,
        %add3A_447 = vector.broadcast %add3A_369 : i32 to vector<16xi32>
        %add3A_448 = arith.addi %add3A_195, %add3A_447 : vector<16xi32>
        tpu.vector_store_idx %arg8[%add3A_448], %gather3A_446 : memref<4096xf32, #tpu.memory_space<vmem>>[vector<16xi32>], vector<16xf32>,
        %add3A_449 = arith.constant 0 : i32
        %add3A_450 = vector.broadcast %add3A_449 : i32 to vector<16xi32>
        %add3A_451 = arith.addi %iota3A, %add3A_450 : vector<16xi32>
        %add3A_452 = vector.broadcast %mul3A_365 : i32 to vector<16xi32>
        %add3A_453 = arith.addi %and3A_65, %add3A_452 : vector<16xi32>
        %gather3A_454 = tpu.vector_load_idx %arg6[%add3A_451, %add3A_453] : memref<32x128xf32, #tpu.memory_space<vmem>>[vector<16xi32>, vector<16xi32>], vector<16xf32>,
        %add3A_455 = vector.broadcast %add3A_369 : i32 to vector<16xi32>
        %add3A_456 = arith.addi %add3A_205, %add3A_455 : vector<16xi32>
        tpu.vector_store_idx %arg8[%add3A_456], %gather3A_454 : memref<4096xf32, #tpu.memory_space<vmem>>[vector<16xi32>], vector<16xf32>,
        %add3A_457 = arith.constant 0 : i32
        %add3A_458 = vector.broadcast %add3A_457 : i32 to vector<16xi32>
        %add3A_459 = arith.addi %iota3A, %add3A_458 : vector<16xi32>
        %add3A_460 = vector.broadcast %mul3A_365 : i32 to vector<16xi32>
        %add3A_461 = arith.addi %and3A_71, %add3A_460 : vector<16xi32>
        %gather3A_462 = tpu.vector_load_idx %arg6[%add3A_459, %add3A_461] : memref<32x128xf32, #tpu.memory_space<vmem>>[vector<16xi32>, vector<16xi32>], vector<16xf32>,
        %add3A_463 = vector.broadcast %add3A_369 : i32 to vector<16xi32>
        %add3A_464 = arith.addi %add3A_215, %add3A_463 : vector<16xi32>
        tpu.vector_store_idx %arg8[%add3A_464], %gather3A_462 : memref<4096xf32, #tpu.memory_space<vmem>>[vector<16xi32>], vector<16xf32>,
        %add3A_465 = arith.constant 0 : i32
        %add3A_466 = vector.broadcast %add3A_465 : i32 to vector<16xi32>
        %add3A_467 = arith.addi %iota3A, %add3A_466 : vector<16xi32>
        %add3A_468 = vector.broadcast %mul3A_365 : i32 to vector<16xi32>
        %add3A_469 = arith.addi %and3A_77, %add3A_468 : vector<16xi32>
        %gather3A_470 = tpu.vector_load_idx %arg6[%add3A_467, %add3A_469] : memref<32x128xf32, #tpu.memory_space<vmem>>[vector<16xi32>, vector<16xi32>], vector<16xf32>,
        %add3A_471 = vector.broadcast %add3A_369 : i32 to vector<16xi32>
        %add3A_472 = arith.addi %add3A_225, %add3A_471 : vector<16xi32>
        tpu.vector_store_idx %arg8[%add3A_472], %gather3A_470 : memref<4096xf32, #tpu.memory_space<vmem>>[vector<16xi32>], vector<16xf32>,
        %add3A_473 = arith.constant 0 : i32
        %add3A_474 = vector.broadcast %add3A_473 : i32 to vector<16xi32>
        %add3A_475 = arith.addi %iota3A, %add3A_474 : vector<16xi32>
        %add3A_476 = vector.broadcast %mul3A_365 : i32 to vector<16xi32>
        %add3A_477 = arith.addi %and3A_83, %add3A_476 : vector<16xi32>
        %gather3A_478 = tpu.vector_load_idx %arg6[%add3A_475, %add3A_477] : memref<32x128xf32, #tpu.memory_space<vmem>>[vector<16xi32>, vector<16xi32>], vector<16xf32>,
        %add3A_479 = vector.broadcast %add3A_369 : i32 to vector<16xi32>
        %add3A_480 = arith.addi %add3A_235, %add3A_479 : vector<16xi32>
        tpu.vector_store_idx %arg8[%add3A_480], %gather3A_478 : memref<4096xf32, #tpu.memory_space<vmem>>[vector<16xi32>], vector<16xf32>,
        %add3A_481 = arith.constant 0 : i32
        %add3A_482 = vector.broadcast %add3A_481 : i32 to vector<16xi32>
        %add3A_483 = arith.addi %iota3A, %add3A_482 : vector<16xi32>
        %add3A_484 = vector.broadcast %mul3A_365 : i32 to vector<16xi32>
        %add3A_485 = arith.addi %and3A_89, %add3A_484 : vector<16xi32>
        %gather3A_486 = tpu.vector_load_idx %arg6[%add3A_483, %add3A_485] : memref<32x128xf32, #tpu.memory_space<vmem>>[vector<16xi32>, vector<16xi32>], vector<16xf32>,
        %add3A_487 = vector.broadcast %add3A_369 : i32 to vector<16xi32>
        %add3A_488 = arith.addi %add3A_245, %add3A_487 : vector<16xi32>
        tpu.vector_store_idx %arg8[%add3A_488], %gather3A_486 : memref<4096xf32, #tpu.memory_space<vmem>>[vector<16xi32>], vector<16xf32>,
        %add3A_489 = arith.constant 0 : i32
        %add3A_490 = vector.broadcast %add3A_489 : i32 to vector<16xi32>
        %add3A_491 = arith.addi %iota3A, %add3A_490 : vector<16xi32>
        %add3A_492 = vector.broadcast %mul3A_365 : i32 to vector<16xi32>
        %add3A_493 = arith.addi %and3A_95, %add3A_492 : vector<16xi32>
        %gather3A_494 = tpu.vector_load_idx %arg6[%add3A_491, %add3A_493] : memref<32x128xf32, #tpu.memory_space<vmem>>[vector<16xi32>, vector<16xi32>], vector<16xf32>,
        %add3A_495 = vector.broadcast %add3A_369 : i32 to vector<16xi32>
        %add3A_496 = arith.addi %add3A_255, %add3A_495 : vector<16xi32>
        tpu.vector_store_idx %arg8[%add3A_496], %gather3A_494 : memref<4096xf32, #tpu.memory_space<vmem>>[vector<16xi32>], vector<16xf32>,
        %mul3A_497 = arith.constant 32 : i32
        %mul3A_498 = arith.muli %mul3A_365, %mul3A_497 : i32
        %add3A_499 = arith.constant 16 : i32
        %add3A_500 = arith.addi %mul3A_498, %add3A_499 : i32
        %add3A_501 = arith.constant 16 : i32
        %add3A_502 = vector.broadcast %add3A_501 : i32 to vector<16xi32>
        %add3A_503 = arith.addi %iota3A, %add3A_502 : vector<16xi32>
        %add3A_504 = vector.broadcast %mul3A_365 : i32 to vector<16xi32>
        %add3A_505 = arith.addi %and3A_5, %add3A_504 : vector<16xi32>
        %gather3A_506 = tpu.vector_load_idx %arg6[%add3A_503, %add3A_505] : memref<32x128xf32, #tpu.memory_space<vmem>>[vector<16xi32>, vector<16xi32>], vector<16xf32>,
        %add3A_507 = vector.broadcast %add3A_500 : i32 to vector<16xi32>
        %add3A_508 = arith.addi %add3A_105, %add3A_507 : vector<16xi32>
        tpu.vector_store_idx %arg8[%add3A_508], %gather3A_506 : memref<4096xf32, #tpu.memory_space<vmem>>[vector<16xi32>], vector<16xf32>,
        %add3A_509 = arith.constant 16 : i32
        %add3A_510 = vector.broadcast %add3A_509 : i32 to vector<16xi32>
        %add3A_511 = arith.addi %iota3A, %add3A_510 : vector<16xi32>
        %add3A_512 = vector.broadcast %mul3A_365 : i32 to vector<16xi32>
        %add3A_513 = arith.addi %and3A_11, %add3A_512 : vector<16xi32>
        %gather3A_514 = tpu.vector_load_idx %arg6[%add3A_511, %add3A_513] : memref<32x128xf32, #tpu.memory_space<vmem>>[vector<16xi32>, vector<16xi32>], vector<16xf32>,
        %add3A_515 = vector.broadcast %add3A_500 : i32 to vector<16xi32>
        %add3A_516 = arith.addi %add3A_115, %add3A_515 : vector<16xi32>
        tpu.vector_store_idx %arg8[%add3A_516], %gather3A_514 : memref<4096xf32, #tpu.memory_space<vmem>>[vector<16xi32>], vector<16xf32>,
        %add3A_517 = arith.constant 16 : i32
        %add3A_518 = vector.broadcast %add3A_517 : i32 to vector<16xi32>
        %add3A_519 = arith.addi %iota3A, %add3A_518 : vector<16xi32>
        %add3A_520 = vector.broadcast %mul3A_365 : i32 to vector<16xi32>
        %add3A_521 = arith.addi %and3A_17, %add3A_520 : vector<16xi32>
        %gather3A_522 = tpu.vector_load_idx %arg6[%add3A_519, %add3A_521] : memref<32x128xf32, #tpu.memory_space<vmem>>[vector<16xi32>, vector<16xi32>], vector<16xf32>,
        %add3A_523 = vector.broadcast %add3A_500 : i32 to vector<16xi32>
        %add3A_524 = arith.addi %add3A_125, %add3A_523 : vector<16xi32>
        tpu.vector_store_idx %arg8[%add3A_524], %gather3A_522 : memref<4096xf32, #tpu.memory_space<vmem>>[vector<16xi32>], vector<16xf32>,
        %add3A_525 = arith.constant 16 : i32
        %add3A_526 = vector.broadcast %add3A_525 : i32 to vector<16xi32>
        %add3A_527 = arith.addi %iota3A, %add3A_526 : vector<16xi32>
        %add3A_528 = vector.broadcast %mul3A_365 : i32 to vector<16xi32>
        %add3A_529 = arith.addi %and3A_23, %add3A_528 : vector<16xi32>
        %gather3A_530 = tpu.vector_load_idx %arg6[%add3A_527, %add3A_529] : memref<32x128xf32, #tpu.memory_space<vmem>>[vector<16xi32>, vector<16xi32>], vector<16xf32>,
        %add3A_531 = vector.broadcast %add3A_500 : i32 to vector<16xi32>
        %add3A_532 = arith.addi %add3A_135, %add3A_531 : vector<16xi32>
        tpu.vector_store_idx %arg8[%add3A_532], %gather3A_530 : memref<4096xf32, #tpu.memory_space<vmem>>[vector<16xi32>], vector<16xf32>,
        %add3A_533 = arith.constant 16 : i32
        %add3A_534 = vector.broadcast %add3A_533 : i32 to vector<16xi32>
        %add3A_535 = arith.addi %iota3A, %add3A_534 : vector<16xi32>
        %add3A_536 = vector.broadcast %mul3A_365 : i32 to vector<16xi32>
        %add3A_537 = arith.addi %and3A_29, %add3A_536 : vector<16xi32>
        %gather3A_538 = tpu.vector_load_idx %arg6[%add3A_535, %add3A_537] : memref<32x128xf32, #tpu.memory_space<vmem>>[vector<16xi32>, vector<16xi32>], vector<16xf32>,
        %add3A_539 = vector.broadcast %add3A_500 : i32 to vector<16xi32>
        %add3A_540 = arith.addi %add3A_145, %add3A_539 : vector<16xi32>
        tpu.vector_store_idx %arg8[%add3A_540], %gather3A_538 : memref<4096xf32, #tpu.memory_space<vmem>>[vector<16xi32>], vector<16xf32>,
        %add3A_541 = arith.constant 16 : i32
        %add3A_542 = vector.broadcast %add3A_541 : i32 to vector<16xi32>
        %add3A_543 = arith.addi %iota3A, %add3A_542 : vector<16xi32>
        %add3A_544 = vector.broadcast %mul3A_365 : i32 to vector<16xi32>
        %add3A_545 = arith.addi %and3A_35, %add3A_544 : vector<16xi32>
        %gather3A_546 = tpu.vector_load_idx %arg6[%add3A_543, %add3A_545] : memref<32x128xf32, #tpu.memory_space<vmem>>[vector<16xi32>, vector<16xi32>], vector<16xf32>,
        %add3A_547 = vector.broadcast %add3A_500 : i32 to vector<16xi32>
        %add3A_548 = arith.addi %add3A_155, %add3A_547 : vector<16xi32>
        tpu.vector_store_idx %arg8[%add3A_548], %gather3A_546 : memref<4096xf32, #tpu.memory_space<vmem>>[vector<16xi32>], vector<16xf32>,
        %add3A_549 = arith.constant 16 : i32
        %add3A_550 = vector.broadcast %add3A_549 : i32 to vector<16xi32>
        %add3A_551 = arith.addi %iota3A, %add3A_550 : vector<16xi32>
        %add3A_552 = vector.broadcast %mul3A_365 : i32 to vector<16xi32>
        %add3A_553 = arith.addi %and3A_41, %add3A_552 : vector<16xi32>
        %gather3A_554 = tpu.vector_load_idx %arg6[%add3A_551, %add3A_553] : memref<32x128xf32, #tpu.memory_space<vmem>>[vector<16xi32>, vector<16xi32>], vector<16xf32>,
        %add3A_555 = vector.broadcast %add3A_500 : i32 to vector<16xi32>
        %add3A_556 = arith.addi %add3A_165, %add3A_555 : vector<16xi32>
        tpu.vector_store_idx %arg8[%add3A_556], %gather3A_554 : memref<4096xf32, #tpu.memory_space<vmem>>[vector<16xi32>], vector<16xf32>,
        %add3A_557 = arith.constant 16 : i32
        %add3A_558 = vector.broadcast %add3A_557 : i32 to vector<16xi32>
        %add3A_559 = arith.addi %iota3A, %add3A_558 : vector<16xi32>
        %add3A_560 = vector.broadcast %mul3A_365 : i32 to vector<16xi32>
        %add3A_561 = arith.addi %and3A_47, %add3A_560 : vector<16xi32>
        %gather3A_562 = tpu.vector_load_idx %arg6[%add3A_559, %add3A_561] : memref<32x128xf32, #tpu.memory_space<vmem>>[vector<16xi32>, vector<16xi32>], vector<16xf32>,
        %add3A_563 = vector.broadcast %add3A_500 : i32 to vector<16xi32>
        %add3A_564 = arith.addi %add3A_175, %add3A_563 : vector<16xi32>
        tpu.vector_store_idx %arg8[%add3A_564], %gather3A_562 : memref<4096xf32, #tpu.memory_space<vmem>>[vector<16xi32>], vector<16xf32>,
        %add3A_565 = arith.constant 16 : i32
        %add3A_566 = vector.broadcast %add3A_565 : i32 to vector<16xi32>
        %add3A_567 = arith.addi %iota3A, %add3A_566 : vector<16xi32>
        %add3A_568 = vector.broadcast %mul3A_365 : i32 to vector<16xi32>
        %add3A_569 = arith.addi %and3A_53, %add3A_568 : vector<16xi32>
        %gather3A_570 = tpu.vector_load_idx %arg6[%add3A_567, %add3A_569] : memref<32x128xf32, #tpu.memory_space<vmem>>[vector<16xi32>, vector<16xi32>], vector<16xf32>,
        %add3A_571 = vector.broadcast %add3A_500 : i32 to vector<16xi32>
        %add3A_572 = arith.addi %add3A_185, %add3A_571 : vector<16xi32>
        tpu.vector_store_idx %arg8[%add3A_572], %gather3A_570 : memref<4096xf32, #tpu.memory_space<vmem>>[vector<16xi32>], vector<16xf32>,
        %add3A_573 = arith.constant 16 : i32
        %add3A_574 = vector.broadcast %add3A_573 : i32 to vector<16xi32>
        %add3A_575 = arith.addi %iota3A, %add3A_574 : vector<16xi32>
        %add3A_576 = vector.broadcast %mul3A_365 : i32 to vector<16xi32>
        %add3A_577 = arith.addi %and3A_59, %add3A_576 : vector<16xi32>
        %gather3A_578 = tpu.vector_load_idx %arg6[%add3A_575, %add3A_577] : memref<32x128xf32, #tpu.memory_space<vmem>>[vector<16xi32>, vector<16xi32>], vector<16xf32>,
        %add3A_579 = vector.broadcast %add3A_500 : i32 to vector<16xi32>
        %add3A_580 = arith.addi %add3A_195, %add3A_579 : vector<16xi32>
        tpu.vector_store_idx %arg8[%add3A_580], %gather3A_578 : memref<4096xf32, #tpu.memory_space<vmem>>[vector<16xi32>], vector<16xf32>,
        %add3A_581 = arith.constant 16 : i32
        %add3A_582 = vector.broadcast %add3A_581 : i32 to vector<16xi32>
        %add3A_583 = arith.addi %iota3A, %add3A_582 : vector<16xi32>
        %add3A_584 = vector.broadcast %mul3A_365 : i32 to vector<16xi32>
        %add3A_585 = arith.addi %and3A_65, %add3A_584 : vector<16xi32>
        %gather3A_586 = tpu.vector_load_idx %arg6[%add3A_583, %add3A_585] : memref<32x128xf32, #tpu.memory_space<vmem>>[vector<16xi32>, vector<16xi32>], vector<16xf32>,
        %add3A_587 = vector.broadcast %add3A_500 : i32 to vector<16xi32>
        %add3A_588 = arith.addi %add3A_205, %add3A_587 : vector<16xi32>
        tpu.vector_store_idx %arg8[%add3A_588], %gather3A_586 : memref<4096xf32, #tpu.memory_space<vmem>>[vector<16xi32>], vector<16xf32>,
        %add3A_589 = arith.constant 16 : i32
        %add3A_590 = vector.broadcast %add3A_589 : i32 to vector<16xi32>
        %add3A_591 = arith.addi %iota3A, %add3A_590 : vector<16xi32>
        %add3A_592 = vector.broadcast %mul3A_365 : i32 to vector<16xi32>
        %add3A_593 = arith.addi %and3A_71, %add3A_592 : vector<16xi32>
        %gather3A_594 = tpu.vector_load_idx %arg6[%add3A_591, %add3A_593] : memref<32x128xf32, #tpu.memory_space<vmem>>[vector<16xi32>, vector<16xi32>], vector<16xf32>,
        %add3A_595 = vector.broadcast %add3A_500 : i32 to vector<16xi32>
        %add3A_596 = arith.addi %add3A_215, %add3A_595 : vector<16xi32>
        tpu.vector_store_idx %arg8[%add3A_596], %gather3A_594 : memref<4096xf32, #tpu.memory_space<vmem>>[vector<16xi32>], vector<16xf32>,
        %add3A_597 = arith.constant 16 : i32
        %add3A_598 = vector.broadcast %add3A_597 : i32 to vector<16xi32>
        %add3A_599 = arith.addi %iota3A, %add3A_598 : vector<16xi32>
        %add3A_600 = vector.broadcast %mul3A_365 : i32 to vector<16xi32>
        %add3A_601 = arith.addi %and3A_77, %add3A_600 : vector<16xi32>
        %gather3A_602 = tpu.vector_load_idx %arg6[%add3A_599, %add3A_601] : memref<32x128xf32, #tpu.memory_space<vmem>>[vector<16xi32>, vector<16xi32>], vector<16xf32>,
        %add3A_603 = vector.broadcast %add3A_500 : i32 to vector<16xi32>
        %add3A_604 = arith.addi %add3A_225, %add3A_603 : vector<16xi32>
        tpu.vector_store_idx %arg8[%add3A_604], %gather3A_602 : memref<4096xf32, #tpu.memory_space<vmem>>[vector<16xi32>], vector<16xf32>,
        %add3A_605 = arith.constant 16 : i32
        %add3A_606 = vector.broadcast %add3A_605 : i32 to vector<16xi32>
        %add3A_607 = arith.addi %iota3A, %add3A_606 : vector<16xi32>
        %add3A_608 = vector.broadcast %mul3A_365 : i32 to vector<16xi32>
        %add3A_609 = arith.addi %and3A_83, %add3A_608 : vector<16xi32>
        %gather3A_610 = tpu.vector_load_idx %arg6[%add3A_607, %add3A_609] : memref<32x128xf32, #tpu.memory_space<vmem>>[vector<16xi32>, vector<16xi32>], vector<16xf32>,
        %add3A_611 = vector.broadcast %add3A_500 : i32 to vector<16xi32>
        %add3A_612 = arith.addi %add3A_235, %add3A_611 : vector<16xi32>
        tpu.vector_store_idx %arg8[%add3A_612], %gather3A_610 : memref<4096xf32, #tpu.memory_space<vmem>>[vector<16xi32>], vector<16xf32>,
        %add3A_613 = arith.constant 16 : i32
        %add3A_614 = vector.broadcast %add3A_613 : i32 to vector<16xi32>
        %add3A_615 = arith.addi %iota3A, %add3A_614 : vector<16xi32>
        %add3A_616 = vector.broadcast %mul3A_365 : i32 to vector<16xi32>
        %add3A_617 = arith.addi %and3A_89, %add3A_616 : vector<16xi32>
        %gather3A_618 = tpu.vector_load_idx %arg6[%add3A_615, %add3A_617] : memref<32x128xf32, #tpu.memory_space<vmem>>[vector<16xi32>, vector<16xi32>], vector<16xf32>,
        %add3A_619 = vector.broadcast %add3A_500 : i32 to vector<16xi32>
        %add3A_620 = arith.addi %add3A_245, %add3A_619 : vector<16xi32>
        tpu.vector_store_idx %arg8[%add3A_620], %gather3A_618 : memref<4096xf32, #tpu.memory_space<vmem>>[vector<16xi32>], vector<16xf32>,
        %add3A_621 = arith.constant 16 : i32
        %add3A_622 = vector.broadcast %add3A_621 : i32 to vector<16xi32>
        %add3A_623 = arith.addi %iota3A, %add3A_622 : vector<16xi32>
        %add3A_624 = vector.broadcast %mul3A_365 : i32 to vector<16xi32>
        %add3A_625 = arith.addi %and3A_95, %add3A_624 : vector<16xi32>
        %gather3A_626 = tpu.vector_load_idx %arg6[%add3A_623, %add3A_625] : memref<32x128xf32, #tpu.memory_space<vmem>>[vector<16xi32>, vector<16xi32>], vector<16xf32>,
        %add3A_627 = vector.broadcast %add3A_500 : i32 to vector<16xi32>
        %add3A_628 = arith.addi %add3A_255, %add3A_627 : vector<16xi32>
        tpu.vector_store_idx %arg8[%add3A_628], %gather3A_626 : memref<4096xf32, #tpu.memory_space<vmem>>[vector<16xi32>], vector<16xf32>,
      }
      %scan3A_348 = arith.constant 8 : i32
      %lt3A_349 = arith.constant 242 : i32
      %lt3A_350 = arith.cmpi slt, %add3A_331, %lt3A_349 : i32
      %convert_element_type3A_351 = arith.extui %lt3A_350 : i1 to i32
      %cond3A_352 = arith.constant 0 : i32
      %cond3A_353 = arith.cmpi ne, %convert_element_type3A_351, %cond3A_352 : i32
      scf.if %cond3A_353 {
        %add3A_363 = arith.constant 2 : i32
        %add3A_364 = arith.addi %add3A_331, %add3A_363 : i32
        %mul3A_365 = arith.constant 244 : i32
        %mul3A_366 = arith.muli %add3A, %mul3A_365 : i32
        %add3A_367 = arith.addi %mul3A_366, %add3A_364 : i32
        %mul3A_368 = arith.constant 128 : i32
        %mul3A_369 = arith.muli %add3A_367, %mul3A_368 : i32
        %dma_start3A_370 = arith.constant 0 : i32
        %dma_start3A_371 = tpu.memref_slice %arg2[%dma_start3A_370, %mul3A_369] : memref<32x1000000xf32, #tpu.memory_space<hbm>> -> memref<32x128xf32, #tpu.memory_space<hbm>>
        %dma_start3A_372 = arith.constant 0 : i32
        %dma_start3A_373 = tpu.memref_slice %arg2[%dma_start3A_372, %mul3A_369] : memref<32x1000000xf32, #tpu.memory_space<hbm>> -> memref<32x128xf32, #tpu.memory_space<hbm>>
        tpu.enqueue_dma source(%dma_start3A_373 : memref<32x128xf32, #tpu.memory_space<hbm>>) target(%arg6 : memref<32x128xf32, #tpu.memory_space<vmem>>) target_semaphore(%arg10 : memref<!tpu.dma_semaphore, #tpu.memory_space<semaphore_mem>>)
      } else {
      }
      %mul3A_354 = arith.constant 244 : i32
      %mul3A_355 = arith.muli %add3A, %mul3A_354 : i32
      %add3A_356 = arith.addi %mul3A_355, %add3A_331 : i32
      %mul3A_357 = arith.constant 128 : i32
      %mul3A_358 = arith.muli %add3A_356, %mul3A_357 : i32
      %mul3A_359 = arith.constant 32 : i32
      %mul3A_360 = arith.muli %mul3A_358, %mul3A_359 : i32
      %dma_start3A_361 = tpu.memref_slice %arg4[%mul3A_360] : memref<32000000xf32, #tpu.memory_space<hbm>> -> memref<4096xf32, #tpu.memory_space<hbm>>
      %dma_start3A_362 = tpu.memref_slice %arg4[%mul3A_360] : memref<32000000xf32, #tpu.memory_space<hbm>> -> memref<4096xf32, #tpu.memory_space<hbm>>
      tpu.enqueue_dma source(%arg8 : memref<4096xf32, #tpu.memory_space<vmem>>) target(%dma_start3A_362 : memref<4096xf32, #tpu.memory_space<hbm>>) target_semaphore(%arg12 : memref<!tpu.dma_semaphore, #tpu.memory_space<semaphore_mem>>)
    }
    %scan3A_279 = arith.constant 122 : i32
    %dma_wait3A = arith.constant 0 : i32
    %dma_wait3A_280 = tpu.memref_slice %arg4[%dma_wait3A] : memref<32000000xf32, #tpu.memory_space<hbm>> -> memref<4096xf32, #tpu.memory_space<hbm>>
    %dma_wait3A_281 = arith.constant 0 : i32
    %dma_wait3A_282 = tpu.memref_slice %arg4[%dma_wait3A_281] : memref<32000000xf32, #tpu.memory_space<hbm>> -> memref<4096xf32, #tpu.memory_space<hbm>>
    tpu.wait_dma2 semaphore(%arg11 : memref<!tpu.dma_semaphore, #tpu.memory_space<semaphore_mem>>) src(%dma_wait3A_282 : memref<4096xf32, #tpu.memory_space<hbm>>) dst(%arg7 : memref<4096xf32, #tpu.memory_space<vmem>>)
    %dma_wait3A_283 = arith.constant 0 : i32
    %dma_wait3A_284 = tpu.memref_slice %arg4[%dma_wait3A_283] : memref<32000000xf32, #tpu.memory_space<hbm>> -> memref<4096xf32, #tpu.memory_space<hbm>>
    %dma_wait3A_285 = arith.constant 0 : i32
    %dma_wait3A_286 = tpu.memref_slice %arg4[%dma_wait3A_285] : memref<32000000xf32, #tpu.memory_space<hbm>> -> memref<4096xf32, #tpu.memory_space<hbm>>
    tpu.wait_dma2 semaphore(%arg12 : memref<!tpu.dma_semaphore, #tpu.memory_space<semaphore_mem>>) src(%dma_wait3A_286 : memref<4096xf32, #tpu.memory_space<hbm>>) dst(%arg8 : memref<4096xf32, #tpu.memory_space<vmem>>)
    %lt3A = arith.constant 4 : i32
    %lt3A_287 = arith.cmpi slt, %add3A, %lt3A : i32
    %convert_element_type3A = arith.extui %lt3A_287 : i1 to i32
    %cond3A = arith.constant 0 : i32
    %cond3A_288 = arith.cmpi ne, %convert_element_type3A, %cond3A : i32
    scf.if %cond3A_288 {
      %add3A_293 = arith.constant 7808 : i32
      %add3A_294 = arith.addi %add3A_293, %add3A : i32
      %mul3A_295 = arith.constant 244 : i32
      %mul3A_296 = arith.muli %add3A, %mul3A_295 : i32
      %sub3A = arith.subi %add3A_294, %mul3A_296 : i32
      %mul3A_297 = arith.constant 244 : i32
      %mul3A_298 = arith.muli %add3A, %mul3A_297 : i32
      %add3A_299 = arith.addi %mul3A_298, %sub3A : i32
      %mul3A_300 = arith.constant 128 : i32
      %mul3A_301 = arith.muli %add3A_299, %mul3A_300 : i32
      %dma_start3A_302 = arith.constant 0 : i32
      %dma_start3A_303 = tpu.memref_slice %arg2[%dma_start3A_302, %mul3A_301] : memref<32x1000000xf32, #tpu.memory_space<hbm>> -> memref<32x128xf32, #tpu.memory_space<hbm>>
      %dma_start3A_304 = arith.constant 0 : i32
      %dma_start3A_305 = tpu.memref_slice %arg2[%dma_start3A_304, %mul3A_301] : memref<32x1000000xf32, #tpu.memory_space<hbm>> -> memref<32x128xf32, #tpu.memory_space<hbm>>
      tpu.enqueue_dma source(%dma_start3A_305 : memref<32x128xf32, #tpu.memory_space<hbm>>) target(%arg5 : memref<32x128xf32, #tpu.memory_space<vmem>>) target_semaphore(%arg9 : memref<!tpu.dma_semaphore, #tpu.memory_space<semaphore_mem>>)
      %dma_wait3A_306 = arith.constant 0 : i32
      %dma_wait3A_307 = arith.constant 0 : i32
      %dma_wait3A_308 = tpu.memref_slice %arg2[%dma_wait3A_306, %dma_wait3A_307] : memref<32x1000000xf32, #tpu.memory_space<hbm>> -> memref<32x128xf32, #tpu.memory_space<hbm>>
      %dma_wait3A_309 = arith.constant 0 : i32
      %dma_wait3A_310 = arith.constant 0 : i32
      %dma_wait3A_311 = tpu.memref_slice %arg2[%dma_wait3A_309, %dma_wait3A_310] : memref<32x1000000xf32, #tpu.memory_space<hbm>> -> memref<32x128xf32, #tpu.memory_space<hbm>>
      tpu.wait_dma2 semaphore(%arg9 : memref<!tpu.dma_semaphore, #tpu.memory_space<semaphore_mem>>) src(%dma_wait3A_311 : memref<32x128xf32, #tpu.memory_space<hbm>>) dst(%arg5 : memref<32x128xf32, #tpu.memory_space<vmem>>)
      %scan3A_312 = arith.constant 0 : i32
      %scan3A_313 = arith.constant 0 : i32
      %scan3A_314 = arith.constant 8 : i32
      %scan3A_315 = arith.addi %scan3A_313, %scan3A_314 : i32
      %scan3A_316 = arith.constant 1 : i32
      scf.for %scan3A_331 = %scan3A_313 to %scan3A_315 step %scan3A_316  : i32 {
        %mul3A_332 = arith.constant 16 : i32
        %mul3A_333 = arith.muli %scan3A_331, %mul3A_332 : i32
        %mul3A_334 = arith.constant 32 : i32
        %mul3A_335 = arith.muli %mul3A_333, %mul3A_334 : i32
        %add3A_336 = arith.constant 0 : i32
        %add3A_337 = arith.addi %mul3A_335, %add3A_336 : i32
        %add3A_338 = arith.constant 0 : i32
        %add3A_339 = vector.broadcast %add3A_338 : i32 to vector<16xi32>
        %add3A_340 = arith.addi %iota3A, %add3A_339 : vector<16xi32>
        %add3A_341 = vector.broadcast %mul3A_333 : i32 to vector<16xi32>
        %add3A_342 = arith.addi %and3A_5, %add3A_341 : vector<16xi32>
        %gather3A = tpu.vector_load_idx %arg5[%add3A_340, %add3A_342] : memref<32x128xf32, #tpu.memory_space<vmem>>[vector<16xi32>, vector<16xi32>], vector<16xf32>,
        %add3A_343 = vector.broadcast %add3A_337 : i32 to vector<16xi32>
        %add3A_344 = arith.addi %add3A_105, %add3A_343 : vector<16xi32>
        tpu.vector_store_idx %arg7[%add3A_344], %gather3A : memref<4096xf32, #tpu.memory_space<vmem>>[vector<16xi32>], vector<16xf32>,
        %add3A_345 = arith.constant 0 : i32
        %add3A_346 = vector.broadcast %add3A_345 : i32 to vector<16xi32>
        %add3A_347 = arith.addi %iota3A, %add3A_346 : vector<16xi32>
        %add3A_348 = vector.broadcast %mul3A_333 : i32 to vector<16xi32>
        %add3A_349 = arith.addi %and3A_11, %add3A_348 : vector<16xi32>
        %gather3A_350 = tpu.vector_load_idx %arg5[%add3A_347, %add3A_349] : memref<32x128xf32, #tpu.memory_space<vmem>>[vector<16xi32>, vector<16xi32>], vector<16xf32>,
        %add3A_351 = vector.broadcast %add3A_337 : i32 to vector<16xi32>
        %add3A_352 = arith.addi %add3A_115, %add3A_351 : vector<16xi32>
        tpu.vector_store_idx %arg7[%add3A_352], %gather3A_350 : memref<4096xf32, #tpu.memory_space<vmem>>[vector<16xi32>], vector<16xf32>,
        %add3A_353 = arith.constant 0 : i32
        %add3A_354 = vector.broadcast %add3A_353 : i32 to vector<16xi32>
        %add3A_355 = arith.addi %iota3A, %add3A_354 : vector<16xi32>
        %add3A_356 = vector.broadcast %mul3A_333 : i32 to vector<16xi32>
        %add3A_357 = arith.addi %and3A_17, %add3A_356 : vector<16xi32>
        %gather3A_358 = tpu.vector_load_idx %arg5[%add3A_355, %add3A_357] : memref<32x128xf32, #tpu.memory_space<vmem>>[vector<16xi32>, vector<16xi32>], vector<16xf32>,
        %add3A_359 = vector.broadcast %add3A_337 : i32 to vector<16xi32>
        %add3A_360 = arith.addi %add3A_125, %add3A_359 : vector<16xi32>
        tpu.vector_store_idx %arg7[%add3A_360], %gather3A_358 : memref<4096xf32, #tpu.memory_space<vmem>>[vector<16xi32>], vector<16xf32>,
        %add3A_361 = arith.constant 0 : i32
        %add3A_362 = vector.broadcast %add3A_361 : i32 to vector<16xi32>
        %add3A_363 = arith.addi %iota3A, %add3A_362 : vector<16xi32>
        %add3A_364 = vector.broadcast %mul3A_333 : i32 to vector<16xi32>
        %add3A_365 = arith.addi %and3A_23, %add3A_364 : vector<16xi32>
        %gather3A_366 = tpu.vector_load_idx %arg5[%add3A_363, %add3A_365] : memref<32x128xf32, #tpu.memory_space<vmem>>[vector<16xi32>, vector<16xi32>], vector<16xf32>,
        %add3A_367 = vector.broadcast %add3A_337 : i32 to vector<16xi32>
        %add3A_368 = arith.addi %add3A_135, %add3A_367 : vector<16xi32>
        tpu.vector_store_idx %arg7[%add3A_368], %gather3A_366 : memref<4096xf32, #tpu.memory_space<vmem>>[vector<16xi32>], vector<16xf32>,
        %add3A_369 = arith.constant 0 : i32
        %add3A_370 = vector.broadcast %add3A_369 : i32 to vector<16xi32>
        %add3A_371 = arith.addi %iota3A, %add3A_370 : vector<16xi32>
        %add3A_372 = vector.broadcast %mul3A_333 : i32 to vector<16xi32>
        %add3A_373 = arith.addi %and3A_29, %add3A_372 : vector<16xi32>
        %gather3A_374 = tpu.vector_load_idx %arg5[%add3A_371, %add3A_373] : memref<32x128xf32, #tpu.memory_space<vmem>>[vector<16xi32>, vector<16xi32>], vector<16xf32>,
        %add3A_375 = vector.broadcast %add3A_337 : i32 to vector<16xi32>
        %add3A_376 = arith.addi %add3A_145, %add3A_375 : vector<16xi32>
        tpu.vector_store_idx %arg7[%add3A_376], %gather3A_374 : memref<4096xf32, #tpu.memory_space<vmem>>[vector<16xi32>], vector<16xf32>,
        %add3A_377 = arith.constant 0 : i32
        %add3A_378 = vector.broadcast %add3A_377 : i32 to vector<16xi32>
        %add3A_379 = arith.addi %iota3A, %add3A_378 : vector<16xi32>
        %add3A_380 = vector.broadcast %mul3A_333 : i32 to vector<16xi32>
        %add3A_381 = arith.addi %and3A_35, %add3A_380 : vector<16xi32>
        %gather3A_382 = tpu.vector_load_idx %arg5[%add3A_379, %add3A_381] : memref<32x128xf32, #tpu.memory_space<vmem>>[vector<16xi32>, vector<16xi32>], vector<16xf32>,
        %add3A_383 = vector.broadcast %add3A_337 : i32 to vector<16xi32>
        %add3A_384 = arith.addi %add3A_155, %add3A_383 : vector<16xi32>
        tpu.vector_store_idx %arg7[%add3A_384], %gather3A_382 : memref<4096xf32, #tpu.memory_space<vmem>>[vector<16xi32>], vector<16xf32>,
        %add3A_385 = arith.constant 0 : i32
        %add3A_386 = vector.broadcast %add3A_385 : i32 to vector<16xi32>
        %add3A_387 = arith.addi %iota3A, %add3A_386 : vector<16xi32>
        %add3A_388 = vector.broadcast %mul3A_333 : i32 to vector<16xi32>
        %add3A_389 = arith.addi %and3A_41, %add3A_388 : vector<16xi32>
        %gather3A_390 = tpu.vector_load_idx %arg5[%add3A_387, %add3A_389] : memref<32x128xf32, #tpu.memory_space<vmem>>[vector<16xi32>, vector<16xi32>], vector<16xf32>,
        %add3A_391 = vector.broadcast %add3A_337 : i32 to vector<16xi32>
        %add3A_392 = arith.addi %add3A_165, %add3A_391 : vector<16xi32>
        tpu.vector_store_idx %arg7[%add3A_392], %gather3A_390 : memref<4096xf32, #tpu.memory_space<vmem>>[vector<16xi32>], vector<16xf32>,
        %add3A_393 = arith.constant 0 : i32
        %add3A_394 = vector.broadcast %add3A_393 : i32 to vector<16xi32>
        %add3A_395 = arith.addi %iota3A, %add3A_394 : vector<16xi32>
        %add3A_396 = vector.broadcast %mul3A_333 : i32 to vector<16xi32>
        %add3A_397 = arith.addi %and3A_47, %add3A_396 : vector<16xi32>
        %gather3A_398 = tpu.vector_load_idx %arg5[%add3A_395, %add3A_397] : memref<32x128xf32, #tpu.memory_space<vmem>>[vector<16xi32>, vector<16xi32>], vector<16xf32>,
        %add3A_399 = vector.broadcast %add3A_337 : i32 to vector<16xi32>
        %add3A_400 = arith.addi %add3A_175, %add3A_399 : vector<16xi32>
        tpu.vector_store_idx %arg7[%add3A_400], %gather3A_398 : memref<4096xf32, #tpu.memory_space<vmem>>[vector<16xi32>], vector<16xf32>,
        %add3A_401 = arith.constant 0 : i32
        %add3A_402 = vector.broadcast %add3A_401 : i32 to vector<16xi32>
        %add3A_403 = arith.addi %iota3A, %add3A_402 : vector<16xi32>
        %add3A_404 = vector.broadcast %mul3A_333 : i32 to vector<16xi32>
        %add3A_405 = arith.addi %and3A_53, %add3A_404 : vector<16xi32>
        %gather3A_406 = tpu.vector_load_idx %arg5[%add3A_403, %add3A_405] : memref<32x128xf32, #tpu.memory_space<vmem>>[vector<16xi32>, vector<16xi32>], vector<16xf32>,
        %add3A_407 = vector.broadcast %add3A_337 : i32 to vector<16xi32>
        %add3A_408 = arith.addi %add3A_185, %add3A_407 : vector<16xi32>
        tpu.vector_store_idx %arg7[%add3A_408], %gather3A_406 : memref<4096xf32, #tpu.memory_space<vmem>>[vector<16xi32>], vector<16xf32>,
        %add3A_409 = arith.constant 0 : i32
        %add3A_410 = vector.broadcast %add3A_409 : i32 to vector<16xi32>
        %add3A_411 = arith.addi %iota3A, %add3A_410 : vector<16xi32>
        %add3A_412 = vector.broadcast %mul3A_333 : i32 to vector<16xi32>
        %add3A_413 = arith.addi %and3A_59, %add3A_412 : vector<16xi32>
        %gather3A_414 = tpu.vector_load_idx %arg5[%add3A_411, %add3A_413] : memref<32x128xf32, #tpu.memory_space<vmem>>[vector<16xi32>, vector<16xi32>], vector<16xf32>,
        %add3A_415 = vector.broadcast %add3A_337 : i32 to vector<16xi32>
        %add3A_416 = arith.addi %add3A_195, %add3A_415 : vector<16xi32>
        tpu.vector_store_idx %arg7[%add3A_416], %gather3A_414 : memref<4096xf32, #tpu.memory_space<vmem>>[vector<16xi32>], vector<16xf32>,
        %add3A_417 = arith.constant 0 : i32
        %add3A_418 = vector.broadcast %add3A_417 : i32 to vector<16xi32>
        %add3A_419 = arith.addi %iota3A, %add3A_418 : vector<16xi32>
        %add3A_420 = vector.broadcast %mul3A_333 : i32 to vector<16xi32>
        %add3A_421 = arith.addi %and3A_65, %add3A_420 : vector<16xi32>
        %gather3A_422 = tpu.vector_load_idx %arg5[%add3A_419, %add3A_421] : memref<32x128xf32, #tpu.memory_space<vmem>>[vector<16xi32>, vector<16xi32>], vector<16xf32>,
        %add3A_423 = vector.broadcast %add3A_337 : i32 to vector<16xi32>
        %add3A_424 = arith.addi %add3A_205, %add3A_423 : vector<16xi32>
        tpu.vector_store_idx %arg7[%add3A_424], %gather3A_422 : memref<4096xf32, #tpu.memory_space<vmem>>[vector<16xi32>], vector<16xf32>,
        %add3A_425 = arith.constant 0 : i32
        %add3A_426 = vector.broadcast %add3A_425 : i32 to vector<16xi32>
        %add3A_427 = arith.addi %iota3A, %add3A_426 : vector<16xi32>
        %add3A_428 = vector.broadcast %mul3A_333 : i32 to vector<16xi32>
        %add3A_429 = arith.addi %and3A_71, %add3A_428 : vector<16xi32>
        %gather3A_430 = tpu.vector_load_idx %arg5[%add3A_427, %add3A_429] : memref<32x128xf32, #tpu.memory_space<vmem>>[vector<16xi32>, vector<16xi32>], vector<16xf32>,
        %add3A_431 = vector.broadcast %add3A_337 : i32 to vector<16xi32>
        %add3A_432 = arith.addi %add3A_215, %add3A_431 : vector<16xi32>
        tpu.vector_store_idx %arg7[%add3A_432], %gather3A_430 : memref<4096xf32, #tpu.memory_space<vmem>>[vector<16xi32>], vector<16xf32>,
        %add3A_433 = arith.constant 0 : i32
        %add3A_434 = vector.broadcast %add3A_433 : i32 to vector<16xi32>
        %add3A_435 = arith.addi %iota3A, %add3A_434 : vector<16xi32>
        %add3A_436 = vector.broadcast %mul3A_333 : i32 to vector<16xi32>
        %add3A_437 = arith.addi %and3A_77, %add3A_436 : vector<16xi32>
        %gather3A_438 = tpu.vector_load_idx %arg5[%add3A_435, %add3A_437] : memref<32x128xf32, #tpu.memory_space<vmem>>[vector<16xi32>, vector<16xi32>], vector<16xf32>,
        %add3A_439 = vector.broadcast %add3A_337 : i32 to vector<16xi32>
        %add3A_440 = arith.addi %add3A_225, %add3A_439 : vector<16xi32>
        tpu.vector_store_idx %arg7[%add3A_440], %gather3A_438 : memref<4096xf32, #tpu.memory_space<vmem>>[vector<16xi32>], vector<16xf32>,
        %add3A_441 = arith.constant 0 : i32
        %add3A_442 = vector.broadcast %add3A_441 : i32 to vector<16xi32>
        %add3A_443 = arith.addi %iota3A, %add3A_442 : vector<16xi32>
        %add3A_444 = vector.broadcast %mul3A_333 : i32 to vector<16xi32>
        %add3A_445 = arith.addi %and3A_83, %add3A_444 : vector<16xi32>
        %gather3A_446 = tpu.vector_load_idx %arg5[%add3A_443, %add3A_445] : memref<32x128xf32, #tpu.memory_space<vmem>>[vector<16xi32>, vector<16xi32>], vector<16xf32>,
        %add3A_447 = vector.broadcast %add3A_337 : i32 to vector<16xi32>
        %add3A_448 = arith.addi %add3A_235, %add3A_447 : vector<16xi32>
        tpu.vector_store_idx %arg7[%add3A_448], %gather3A_446 : memref<4096xf32, #tpu.memory_space<vmem>>[vector<16xi32>], vector<16xf32>,
        %add3A_449 = arith.constant 0 : i32
        %add3A_450 = vector.broadcast %add3A_449 : i32 to vector<16xi32>
        %add3A_451 = arith.addi %iota3A, %add3A_450 : vector<16xi32>
        %add3A_452 = vector.broadcast %mul3A_333 : i32 to vector<16xi32>
        %add3A_453 = arith.addi %and3A_89, %add3A_452 : vector<16xi32>
        %gather3A_454 = tpu.vector_load_idx %arg5[%add3A_451, %add3A_453] : memref<32x128xf32, #tpu.memory_space<vmem>>[vector<16xi32>, vector<16xi32>], vector<16xf32>,
        %add3A_455 = vector.broadcast %add3A_337 : i32 to vector<16xi32>
        %add3A_456 = arith.addi %add3A_245, %add3A_455 : vector<16xi32>
        tpu.vector_store_idx %arg7[%add3A_456], %gather3A_454 : memref<4096xf32, #tpu.memory_space<vmem>>[vector<16xi32>], vector<16xf32>,
        %add3A_457 = arith.constant 0 : i32
        %add3A_458 = vector.broadcast %add3A_457 : i32 to vector<16xi32>
        %add3A_459 = arith.addi %iota3A, %add3A_458 : vector<16xi32>
        %add3A_460 = vector.broadcast %mul3A_333 : i32 to vector<16xi32>
        %add3A_461 = arith.addi %and3A_95, %add3A_460 : vector<16xi32>
        %gather3A_462 = tpu.vector_load_idx %arg5[%add3A_459, %add3A_461] : memref<32x128xf32, #tpu.memory_space<vmem>>[vector<16xi32>, vector<16xi32>], vector<16xf32>,
        %add3A_463 = vector.broadcast %add3A_337 : i32 to vector<16xi32>
        %add3A_464 = arith.addi %add3A_255, %add3A_463 : vector<16xi32>
        tpu.vector_store_idx %arg7[%add3A_464], %gather3A_462 : memref<4096xf32, #tpu.memory_space<vmem>>[vector<16xi32>], vector<16xf32>,
        %mul3A_465 = arith.constant 32 : i32
        %mul3A_466 = arith.muli %mul3A_333, %mul3A_465 : i32
        %add3A_467 = arith.constant 16 : i32
        %add3A_468 = arith.addi %mul3A_466, %add3A_467 : i32
        %add3A_469 = arith.constant 16 : i32
        %add3A_470 = vector.broadcast %add3A_469 : i32 to vector<16xi32>
        %add3A_471 = arith.addi %iota3A, %add3A_470 : vector<16xi32>
        %add3A_472 = vector.broadcast %mul3A_333 : i32 to vector<16xi32>
        %add3A_473 = arith.addi %and3A_5, %add3A_472 : vector<16xi32>
        %gather3A_474 = tpu.vector_load_idx %arg5[%add3A_471, %add3A_473] : memref<32x128xf32, #tpu.memory_space<vmem>>[vector<16xi32>, vector<16xi32>], vector<16xf32>,
        %add3A_475 = vector.broadcast %add3A_468 : i32 to vector<16xi32>
        %add3A_476 = arith.addi %add3A_105, %add3A_475 : vector<16xi32>
        tpu.vector_store_idx %arg7[%add3A_476], %gather3A_474 : memref<4096xf32, #tpu.memory_space<vmem>>[vector<16xi32>], vector<16xf32>,
        %add3A_477 = arith.constant 16 : i32
        %add3A_478 = vector.broadcast %add3A_477 : i32 to vector<16xi32>
        %add3A_479 = arith.addi %iota3A, %add3A_478 : vector<16xi32>
        %add3A_480 = vector.broadcast %mul3A_333 : i32 to vector<16xi32>
        %add3A_481 = arith.addi %and3A_11, %add3A_480 : vector<16xi32>
        %gather3A_482 = tpu.vector_load_idx %arg5[%add3A_479, %add3A_481] : memref<32x128xf32, #tpu.memory_space<vmem>>[vector<16xi32>, vector<16xi32>], vector<16xf32>,
        %add3A_483 = vector.broadcast %add3A_468 : i32 to vector<16xi32>
        %add3A_484 = arith.addi %add3A_115, %add3A_483 : vector<16xi32>
        tpu.vector_store_idx %arg7[%add3A_484], %gather3A_482 : memref<4096xf32, #tpu.memory_space<vmem>>[vector<16xi32>], vector<16xf32>,
        %add3A_485 = arith.constant 16 : i32
        %add3A_486 = vector.broadcast %add3A_485 : i32 to vector<16xi32>
        %add3A_487 = arith.addi %iota3A, %add3A_486 : vector<16xi32>
        %add3A_488 = vector.broadcast %mul3A_333 : i32 to vector<16xi32>
        %add3A_489 = arith.addi %and3A_17, %add3A_488 : vector<16xi32>
        %gather3A_490 = tpu.vector_load_idx %arg5[%add3A_487, %add3A_489] : memref<32x128xf32, #tpu.memory_space<vmem>>[vector<16xi32>, vector<16xi32>], vector<16xf32>,
        %add3A_491 = vector.broadcast %add3A_468 : i32 to vector<16xi32>
        %add3A_492 = arith.addi %add3A_125, %add3A_491 : vector<16xi32>
        tpu.vector_store_idx %arg7[%add3A_492], %gather3A_490 : memref<4096xf32, #tpu.memory_space<vmem>>[vector<16xi32>], vector<16xf32>,
        %add3A_493 = arith.constant 16 : i32
        %add3A_494 = vector.broadcast %add3A_493 : i32 to vector<16xi32>
        %add3A_495 = arith.addi %iota3A, %add3A_494 : vector<16xi32>
        %add3A_496 = vector.broadcast %mul3A_333 : i32 to vector<16xi32>
        %add3A_497 = arith.addi %and3A_23, %add3A_496 : vector<16xi32>
        %gather3A_498 = tpu.vector_load_idx %arg5[%add3A_495, %add3A_497] : memref<32x128xf32, #tpu.memory_space<vmem>>[vector<16xi32>, vector<16xi32>], vector<16xf32>,
        %add3A_499 = vector.broadcast %add3A_468 : i32 to vector<16xi32>
        %add3A_500 = arith.addi %add3A_135, %add3A_499 : vector<16xi32>
        tpu.vector_store_idx %arg7[%add3A_500], %gather3A_498 : memref<4096xf32, #tpu.memory_space<vmem>>[vector<16xi32>], vector<16xf32>,
        %add3A_501 = arith.constant 16 : i32
        %add3A_502 = vector.broadcast %add3A_501 : i32 to vector<16xi32>
        %add3A_503 = arith.addi %iota3A, %add3A_502 : vector<16xi32>
        %add3A_504 = vector.broadcast %mul3A_333 : i32 to vector<16xi32>
        %add3A_505 = arith.addi %and3A_29, %add3A_504 : vector<16xi32>
        %gather3A_506 = tpu.vector_load_idx %arg5[%add3A_503, %add3A_505] : memref<32x128xf32, #tpu.memory_space<vmem>>[vector<16xi32>, vector<16xi32>], vector<16xf32>,
        %add3A_507 = vector.broadcast %add3A_468 : i32 to vector<16xi32>
        %add3A_508 = arith.addi %add3A_145, %add3A_507 : vector<16xi32>
        tpu.vector_store_idx %arg7[%add3A_508], %gather3A_506 : memref<4096xf32, #tpu.memory_space<vmem>>[vector<16xi32>], vector<16xf32>,
        %add3A_509 = arith.constant 16 : i32
        %add3A_510 = vector.broadcast %add3A_509 : i32 to vector<16xi32>
        %add3A_511 = arith.addi %iota3A, %add3A_510 : vector<16xi32>
        %add3A_512 = vector.broadcast %mul3A_333 : i32 to vector<16xi32>
        %add3A_513 = arith.addi %and3A_35, %add3A_512 : vector<16xi32>
        %gather3A_514 = tpu.vector_load_idx %arg5[%add3A_511, %add3A_513] : memref<32x128xf32, #tpu.memory_space<vmem>>[vector<16xi32>, vector<16xi32>], vector<16xf32>,
        %add3A_515 = vector.broadcast %add3A_468 : i32 to vector<16xi32>
        %add3A_516 = arith.addi %add3A_155, %add3A_515 : vector<16xi32>
        tpu.vector_store_idx %arg7[%add3A_516], %gather3A_514 : memref<4096xf32, #tpu.memory_space<vmem>>[vector<16xi32>], vector<16xf32>,
        %add3A_517 = arith.constant 16 : i32
        %add3A_518 = vector.broadcast %add3A_517 : i32 to vector<16xi32>
        %add3A_519 = arith.addi %iota3A, %add3A_518 : vector<16xi32>
        %add3A_520 = vector.broadcast %mul3A_333 : i32 to vector<16xi32>
        %add3A_521 = arith.addi %and3A_41, %add3A_520 : vector<16xi32>
        %gather3A_522 = tpu.vector_load_idx %arg5[%add3A_519, %add3A_521] : memref<32x128xf32, #tpu.memory_space<vmem>>[vector<16xi32>, vector<16xi32>], vector<16xf32>,
        %add3A_523 = vector.broadcast %add3A_468 : i32 to vector<16xi32>
        %add3A_524 = arith.addi %add3A_165, %add3A_523 : vector<16xi32>
        tpu.vector_store_idx %arg7[%add3A_524], %gather3A_522 : memref<4096xf32, #tpu.memory_space<vmem>>[vector<16xi32>], vector<16xf32>,
        %add3A_525 = arith.constant 16 : i32
        %add3A_526 = vector.broadcast %add3A_525 : i32 to vector<16xi32>
        %add3A_527 = arith.addi %iota3A, %add3A_526 : vector<16xi32>
        %add3A_528 = vector.broadcast %mul3A_333 : i32 to vector<16xi32>
        %add3A_529 = arith.addi %and3A_47, %add3A_528 : vector<16xi32>
        %gather3A_530 = tpu.vector_load_idx %arg5[%add3A_527, %add3A_529] : memref<32x128xf32, #tpu.memory_space<vmem>>[vector<16xi32>, vector<16xi32>], vector<16xf32>,
        %add3A_531 = vector.broadcast %add3A_468 : i32 to vector<16xi32>
        %add3A_532 = arith.addi %add3A_175, %add3A_531 : vector<16xi32>
        tpu.vector_store_idx %arg7[%add3A_532], %gather3A_530 : memref<4096xf32, #tpu.memory_space<vmem>>[vector<16xi32>], vector<16xf32>,
        %add3A_533 = arith.constant 16 : i32
        %add3A_534 = vector.broadcast %add3A_533 : i32 to vector<16xi32>
        %add3A_535 = arith.addi %iota3A, %add3A_534 : vector<16xi32>
        %add3A_536 = vector.broadcast %mul3A_333 : i32 to vector<16xi32>
        %add3A_537 = arith.addi %and3A_53, %add3A_536 : vector<16xi32>
        %gather3A_538 = tpu.vector_load_idx %arg5[%add3A_535, %add3A_537] : memref<32x128xf32, #tpu.memory_space<vmem>>[vector<16xi32>, vector<16xi32>], vector<16xf32>,
        %add3A_539 = vector.broadcast %add3A_468 : i32 to vector<16xi32>
        %add3A_540 = arith.addi %add3A_185, %add3A_539 : vector<16xi32>
        tpu.vector_store_idx %arg7[%add3A_540], %gather3A_538 : memref<4096xf32, #tpu.memory_space<vmem>>[vector<16xi32>], vector<16xf32>,
        %add3A_541 = arith.constant 16 : i32
        %add3A_542 = vector.broadcast %add3A_541 : i32 to vector<16xi32>
        %add3A_543 = arith.addi %iota3A, %add3A_542 : vector<16xi32>
        %add3A_544 = vector.broadcast %mul3A_333 : i32 to vector<16xi32>
        %add3A_545 = arith.addi %and3A_59, %add3A_544 : vector<16xi32>
        %gather3A_546 = tpu.vector_load_idx %arg5[%add3A_543, %add3A_545] : memref<32x128xf32, #tpu.memory_space<vmem>>[vector<16xi32>, vector<16xi32>], vector<16xf32>,
        %add3A_547 = vector.broadcast %add3A_468 : i32 to vector<16xi32>
        %add3A_548 = arith.addi %add3A_195, %add3A_547 : vector<16xi32>
        tpu.vector_store_idx %arg7[%add3A_548], %gather3A_546 : memref<4096xf32, #tpu.memory_space<vmem>>[vector<16xi32>], vector<16xf32>,
        %add3A_549 = arith.constant 16 : i32
        %add3A_550 = vector.broadcast %add3A_549 : i32 to vector<16xi32>
        %add3A_551 = arith.addi %iota3A, %add3A_550 : vector<16xi32>
        %add3A_552 = vector.broadcast %mul3A_333 : i32 to vector<16xi32>
        %add3A_553 = arith.addi %and3A_65, %add3A_552 : vector<16xi32>
        %gather3A_554 = tpu.vector_load_idx %arg5[%add3A_551, %add3A_553] : memref<32x128xf32, #tpu.memory_space<vmem>>[vector<16xi32>, vector<16xi32>], vector<16xf32>,
        %add3A_555 = vector.broadcast %add3A_468 : i32 to vector<16xi32>
        %add3A_556 = arith.addi %add3A_205, %add3A_555 : vector<16xi32>
        tpu.vector_store_idx %arg7[%add3A_556], %gather3A_554 : memref<4096xf32, #tpu.memory_space<vmem>>[vector<16xi32>], vector<16xf32>,
        %add3A_557 = arith.constant 16 : i32
        %add3A_558 = vector.broadcast %add3A_557 : i32 to vector<16xi32>
        %add3A_559 = arith.addi %iota3A, %add3A_558 : vector<16xi32>
        %add3A_560 = vector.broadcast %mul3A_333 : i32 to vector<16xi32>
        %add3A_561 = arith.addi %and3A_71, %add3A_560 : vector<16xi32>
        %gather3A_562 = tpu.vector_load_idx %arg5[%add3A_559, %add3A_561] : memref<32x128xf32, #tpu.memory_space<vmem>>[vector<16xi32>, vector<16xi32>], vector<16xf32>,
        %add3A_563 = vector.broadcast %add3A_468 : i32 to vector<16xi32>
        %add3A_564 = arith.addi %add3A_215, %add3A_563 : vector<16xi32>
        tpu.vector_store_idx %arg7[%add3A_564], %gather3A_562 : memref<4096xf32, #tpu.memory_space<vmem>>[vector<16xi32>], vector<16xf32>,
        %add3A_565 = arith.constant 16 : i32
        %add3A_566 = vector.broadcast %add3A_565 : i32 to vector<16xi32>
        %add3A_567 = arith.addi %iota3A, %add3A_566 : vector<16xi32>
        %add3A_568 = vector.broadcast %mul3A_333 : i32 to vector<16xi32>
        %add3A_569 = arith.addi %and3A_77, %add3A_568 : vector<16xi32>
        %gather3A_570 = tpu.vector_load_idx %arg5[%add3A_567, %add3A_569] : memref<32x128xf32, #tpu.memory_space<vmem>>[vector<16xi32>, vector<16xi32>], vector<16xf32>,
        %add3A_571 = vector.broadcast %add3A_468 : i32 to vector<16xi32>
        %add3A_572 = arith.addi %add3A_225, %add3A_571 : vector<16xi32>
        tpu.vector_store_idx %arg7[%add3A_572], %gather3A_570 : memref<4096xf32, #tpu.memory_space<vmem>>[vector<16xi32>], vector<16xf32>,
        %add3A_573 = arith.constant 16 : i32
        %add3A_574 = vector.broadcast %add3A_573 : i32 to vector<16xi32>
        %add3A_575 = arith.addi %iota3A, %add3A_574 : vector<16xi32>
        %add3A_576 = vector.broadcast %mul3A_333 : i32 to vector<16xi32>
        %add3A_577 = arith.addi %and3A_83, %add3A_576 : vector<16xi32>
        %gather3A_578 = tpu.vector_load_idx %arg5[%add3A_575, %add3A_577] : memref<32x128xf32, #tpu.memory_space<vmem>>[vector<16xi32>, vector<16xi32>], vector<16xf32>,
        %add3A_579 = vector.broadcast %add3A_468 : i32 to vector<16xi32>
        %add3A_580 = arith.addi %add3A_235, %add3A_579 : vector<16xi32>
        tpu.vector_store_idx %arg7[%add3A_580], %gather3A_578 : memref<4096xf32, #tpu.memory_space<vmem>>[vector<16xi32>], vector<16xf32>,
        %add3A_581 = arith.constant 16 : i32
        %add3A_582 = vector.broadcast %add3A_581 : i32 to vector<16xi32>
        %add3A_583 = arith.addi %iota3A, %add3A_582 : vector<16xi32>
        %add3A_584 = vector.broadcast %mul3A_333 : i32 to vector<16xi32>
        %add3A_585 = arith.addi %and3A_89, %add3A_584 : vector<16xi32>
        %gather3A_586 = tpu.vector_load_idx %arg5[%add3A_583, %add3A_585] : memref<32x128xf32, #tpu.memory_space<vmem>>[vector<16xi32>, vector<16xi32>], vector<16xf32>,
        %add3A_587 = vector.broadcast %add3A_468 : i32 to vector<16xi32>
        %add3A_588 = arith.addi %add3A_245, %add3A_587 : vector<16xi32>
        tpu.vector_store_idx %arg7[%add3A_588], %gather3A_586 : memref<4096xf32, #tpu.memory_space<vmem>>[vector<16xi32>], vector<16xf32>,
        %add3A_589 = arith.constant 16 : i32
        %add3A_590 = vector.broadcast %add3A_589 : i32 to vector<16xi32>
        %add3A_591 = arith.addi %iota3A, %add3A_590 : vector<16xi32>
        %add3A_592 = vector.broadcast %mul3A_333 : i32 to vector<16xi32>
        %add3A_593 = arith.addi %and3A_95, %add3A_592 : vector<16xi32>
        %gather3A_594 = tpu.vector_load_idx %arg5[%add3A_591, %add3A_593] : memref<32x128xf32, #tpu.memory_space<vmem>>[vector<16xi32>, vector<16xi32>], vector<16xf32>,
        %add3A_595 = vector.broadcast %add3A_468 : i32 to vector<16xi32>
        %add3A_596 = arith.addi %add3A_255, %add3A_595 : vector<16xi32>
        tpu.vector_store_idx %arg7[%add3A_596], %gather3A_594 : memref<4096xf32, #tpu.memory_space<vmem>>[vector<16xi32>], vector<16xf32>,
      }
      %scan3A_317 = arith.constant 8 : i32
      %mul3A_318 = arith.constant 244 : i32
      %mul3A_319 = arith.muli %add3A, %mul3A_318 : i32
      %add3A_320 = arith.addi %mul3A_319, %sub3A : i32
      %mul3A_321 = arith.constant 128 : i32
      %mul3A_322 = arith.muli %add3A_320, %mul3A_321 : i32
      %mul3A_323 = arith.constant 32 : i32
      %mul3A_324 = arith.muli %mul3A_322, %mul3A_323 : i32
      %dma_start3A_325 = tpu.memref_slice %arg4[%mul3A_324] : memref<32000000xf32, #tpu.memory_space<hbm>> -> memref<4096xf32, #tpu.memory_space<hbm>>
      %dma_start3A_326 = tpu.memref_slice %arg4[%mul3A_324] : memref<32000000xf32, #tpu.memory_space<hbm>> -> memref<4096xf32, #tpu.memory_space<hbm>>
      tpu.enqueue_dma source(%arg7 : memref<4096xf32, #tpu.memory_space<vmem>>) target(%dma_start3A_326 : memref<4096xf32, #tpu.memory_space<hbm>>) target_semaphore(%arg11 : memref<!tpu.dma_semaphore, #tpu.memory_space<semaphore_mem>>)
      %dma_wait3A_327 = arith.constant 0 : i32
      %dma_wait3A_328 = tpu.memref_slice %arg4[%dma_wait3A_327] : memref<32000000xf32, #tpu.memory_space<hbm>> -> memref<4096xf32, #tpu.memory_space<hbm>>
      %dma_wait3A_329 = arith.constant 0 : i32
      %dma_wait3A_330 = tpu.memref_slice %arg4[%dma_wait3A_329] : memref<32000000xf32, #tpu.memory_space<hbm>> -> memref<4096xf32, #tpu.memory_space<hbm>>
      tpu.wait_dma2 semaphore(%arg11 : memref<!tpu.dma_semaphore, #tpu.memory_space<semaphore_mem>>) src(%dma_wait3A_330 : memref<4096xf32, #tpu.memory_space<hbm>>) dst(%arg7 : memref<4096xf32, #tpu.memory_space<vmem>>)
    } else {
    }
    %eq3A = arith.constant 31 : i32
    %eq3A_289 = arith.cmpi eq, %add3A, %eq3A : i32
    %convert_element_type3A_290 = arith.extui %eq3A_289 : i1 to i32
    %cond3A_291 = arith.constant 0 : i32
    %cond3A_292 = arith.cmpi ne, %convert_element_type3A_290, %cond3A_291 : i32
    scf.if %cond3A_292 {
      "tpu.region"() ({
        %run_scoped3A = tpu.sem_alloc : memref<!tpu.dma_semaphore, #tpu.memory_space<semaphore_mem>>
        %dma_start3A_293 = arith.constant 0 : i32
        %dma_start3A_294 = tpu.memref_slice %arg8[%dma_start3A_293] : memref<4096xf32, #tpu.memory_space<vmem>> -> memref<2048xf32, #tpu.memory_space<vmem>>
        %dma_start3A_295 = arith.constant 0 : i32
        %dma_start3A_296 = tpu.memref_slice %arg8[%dma_start3A_295] : memref<4096xf32, #tpu.memory_space<vmem>> -> memref<2048xf32, #tpu.memory_space<vmem>>
        tpu.enqueue_dma source(%arg3 : memref<2048xf32, #tpu.memory_space<hbm>>) target(%dma_start3A_296 : memref<2048xf32, #tpu.memory_space<vmem>>) target_semaphore(%run_scoped3A : memref<!tpu.dma_semaphore, #tpu.memory_space<semaphore_mem>>)
        %dma_wait3A_297 = arith.constant 0 : i32
        %dma_wait3A_298 = tpu.memref_slice %arg8[%dma_wait3A_297] : memref<4096xf32, #tpu.memory_space<vmem>> -> memref<2048xf32, #tpu.memory_space<vmem>>
        %dma_wait3A_299 = arith.constant 0 : i32
        %dma_wait3A_300 = tpu.memref_slice %arg8[%dma_wait3A_299] : memref<4096xf32, #tpu.memory_space<vmem>> -> memref<2048xf32, #tpu.memory_space<vmem>>
        tpu.wait_dma2 semaphore(%run_scoped3A : memref<!tpu.dma_semaphore, #tpu.memory_space<semaphore_mem>>) src(%arg3 : memref<2048xf32, #tpu.memory_space<hbm>>) dst(%dma_wait3A_300 : memref<2048xf32, #tpu.memory_space<vmem>>)
        tpu.yield
      }) : () -> ()
      "tpu.region"() ({
        %run_scoped3A = tpu.sem_alloc : memref<!tpu.dma_semaphore, #tpu.memory_space<semaphore_mem>>
        %dma_start3A_293 = arith.constant 0 : i32
        %dma_start3A_294 = tpu.memref_slice %arg8[%dma_start3A_293] : memref<4096xf32, #tpu.memory_space<vmem>> -> memref<2048xf32, #tpu.memory_space<vmem>>
        %dma_start3A_295 = arith.constant 31997952 : i32
        %dma_start3A_296 = tpu.memref_slice %arg4[%dma_start3A_295] : memref<32000000xf32, #tpu.memory_space<hbm>> -> memref<2048xf32, #tpu.memory_space<hbm>>
        %dma_start3A_297 = arith.constant 31997952 : i32
        %dma_start3A_298 = tpu.memref_slice %arg4[%dma_start3A_297] : memref<32000000xf32, #tpu.memory_space<hbm>> -> memref<2048xf32, #tpu.memory_space<hbm>>
        %dma_start3A_299 = arith.constant 0 : i32
        %dma_start3A_300 = tpu.memref_slice %arg8[%dma_start3A_299] : memref<4096xf32, #tpu.memory_space<vmem>> -> memref<2048xf32, #tpu.memory_space<vmem>>
        tpu.enqueue_dma source(%dma_start3A_300 : memref<2048xf32, #tpu.memory_space<vmem>>) target(%dma_start3A_298 : memref<2048xf32, #tpu.memory_space<hbm>>) target_semaphore(%run_scoped3A : memref<!tpu.dma_semaphore, #tpu.memory_space<semaphore_mem>>)
        %dma_wait3A_301 = arith.constant 0 : i32
        %dma_wait3A_302 = tpu.memref_slice %arg8[%dma_wait3A_301] : memref<4096xf32, #tpu.memory_space<vmem>> -> memref<2048xf32, #tpu.memory_space<vmem>>
        %dma_wait3A_303 = arith.constant 31997952 : i32
        %dma_wait3A_304 = tpu.memref_slice %arg4[%dma_wait3A_303] : memref<32000000xf32, #tpu.memory_space<hbm>> -> memref<2048xf32, #tpu.memory_space<hbm>>
        %dma_wait3A_305 = arith.constant 31997952 : i32
        %dma_wait3A_306 = tpu.memref_slice %arg4[%dma_wait3A_305] : memref<32000000xf32, #tpu.memory_space<hbm>> -> memref<2048xf32, #tpu.memory_space<hbm>>
        %dma_wait3A_307 = arith.constant 0 : i32
        %dma_wait3A_308 = tpu.memref_slice %arg8[%dma_wait3A_307] : memref<4096xf32, #tpu.memory_space<vmem>> -> memref<2048xf32, #tpu.memory_space<vmem>>
        tpu.wait_dma2 semaphore(%run_scoped3A : memref<!tpu.dma_semaphore, #tpu.memory_space<semaphore_mem>>) src(%dma_wait3A_308 : memref<2048xf32, #tpu.memory_space<vmem>>) dst(%dma_wait3A_306 : memref<2048xf32, #tpu.memory_space<hbm>>)
        tpu.yield
      }) : () -> ()
    } else {
    }
    return
  }
}

#map = affine_map<(d0, d1) -> (0, 0)>
#map1 = affine_map<(d0, d1) -> (0, 0, 0, 0)>
module attributes {stable_mosaic.version = 14 : i64} {
  func.func @gather_pack(%arg0: i32, %arg1: i32, %arg2: memref<1000000x32xf32, #tpu.memory_space<hbm>>, %arg3: memref<25x32x8x128xi32, #tpu.memory_space<hbm>>, %arg4: memref<200x4x32x1024xf32, #tpu.memory_space<hbm>>, %arg5: memref<25x8x128xi32, #tpu.memory_space<vmem>>, %arg6: memref<2x128x32xf32, #tpu.memory_space<vmem>>, %arg7: memref<2x4x1024xf32, #tpu.memory_space<vmem>>, %arg8: memref<!tpu.dma_semaphore, #tpu.memory_space<semaphore_mem>>, %arg9: memref<!tpu.dma_semaphore, #tpu.memory_space<semaphore_mem>>, %arg10: memref<!tpu.dma_semaphore, #tpu.memory_space<semaphore_mem>>, %arg11: memref<!tpu.dma_semaphore, #tpu.memory_space<semaphore_mem>>) attributes {dimension_semantics = [#tpu.dimension_semantics<core_parallel>, #tpu.dimension_semantics<subcore_parallel>], iteration_bounds = array<i64: 2, 16>, scalar_prefetch = 0 : i64, scratch_operands = 7 : i64, tpu.core_type = #tpu.core_type<sc_vector_subcore>, window_params = [{transform_indices = #map}, {transform_indices = #map1}, {transform_indices = #map1}]} {
    %mul3A = arith.constant 2 : i32
    %mul3A_0 = arith.muli %arg1, %mul3A : i32
    %add3A = arith.addi %mul3A_0, %arg0 : i32
    "tpu.region"() ({
      %run_scoped3A = tpu.sem_alloc : memref<!tpu.dma_semaphore, #tpu.memory_space<semaphore_mem>>
      %dma_start3A_466 = arith.constant 0 : i32
      %dma_start3A_467 = arith.constant 0 : i32
      %dma_start3A_468 = arith.constant 0 : i32
      %dma_start3A_469 = tpu.memref_slice %arg3[%dma_start3A_466, %add3A, %dma_start3A_467, %dma_start3A_468] : memref<25x32x8x128xi32, #tpu.memory_space<hbm>> -> memref<25x1x8x128xi32, #tpu.memory_space<hbm>>
      %dma_start3A_470 = tpu.memref_squeeze %dma_start3A_469 : memref<25x1x8x128xi32, #tpu.memory_space<hbm>> -> memref<25x8x128xi32, #tpu.memory_space<hbm>>
      %dma_start3A_471 = arith.constant 0 : i32
      %dma_start3A_472 = arith.constant 0 : i32
      %dma_start3A_473 = arith.constant 0 : i32
      %dma_start3A_474 = tpu.memref_slice %arg3[%dma_start3A_471, %add3A, %dma_start3A_472, %dma_start3A_473] : memref<25x32x8x128xi32, #tpu.memory_space<hbm>> -> memref<25x1x8x128xi32, #tpu.memory_space<hbm>>
      %dma_start3A_475 = tpu.memref_squeeze %dma_start3A_474 : memref<25x1x8x128xi32, #tpu.memory_space<hbm>> -> memref<25x8x128xi32, #tpu.memory_space<hbm>>
      tpu.enqueue_dma source(%dma_start3A_475 : memref<25x8x128xi32, #tpu.memory_space<hbm>>) target(%arg5 : memref<25x8x128xi32, #tpu.memory_space<vmem>>) target_semaphore(%run_scoped3A : memref<!tpu.dma_semaphore, #tpu.memory_space<semaphore_mem>>)
      %dma_wait3A_476 = arith.constant 0 : i32
      %dma_wait3A_477 = arith.constant 0 : i32
      %dma_wait3A_478 = arith.constant 0 : i32
      %dma_wait3A_479 = tpu.memref_slice %arg3[%dma_wait3A_476, %add3A, %dma_wait3A_477, %dma_wait3A_478] : memref<25x32x8x128xi32, #tpu.memory_space<hbm>> -> memref<25x1x8x128xi32, #tpu.memory_space<hbm>>
      %dma_wait3A_480 = tpu.memref_squeeze %dma_wait3A_479 : memref<25x1x8x128xi32, #tpu.memory_space<hbm>> -> memref<25x8x128xi32, #tpu.memory_space<hbm>>
      %dma_wait3A_481 = arith.constant 0 : i32
      %dma_wait3A_482 = arith.constant 0 : i32
      %dma_wait3A_483 = arith.constant 0 : i32
      %dma_wait3A_484 = tpu.memref_slice %arg3[%dma_wait3A_481, %add3A, %dma_wait3A_482, %dma_wait3A_483] : memref<25x32x8x128xi32, #tpu.memory_space<hbm>> -> memref<25x1x8x128xi32, #tpu.memory_space<hbm>>
      %dma_wait3A_485 = tpu.memref_squeeze %dma_wait3A_484 : memref<25x1x8x128xi32, #tpu.memory_space<hbm>> -> memref<25x8x128xi32, #tpu.memory_space<hbm>>
      tpu.wait_dma2 semaphore(%run_scoped3A : memref<!tpu.dma_semaphore, #tpu.memory_space<semaphore_mem>>) src(%dma_wait3A_485 : memref<25x8x128xi32, #tpu.memory_space<hbm>>) dst(%arg5 : memref<25x8x128xi32, #tpu.memory_space<vmem>>)
      tpu.yield
    }) : () -> ()
    %iota3A = tpu.iota {dimensions = array<i32: 0>} : vector<16xi32>
    %add3A_1 = arith.constant 0 : i32
    %add3A_2 = vector.broadcast %add3A_1 : i32 to vector<16xi32>
    %add3A_3 = arith.addi %iota3A, %add3A_2 : vector<16xi32>
    %and3A = arith.constant 15 : i32
    %and3A_4 = vector.broadcast %and3A : i32 to vector<16xi32>
    %and3A_5 = arith.andi %add3A_3, %and3A_4 : vector<16xi32>
    %add3A_6 = arith.constant 1 : i32
    %add3A_7 = vector.broadcast %add3A_6 : i32 to vector<16xi32>
    %add3A_8 = arith.addi %iota3A, %add3A_7 : vector<16xi32>
    %and3A_9 = arith.constant 15 : i32
    %and3A_10 = vector.broadcast %and3A_9 : i32 to vector<16xi32>
    %and3A_11 = arith.andi %add3A_8, %and3A_10 : vector<16xi32>
    %add3A_12 = arith.constant 2 : i32
    %add3A_13 = vector.broadcast %add3A_12 : i32 to vector<16xi32>
    %add3A_14 = arith.addi %iota3A, %add3A_13 : vector<16xi32>
    %and3A_15 = arith.constant 15 : i32
    %and3A_16 = vector.broadcast %and3A_15 : i32 to vector<16xi32>
    %and3A_17 = arith.andi %add3A_14, %and3A_16 : vector<16xi32>
    %add3A_18 = arith.constant 3 : i32
    %add3A_19 = vector.broadcast %add3A_18 : i32 to vector<16xi32>
    %add3A_20 = arith.addi %iota3A, %add3A_19 : vector<16xi32>
    %and3A_21 = arith.constant 15 : i32
    %and3A_22 = vector.broadcast %and3A_21 : i32 to vector<16xi32>
    %and3A_23 = arith.andi %add3A_20, %and3A_22 : vector<16xi32>
    %add3A_24 = arith.constant 4 : i32
    %add3A_25 = vector.broadcast %add3A_24 : i32 to vector<16xi32>
    %add3A_26 = arith.addi %iota3A, %add3A_25 : vector<16xi32>
    %and3A_27 = arith.constant 15 : i32
    %and3A_28 = vector.broadcast %and3A_27 : i32 to vector<16xi32>
    %and3A_29 = arith.andi %add3A_26, %and3A_28 : vector<16xi32>
    %add3A_30 = arith.constant 5 : i32
    %add3A_31 = vector.broadcast %add3A_30 : i32 to vector<16xi32>
    %add3A_32 = arith.addi %iota3A, %add3A_31 : vector<16xi32>
    %and3A_33 = arith.constant 15 : i32
    %and3A_34 = vector.broadcast %and3A_33 : i32 to vector<16xi32>
    %and3A_35 = arith.andi %add3A_32, %and3A_34 : vector<16xi32>
    %add3A_36 = arith.constant 6 : i32
    %add3A_37 = vector.broadcast %add3A_36 : i32 to vector<16xi32>
    %add3A_38 = arith.addi %iota3A, %add3A_37 : vector<16xi32>
    %and3A_39 = arith.constant 15 : i32
    %and3A_40 = vector.broadcast %and3A_39 : i32 to vector<16xi32>
    %and3A_41 = arith.andi %add3A_38, %and3A_40 : vector<16xi32>
    %add3A_42 = arith.constant 7 : i32
    %add3A_43 = vector.broadcast %add3A_42 : i32 to vector<16xi32>
    %add3A_44 = arith.addi %iota3A, %add3A_43 : vector<16xi32>
    %and3A_45 = arith.constant 15 : i32
    %and3A_46 = vector.broadcast %and3A_45 : i32 to vector<16xi32>
    %and3A_47 = arith.andi %add3A_44, %and3A_46 : vector<16xi32>
    %add3A_48 = arith.constant 8 : i32
    %add3A_49 = vector.broadcast %add3A_48 : i32 to vector<16xi32>
    %add3A_50 = arith.addi %iota3A, %add3A_49 : vector<16xi32>
    %and3A_51 = arith.constant 15 : i32
    %and3A_52 = vector.broadcast %and3A_51 : i32 to vector<16xi32>
    %and3A_53 = arith.andi %add3A_50, %and3A_52 : vector<16xi32>
    %add3A_54 = arith.constant 9 : i32
    %add3A_55 = vector.broadcast %add3A_54 : i32 to vector<16xi32>
    %add3A_56 = arith.addi %iota3A, %add3A_55 : vector<16xi32>
    %and3A_57 = arith.constant 15 : i32
    %and3A_58 = vector.broadcast %and3A_57 : i32 to vector<16xi32>
    %and3A_59 = arith.andi %add3A_56, %and3A_58 : vector<16xi32>
    %add3A_60 = arith.constant 10 : i32
    %add3A_61 = vector.broadcast %add3A_60 : i32 to vector<16xi32>
    %add3A_62 = arith.addi %iota3A, %add3A_61 : vector<16xi32>
    %and3A_63 = arith.constant 15 : i32
    %and3A_64 = vector.broadcast %and3A_63 : i32 to vector<16xi32>
    %and3A_65 = arith.andi %add3A_62, %and3A_64 : vector<16xi32>
    %add3A_66 = arith.constant 11 : i32
    %add3A_67 = vector.broadcast %add3A_66 : i32 to vector<16xi32>
    %add3A_68 = arith.addi %iota3A, %add3A_67 : vector<16xi32>
    %and3A_69 = arith.constant 15 : i32
    %and3A_70 = vector.broadcast %and3A_69 : i32 to vector<16xi32>
    %and3A_71 = arith.andi %add3A_68, %and3A_70 : vector<16xi32>
    %add3A_72 = arith.constant 12 : i32
    %add3A_73 = vector.broadcast %add3A_72 : i32 to vector<16xi32>
    %add3A_74 = arith.addi %iota3A, %add3A_73 : vector<16xi32>
    %and3A_75 = arith.constant 15 : i32
    %and3A_76 = vector.broadcast %and3A_75 : i32 to vector<16xi32>
    %and3A_77 = arith.andi %add3A_74, %and3A_76 : vector<16xi32>
    %add3A_78 = arith.constant 13 : i32
    %add3A_79 = vector.broadcast %add3A_78 : i32 to vector<16xi32>
    %add3A_80 = arith.addi %iota3A, %add3A_79 : vector<16xi32>
    %and3A_81 = arith.constant 15 : i32
    %and3A_82 = vector.broadcast %and3A_81 : i32 to vector<16xi32>
    %and3A_83 = arith.andi %add3A_80, %and3A_82 : vector<16xi32>
    %add3A_84 = arith.constant 14 : i32
    %add3A_85 = vector.broadcast %add3A_84 : i32 to vector<16xi32>
    %add3A_86 = arith.addi %iota3A, %add3A_85 : vector<16xi32>
    %and3A_87 = arith.constant 15 : i32
    %and3A_88 = vector.broadcast %and3A_87 : i32 to vector<16xi32>
    %and3A_89 = arith.andi %add3A_86, %and3A_88 : vector<16xi32>
    %add3A_90 = arith.constant 15 : i32
    %add3A_91 = vector.broadcast %add3A_90 : i32 to vector<16xi32>
    %add3A_92 = arith.addi %iota3A, %add3A_91 : vector<16xi32>
    %and3A_93 = arith.constant 15 : i32
    %and3A_94 = vector.broadcast %and3A_93 : i32 to vector<16xi32>
    %and3A_95 = arith.andi %add3A_92, %and3A_94 : vector<16xi32>
    %add3A_96 = arith.constant 0 : i32
    %add3A_97 = vector.broadcast %add3A_96 : i32 to vector<16xi32>
    %add3A_98 = arith.addi %iota3A, %add3A_97 : vector<16xi32>
    %and3A_99 = arith.constant 15 : i32
    %and3A_100 = vector.broadcast %and3A_99 : i32 to vector<16xi32>
    %and3A_101 = arith.andi %add3A_98, %and3A_100 : vector<16xi32>
    %shift_right_arithmetic3A = arith.constant 3 : i32
    %shift_right_arithmetic3A_102 = vector.broadcast %shift_right_arithmetic3A : i32 to vector<16xi32>
    %shift_right_arithmetic3A_103 = arith.shrsi %and3A_101, %shift_right_arithmetic3A_102 : vector<16xi32>
    %add3A_104 = arith.constant 1 : i32
    %add3A_105 = vector.broadcast %add3A_104 : i32 to vector<16xi32>
    %add3A_106 = arith.addi %iota3A, %add3A_105 : vector<16xi32>
    %and3A_107 = arith.constant 15 : i32
    %and3A_108 = vector.broadcast %and3A_107 : i32 to vector<16xi32>
    %and3A_109 = arith.andi %add3A_106, %and3A_108 : vector<16xi32>
    %shift_right_arithmetic3A_110 = arith.constant 3 : i32
    %shift_right_arithmetic3A_111 = vector.broadcast %shift_right_arithmetic3A_110 : i32 to vector<16xi32>
    %shift_right_arithmetic3A_112 = arith.shrsi %and3A_109, %shift_right_arithmetic3A_111 : vector<16xi32>
    %add3A_113 = arith.constant 2 : i32
    %add3A_114 = vector.broadcast %add3A_113 : i32 to vector<16xi32>
    %add3A_115 = arith.addi %iota3A, %add3A_114 : vector<16xi32>
    %and3A_116 = arith.constant 15 : i32
    %and3A_117 = vector.broadcast %and3A_116 : i32 to vector<16xi32>
    %and3A_118 = arith.andi %add3A_115, %and3A_117 : vector<16xi32>
    %shift_right_arithmetic3A_119 = arith.constant 3 : i32
    %shift_right_arithmetic3A_120 = vector.broadcast %shift_right_arithmetic3A_119 : i32 to vector<16xi32>
    %shift_right_arithmetic3A_121 = arith.shrsi %and3A_118, %shift_right_arithmetic3A_120 : vector<16xi32>
    %add3A_122 = arith.constant 3 : i32
    %add3A_123 = vector.broadcast %add3A_122 : i32 to vector<16xi32>
    %add3A_124 = arith.addi %iota3A, %add3A_123 : vector<16xi32>
    %and3A_125 = arith.constant 15 : i32
    %and3A_126 = vector.broadcast %and3A_125 : i32 to vector<16xi32>
    %and3A_127 = arith.andi %add3A_124, %and3A_126 : vector<16xi32>
    %shift_right_arithmetic3A_128 = arith.constant 3 : i32
    %shift_right_arithmetic3A_129 = vector.broadcast %shift_right_arithmetic3A_128 : i32 to vector<16xi32>
    %shift_right_arithmetic3A_130 = arith.shrsi %and3A_127, %shift_right_arithmetic3A_129 : vector<16xi32>
    %add3A_131 = arith.constant 4 : i32
    %add3A_132 = vector.broadcast %add3A_131 : i32 to vector<16xi32>
    %add3A_133 = arith.addi %iota3A, %add3A_132 : vector<16xi32>
    %and3A_134 = arith.constant 15 : i32
    %and3A_135 = vector.broadcast %and3A_134 : i32 to vector<16xi32>
    %and3A_136 = arith.andi %add3A_133, %and3A_135 : vector<16xi32>
    %shift_right_arithmetic3A_137 = arith.constant 3 : i32
    %shift_right_arithmetic3A_138 = vector.broadcast %shift_right_arithmetic3A_137 : i32 to vector<16xi32>
    %shift_right_arithmetic3A_139 = arith.shrsi %and3A_136, %shift_right_arithmetic3A_138 : vector<16xi32>
    %add3A_140 = arith.constant 5 : i32
    %add3A_141 = vector.broadcast %add3A_140 : i32 to vector<16xi32>
    %add3A_142 = arith.addi %iota3A, %add3A_141 : vector<16xi32>
    %and3A_143 = arith.constant 15 : i32
    %and3A_144 = vector.broadcast %and3A_143 : i32 to vector<16xi32>
    %and3A_145 = arith.andi %add3A_142, %and3A_144 : vector<16xi32>
    %shift_right_arithmetic3A_146 = arith.constant 3 : i32
    %shift_right_arithmetic3A_147 = vector.broadcast %shift_right_arithmetic3A_146 : i32 to vector<16xi32>
    %shift_right_arithmetic3A_148 = arith.shrsi %and3A_145, %shift_right_arithmetic3A_147 : vector<16xi32>
    %add3A_149 = arith.constant 6 : i32
    %add3A_150 = vector.broadcast %add3A_149 : i32 to vector<16xi32>
    %add3A_151 = arith.addi %iota3A, %add3A_150 : vector<16xi32>
    %and3A_152 = arith.constant 15 : i32
    %and3A_153 = vector.broadcast %and3A_152 : i32 to vector<16xi32>
    %and3A_154 = arith.andi %add3A_151, %and3A_153 : vector<16xi32>
    %shift_right_arithmetic3A_155 = arith.constant 3 : i32
    %shift_right_arithmetic3A_156 = vector.broadcast %shift_right_arithmetic3A_155 : i32 to vector<16xi32>
    %shift_right_arithmetic3A_157 = arith.shrsi %and3A_154, %shift_right_arithmetic3A_156 : vector<16xi32>
    %add3A_158 = arith.constant 7 : i32
    %add3A_159 = vector.broadcast %add3A_158 : i32 to vector<16xi32>
    %add3A_160 = arith.addi %iota3A, %add3A_159 : vector<16xi32>
    %and3A_161 = arith.constant 15 : i32
    %and3A_162 = vector.broadcast %and3A_161 : i32 to vector<16xi32>
    %and3A_163 = arith.andi %add3A_160, %and3A_162 : vector<16xi32>
    %shift_right_arithmetic3A_164 = arith.constant 3 : i32
    %shift_right_arithmetic3A_165 = vector.broadcast %shift_right_arithmetic3A_164 : i32 to vector<16xi32>
    %shift_right_arithmetic3A_166 = arith.shrsi %and3A_163, %shift_right_arithmetic3A_165 : vector<16xi32>
    %add3A_167 = arith.constant 8 : i32
    %add3A_168 = vector.broadcast %add3A_167 : i32 to vector<16xi32>
    %add3A_169 = arith.addi %iota3A, %add3A_168 : vector<16xi32>
    %and3A_170 = arith.constant 15 : i32
    %and3A_171 = vector.broadcast %and3A_170 : i32 to vector<16xi32>
    %and3A_172 = arith.andi %add3A_169, %and3A_171 : vector<16xi32>
    %shift_right_arithmetic3A_173 = arith.constant 3 : i32
    %shift_right_arithmetic3A_174 = vector.broadcast %shift_right_arithmetic3A_173 : i32 to vector<16xi32>
    %shift_right_arithmetic3A_175 = arith.shrsi %and3A_172, %shift_right_arithmetic3A_174 : vector<16xi32>
    %add3A_176 = arith.constant 9 : i32
    %add3A_177 = vector.broadcast %add3A_176 : i32 to vector<16xi32>
    %add3A_178 = arith.addi %iota3A, %add3A_177 : vector<16xi32>
    %and3A_179 = arith.constant 15 : i32
    %and3A_180 = vector.broadcast %and3A_179 : i32 to vector<16xi32>
    %and3A_181 = arith.andi %add3A_178, %and3A_180 : vector<16xi32>
    %shift_right_arithmetic3A_182 = arith.constant 3 : i32
    %shift_right_arithmetic3A_183 = vector.broadcast %shift_right_arithmetic3A_182 : i32 to vector<16xi32>
    %shift_right_arithmetic3A_184 = arith.shrsi %and3A_181, %shift_right_arithmetic3A_183 : vector<16xi32>
    %add3A_185 = arith.constant 10 : i32
    %add3A_186 = vector.broadcast %add3A_185 : i32 to vector<16xi32>
    %add3A_187 = arith.addi %iota3A, %add3A_186 : vector<16xi32>
    %and3A_188 = arith.constant 15 : i32
    %and3A_189 = vector.broadcast %and3A_188 : i32 to vector<16xi32>
    %and3A_190 = arith.andi %add3A_187, %and3A_189 : vector<16xi32>
    %shift_right_arithmetic3A_191 = arith.constant 3 : i32
    %shift_right_arithmetic3A_192 = vector.broadcast %shift_right_arithmetic3A_191 : i32 to vector<16xi32>
    %shift_right_arithmetic3A_193 = arith.shrsi %and3A_190, %shift_right_arithmetic3A_192 : vector<16xi32>
    %add3A_194 = arith.constant 11 : i32
    %add3A_195 = vector.broadcast %add3A_194 : i32 to vector<16xi32>
    %add3A_196 = arith.addi %iota3A, %add3A_195 : vector<16xi32>
    %and3A_197 = arith.constant 15 : i32
    %and3A_198 = vector.broadcast %and3A_197 : i32 to vector<16xi32>
    %and3A_199 = arith.andi %add3A_196, %and3A_198 : vector<16xi32>
    %shift_right_arithmetic3A_200 = arith.constant 3 : i32
    %shift_right_arithmetic3A_201 = vector.broadcast %shift_right_arithmetic3A_200 : i32 to vector<16xi32>
    %shift_right_arithmetic3A_202 = arith.shrsi %and3A_199, %shift_right_arithmetic3A_201 : vector<16xi32>
    %add3A_203 = arith.constant 12 : i32
    %add3A_204 = vector.broadcast %add3A_203 : i32 to vector<16xi32>
    %add3A_205 = arith.addi %iota3A, %add3A_204 : vector<16xi32>
    %and3A_206 = arith.constant 15 : i32
    %and3A_207 = vector.broadcast %and3A_206 : i32 to vector<16xi32>
    %and3A_208 = arith.andi %add3A_205, %and3A_207 : vector<16xi32>
    %shift_right_arithmetic3A_209 = arith.constant 3 : i32
    %shift_right_arithmetic3A_210 = vector.broadcast %shift_right_arithmetic3A_209 : i32 to vector<16xi32>
    %shift_right_arithmetic3A_211 = arith.shrsi %and3A_208, %shift_right_arithmetic3A_210 : vector<16xi32>
    %add3A_212 = arith.constant 13 : i32
    %add3A_213 = vector.broadcast %add3A_212 : i32 to vector<16xi32>
    %add3A_214 = arith.addi %iota3A, %add3A_213 : vector<16xi32>
    %and3A_215 = arith.constant 15 : i32
    %and3A_216 = vector.broadcast %and3A_215 : i32 to vector<16xi32>
    %and3A_217 = arith.andi %add3A_214, %and3A_216 : vector<16xi32>
    %shift_right_arithmetic3A_218 = arith.constant 3 : i32
    %shift_right_arithmetic3A_219 = vector.broadcast %shift_right_arithmetic3A_218 : i32 to vector<16xi32>
    %shift_right_arithmetic3A_220 = arith.shrsi %and3A_217, %shift_right_arithmetic3A_219 : vector<16xi32>
    %add3A_221 = arith.constant 14 : i32
    %add3A_222 = vector.broadcast %add3A_221 : i32 to vector<16xi32>
    %add3A_223 = arith.addi %iota3A, %add3A_222 : vector<16xi32>
    %and3A_224 = arith.constant 15 : i32
    %and3A_225 = vector.broadcast %and3A_224 : i32 to vector<16xi32>
    %and3A_226 = arith.andi %add3A_223, %and3A_225 : vector<16xi32>
    %shift_right_arithmetic3A_227 = arith.constant 3 : i32
    %shift_right_arithmetic3A_228 = vector.broadcast %shift_right_arithmetic3A_227 : i32 to vector<16xi32>
    %shift_right_arithmetic3A_229 = arith.shrsi %and3A_226, %shift_right_arithmetic3A_228 : vector<16xi32>
    %add3A_230 = arith.constant 15 : i32
    %add3A_231 = vector.broadcast %add3A_230 : i32 to vector<16xi32>
    %add3A_232 = arith.addi %iota3A, %add3A_231 : vector<16xi32>
    %and3A_233 = arith.constant 15 : i32
    %and3A_234 = vector.broadcast %and3A_233 : i32 to vector<16xi32>
    %and3A_235 = arith.andi %add3A_232, %and3A_234 : vector<16xi32>
    %shift_right_arithmetic3A_236 = arith.constant 3 : i32
    %shift_right_arithmetic3A_237 = vector.broadcast %shift_right_arithmetic3A_236 : i32 to vector<16xi32>
    %shift_right_arithmetic3A_238 = arith.shrsi %and3A_235, %shift_right_arithmetic3A_237 : vector<16xi32>
    %add3A_239 = arith.constant 0 : i32
    %add3A_240 = vector.broadcast %add3A_239 : i32 to vector<16xi32>
    %add3A_241 = arith.addi %iota3A, %add3A_240 : vector<16xi32>
    %and3A_242 = arith.constant 7 : i32
    %and3A_243 = vector.broadcast %and3A_242 : i32 to vector<16xi32>
    %and3A_244 = arith.andi %add3A_241, %and3A_243 : vector<16xi32>
    %mul3A_245 = arith.constant 128 : i32
    %mul3A_246 = vector.broadcast %mul3A_245 : i32 to vector<16xi32>
    %mul3A_247 = arith.muli %and3A_244, %mul3A_246 : vector<16xi32>
    %add3A_248 = arith.addi %mul3A_247, %iota3A : vector<16xi32>
    %add3A_249 = arith.constant 1 : i32
    %add3A_250 = vector.broadcast %add3A_249 : i32 to vector<16xi32>
    %add3A_251 = arith.addi %iota3A, %add3A_250 : vector<16xi32>
    %and3A_252 = arith.constant 7 : i32
    %and3A_253 = vector.broadcast %and3A_252 : i32 to vector<16xi32>
    %and3A_254 = arith.andi %add3A_251, %and3A_253 : vector<16xi32>
    %mul3A_255 = arith.constant 128 : i32
    %mul3A_256 = vector.broadcast %mul3A_255 : i32 to vector<16xi32>
    %mul3A_257 = arith.muli %and3A_254, %mul3A_256 : vector<16xi32>
    %add3A_258 = arith.addi %mul3A_257, %iota3A : vector<16xi32>
    %add3A_259 = arith.constant 2 : i32
    %add3A_260 = vector.broadcast %add3A_259 : i32 to vector<16xi32>
    %add3A_261 = arith.addi %iota3A, %add3A_260 : vector<16xi32>
    %and3A_262 = arith.constant 7 : i32
    %and3A_263 = vector.broadcast %and3A_262 : i32 to vector<16xi32>
    %and3A_264 = arith.andi %add3A_261, %and3A_263 : vector<16xi32>
    %mul3A_265 = arith.constant 128 : i32
    %mul3A_266 = vector.broadcast %mul3A_265 : i32 to vector<16xi32>
    %mul3A_267 = arith.muli %and3A_264, %mul3A_266 : vector<16xi32>
    %add3A_268 = arith.addi %mul3A_267, %iota3A : vector<16xi32>
    %add3A_269 = arith.constant 3 : i32
    %add3A_270 = vector.broadcast %add3A_269 : i32 to vector<16xi32>
    %add3A_271 = arith.addi %iota3A, %add3A_270 : vector<16xi32>
    %and3A_272 = arith.constant 7 : i32
    %and3A_273 = vector.broadcast %and3A_272 : i32 to vector<16xi32>
    %and3A_274 = arith.andi %add3A_271, %and3A_273 : vector<16xi32>
    %mul3A_275 = arith.constant 128 : i32
    %mul3A_276 = vector.broadcast %mul3A_275 : i32 to vector<16xi32>
    %mul3A_277 = arith.muli %and3A_274, %mul3A_276 : vector<16xi32>
    %add3A_278 = arith.addi %mul3A_277, %iota3A : vector<16xi32>
    %add3A_279 = arith.constant 4 : i32
    %add3A_280 = vector.broadcast %add3A_279 : i32 to vector<16xi32>
    %add3A_281 = arith.addi %iota3A, %add3A_280 : vector<16xi32>
    %and3A_282 = arith.constant 7 : i32
    %and3A_283 = vector.broadcast %and3A_282 : i32 to vector<16xi32>
    %and3A_284 = arith.andi %add3A_281, %and3A_283 : vector<16xi32>
    %mul3A_285 = arith.constant 128 : i32
    %mul3A_286 = vector.broadcast %mul3A_285 : i32 to vector<16xi32>
    %mul3A_287 = arith.muli %and3A_284, %mul3A_286 : vector<16xi32>
    %add3A_288 = arith.addi %mul3A_287, %iota3A : vector<16xi32>
    %add3A_289 = arith.constant 5 : i32
    %add3A_290 = vector.broadcast %add3A_289 : i32 to vector<16xi32>
    %add3A_291 = arith.addi %iota3A, %add3A_290 : vector<16xi32>
    %and3A_292 = arith.constant 7 : i32
    %and3A_293 = vector.broadcast %and3A_292 : i32 to vector<16xi32>
    %and3A_294 = arith.andi %add3A_291, %and3A_293 : vector<16xi32>
    %mul3A_295 = arith.constant 128 : i32
    %mul3A_296 = vector.broadcast %mul3A_295 : i32 to vector<16xi32>
    %mul3A_297 = arith.muli %and3A_294, %mul3A_296 : vector<16xi32>
    %add3A_298 = arith.addi %mul3A_297, %iota3A : vector<16xi32>
    %add3A_299 = arith.constant 6 : i32
    %add3A_300 = vector.broadcast %add3A_299 : i32 to vector<16xi32>
    %add3A_301 = arith.addi %iota3A, %add3A_300 : vector<16xi32>
    %and3A_302 = arith.constant 7 : i32
    %and3A_303 = vector.broadcast %and3A_302 : i32 to vector<16xi32>
    %and3A_304 = arith.andi %add3A_301, %and3A_303 : vector<16xi32>
    %mul3A_305 = arith.constant 128 : i32
    %mul3A_306 = vector.broadcast %mul3A_305 : i32 to vector<16xi32>
    %mul3A_307 = arith.muli %and3A_304, %mul3A_306 : vector<16xi32>
    %add3A_308 = arith.addi %mul3A_307, %iota3A : vector<16xi32>
    %add3A_309 = arith.constant 7 : i32
    %add3A_310 = vector.broadcast %add3A_309 : i32 to vector<16xi32>
    %add3A_311 = arith.addi %iota3A, %add3A_310 : vector<16xi32>
    %and3A_312 = arith.constant 7 : i32
    %and3A_313 = vector.broadcast %and3A_312 : i32 to vector<16xi32>
    %and3A_314 = arith.andi %add3A_311, %and3A_313 : vector<16xi32>
    %mul3A_315 = arith.constant 128 : i32
    %mul3A_316 = vector.broadcast %mul3A_315 : i32 to vector<16xi32>
    %mul3A_317 = arith.muli %and3A_314, %mul3A_316 : vector<16xi32>
    %add3A_318 = arith.addi %mul3A_317, %iota3A : vector<16xi32>
    %add3A_319 = arith.constant 8 : i32
    %add3A_320 = vector.broadcast %add3A_319 : i32 to vector<16xi32>
    %add3A_321 = arith.addi %iota3A, %add3A_320 : vector<16xi32>
    %and3A_322 = arith.constant 7 : i32
    %and3A_323 = vector.broadcast %and3A_322 : i32 to vector<16xi32>
    %and3A_324 = arith.andi %add3A_321, %and3A_323 : vector<16xi32>
    %mul3A_325 = arith.constant 128 : i32
    %mul3A_326 = vector.broadcast %mul3A_325 : i32 to vector<16xi32>
    %mul3A_327 = arith.muli %and3A_324, %mul3A_326 : vector<16xi32>
    %add3A_328 = arith.addi %mul3A_327, %iota3A : vector<16xi32>
    %add3A_329 = arith.constant 9 : i32
    %add3A_330 = vector.broadcast %add3A_329 : i32 to vector<16xi32>
    %add3A_331 = arith.addi %iota3A, %add3A_330 : vector<16xi32>
    %and3A_332 = arith.constant 7 : i32
    %and3A_333 = vector.broadcast %and3A_332 : i32 to vector<16xi32>
    %and3A_334 = arith.andi %add3A_331, %and3A_333 : vector<16xi32>
    %mul3A_335 = arith.constant 128 : i32
    %mul3A_336 = vector.broadcast %mul3A_335 : i32 to vector<16xi32>
    %mul3A_337 = arith.muli %and3A_334, %mul3A_336 : vector<16xi32>
    %add3A_338 = arith.addi %mul3A_337, %iota3A : vector<16xi32>
    %add3A_339 = arith.constant 10 : i32
    %add3A_340 = vector.broadcast %add3A_339 : i32 to vector<16xi32>
    %add3A_341 = arith.addi %iota3A, %add3A_340 : vector<16xi32>
    %and3A_342 = arith.constant 7 : i32
    %and3A_343 = vector.broadcast %and3A_342 : i32 to vector<16xi32>
    %and3A_344 = arith.andi %add3A_341, %and3A_343 : vector<16xi32>
    %mul3A_345 = arith.constant 128 : i32
    %mul3A_346 = vector.broadcast %mul3A_345 : i32 to vector<16xi32>
    %mul3A_347 = arith.muli %and3A_344, %mul3A_346 : vector<16xi32>
    %add3A_348 = arith.addi %mul3A_347, %iota3A : vector<16xi32>
    %add3A_349 = arith.constant 11 : i32
    %add3A_350 = vector.broadcast %add3A_349 : i32 to vector<16xi32>
    %add3A_351 = arith.addi %iota3A, %add3A_350 : vector<16xi32>
    %and3A_352 = arith.constant 7 : i32
    %and3A_353 = vector.broadcast %and3A_352 : i32 to vector<16xi32>
    %and3A_354 = arith.andi %add3A_351, %and3A_353 : vector<16xi32>
    %mul3A_355 = arith.constant 128 : i32
    %mul3A_356 = vector.broadcast %mul3A_355 : i32 to vector<16xi32>
    %mul3A_357 = arith.muli %and3A_354, %mul3A_356 : vector<16xi32>
    %add3A_358 = arith.addi %mul3A_357, %iota3A : vector<16xi32>
    %add3A_359 = arith.constant 12 : i32
    %add3A_360 = vector.broadcast %add3A_359 : i32 to vector<16xi32>
    %add3A_361 = arith.addi %iota3A, %add3A_360 : vector<16xi32>
    %and3A_362 = arith.constant 7 : i32
    %and3A_363 = vector.broadcast %and3A_362 : i32 to vector<16xi32>
    %and3A_364 = arith.andi %add3A_361, %and3A_363 : vector<16xi32>
    %mul3A_365 = arith.constant 128 : i32
    %mul3A_366 = vector.broadcast %mul3A_365 : i32 to vector<16xi32>
    %mul3A_367 = arith.muli %and3A_364, %mul3A_366 : vector<16xi32>
    %add3A_368 = arith.addi %mul3A_367, %iota3A : vector<16xi32>
    %add3A_369 = arith.constant 13 : i32
    %add3A_370 = vector.broadcast %add3A_369 : i32 to vector<16xi32>
    %add3A_371 = arith.addi %iota3A, %add3A_370 : vector<16xi32>
    %and3A_372 = arith.constant 7 : i32
    %and3A_373 = vector.broadcast %and3A_372 : i32 to vector<16xi32>
    %and3A_374 = arith.andi %add3A_371, %and3A_373 : vector<16xi32>
    %mul3A_375 = arith.constant 128 : i32
    %mul3A_376 = vector.broadcast %mul3A_375 : i32 to vector<16xi32>
    %mul3A_377 = arith.muli %and3A_374, %mul3A_376 : vector<16xi32>
    %add3A_378 = arith.addi %mul3A_377, %iota3A : vector<16xi32>
    %add3A_379 = arith.constant 14 : i32
    %add3A_380 = vector.broadcast %add3A_379 : i32 to vector<16xi32>
    %add3A_381 = arith.addi %iota3A, %add3A_380 : vector<16xi32>
    %and3A_382 = arith.constant 7 : i32
    %and3A_383 = vector.broadcast %and3A_382 : i32 to vector<16xi32>
    %and3A_384 = arith.andi %add3A_381, %and3A_383 : vector<16xi32>
    %mul3A_385 = arith.constant 128 : i32
    %mul3A_386 = vector.broadcast %mul3A_385 : i32 to vector<16xi32>
    %mul3A_387 = arith.muli %and3A_384, %mul3A_386 : vector<16xi32>
    %add3A_388 = arith.addi %mul3A_387, %iota3A : vector<16xi32>
    %add3A_389 = arith.constant 15 : i32
    %add3A_390 = vector.broadcast %add3A_389 : i32 to vector<16xi32>
    %add3A_391 = arith.addi %iota3A, %add3A_390 : vector<16xi32>
    %and3A_392 = arith.constant 7 : i32
    %and3A_393 = vector.broadcast %and3A_392 : i32 to vector<16xi32>
    %and3A_394 = arith.andi %add3A_391, %and3A_393 : vector<16xi32>
    %mul3A_395 = arith.constant 128 : i32
    %mul3A_396 = vector.broadcast %mul3A_395 : i32 to vector<16xi32>
    %mul3A_397 = arith.muli %and3A_394, %mul3A_396 : vector<16xi32>
    %add3A_398 = arith.addi %mul3A_397, %iota3A : vector<16xi32>
    %dma_start3A = arith.constant 0 : i32
    %dma_start3A_399 = arith.constant 0 : i32
    %dma_start3A_400 = arith.constant 0 : i32
    %dma_start3A_401 = arith.constant 0 : i32
    %dma_start3A_402 = arith.constant 0 : i32
    %dma_start3A_403 = tpu.memref_slice %arg6[%dma_start3A_400, %dma_start3A_401, %dma_start3A_402] : memref<2x128x32xf32, #tpu.memory_space<vmem>> -> memref<1x128x32xf32, #tpu.memory_space<vmem>>
    %dma_start3A_404 = tpu.memref_squeeze %dma_start3A_403 : memref<1x128x32xf32, #tpu.memory_space<vmem>> -> memref<128x32xf32, #tpu.memory_space<vmem>>
    %dma_start3A_405 = arith.constant 0 : i32
    %dma_start3A_406 = tpu.memref_slice %arg5[%dma_start3A, %dma_start3A_399, %dma_start3A_405] : memref<25x8x128xi32, #tpu.memory_space<vmem>> -> memref<1x1x128xi32, #tpu.memory_space<vmem>>
    %dma_start3A_407 = tpu.memref_squeeze %dma_start3A_406 : memref<1x1x128xi32, #tpu.memory_space<vmem>> -> memref<128xi32, #tpu.memory_space<vmem>>
    %dma_start3A_408 = arith.constant 0 : i32
    %dma_start3A_409 = arith.constant 0 : i32
    %dma_start3A_410 = tpu.memref_slice %arg2[%dma_start3A_408, %dma_start3A_409] : memref<1000000x32xf32, #tpu.memory_space<hbm>> -> memref<1000000x32xf32, #tpu.memory_space<hbm>>
    tpu.enqueue_indirect_dma source(%dma_start3A_410 : memref<1000000x32xf32, #tpu.memory_space<hbm>>) target(%dma_start3A_404 : memref<128x32xf32, #tpu.memory_space<vmem>>) offsets(%dma_start3A_407 : memref<128xi32, #tpu.memory_space<vmem>>) semaphore(%arg8 : memref<!tpu.dma_semaphore, #tpu.memory_space<semaphore_mem>>)
    %dma_start3A_411 = arith.constant 0 : i32
    %dma_start3A_412 = arith.constant 1 : i32
    %dma_start3A_413 = arith.constant 1 : i32
    %dma_start3A_414 = arith.constant 0 : i32
    %dma_start3A_415 = arith.constant 0 : i32
    %dma_start3A_416 = tpu.memref_slice %arg6[%dma_start3A_413, %dma_start3A_414, %dma_start3A_415] : memref<2x128x32xf32, #tpu.memory_space<vmem>> -> memref<1x128x32xf32, #tpu.memory_space<vmem>>
    %dma_start3A_417 = tpu.memref_squeeze %dma_start3A_416 : memref<1x128x32xf32, #tpu.memory_space<vmem>> -> memref<128x32xf32, #tpu.memory_space<vmem>>
    %dma_start3A_418 = arith.constant 0 : i32
    %dma_start3A_419 = tpu.memref_slice %arg5[%dma_start3A_411, %dma_start3A_412, %dma_start3A_418] : memref<25x8x128xi32, #tpu.memory_space<vmem>> -> memref<1x1x128xi32, #tpu.memory_space<vmem>>
    %dma_start3A_420 = tpu.memref_squeeze %dma_start3A_419 : memref<1x1x128xi32, #tpu.memory_space<vmem>> -> memref<128xi32, #tpu.memory_space<vmem>>
    %dma_start3A_421 = arith.constant 0 : i32
    %dma_start3A_422 = arith.constant 0 : i32
    %dma_start3A_423 = tpu.memref_slice %arg2[%dma_start3A_421, %dma_start3A_422] : memref<1000000x32xf32, #tpu.memory_space<hbm>> -> memref<1000000x32xf32, #tpu.memory_space<hbm>>
    tpu.enqueue_indirect_dma source(%dma_start3A_423 : memref<1000000x32xf32, #tpu.memory_space<hbm>>) target(%dma_start3A_417 : memref<128x32xf32, #tpu.memory_space<vmem>>) offsets(%dma_start3A_420 : memref<128xi32, #tpu.memory_space<vmem>>) semaphore(%arg9 : memref<!tpu.dma_semaphore, #tpu.memory_space<semaphore_mem>>)
    %scan3A = arith.constant 0 : i32
    %scan3A_424 = arith.constant 0 : i32
    %scan3A_425 = arith.constant 100 : i32
    %scan3A_426 = arith.addi %scan3A_424, %scan3A_425 : i32
    %scan3A_427 = arith.constant 1 : i32
    scf.for %scan3A_466 = %scan3A_424 to %scan3A_426 step %scan3A_427  : i32 {
      %mul3A_467 = arith.constant 2 : i32
      %mul3A_468 = arith.muli %mul3A_467, %scan3A_466 : i32
      %add3A_469 = arith.constant 0 : i32
      %add3A_470 = arith.addi %mul3A_468, %add3A_469 : i32
      %dma_wait3A_471 = arith.constant 0 : i32
      %dma_wait3A_472 = arith.constant 0 : i32
      %dma_wait3A_473 = arith.constant 0 : i32
      %dma_wait3A_474 = tpu.memref_slice %arg6[%dma_wait3A_471, %dma_wait3A_472, %dma_wait3A_473] : memref<2x128x32xf32, #tpu.memory_space<vmem>> -> memref<1x128x32xf32, #tpu.memory_space<vmem>>
      %dma_wait3A_475 = tpu.memref_squeeze %dma_wait3A_474 : memref<1x128x32xf32, #tpu.memory_space<vmem>> -> memref<128x32xf32, #tpu.memory_space<vmem>>
      %dma_wait3A_476 = arith.constant 0 : i32
      %dma_wait3A_477 = arith.constant 0 : i32
      %dma_wait3A_478 = tpu.memref_slice %arg2[%dma_wait3A_476, %dma_wait3A_477] : memref<1000000x32xf32, #tpu.memory_space<hbm>> -> memref<128x32xf32, #tpu.memory_space<hbm>>
      %dma_wait3A_479 = arith.constant 0 : i32
      %dma_wait3A_480 = arith.constant 0 : i32
      %dma_wait3A_481 = tpu.memref_slice %arg6[%dma_wait3A_471, %dma_wait3A_479, %dma_wait3A_480] : memref<2x128x32xf32, #tpu.memory_space<vmem>> -> memref<1x128x32xf32, #tpu.memory_space<vmem>>
      %dma_wait3A_482 = tpu.memref_squeeze %dma_wait3A_481 : memref<1x128x32xf32, #tpu.memory_space<vmem>> -> memref<128x32xf32, #tpu.memory_space<vmem>>
      %dma_wait3A_483 = arith.constant 0 : i32
      %dma_wait3A_484 = arith.constant 0 : i32
      %dma_wait3A_485 = tpu.memref_slice %arg2[%dma_wait3A_483, %dma_wait3A_484] : memref<1000000x32xf32, #tpu.memory_space<hbm>> -> memref<128x32xf32, #tpu.memory_space<hbm>>
      tpu.wait_dma2 semaphore(%arg8 : memref<!tpu.dma_semaphore, #tpu.memory_space<semaphore_mem>>) src(%dma_wait3A_485 : memref<128x32xf32, #tpu.memory_space<hbm>>) dst(%dma_wait3A_482 : memref<128x32xf32, #tpu.memory_space<vmem>>)
      %ge3A = arith.constant 1 : i32
      %ge3A_486 = arith.cmpi sge, %scan3A_466, %ge3A : i32
      %convert_element_type3A = arith.extui %ge3A_486 : i1 to i32
      %cond3A = arith.constant 0 : i32
      %cond3A_487 = arith.cmpi ne, %convert_element_type3A, %cond3A : i32
      scf.if %cond3A_487 {
        %dma_wait3A_567 = arith.constant 0 : i32
        %dma_wait3A_568 = arith.constant 0 : i32
        %dma_wait3A_569 = arith.constant 0 : i32
        %dma_wait3A_570 = arith.constant 0 : i32
        %dma_wait3A_571 = arith.constant 0 : i32
        %dma_wait3A_572 = tpu.memref_slice %arg7[%dma_wait3A_569, %dma_wait3A_570, %dma_wait3A_571] : memref<2x4x1024xf32, #tpu.memory_space<vmem>> -> memref<1x4x1024xf32, #tpu.memory_space<vmem>>
        %dma_wait3A_573 = tpu.memref_squeeze %dma_wait3A_572 : memref<1x4x1024xf32, #tpu.memory_space<vmem>> -> memref<4x1024xf32, #tpu.memory_space<vmem>>
        %dma_wait3A_574 = arith.constant 0 : i32
        %dma_wait3A_575 = arith.constant 0 : i32
        %dma_wait3A_576 = tpu.memref_slice %arg4[%dma_wait3A_567, %dma_wait3A_574, %dma_wait3A_568, %dma_wait3A_575] : memref<200x4x32x1024xf32, #tpu.memory_space<hbm>> -> memref<1x4x1x1024xf32, #tpu.memory_space<hbm>>
        %dma_wait3A_577 = tpu.memref_squeeze %dma_wait3A_576 : memref<1x4x1x1024xf32, #tpu.memory_space<hbm>> -> memref<4x1024xf32, #tpu.memory_space<hbm>>
        %dma_wait3A_578 = arith.constant 0 : i32
        %dma_wait3A_579 = arith.constant 0 : i32
        %dma_wait3A_580 = tpu.memref_slice %arg7[%dma_wait3A_569, %dma_wait3A_578, %dma_wait3A_579] : memref<2x4x1024xf32, #tpu.memory_space<vmem>> -> memref<1x4x1024xf32, #tpu.memory_space<vmem>>
        %dma_wait3A_581 = tpu.memref_squeeze %dma_wait3A_580 : memref<1x4x1024xf32, #tpu.memory_space<vmem>> -> memref<4x1024xf32, #tpu.memory_space<vmem>>
        %dma_wait3A_582 = arith.constant 0 : i32
        %dma_wait3A_583 = arith.constant 0 : i32
        %dma_wait3A_584 = tpu.memref_slice %arg4[%dma_wait3A_567, %dma_wait3A_582, %dma_wait3A_568, %dma_wait3A_583] : memref<200x4x32x1024xf32, #tpu.memory_space<hbm>> -> memref<1x4x1x1024xf32, #tpu.memory_space<hbm>>
        %dma_wait3A_585 = tpu.memref_squeeze %dma_wait3A_584 : memref<1x4x1x1024xf32, #tpu.memory_space<hbm>> -> memref<4x1024xf32, #tpu.memory_space<hbm>>
        tpu.wait_dma2 semaphore(%arg10 : memref<!tpu.dma_semaphore, #tpu.memory_space<semaphore_mem>>) src(%dma_wait3A_585 : memref<4x1024xf32, #tpu.memory_space<hbm>>) dst(%dma_wait3A_581 : memref<4x1024xf32, #tpu.memory_space<vmem>>)
      } else {
      }
      %scan3A_488 = arith.constant 0 : i32
      %scan3A_489 = arith.constant 0 : i32
      %scan3A_490 = arith.constant 8 : i32
      %scan3A_491 = arith.addi %scan3A_489, %scan3A_490 : i32
      %scan3A_492 = arith.constant 1 : i32
      scf.for %scan3A_567 = %scan3A_489 to %scan3A_491 step %scan3A_492  : i32 {
        %mul3A_568 = arith.constant 16 : i32
        %mul3A_569 = arith.muli %scan3A_567, %mul3A_568 : i32
        %add3A_570 = vector.broadcast %mul3A_569 : i32 to vector<16xi32>
        %add3A_571 = arith.addi %iota3A, %add3A_570 : vector<16xi32>
        %add3A_572 = vector.broadcast %mul3A_569 : i32 to vector<16xi32>
        %add3A_573 = arith.addi %add3A_248, %add3A_572 : vector<16xi32>
        %add3A_574 = arith.constant 0 : i32
        %add3A_575 = vector.broadcast %add3A_574 : i32 to vector<16xi32>
        %add3A_576 = arith.addi %and3A_5, %add3A_575 : vector<16xi32>
        %gather3A = arith.constant 0 : i32
        %gather3A_577 = arith.constant 0 : i32
        %gather3A_578 = arith.constant 0 : i32
        %gather3A_579 = tpu.memref_slice %arg6[%gather3A, %gather3A_577, %gather3A_578] : memref<2x128x32xf32, #tpu.memory_space<vmem>> -> memref<1x128x32xf32, #tpu.memory_space<vmem>>
        %gather3A_580 = tpu.memref_squeeze %gather3A_579 : memref<1x128x32xf32, #tpu.memory_space<vmem>> -> memref<128x32xf32, #tpu.memory_space<vmem>>
        %gather3A_581 = tpu.vector_load_idx %gather3A_580[%add3A_571, %add3A_576] : memref<128x32xf32, #tpu.memory_space<vmem>>[vector<16xi32>, vector<16xi32>], vector<16xf32>,
        %add3A_582 = arith.constant 0 : i32
        %add3A_583 = vector.broadcast %add3A_582 : i32 to vector<16xi32>
        %add3A_584 = arith.addi %shift_right_arithmetic3A_103, %add3A_583 : vector<16xi32>
        %scatter3A = arith.constant 0 : i32
        %scatter3A_585 = arith.constant 0 : i32
        %scatter3A_586 = arith.constant 0 : i32
        %scatter3A_587 = tpu.memref_slice %arg7[%scatter3A, %scatter3A_585, %scatter3A_586] : memref<2x4x1024xf32, #tpu.memory_space<vmem>> -> memref<1x4x1024xf32, #tpu.memory_space<vmem>>
        %scatter3A_588 = tpu.memref_squeeze %scatter3A_587 : memref<1x4x1024xf32, #tpu.memory_space<vmem>> -> memref<4x1024xf32, #tpu.memory_space<vmem>>
        tpu.vector_store_idx %scatter3A_588[%add3A_584, %add3A_573], %gather3A_581 : memref<4x1024xf32, #tpu.memory_space<vmem>>[vector<16xi32>, vector<16xi32>], vector<16xf32>,
        %add3A_589 = arith.constant 16 : i32
        %add3A_590 = vector.broadcast %add3A_589 : i32 to vector<16xi32>
        %add3A_591 = arith.addi %and3A_5, %add3A_590 : vector<16xi32>
        %gather3A_592 = arith.constant 0 : i32
        %gather3A_593 = arith.constant 0 : i32
        %gather3A_594 = arith.constant 0 : i32
        %gather3A_595 = tpu.memref_slice %arg6[%gather3A_592, %gather3A_593, %gather3A_594] : memref<2x128x32xf32, #tpu.memory_space<vmem>> -> memref<1x128x32xf32, #tpu.memory_space<vmem>>
        %gather3A_596 = tpu.memref_squeeze %gather3A_595 : memref<1x128x32xf32, #tpu.memory_space<vmem>> -> memref<128x32xf32, #tpu.memory_space<vmem>>
        %gather3A_597 = tpu.vector_load_idx %gather3A_596[%add3A_571, %add3A_591] : memref<128x32xf32, #tpu.memory_space<vmem>>[vector<16xi32>, vector<16xi32>], vector<16xf32>,
        %add3A_598 = arith.constant 2 : i32
        %add3A_599 = vector.broadcast %add3A_598 : i32 to vector<16xi32>
        %add3A_600 = arith.addi %shift_right_arithmetic3A_103, %add3A_599 : vector<16xi32>
        %scatter3A_601 = arith.constant 0 : i32
        %scatter3A_602 = arith.constant 0 : i32
        %scatter3A_603 = arith.constant 0 : i32
        %scatter3A_604 = tpu.memref_slice %arg7[%scatter3A_601, %scatter3A_602, %scatter3A_603] : memref<2x4x1024xf32, #tpu.memory_space<vmem>> -> memref<1x4x1024xf32, #tpu.memory_space<vmem>>
        %scatter3A_605 = tpu.memref_squeeze %scatter3A_604 : memref<1x4x1024xf32, #tpu.memory_space<vmem>> -> memref<4x1024xf32, #tpu.memory_space<vmem>>
        tpu.vector_store_idx %scatter3A_605[%add3A_600, %add3A_573], %gather3A_597 : memref<4x1024xf32, #tpu.memory_space<vmem>>[vector<16xi32>, vector<16xi32>], vector<16xf32>,
        %add3A_606 = vector.broadcast %mul3A_569 : i32 to vector<16xi32>
        %add3A_607 = arith.addi %add3A_258, %add3A_606 : vector<16xi32>
        %add3A_608 = arith.constant 0 : i32
        %add3A_609 = vector.broadcast %add3A_608 : i32 to vector<16xi32>
        %add3A_610 = arith.addi %and3A_11, %add3A_609 : vector<16xi32>
        %gather3A_611 = arith.constant 0 : i32
        %gather3A_612 = arith.constant 0 : i32
        %gather3A_613 = arith.constant 0 : i32
        %gather3A_614 = tpu.memref_slice %arg6[%gather3A_611, %gather3A_612, %gather3A_613] : memref<2x128x32xf32, #tpu.memory_space<vmem>> -> memref<1x128x32xf32, #tpu.memory_space<vmem>>
        %gather3A_615 = tpu.memref_squeeze %gather3A_614 : memref<1x128x32xf32, #tpu.memory_space<vmem>> -> memref<128x32xf32, #tpu.memory_space<vmem>>
        %gather3A_616 = tpu.vector_load_idx %gather3A_615[%add3A_571, %add3A_610] : memref<128x32xf32, #tpu.memory_space<vmem>>[vector<16xi32>, vector<16xi32>], vector<16xf32>,
        %add3A_617 = arith.constant 0 : i32
        %add3A_618 = vector.broadcast %add3A_617 : i32 to vector<16xi32>
        %add3A_619 = arith.addi %shift_right_arithmetic3A_112, %add3A_618 : vector<16xi32>
        %scatter3A_620 = arith.constant 0 : i32
        %scatter3A_621 = arith.constant 0 : i32
        %scatter3A_622 = arith.constant 0 : i32
        %scatter3A_623 = tpu.memref_slice %arg7[%scatter3A_620, %scatter3A_621, %scatter3A_622] : memref<2x4x1024xf32, #tpu.memory_space<vmem>> -> memref<1x4x1024xf32, #tpu.memory_space<vmem>>
        %scatter3A_624 = tpu.memref_squeeze %scatter3A_623 : memref<1x4x1024xf32, #tpu.memory_space<vmem>> -> memref<4x1024xf32, #tpu.memory_space<vmem>>
        tpu.vector_store_idx %scatter3A_624[%add3A_619, %add3A_607], %gather3A_616 : memref<4x1024xf32, #tpu.memory_space<vmem>>[vector<16xi32>, vector<16xi32>], vector<16xf32>,
        %add3A_625 = arith.constant 16 : i32
        %add3A_626 = vector.broadcast %add3A_625 : i32 to vector<16xi32>
        %add3A_627 = arith.addi %and3A_11, %add3A_626 : vector<16xi32>
        %gather3A_628 = arith.constant 0 : i32
        %gather3A_629 = arith.constant 0 : i32
        %gather3A_630 = arith.constant 0 : i32
        %gather3A_631 = tpu.memref_slice %arg6[%gather3A_628, %gather3A_629, %gather3A_630] : memref<2x128x32xf32, #tpu.memory_space<vmem>> -> memref<1x128x32xf32, #tpu.memory_space<vmem>>
        %gather3A_632 = tpu.memref_squeeze %gather3A_631 : memref<1x128x32xf32, #tpu.memory_space<vmem>> -> memref<128x32xf32, #tpu.memory_space<vmem>>
        %gather3A_633 = tpu.vector_load_idx %gather3A_632[%add3A_571, %add3A_627] : memref<128x32xf32, #tpu.memory_space<vmem>>[vector<16xi32>, vector<16xi32>], vector<16xf32>,
        %add3A_634 = arith.constant 2 : i32
        %add3A_635 = vector.broadcast %add3A_634 : i32 to vector<16xi32>
        %add3A_636 = arith.addi %shift_right_arithmetic3A_112, %add3A_635 : vector<16xi32>
        %scatter3A_637 = arith.constant 0 : i32
        %scatter3A_638 = arith.constant 0 : i32
        %scatter3A_639 = arith.constant 0 : i32
        %scatter3A_640 = tpu.memref_slice %arg7[%scatter3A_637, %scatter3A_638, %scatter3A_639] : memref<2x4x1024xf32, #tpu.memory_space<vmem>> -> memref<1x4x1024xf32, #tpu.memory_space<vmem>>
        %scatter3A_641 = tpu.memref_squeeze %scatter3A_640 : memref<1x4x1024xf32, #tpu.memory_space<vmem>> -> memref<4x1024xf32, #tpu.memory_space<vmem>>
        tpu.vector_store_idx %scatter3A_641[%add3A_636, %add3A_607], %gather3A_633 : memref<4x1024xf32, #tpu.memory_space<vmem>>[vector<16xi32>, vector<16xi32>], vector<16xf32>,
        %add3A_642 = vector.broadcast %mul3A_569 : i32 to vector<16xi32>
        %add3A_643 = arith.addi %add3A_268, %add3A_642 : vector<16xi32>
        %add3A_644 = arith.constant 0 : i32
        %add3A_645 = vector.broadcast %add3A_644 : i32 to vector<16xi32>
        %add3A_646 = arith.addi %and3A_17, %add3A_645 : vector<16xi32>
        %gather3A_647 = arith.constant 0 : i32
        %gather3A_648 = arith.constant 0 : i32
        %gather3A_649 = arith.constant 0 : i32
        %gather3A_650 = tpu.memref_slice %arg6[%gather3A_647, %gather3A_648, %gather3A_649] : memref<2x128x32xf32, #tpu.memory_space<vmem>> -> memref<1x128x32xf32, #tpu.memory_space<vmem>>
        %gather3A_651 = tpu.memref_squeeze %gather3A_650 : memref<1x128x32xf32, #tpu.memory_space<vmem>> -> memref<128x32xf32, #tpu.memory_space<vmem>>
        %gather3A_652 = tpu.vector_load_idx %gather3A_651[%add3A_571, %add3A_646] : memref<128x32xf32, #tpu.memory_space<vmem>>[vector<16xi32>, vector<16xi32>], vector<16xf32>,
        %add3A_653 = arith.constant 0 : i32
        %add3A_654 = vector.broadcast %add3A_653 : i32 to vector<16xi32>
        %add3A_655 = arith.addi %shift_right_arithmetic3A_121, %add3A_654 : vector<16xi32>
        %scatter3A_656 = arith.constant 0 : i32
        %scatter3A_657 = arith.constant 0 : i32
        %scatter3A_658 = arith.constant 0 : i32
        %scatter3A_659 = tpu.memref_slice %arg7[%scatter3A_656, %scatter3A_657, %scatter3A_658] : memref<2x4x1024xf32, #tpu.memory_space<vmem>> -> memref<1x4x1024xf32, #tpu.memory_space<vmem>>
        %scatter3A_660 = tpu.memref_squeeze %scatter3A_659 : memref<1x4x1024xf32, #tpu.memory_space<vmem>> -> memref<4x1024xf32, #tpu.memory_space<vmem>>
        tpu.vector_store_idx %scatter3A_660[%add3A_655, %add3A_643], %gather3A_652 : memref<4x1024xf32, #tpu.memory_space<vmem>>[vector<16xi32>, vector<16xi32>], vector<16xf32>,
        %add3A_661 = arith.constant 16 : i32
        %add3A_662 = vector.broadcast %add3A_661 : i32 to vector<16xi32>
        %add3A_663 = arith.addi %and3A_17, %add3A_662 : vector<16xi32>
        %gather3A_664 = arith.constant 0 : i32
        %gather3A_665 = arith.constant 0 : i32
        %gather3A_666 = arith.constant 0 : i32
        %gather3A_667 = tpu.memref_slice %arg6[%gather3A_664, %gather3A_665, %gather3A_666] : memref<2x128x32xf32, #tpu.memory_space<vmem>> -> memref<1x128x32xf32, #tpu.memory_space<vmem>>
        %gather3A_668 = tpu.memref_squeeze %gather3A_667 : memref<1x128x32xf32, #tpu.memory_space<vmem>> -> memref<128x32xf32, #tpu.memory_space<vmem>>
        %gather3A_669 = tpu.vector_load_idx %gather3A_668[%add3A_571, %add3A_663] : memref<128x32xf32, #tpu.memory_space<vmem>>[vector<16xi32>, vector<16xi32>], vector<16xf32>,
        %add3A_670 = arith.constant 2 : i32
        %add3A_671 = vector.broadcast %add3A_670 : i32 to vector<16xi32>
        %add3A_672 = arith.addi %shift_right_arithmetic3A_121, %add3A_671 : vector<16xi32>
        %scatter3A_673 = arith.constant 0 : i32
        %scatter3A_674 = arith.constant 0 : i32
        %scatter3A_675 = arith.constant 0 : i32
        %scatter3A_676 = tpu.memref_slice %arg7[%scatter3A_673, %scatter3A_674, %scatter3A_675] : memref<2x4x1024xf32, #tpu.memory_space<vmem>> -> memref<1x4x1024xf32, #tpu.memory_space<vmem>>
        %scatter3A_677 = tpu.memref_squeeze %scatter3A_676 : memref<1x4x1024xf32, #tpu.memory_space<vmem>> -> memref<4x1024xf32, #tpu.memory_space<vmem>>
        tpu.vector_store_idx %scatter3A_677[%add3A_672, %add3A_643], %gather3A_669 : memref<4x1024xf32, #tpu.memory_space<vmem>>[vector<16xi32>, vector<16xi32>], vector<16xf32>,
        %add3A_678 = vector.broadcast %mul3A_569 : i32 to vector<16xi32>
        %add3A_679 = arith.addi %add3A_278, %add3A_678 : vector<16xi32>
        %add3A_680 = arith.constant 0 : i32
        %add3A_681 = vector.broadcast %add3A_680 : i32 to vector<16xi32>
        %add3A_682 = arith.addi %and3A_23, %add3A_681 : vector<16xi32>
        %gather3A_683 = arith.constant 0 : i32
        %gather3A_684 = arith.constant 0 : i32
        %gather3A_685 = arith.constant 0 : i32
        %gather3A_686 = tpu.memref_slice %arg6[%gather3A_683, %gather3A_684, %gather3A_685] : memref<2x128x32xf32, #tpu.memory_space<vmem>> -> memref<1x128x32xf32, #tpu.memory_space<vmem>>
        %gather3A_687 = tpu.memref_squeeze %gather3A_686 : memref<1x128x32xf32, #tpu.memory_space<vmem>> -> memref<128x32xf32, #tpu.memory_space<vmem>>
        %gather3A_688 = tpu.vector_load_idx %gather3A_687[%add3A_571, %add3A_682] : memref<128x32xf32, #tpu.memory_space<vmem>>[vector<16xi32>, vector<16xi32>], vector<16xf32>,
        %add3A_689 = arith.constant 0 : i32
        %add3A_690 = vector.broadcast %add3A_689 : i32 to vector<16xi32>
        %add3A_691 = arith.addi %shift_right_arithmetic3A_130, %add3A_690 : vector<16xi32>
        %scatter3A_692 = arith.constant 0 : i32
        %scatter3A_693 = arith.constant 0 : i32
        %scatter3A_694 = arith.constant 0 : i32
        %scatter3A_695 = tpu.memref_slice %arg7[%scatter3A_692, %scatter3A_693, %scatter3A_694] : memref<2x4x1024xf32, #tpu.memory_space<vmem>> -> memref<1x4x1024xf32, #tpu.memory_space<vmem>>
        %scatter3A_696 = tpu.memref_squeeze %scatter3A_695 : memref<1x4x1024xf32, #tpu.memory_space<vmem>> -> memref<4x1024xf32, #tpu.memory_space<vmem>>
        tpu.vector_store_idx %scatter3A_696[%add3A_691, %add3A_679], %gather3A_688 : memref<4x1024xf32, #tpu.memory_space<vmem>>[vector<16xi32>, vector<16xi32>], vector<16xf32>,
        %add3A_697 = arith.constant 16 : i32
        %add3A_698 = vector.broadcast %add3A_697 : i32 to vector<16xi32>
        %add3A_699 = arith.addi %and3A_23, %add3A_698 : vector<16xi32>
        %gather3A_700 = arith.constant 0 : i32
        %gather3A_701 = arith.constant 0 : i32
        %gather3A_702 = arith.constant 0 : i32
        %gather3A_703 = tpu.memref_slice %arg6[%gather3A_700, %gather3A_701, %gather3A_702] : memref<2x128x32xf32, #tpu.memory_space<vmem>> -> memref<1x128x32xf32, #tpu.memory_space<vmem>>
        %gather3A_704 = tpu.memref_squeeze %gather3A_703 : memref<1x128x32xf32, #tpu.memory_space<vmem>> -> memref<128x32xf32, #tpu.memory_space<vmem>>
        %gather3A_705 = tpu.vector_load_idx %gather3A_704[%add3A_571, %add3A_699] : memref<128x32xf32, #tpu.memory_space<vmem>>[vector<16xi32>, vector<16xi32>], vector<16xf32>,
        %add3A_706 = arith.constant 2 : i32
        %add3A_707 = vector.broadcast %add3A_706 : i32 to vector<16xi32>
        %add3A_708 = arith.addi %shift_right_arithmetic3A_130, %add3A_707 : vector<16xi32>
        %scatter3A_709 = arith.constant 0 : i32
        %scatter3A_710 = arith.constant 0 : i32
        %scatter3A_711 = arith.constant 0 : i32
        %scatter3A_712 = tpu.memref_slice %arg7[%scatter3A_709, %scatter3A_710, %scatter3A_711] : memref<2x4x1024xf32, #tpu.memory_space<vmem>> -> memref<1x4x1024xf32, #tpu.memory_space<vmem>>
        %scatter3A_713 = tpu.memref_squeeze %scatter3A_712 : memref<1x4x1024xf32, #tpu.memory_space<vmem>> -> memref<4x1024xf32, #tpu.memory_space<vmem>>
        tpu.vector_store_idx %scatter3A_713[%add3A_708, %add3A_679], %gather3A_705 : memref<4x1024xf32, #tpu.memory_space<vmem>>[vector<16xi32>, vector<16xi32>], vector<16xf32>,
        %add3A_714 = vector.broadcast %mul3A_569 : i32 to vector<16xi32>
        %add3A_715 = arith.addi %add3A_288, %add3A_714 : vector<16xi32>
        %add3A_716 = arith.constant 0 : i32
        %add3A_717 = vector.broadcast %add3A_716 : i32 to vector<16xi32>
        %add3A_718 = arith.addi %and3A_29, %add3A_717 : vector<16xi32>
        %gather3A_719 = arith.constant 0 : i32
        %gather3A_720 = arith.constant 0 : i32
        %gather3A_721 = arith.constant 0 : i32
        %gather3A_722 = tpu.memref_slice %arg6[%gather3A_719, %gather3A_720, %gather3A_721] : memref<2x128x32xf32, #tpu.memory_space<vmem>> -> memref<1x128x32xf32, #tpu.memory_space<vmem>>
        %gather3A_723 = tpu.memref_squeeze %gather3A_722 : memref<1x128x32xf32, #tpu.memory_space<vmem>> -> memref<128x32xf32, #tpu.memory_space<vmem>>
        %gather3A_724 = tpu.vector_load_idx %gather3A_723[%add3A_571, %add3A_718] : memref<128x32xf32, #tpu.memory_space<vmem>>[vector<16xi32>, vector<16xi32>], vector<16xf32>,
        %add3A_725 = arith.constant 0 : i32
        %add3A_726 = vector.broadcast %add3A_725 : i32 to vector<16xi32>
        %add3A_727 = arith.addi %shift_right_arithmetic3A_139, %add3A_726 : vector<16xi32>
        %scatter3A_728 = arith.constant 0 : i32
        %scatter3A_729 = arith.constant 0 : i32
        %scatter3A_730 = arith.constant 0 : i32
        %scatter3A_731 = tpu.memref_slice %arg7[%scatter3A_728, %scatter3A_729, %scatter3A_730] : memref<2x4x1024xf32, #tpu.memory_space<vmem>> -> memref<1x4x1024xf32, #tpu.memory_space<vmem>>
        %scatter3A_732 = tpu.memref_squeeze %scatter3A_731 : memref<1x4x1024xf32, #tpu.memory_space<vmem>> -> memref<4x1024xf32, #tpu.memory_space<vmem>>
        tpu.vector_store_idx %scatter3A_732[%add3A_727, %add3A_715], %gather3A_724 : memref<4x1024xf32, #tpu.memory_space<vmem>>[vector<16xi32>, vector<16xi32>], vector<16xf32>,
        %add3A_733 = arith.constant 16 : i32
        %add3A_734 = vector.broadcast %add3A_733 : i32 to vector<16xi32>
        %add3A_735 = arith.addi %and3A_29, %add3A_734 : vector<16xi32>
        %gather3A_736 = arith.constant 0 : i32
        %gather3A_737 = arith.constant 0 : i32
        %gather3A_738 = arith.constant 0 : i32
        %gather3A_739 = tpu.memref_slice %arg6[%gather3A_736, %gather3A_737, %gather3A_738] : memref<2x128x32xf32, #tpu.memory_space<vmem>> -> memref<1x128x32xf32, #tpu.memory_space<vmem>>
        %gather3A_740 = tpu.memref_squeeze %gather3A_739 : memref<1x128x32xf32, #tpu.memory_space<vmem>> -> memref<128x32xf32, #tpu.memory_space<vmem>>
        %gather3A_741 = tpu.vector_load_idx %gather3A_740[%add3A_571, %add3A_735] : memref<128x32xf32, #tpu.memory_space<vmem>>[vector<16xi32>, vector<16xi32>], vector<16xf32>,
        %add3A_742 = arith.constant 2 : i32
        %add3A_743 = vector.broadcast %add3A_742 : i32 to vector<16xi32>
        %add3A_744 = arith.addi %shift_right_arithmetic3A_139, %add3A_743 : vector<16xi32>
        %scatter3A_745 = arith.constant 0 : i32
        %scatter3A_746 = arith.constant 0 : i32
        %scatter3A_747 = arith.constant 0 : i32
        %scatter3A_748 = tpu.memref_slice %arg7[%scatter3A_745, %scatter3A_746, %scatter3A_747] : memref<2x4x1024xf32, #tpu.memory_space<vmem>> -> memref<1x4x1024xf32, #tpu.memory_space<vmem>>
        %scatter3A_749 = tpu.memref_squeeze %scatter3A_748 : memref<1x4x1024xf32, #tpu.memory_space<vmem>> -> memref<4x1024xf32, #tpu.memory_space<vmem>>
        tpu.vector_store_idx %scatter3A_749[%add3A_744, %add3A_715], %gather3A_741 : memref<4x1024xf32, #tpu.memory_space<vmem>>[vector<16xi32>, vector<16xi32>], vector<16xf32>,
        %add3A_750 = vector.broadcast %mul3A_569 : i32 to vector<16xi32>
        %add3A_751 = arith.addi %add3A_298, %add3A_750 : vector<16xi32>
        %add3A_752 = arith.constant 0 : i32
        %add3A_753 = vector.broadcast %add3A_752 : i32 to vector<16xi32>
        %add3A_754 = arith.addi %and3A_35, %add3A_753 : vector<16xi32>
        %gather3A_755 = arith.constant 0 : i32
        %gather3A_756 = arith.constant 0 : i32
        %gather3A_757 = arith.constant 0 : i32
        %gather3A_758 = tpu.memref_slice %arg6[%gather3A_755, %gather3A_756, %gather3A_757] : memref<2x128x32xf32, #tpu.memory_space<vmem>> -> memref<1x128x32xf32, #tpu.memory_space<vmem>>
        %gather3A_759 = tpu.memref_squeeze %gather3A_758 : memref<1x128x32xf32, #tpu.memory_space<vmem>> -> memref<128x32xf32, #tpu.memory_space<vmem>>
        %gather3A_760 = tpu.vector_load_idx %gather3A_759[%add3A_571, %add3A_754] : memref<128x32xf32, #tpu.memory_space<vmem>>[vector<16xi32>, vector<16xi32>], vector<16xf32>,
        %add3A_761 = arith.constant 0 : i32
        %add3A_762 = vector.broadcast %add3A_761 : i32 to vector<16xi32>
        %add3A_763 = arith.addi %shift_right_arithmetic3A_148, %add3A_762 : vector<16xi32>
        %scatter3A_764 = arith.constant 0 : i32
        %scatter3A_765 = arith.constant 0 : i32
        %scatter3A_766 = arith.constant 0 : i32
        %scatter3A_767 = tpu.memref_slice %arg7[%scatter3A_764, %scatter3A_765, %scatter3A_766] : memref<2x4x1024xf32, #tpu.memory_space<vmem>> -> memref<1x4x1024xf32, #tpu.memory_space<vmem>>
        %scatter3A_768 = tpu.memref_squeeze %scatter3A_767 : memref<1x4x1024xf32, #tpu.memory_space<vmem>> -> memref<4x1024xf32, #tpu.memory_space<vmem>>
        tpu.vector_store_idx %scatter3A_768[%add3A_763, %add3A_751], %gather3A_760 : memref<4x1024xf32, #tpu.memory_space<vmem>>[vector<16xi32>, vector<16xi32>], vector<16xf32>,
        %add3A_769 = arith.constant 16 : i32
        %add3A_770 = vector.broadcast %add3A_769 : i32 to vector<16xi32>
        %add3A_771 = arith.addi %and3A_35, %add3A_770 : vector<16xi32>
        %gather3A_772 = arith.constant 0 : i32
        %gather3A_773 = arith.constant 0 : i32
        %gather3A_774 = arith.constant 0 : i32
        %gather3A_775 = tpu.memref_slice %arg6[%gather3A_772, %gather3A_773, %gather3A_774] : memref<2x128x32xf32, #tpu.memory_space<vmem>> -> memref<1x128x32xf32, #tpu.memory_space<vmem>>
        %gather3A_776 = tpu.memref_squeeze %gather3A_775 : memref<1x128x32xf32, #tpu.memory_space<vmem>> -> memref<128x32xf32, #tpu.memory_space<vmem>>
        %gather3A_777 = tpu.vector_load_idx %gather3A_776[%add3A_571, %add3A_771] : memref<128x32xf32, #tpu.memory_space<vmem>>[vector<16xi32>, vector<16xi32>], vector<16xf32>,
        %add3A_778 = arith.constant 2 : i32
        %add3A_779 = vector.broadcast %add3A_778 : i32 to vector<16xi32>
        %add3A_780 = arith.addi %shift_right_arithmetic3A_148, %add3A_779 : vector<16xi32>
        %scatter3A_781 = arith.constant 0 : i32
        %scatter3A_782 = arith.constant 0 : i32
        %scatter3A_783 = arith.constant 0 : i32
        %scatter3A_784 = tpu.memref_slice %arg7[%scatter3A_781, %scatter3A_782, %scatter3A_783] : memref<2x4x1024xf32, #tpu.memory_space<vmem>> -> memref<1x4x1024xf32, #tpu.memory_space<vmem>>
        %scatter3A_785 = tpu.memref_squeeze %scatter3A_784 : memref<1x4x1024xf32, #tpu.memory_space<vmem>> -> memref<4x1024xf32, #tpu.memory_space<vmem>>
        tpu.vector_store_idx %scatter3A_785[%add3A_780, %add3A_751], %gather3A_777 : memref<4x1024xf32, #tpu.memory_space<vmem>>[vector<16xi32>, vector<16xi32>], vector<16xf32>,
        %add3A_786 = vector.broadcast %mul3A_569 : i32 to vector<16xi32>
        %add3A_787 = arith.addi %add3A_308, %add3A_786 : vector<16xi32>
        %add3A_788 = arith.constant 0 : i32
        %add3A_789 = vector.broadcast %add3A_788 : i32 to vector<16xi32>
        %add3A_790 = arith.addi %and3A_41, %add3A_789 : vector<16xi32>
        %gather3A_791 = arith.constant 0 : i32
        %gather3A_792 = arith.constant 0 : i32
        %gather3A_793 = arith.constant 0 : i32
        %gather3A_794 = tpu.memref_slice %arg6[%gather3A_791, %gather3A_792, %gather3A_793] : memref<2x128x32xf32, #tpu.memory_space<vmem>> -> memref<1x128x32xf32, #tpu.memory_space<vmem>>
        %gather3A_795 = tpu.memref_squeeze %gather3A_794 : memref<1x128x32xf32, #tpu.memory_space<vmem>> -> memref<128x32xf32, #tpu.memory_space<vmem>>
        %gather3A_796 = tpu.vector_load_idx %gather3A_795[%add3A_571, %add3A_790] : memref<128x32xf32, #tpu.memory_space<vmem>>[vector<16xi32>, vector<16xi32>], vector<16xf32>,
        %add3A_797 = arith.constant 0 : i32
        %add3A_798 = vector.broadcast %add3A_797 : i32 to vector<16xi32>
        %add3A_799 = arith.addi %shift_right_arithmetic3A_157, %add3A_798 : vector<16xi32>
        %scatter3A_800 = arith.constant 0 : i32
        %scatter3A_801 = arith.constant 0 : i32
        %scatter3A_802 = arith.constant 0 : i32
        %scatter3A_803 = tpu.memref_slice %arg7[%scatter3A_800, %scatter3A_801, %scatter3A_802] : memref<2x4x1024xf32, #tpu.memory_space<vmem>> -> memref<1x4x1024xf32, #tpu.memory_space<vmem>>
        %scatter3A_804 = tpu.memref_squeeze %scatter3A_803 : memref<1x4x1024xf32, #tpu.memory_space<vmem>> -> memref<4x1024xf32, #tpu.memory_space<vmem>>
        tpu.vector_store_idx %scatter3A_804[%add3A_799, %add3A_787], %gather3A_796 : memref<4x1024xf32, #tpu.memory_space<vmem>>[vector<16xi32>, vector<16xi32>], vector<16xf32>,
        %add3A_805 = arith.constant 16 : i32
        %add3A_806 = vector.broadcast %add3A_805 : i32 to vector<16xi32>
        %add3A_807 = arith.addi %and3A_41, %add3A_806 : vector<16xi32>
        %gather3A_808 = arith.constant 0 : i32
        %gather3A_809 = arith.constant 0 : i32
        %gather3A_810 = arith.constant 0 : i32
        %gather3A_811 = tpu.memref_slice %arg6[%gather3A_808, %gather3A_809, %gather3A_810] : memref<2x128x32xf32, #tpu.memory_space<vmem>> -> memref<1x128x32xf32, #tpu.memory_space<vmem>>
        %gather3A_812 = tpu.memref_squeeze %gather3A_811 : memref<1x128x32xf32, #tpu.memory_space<vmem>> -> memref<128x32xf32, #tpu.memory_space<vmem>>
        %gather3A_813 = tpu.vector_load_idx %gather3A_812[%add3A_571, %add3A_807] : memref<128x32xf32, #tpu.memory_space<vmem>>[vector<16xi32>, vector<16xi32>], vector<16xf32>,
        %add3A_814 = arith.constant 2 : i32
        %add3A_815 = vector.broadcast %add3A_814 : i32 to vector<16xi32>
        %add3A_816 = arith.addi %shift_right_arithmetic3A_157, %add3A_815 : vector<16xi32>
        %scatter3A_817 = arith.constant 0 : i32
        %scatter3A_818 = arith.constant 0 : i32
        %scatter3A_819 = arith.constant 0 : i32
        %scatter3A_820 = tpu.memref_slice %arg7[%scatter3A_817, %scatter3A_818, %scatter3A_819] : memref<2x4x1024xf32, #tpu.memory_space<vmem>> -> memref<1x4x1024xf32, #tpu.memory_space<vmem>>
        %scatter3A_821 = tpu.memref_squeeze %scatter3A_820 : memref<1x4x1024xf32, #tpu.memory_space<vmem>> -> memref<4x1024xf32, #tpu.memory_space<vmem>>
        tpu.vector_store_idx %scatter3A_821[%add3A_816, %add3A_787], %gather3A_813 : memref<4x1024xf32, #tpu.memory_space<vmem>>[vector<16xi32>, vector<16xi32>], vector<16xf32>,
        %add3A_822 = vector.broadcast %mul3A_569 : i32 to vector<16xi32>
        %add3A_823 = arith.addi %add3A_318, %add3A_822 : vector<16xi32>
        %add3A_824 = arith.constant 0 : i32
        %add3A_825 = vector.broadcast %add3A_824 : i32 to vector<16xi32>
        %add3A_826 = arith.addi %and3A_47, %add3A_825 : vector<16xi32>
        %gather3A_827 = arith.constant 0 : i32
        %gather3A_828 = arith.constant 0 : i32
        %gather3A_829 = arith.constant 0 : i32
        %gather3A_830 = tpu.memref_slice %arg6[%gather3A_827, %gather3A_828, %gather3A_829] : memref<2x128x32xf32, #tpu.memory_space<vmem>> -> memref<1x128x32xf32, #tpu.memory_space<vmem>>
        %gather3A_831 = tpu.memref_squeeze %gather3A_830 : memref<1x128x32xf32, #tpu.memory_space<vmem>> -> memref<128x32xf32, #tpu.memory_space<vmem>>
        %gather3A_832 = tpu.vector_load_idx %gather3A_831[%add3A_571, %add3A_826] : memref<128x32xf32, #tpu.memory_space<vmem>>[vector<16xi32>, vector<16xi32>], vector<16xf32>,
        %add3A_833 = arith.constant 0 : i32
        %add3A_834 = vector.broadcast %add3A_833 : i32 to vector<16xi32>
        %add3A_835 = arith.addi %shift_right_arithmetic3A_166, %add3A_834 : vector<16xi32>
        %scatter3A_836 = arith.constant 0 : i32
        %scatter3A_837 = arith.constant 0 : i32
        %scatter3A_838 = arith.constant 0 : i32
        %scatter3A_839 = tpu.memref_slice %arg7[%scatter3A_836, %scatter3A_837, %scatter3A_838] : memref<2x4x1024xf32, #tpu.memory_space<vmem>> -> memref<1x4x1024xf32, #tpu.memory_space<vmem>>
        %scatter3A_840 = tpu.memref_squeeze %scatter3A_839 : memref<1x4x1024xf32, #tpu.memory_space<vmem>> -> memref<4x1024xf32, #tpu.memory_space<vmem>>
        tpu.vector_store_idx %scatter3A_840[%add3A_835, %add3A_823], %gather3A_832 : memref<4x1024xf32, #tpu.memory_space<vmem>>[vector<16xi32>, vector<16xi32>], vector<16xf32>,
        %add3A_841 = arith.constant 16 : i32
        %add3A_842 = vector.broadcast %add3A_841 : i32 to vector<16xi32>
        %add3A_843 = arith.addi %and3A_47, %add3A_842 : vector<16xi32>
        %gather3A_844 = arith.constant 0 : i32
        %gather3A_845 = arith.constant 0 : i32
        %gather3A_846 = arith.constant 0 : i32
        %gather3A_847 = tpu.memref_slice %arg6[%gather3A_844, %gather3A_845, %gather3A_846] : memref<2x128x32xf32, #tpu.memory_space<vmem>> -> memref<1x128x32xf32, #tpu.memory_space<vmem>>
        %gather3A_848 = tpu.memref_squeeze %gather3A_847 : memref<1x128x32xf32, #tpu.memory_space<vmem>> -> memref<128x32xf32, #tpu.memory_space<vmem>>
        %gather3A_849 = tpu.vector_load_idx %gather3A_848[%add3A_571, %add3A_843] : memref<128x32xf32, #tpu.memory_space<vmem>>[vector<16xi32>, vector<16xi32>], vector<16xf32>,
        %add3A_850 = arith.constant 2 : i32
        %add3A_851 = vector.broadcast %add3A_850 : i32 to vector<16xi32>
        %add3A_852 = arith.addi %shift_right_arithmetic3A_166, %add3A_851 : vector<16xi32>
        %scatter3A_853 = arith.constant 0 : i32
        %scatter3A_854 = arith.constant 0 : i32
        %scatter3A_855 = arith.constant 0 : i32
        %scatter3A_856 = tpu.memref_slice %arg7[%scatter3A_853, %scatter3A_854, %scatter3A_855] : memref<2x4x1024xf32, #tpu.memory_space<vmem>> -> memref<1x4x1024xf32, #tpu.memory_space<vmem>>
        %scatter3A_857 = tpu.memref_squeeze %scatter3A_856 : memref<1x4x1024xf32, #tpu.memory_space<vmem>> -> memref<4x1024xf32, #tpu.memory_space<vmem>>
        tpu.vector_store_idx %scatter3A_857[%add3A_852, %add3A_823], %gather3A_849 : memref<4x1024xf32, #tpu.memory_space<vmem>>[vector<16xi32>, vector<16xi32>], vector<16xf32>,
        %add3A_858 = vector.broadcast %mul3A_569 : i32 to vector<16xi32>
        %add3A_859 = arith.addi %add3A_328, %add3A_858 : vector<16xi32>
        %add3A_860 = arith.constant 0 : i32
        %add3A_861 = vector.broadcast %add3A_860 : i32 to vector<16xi32>
        %add3A_862 = arith.addi %and3A_53, %add3A_861 : vector<16xi32>
        %gather3A_863 = arith.constant 0 : i32
        %gather3A_864 = arith.constant 0 : i32
        %gather3A_865 = arith.constant 0 : i32
        %gather3A_866 = tpu.memref_slice %arg6[%gather3A_863, %gather3A_864, %gather3A_865] : memref<2x128x32xf32, #tpu.memory_space<vmem>> -> memref<1x128x32xf32, #tpu.memory_space<vmem>>
        %gather3A_867 = tpu.memref_squeeze %gather3A_866 : memref<1x128x32xf32, #tpu.memory_space<vmem>> -> memref<128x32xf32, #tpu.memory_space<vmem>>
        %gather3A_868 = tpu.vector_load_idx %gather3A_867[%add3A_571, %add3A_862] : memref<128x32xf32, #tpu.memory_space<vmem>>[vector<16xi32>, vector<16xi32>], vector<16xf32>,
        %add3A_869 = arith.constant 0 : i32
        %add3A_870 = vector.broadcast %add3A_869 : i32 to vector<16xi32>
        %add3A_871 = arith.addi %shift_right_arithmetic3A_175, %add3A_870 : vector<16xi32>
        %scatter3A_872 = arith.constant 0 : i32
        %scatter3A_873 = arith.constant 0 : i32
        %scatter3A_874 = arith.constant 0 : i32
        %scatter3A_875 = tpu.memref_slice %arg7[%scatter3A_872, %scatter3A_873, %scatter3A_874] : memref<2x4x1024xf32, #tpu.memory_space<vmem>> -> memref<1x4x1024xf32, #tpu.memory_space<vmem>>
        %scatter3A_876 = tpu.memref_squeeze %scatter3A_875 : memref<1x4x1024xf32, #tpu.memory_space<vmem>> -> memref<4x1024xf32, #tpu.memory_space<vmem>>
        tpu.vector_store_idx %scatter3A_876[%add3A_871, %add3A_859], %gather3A_868 : memref<4x1024xf32, #tpu.memory_space<vmem>>[vector<16xi32>, vector<16xi32>], vector<16xf32>,
        %add3A_877 = arith.constant 16 : i32
        %add3A_878 = vector.broadcast %add3A_877 : i32 to vector<16xi32>
        %add3A_879 = arith.addi %and3A_53, %add3A_878 : vector<16xi32>
        %gather3A_880 = arith.constant 0 : i32
        %gather3A_881 = arith.constant 0 : i32
        %gather3A_882 = arith.constant 0 : i32
        %gather3A_883 = tpu.memref_slice %arg6[%gather3A_880, %gather3A_881, %gather3A_882] : memref<2x128x32xf32, #tpu.memory_space<vmem>> -> memref<1x128x32xf32, #tpu.memory_space<vmem>>
        %gather3A_884 = tpu.memref_squeeze %gather3A_883 : memref<1x128x32xf32, #tpu.memory_space<vmem>> -> memref<128x32xf32, #tpu.memory_space<vmem>>
        %gather3A_885 = tpu.vector_load_idx %gather3A_884[%add3A_571, %add3A_879] : memref<128x32xf32, #tpu.memory_space<vmem>>[vector<16xi32>, vector<16xi32>], vector<16xf32>,
        %add3A_886 = arith.constant 2 : i32
        %add3A_887 = vector.broadcast %add3A_886 : i32 to vector<16xi32>
        %add3A_888 = arith.addi %shift_right_arithmetic3A_175, %add3A_887 : vector<16xi32>
        %scatter3A_889 = arith.constant 0 : i32
        %scatter3A_890 = arith.constant 0 : i32
        %scatter3A_891 = arith.constant 0 : i32
        %scatter3A_892 = tpu.memref_slice %arg7[%scatter3A_889, %scatter3A_890, %scatter3A_891] : memref<2x4x1024xf32, #tpu.memory_space<vmem>> -> memref<1x4x1024xf32, #tpu.memory_space<vmem>>
        %scatter3A_893 = tpu.memref_squeeze %scatter3A_892 : memref<1x4x1024xf32, #tpu.memory_space<vmem>> -> memref<4x1024xf32, #tpu.memory_space<vmem>>
        tpu.vector_store_idx %scatter3A_893[%add3A_888, %add3A_859], %gather3A_885 : memref<4x1024xf32, #tpu.memory_space<vmem>>[vector<16xi32>, vector<16xi32>], vector<16xf32>,
        %add3A_894 = vector.broadcast %mul3A_569 : i32 to vector<16xi32>
        %add3A_895 = arith.addi %add3A_338, %add3A_894 : vector<16xi32>
        %add3A_896 = arith.constant 0 : i32
        %add3A_897 = vector.broadcast %add3A_896 : i32 to vector<16xi32>
        %add3A_898 = arith.addi %and3A_59, %add3A_897 : vector<16xi32>
        %gather3A_899 = arith.constant 0 : i32
        %gather3A_900 = arith.constant 0 : i32
        %gather3A_901 = arith.constant 0 : i32
        %gather3A_902 = tpu.memref_slice %arg6[%gather3A_899, %gather3A_900, %gather3A_901] : memref<2x128x32xf32, #tpu.memory_space<vmem>> -> memref<1x128x32xf32, #tpu.memory_space<vmem>>
        %gather3A_903 = tpu.memref_squeeze %gather3A_902 : memref<1x128x32xf32, #tpu.memory_space<vmem>> -> memref<128x32xf32, #tpu.memory_space<vmem>>
        %gather3A_904 = tpu.vector_load_idx %gather3A_903[%add3A_571, %add3A_898] : memref<128x32xf32, #tpu.memory_space<vmem>>[vector<16xi32>, vector<16xi32>], vector<16xf32>,
        %add3A_905 = arith.constant 0 : i32
        %add3A_906 = vector.broadcast %add3A_905 : i32 to vector<16xi32>
        %add3A_907 = arith.addi %shift_right_arithmetic3A_184, %add3A_906 : vector<16xi32>
        %scatter3A_908 = arith.constant 0 : i32
        %scatter3A_909 = arith.constant 0 : i32
        %scatter3A_910 = arith.constant 0 : i32
        %scatter3A_911 = tpu.memref_slice %arg7[%scatter3A_908, %scatter3A_909, %scatter3A_910] : memref<2x4x1024xf32, #tpu.memory_space<vmem>> -> memref<1x4x1024xf32, #tpu.memory_space<vmem>>
        %scatter3A_912 = tpu.memref_squeeze %scatter3A_911 : memref<1x4x1024xf32, #tpu.memory_space<vmem>> -> memref<4x1024xf32, #tpu.memory_space<vmem>>
        tpu.vector_store_idx %scatter3A_912[%add3A_907, %add3A_895], %gather3A_904 : memref<4x1024xf32, #tpu.memory_space<vmem>>[vector<16xi32>, vector<16xi32>], vector<16xf32>,
        %add3A_913 = arith.constant 16 : i32
        %add3A_914 = vector.broadcast %add3A_913 : i32 to vector<16xi32>
        %add3A_915 = arith.addi %and3A_59, %add3A_914 : vector<16xi32>
        %gather3A_916 = arith.constant 0 : i32
        %gather3A_917 = arith.constant 0 : i32
        %gather3A_918 = arith.constant 0 : i32
        %gather3A_919 = tpu.memref_slice %arg6[%gather3A_916, %gather3A_917, %gather3A_918] : memref<2x128x32xf32, #tpu.memory_space<vmem>> -> memref<1x128x32xf32, #tpu.memory_space<vmem>>
        %gather3A_920 = tpu.memref_squeeze %gather3A_919 : memref<1x128x32xf32, #tpu.memory_space<vmem>> -> memref<128x32xf32, #tpu.memory_space<vmem>>
        %gather3A_921 = tpu.vector_load_idx %gather3A_920[%add3A_571, %add3A_915] : memref<128x32xf32, #tpu.memory_space<vmem>>[vector<16xi32>, vector<16xi32>], vector<16xf32>,
        %add3A_922 = arith.constant 2 : i32
        %add3A_923 = vector.broadcast %add3A_922 : i32 to vector<16xi32>
        %add3A_924 = arith.addi %shift_right_arithmetic3A_184, %add3A_923 : vector<16xi32>
        %scatter3A_925 = arith.constant 0 : i32
        %scatter3A_926 = arith.constant 0 : i32
        %scatter3A_927 = arith.constant 0 : i32
        %scatter3A_928 = tpu.memref_slice %arg7[%scatter3A_925, %scatter3A_926, %scatter3A_927] : memref<2x4x1024xf32, #tpu.memory_space<vmem>> -> memref<1x4x1024xf32, #tpu.memory_space<vmem>>
        %scatter3A_929 = tpu.memref_squeeze %scatter3A_928 : memref<1x4x1024xf32, #tpu.memory_space<vmem>> -> memref<4x1024xf32, #tpu.memory_space<vmem>>
        tpu.vector_store_idx %scatter3A_929[%add3A_924, %add3A_895], %gather3A_921 : memref<4x1024xf32, #tpu.memory_space<vmem>>[vector<16xi32>, vector<16xi32>], vector<16xf32>,
        %add3A_930 = vector.broadcast %mul3A_569 : i32 to vector<16xi32>
        %add3A_931 = arith.addi %add3A_348, %add3A_930 : vector<16xi32>
        %add3A_932 = arith.constant 0 : i32
        %add3A_933 = vector.broadcast %add3A_932 : i32 to vector<16xi32>
        %add3A_934 = arith.addi %and3A_65, %add3A_933 : vector<16xi32>
        %gather3A_935 = arith.constant 0 : i32
        %gather3A_936 = arith.constant 0 : i32
        %gather3A_937 = arith.constant 0 : i32
        %gather3A_938 = tpu.memref_slice %arg6[%gather3A_935, %gather3A_936, %gather3A_937] : memref<2x128x32xf32, #tpu.memory_space<vmem>> -> memref<1x128x32xf32, #tpu.memory_space<vmem>>
        %gather3A_939 = tpu.memref_squeeze %gather3A_938 : memref<1x128x32xf32, #tpu.memory_space<vmem>> -> memref<128x32xf32, #tpu.memory_space<vmem>>
        %gather3A_940 = tpu.vector_load_idx %gather3A_939[%add3A_571, %add3A_934] : memref<128x32xf32, #tpu.memory_space<vmem>>[vector<16xi32>, vector<16xi32>], vector<16xf32>,
        %add3A_941 = arith.constant 0 : i32
        %add3A_942 = vector.broadcast %add3A_941 : i32 to vector<16xi32>
        %add3A_943 = arith.addi %shift_right_arithmetic3A_193, %add3A_942 : vector<16xi32>
        %scatter3A_944 = arith.constant 0 : i32
        %scatter3A_945 = arith.constant 0 : i32
        %scatter3A_946 = arith.constant 0 : i32
        %scatter3A_947 = tpu.memref_slice %arg7[%scatter3A_944, %scatter3A_945, %scatter3A_946] : memref<2x4x1024xf32, #tpu.memory_space<vmem>> -> memref<1x4x1024xf32, #tpu.memory_space<vmem>>
        %scatter3A_948 = tpu.memref_squeeze %scatter3A_947 : memref<1x4x1024xf32, #tpu.memory_space<vmem>> -> memref<4x1024xf32, #tpu.memory_space<vmem>>
        tpu.vector_store_idx %scatter3A_948[%add3A_943, %add3A_931], %gather3A_940 : memref<4x1024xf32, #tpu.memory_space<vmem>>[vector<16xi32>, vector<16xi32>], vector<16xf32>,
        %add3A_949 = arith.constant 16 : i32
        %add3A_950 = vector.broadcast %add3A_949 : i32 to vector<16xi32>
        %add3A_951 = arith.addi %and3A_65, %add3A_950 : vector<16xi32>
        %gather3A_952 = arith.constant 0 : i32
        %gather3A_953 = arith.constant 0 : i32
        %gather3A_954 = arith.constant 0 : i32
        %gather3A_955 = tpu.memref_slice %arg6[%gather3A_952, %gather3A_953, %gather3A_954] : memref<2x128x32xf32, #tpu.memory_space<vmem>> -> memref<1x128x32xf32, #tpu.memory_space<vmem>>
        %gather3A_956 = tpu.memref_squeeze %gather3A_955 : memref<1x128x32xf32, #tpu.memory_space<vmem>> -> memref<128x32xf32, #tpu.memory_space<vmem>>
        %gather3A_957 = tpu.vector_load_idx %gather3A_956[%add3A_571, %add3A_951] : memref<128x32xf32, #tpu.memory_space<vmem>>[vector<16xi32>, vector<16xi32>], vector<16xf32>,
        %add3A_958 = arith.constant 2 : i32
        %add3A_959 = vector.broadcast %add3A_958 : i32 to vector<16xi32>
        %add3A_960 = arith.addi %shift_right_arithmetic3A_193, %add3A_959 : vector<16xi32>
        %scatter3A_961 = arith.constant 0 : i32
        %scatter3A_962 = arith.constant 0 : i32
        %scatter3A_963 = arith.constant 0 : i32
        %scatter3A_964 = tpu.memref_slice %arg7[%scatter3A_961, %scatter3A_962, %scatter3A_963] : memref<2x4x1024xf32, #tpu.memory_space<vmem>> -> memref<1x4x1024xf32, #tpu.memory_space<vmem>>
        %scatter3A_965 = tpu.memref_squeeze %scatter3A_964 : memref<1x4x1024xf32, #tpu.memory_space<vmem>> -> memref<4x1024xf32, #tpu.memory_space<vmem>>
        tpu.vector_store_idx %scatter3A_965[%add3A_960, %add3A_931], %gather3A_957 : memref<4x1024xf32, #tpu.memory_space<vmem>>[vector<16xi32>, vector<16xi32>], vector<16xf32>,
        %add3A_966 = vector.broadcast %mul3A_569 : i32 to vector<16xi32>
        %add3A_967 = arith.addi %add3A_358, %add3A_966 : vector<16xi32>
        %add3A_968 = arith.constant 0 : i32
        %add3A_969 = vector.broadcast %add3A_968 : i32 to vector<16xi32>
        %add3A_970 = arith.addi %and3A_71, %add3A_969 : vector<16xi32>
        %gather3A_971 = arith.constant 0 : i32
        %gather3A_972 = arith.constant 0 : i32
        %gather3A_973 = arith.constant 0 : i32
        %gather3A_974 = tpu.memref_slice %arg6[%gather3A_971, %gather3A_972, %gather3A_973] : memref<2x128x32xf32, #tpu.memory_space<vmem>> -> memref<1x128x32xf32, #tpu.memory_space<vmem>>
        %gather3A_975 = tpu.memref_squeeze %gather3A_974 : memref<1x128x32xf32, #tpu.memory_space<vmem>> -> memref<128x32xf32, #tpu.memory_space<vmem>>
        %gather3A_976 = tpu.vector_load_idx %gather3A_975[%add3A_571, %add3A_970] : memref<128x32xf32, #tpu.memory_space<vmem>>[vector<16xi32>, vector<16xi32>], vector<16xf32>,
        %add3A_977 = arith.constant 0 : i32
        %add3A_978 = vector.broadcast %add3A_977 : i32 to vector<16xi32>
        %add3A_979 = arith.addi %shift_right_arithmetic3A_202, %add3A_978 : vector<16xi32>
        %scatter3A_980 = arith.constant 0 : i32
        %scatter3A_981 = arith.constant 0 : i32
        %scatter3A_982 = arith.constant 0 : i32
        %scatter3A_983 = tpu.memref_slice %arg7[%scatter3A_980, %scatter3A_981, %scatter3A_982] : memref<2x4x1024xf32, #tpu.memory_space<vmem>> -> memref<1x4x1024xf32, #tpu.memory_space<vmem>>
        %scatter3A_984 = tpu.memref_squeeze %scatter3A_983 : memref<1x4x1024xf32, #tpu.memory_space<vmem>> -> memref<4x1024xf32, #tpu.memory_space<vmem>>
        tpu.vector_store_idx %scatter3A_984[%add3A_979, %add3A_967], %gather3A_976 : memref<4x1024xf32, #tpu.memory_space<vmem>>[vector<16xi32>, vector<16xi32>], vector<16xf32>,
        %add3A_985 = arith.constant 16 : i32
        %add3A_986 = vector.broadcast %add3A_985 : i32 to vector<16xi32>
        %add3A_987 = arith.addi %and3A_71, %add3A_986 : vector<16xi32>
        %gather3A_988 = arith.constant 0 : i32
        %gather3A_989 = arith.constant 0 : i32
        %gather3A_990 = arith.constant 0 : i32
        %gather3A_991 = tpu.memref_slice %arg6[%gather3A_988, %gather3A_989, %gather3A_990] : memref<2x128x32xf32, #tpu.memory_space<vmem>> -> memref<1x128x32xf32, #tpu.memory_space<vmem>>
        %gather3A_992 = tpu.memref_squeeze %gather3A_991 : memref<1x128x32xf32, #tpu.memory_space<vmem>> -> memref<128x32xf32, #tpu.memory_space<vmem>>
        %gather3A_993 = tpu.vector_load_idx %gather3A_992[%add3A_571, %add3A_987] : memref<128x32xf32, #tpu.memory_space<vmem>>[vector<16xi32>, vector<16xi32>], vector<16xf32>,
        %add3A_994 = arith.constant 2 : i32
        %add3A_995 = vector.broadcast %add3A_994 : i32 to vector<16xi32>
        %add3A_996 = arith.addi %shift_right_arithmetic3A_202, %add3A_995 : vector<16xi32>
        %scatter3A_997 = arith.constant 0 : i32
        %scatter3A_998 = arith.constant 0 : i32
        %scatter3A_999 = arith.constant 0 : i32
        %scatter3A_1000 = tpu.memref_slice %arg7[%scatter3A_997, %scatter3A_998, %scatter3A_999] : memref<2x4x1024xf32, #tpu.memory_space<vmem>> -> memref<1x4x1024xf32, #tpu.memory_space<vmem>>
        %scatter3A_1001 = tpu.memref_squeeze %scatter3A_1000 : memref<1x4x1024xf32, #tpu.memory_space<vmem>> -> memref<4x1024xf32, #tpu.memory_space<vmem>>
        tpu.vector_store_idx %scatter3A_1001[%add3A_996, %add3A_967], %gather3A_993 : memref<4x1024xf32, #tpu.memory_space<vmem>>[vector<16xi32>, vector<16xi32>], vector<16xf32>,
        %add3A_1002 = vector.broadcast %mul3A_569 : i32 to vector<16xi32>
        %add3A_1003 = arith.addi %add3A_368, %add3A_1002 : vector<16xi32>
        %add3A_1004 = arith.constant 0 : i32
        %add3A_1005 = vector.broadcast %add3A_1004 : i32 to vector<16xi32>
        %add3A_1006 = arith.addi %and3A_77, %add3A_1005 : vector<16xi32>
        %gather3A_1007 = arith.constant 0 : i32
        %gather3A_1008 = arith.constant 0 : i32
        %gather3A_1009 = arith.constant 0 : i32
        %gather3A_1010 = tpu.memref_slice %arg6[%gather3A_1007, %gather3A_1008, %gather3A_1009] : memref<2x128x32xf32, #tpu.memory_space<vmem>> -> memref<1x128x32xf32, #tpu.memory_space<vmem>>
        %gather3A_1011 = tpu.memref_squeeze %gather3A_1010 : memref<1x128x32xf32, #tpu.memory_space<vmem>> -> memref<128x32xf32, #tpu.memory_space<vmem>>
        %gather3A_1012 = tpu.vector_load_idx %gather3A_1011[%add3A_571, %add3A_1006] : memref<128x32xf32, #tpu.memory_space<vmem>>[vector<16xi32>, vector<16xi32>], vector<16xf32>,
        %add3A_1013 = arith.constant 0 : i32
        %add3A_1014 = vector.broadcast %add3A_1013 : i32 to vector<16xi32>
        %add3A_1015 = arith.addi %shift_right_arithmetic3A_211, %add3A_1014 : vector<16xi32>
        %scatter3A_1016 = arith.constant 0 : i32
        %scatter3A_1017 = arith.constant 0 : i32
        %scatter3A_1018 = arith.constant 0 : i32
        %scatter3A_1019 = tpu.memref_slice %arg7[%scatter3A_1016, %scatter3A_1017, %scatter3A_1018] : memref<2x4x1024xf32, #tpu.memory_space<vmem>> -> memref<1x4x1024xf32, #tpu.memory_space<vmem>>
        %scatter3A_1020 = tpu.memref_squeeze %scatter3A_1019 : memref<1x4x1024xf32, #tpu.memory_space<vmem>> -> memref<4x1024xf32, #tpu.memory_space<vmem>>
        tpu.vector_store_idx %scatter3A_1020[%add3A_1015, %add3A_1003], %gather3A_1012 : memref<4x1024xf32, #tpu.memory_space<vmem>>[vector<16xi32>, vector<16xi32>], vector<16xf32>,
        %add3A_1021 = arith.constant 16 : i32
        %add3A_1022 = vector.broadcast %add3A_1021 : i32 to vector<16xi32>
        %add3A_1023 = arith.addi %and3A_77, %add3A_1022 : vector<16xi32>
        %gather3A_1024 = arith.constant 0 : i32
        %gather3A_1025 = arith.constant 0 : i32
        %gather3A_1026 = arith.constant 0 : i32
        %gather3A_1027 = tpu.memref_slice %arg6[%gather3A_1024, %gather3A_1025, %gather3A_1026] : memref<2x128x32xf32, #tpu.memory_space<vmem>> -> memref<1x128x32xf32, #tpu.memory_space<vmem>>
        %gather3A_1028 = tpu.memref_squeeze %gather3A_1027 : memref<1x128x32xf32, #tpu.memory_space<vmem>> -> memref<128x32xf32, #tpu.memory_space<vmem>>
        %gather3A_1029 = tpu.vector_load_idx %gather3A_1028[%add3A_571, %add3A_1023] : memref<128x32xf32, #tpu.memory_space<vmem>>[vector<16xi32>, vector<16xi32>], vector<16xf32>,
        %add3A_1030 = arith.constant 2 : i32
        %add3A_1031 = vector.broadcast %add3A_1030 : i32 to vector<16xi32>
        %add3A_1032 = arith.addi %shift_right_arithmetic3A_211, %add3A_1031 : vector<16xi32>
        %scatter3A_1033 = arith.constant 0 : i32
        %scatter3A_1034 = arith.constant 0 : i32
        %scatter3A_1035 = arith.constant 0 : i32
        %scatter3A_1036 = tpu.memref_slice %arg7[%scatter3A_1033, %scatter3A_1034, %scatter3A_1035] : memref<2x4x1024xf32, #tpu.memory_space<vmem>> -> memref<1x4x1024xf32, #tpu.memory_space<vmem>>
        %scatter3A_1037 = tpu.memref_squeeze %scatter3A_1036 : memref<1x4x1024xf32, #tpu.memory_space<vmem>> -> memref<4x1024xf32, #tpu.memory_space<vmem>>
        tpu.vector_store_idx %scatter3A_1037[%add3A_1032, %add3A_1003], %gather3A_1029 : memref<4x1024xf32, #tpu.memory_space<vmem>>[vector<16xi32>, vector<16xi32>], vector<16xf32>,
        %add3A_1038 = vector.broadcast %mul3A_569 : i32 to vector<16xi32>
        %add3A_1039 = arith.addi %add3A_378, %add3A_1038 : vector<16xi32>
        %add3A_1040 = arith.constant 0 : i32
        %add3A_1041 = vector.broadcast %add3A_1040 : i32 to vector<16xi32>
        %add3A_1042 = arith.addi %and3A_83, %add3A_1041 : vector<16xi32>
        %gather3A_1043 = arith.constant 0 : i32
        %gather3A_1044 = arith.constant 0 : i32
        %gather3A_1045 = arith.constant 0 : i32
        %gather3A_1046 = tpu.memref_slice %arg6[%gather3A_1043, %gather3A_1044, %gather3A_1045] : memref<2x128x32xf32, #tpu.memory_space<vmem>> -> memref<1x128x32xf32, #tpu.memory_space<vmem>>
        %gather3A_1047 = tpu.memref_squeeze %gather3A_1046 : memref<1x128x32xf32, #tpu.memory_space<vmem>> -> memref<128x32xf32, #tpu.memory_space<vmem>>
        %gather3A_1048 = tpu.vector_load_idx %gather3A_1047[%add3A_571, %add3A_1042] : memref<128x32xf32, #tpu.memory_space<vmem>>[vector<16xi32>, vector<16xi32>], vector<16xf32>,
        %add3A_1049 = arith.constant 0 : i32
        %add3A_1050 = vector.broadcast %add3A_1049 : i32 to vector<16xi32>
        %add3A_1051 = arith.addi %shift_right_arithmetic3A_220, %add3A_1050 : vector<16xi32>
        %scatter3A_1052 = arith.constant 0 : i32
        %scatter3A_1053 = arith.constant 0 : i32
        %scatter3A_1054 = arith.constant 0 : i32
        %scatter3A_1055 = tpu.memref_slice %arg7[%scatter3A_1052, %scatter3A_1053, %scatter3A_1054] : memref<2x4x1024xf32, #tpu.memory_space<vmem>> -> memref<1x4x1024xf32, #tpu.memory_space<vmem>>
        %scatter3A_1056 = tpu.memref_squeeze %scatter3A_1055 : memref<1x4x1024xf32, #tpu.memory_space<vmem>> -> memref<4x1024xf32, #tpu.memory_space<vmem>>
        tpu.vector_store_idx %scatter3A_1056[%add3A_1051, %add3A_1039], %gather3A_1048 : memref<4x1024xf32, #tpu.memory_space<vmem>>[vector<16xi32>, vector<16xi32>], vector<16xf32>,
        %add3A_1057 = arith.constant 16 : i32
        %add3A_1058 = vector.broadcast %add3A_1057 : i32 to vector<16xi32>
        %add3A_1059 = arith.addi %and3A_83, %add3A_1058 : vector<16xi32>
        %gather3A_1060 = arith.constant 0 : i32
        %gather3A_1061 = arith.constant 0 : i32
        %gather3A_1062 = arith.constant 0 : i32
        %gather3A_1063 = tpu.memref_slice %arg6[%gather3A_1060, %gather3A_1061, %gather3A_1062] : memref<2x128x32xf32, #tpu.memory_space<vmem>> -> memref<1x128x32xf32, #tpu.memory_space<vmem>>
        %gather3A_1064 = tpu.memref_squeeze %gather3A_1063 : memref<1x128x32xf32, #tpu.memory_space<vmem>> -> memref<128x32xf32, #tpu.memory_space<vmem>>
        %gather3A_1065 = tpu.vector_load_idx %gather3A_1064[%add3A_571, %add3A_1059] : memref<128x32xf32, #tpu.memory_space<vmem>>[vector<16xi32>, vector<16xi32>], vector<16xf32>,
        %add3A_1066 = arith.constant 2 : i32
        %add3A_1067 = vector.broadcast %add3A_1066 : i32 to vector<16xi32>
        %add3A_1068 = arith.addi %shift_right_arithmetic3A_220, %add3A_1067 : vector<16xi32>
        %scatter3A_1069 = arith.constant 0 : i32
        %scatter3A_1070 = arith.constant 0 : i32
        %scatter3A_1071 = arith.constant 0 : i32
        %scatter3A_1072 = tpu.memref_slice %arg7[%scatter3A_1069, %scatter3A_1070, %scatter3A_1071] : memref<2x4x1024xf32, #tpu.memory_space<vmem>> -> memref<1x4x1024xf32, #tpu.memory_space<vmem>>
        %scatter3A_1073 = tpu.memref_squeeze %scatter3A_1072 : memref<1x4x1024xf32, #tpu.memory_space<vmem>> -> memref<4x1024xf32, #tpu.memory_space<vmem>>
        tpu.vector_store_idx %scatter3A_1073[%add3A_1068, %add3A_1039], %gather3A_1065 : memref<4x1024xf32, #tpu.memory_space<vmem>>[vector<16xi32>, vector<16xi32>], vector<16xf32>,
        %add3A_1074 = vector.broadcast %mul3A_569 : i32 to vector<16xi32>
        %add3A_1075 = arith.addi %add3A_388, %add3A_1074 : vector<16xi32>
        %add3A_1076 = arith.constant 0 : i32
        %add3A_1077 = vector.broadcast %add3A_1076 : i32 to vector<16xi32>
        %add3A_1078 = arith.addi %and3A_89, %add3A_1077 : vector<16xi32>
        %gather3A_1079 = arith.constant 0 : i32
        %gather3A_1080 = arith.constant 0 : i32
        %gather3A_1081 = arith.constant 0 : i32
        %gather3A_1082 = tpu.memref_slice %arg6[%gather3A_1079, %gather3A_1080, %gather3A_1081] : memref<2x128x32xf32, #tpu.memory_space<vmem>> -> memref<1x128x32xf32, #tpu.memory_space<vmem>>
        %gather3A_1083 = tpu.memref_squeeze %gather3A_1082 : memref<1x128x32xf32, #tpu.memory_space<vmem>> -> memref<128x32xf32, #tpu.memory_space<vmem>>
        %gather3A_1084 = tpu.vector_load_idx %gather3A_1083[%add3A_571, %add3A_1078] : memref<128x32xf32, #tpu.memory_space<vmem>>[vector<16xi32>, vector<16xi32>], vector<16xf32>,
        %add3A_1085 = arith.constant 0 : i32
        %add3A_1086 = vector.broadcast %add3A_1085 : i32 to vector<16xi32>
        %add3A_1087 = arith.addi %shift_right_arithmetic3A_229, %add3A_1086 : vector<16xi32>
        %scatter3A_1088 = arith.constant 0 : i32
        %scatter3A_1089 = arith.constant 0 : i32
        %scatter3A_1090 = arith.constant 0 : i32
        %scatter3A_1091 = tpu.memref_slice %arg7[%scatter3A_1088, %scatter3A_1089, %scatter3A_1090] : memref<2x4x1024xf32, #tpu.memory_space<vmem>> -> memref<1x4x1024xf32, #tpu.memory_space<vmem>>
        %scatter3A_1092 = tpu.memref_squeeze %scatter3A_1091 : memref<1x4x1024xf32, #tpu.memory_space<vmem>> -> memref<4x1024xf32, #tpu.memory_space<vmem>>
        tpu.vector_store_idx %scatter3A_1092[%add3A_1087, %add3A_1075], %gather3A_1084 : memref<4x1024xf32, #tpu.memory_space<vmem>>[vector<16xi32>, vector<16xi32>], vector<16xf32>,
        %add3A_1093 = arith.constant 16 : i32
        %add3A_1094 = vector.broadcast %add3A_1093 : i32 to vector<16xi32>
        %add3A_1095 = arith.addi %and3A_89, %add3A_1094 : vector<16xi32>
        %gather3A_1096 = arith.constant 0 : i32
        %gather3A_1097 = arith.constant 0 : i32
        %gather3A_1098 = arith.constant 0 : i32
        %gather3A_1099 = tpu.memref_slice %arg6[%gather3A_1096, %gather3A_1097, %gather3A_1098] : memref<2x128x32xf32, #tpu.memory_space<vmem>> -> memref<1x128x32xf32, #tpu.memory_space<vmem>>
        %gather3A_1100 = tpu.memref_squeeze %gather3A_1099 : memref<1x128x32xf32, #tpu.memory_space<vmem>> -> memref<128x32xf32, #tpu.memory_space<vmem>>
        %gather3A_1101 = tpu.vector_load_idx %gather3A_1100[%add3A_571, %add3A_1095] : memref<128x32xf32, #tpu.memory_space<vmem>>[vector<16xi32>, vector<16xi32>], vector<16xf32>,
        %add3A_1102 = arith.constant 2 : i32
        %add3A_1103 = vector.broadcast %add3A_1102 : i32 to vector<16xi32>
        %add3A_1104 = arith.addi %shift_right_arithmetic3A_229, %add3A_1103 : vector<16xi32>
        %scatter3A_1105 = arith.constant 0 : i32
        %scatter3A_1106 = arith.constant 0 : i32
        %scatter3A_1107 = arith.constant 0 : i32
        %scatter3A_1108 = tpu.memref_slice %arg7[%scatter3A_1105, %scatter3A_1106, %scatter3A_1107] : memref<2x4x1024xf32, #tpu.memory_space<vmem>> -> memref<1x4x1024xf32, #tpu.memory_space<vmem>>
        %scatter3A_1109 = tpu.memref_squeeze %scatter3A_1108 : memref<1x4x1024xf32, #tpu.memory_space<vmem>> -> memref<4x1024xf32, #tpu.memory_space<vmem>>
        tpu.vector_store_idx %scatter3A_1109[%add3A_1104, %add3A_1075], %gather3A_1101 : memref<4x1024xf32, #tpu.memory_space<vmem>>[vector<16xi32>, vector<16xi32>], vector<16xf32>,
        %add3A_1110 = vector.broadcast %mul3A_569 : i32 to vector<16xi32>
        %add3A_1111 = arith.addi %add3A_398, %add3A_1110 : vector<16xi32>
        %add3A_1112 = arith.constant 0 : i32
        %add3A_1113 = vector.broadcast %add3A_1112 : i32 to vector<16xi32>
        %add3A_1114 = arith.addi %and3A_95, %add3A_1113 : vector<16xi32>
        %gather3A_1115 = arith.constant 0 : i32
        %gather3A_1116 = arith.constant 0 : i32
        %gather3A_1117 = arith.constant 0 : i32
        %gather3A_1118 = tpu.memref_slice %arg6[%gather3A_1115, %gather3A_1116, %gather3A_1117] : memref<2x128x32xf32, #tpu.memory_space<vmem>> -> memref<1x128x32xf32, #tpu.memory_space<vmem>>
        %gather3A_1119 = tpu.memref_squeeze %gather3A_1118 : memref<1x128x32xf32, #tpu.memory_space<vmem>> -> memref<128x32xf32, #tpu.memory_space<vmem>>
        %gather3A_1120 = tpu.vector_load_idx %gather3A_1119[%add3A_571, %add3A_1114] : memref<128x32xf32, #tpu.memory_space<vmem>>[vector<16xi32>, vector<16xi32>], vector<16xf32>,
        %add3A_1121 = arith.constant 0 : i32
        %add3A_1122 = vector.broadcast %add3A_1121 : i32 to vector<16xi32>
        %add3A_1123 = arith.addi %shift_right_arithmetic3A_238, %add3A_1122 : vector<16xi32>
        %scatter3A_1124 = arith.constant 0 : i32
        %scatter3A_1125 = arith.constant 0 : i32
        %scatter3A_1126 = arith.constant 0 : i32
        %scatter3A_1127 = tpu.memref_slice %arg7[%scatter3A_1124, %scatter3A_1125, %scatter3A_1126] : memref<2x4x1024xf32, #tpu.memory_space<vmem>> -> memref<1x4x1024xf32, #tpu.memory_space<vmem>>
        %scatter3A_1128 = tpu.memref_squeeze %scatter3A_1127 : memref<1x4x1024xf32, #tpu.memory_space<vmem>> -> memref<4x1024xf32, #tpu.memory_space<vmem>>
        tpu.vector_store_idx %scatter3A_1128[%add3A_1123, %add3A_1111], %gather3A_1120 : memref<4x1024xf32, #tpu.memory_space<vmem>>[vector<16xi32>, vector<16xi32>], vector<16xf32>,
        %add3A_1129 = arith.constant 16 : i32
        %add3A_1130 = vector.broadcast %add3A_1129 : i32 to vector<16xi32>
        %add3A_1131 = arith.addi %and3A_95, %add3A_1130 : vector<16xi32>
        %gather3A_1132 = arith.constant 0 : i32
        %gather3A_1133 = arith.constant 0 : i32
        %gather3A_1134 = arith.constant 0 : i32
        %gather3A_1135 = tpu.memref_slice %arg6[%gather3A_1132, %gather3A_1133, %gather3A_1134] : memref<2x128x32xf32, #tpu.memory_space<vmem>> -> memref<1x128x32xf32, #tpu.memory_space<vmem>>
        %gather3A_1136 = tpu.memref_squeeze %gather3A_1135 : memref<1x128x32xf32, #tpu.memory_space<vmem>> -> memref<128x32xf32, #tpu.memory_space<vmem>>
        %gather3A_1137 = tpu.vector_load_idx %gather3A_1136[%add3A_571, %add3A_1131] : memref<128x32xf32, #tpu.memory_space<vmem>>[vector<16xi32>, vector<16xi32>], vector<16xf32>,
        %add3A_1138 = arith.constant 2 : i32
        %add3A_1139 = vector.broadcast %add3A_1138 : i32 to vector<16xi32>
        %add3A_1140 = arith.addi %shift_right_arithmetic3A_238, %add3A_1139 : vector<16xi32>
        %scatter3A_1141 = arith.constant 0 : i32
        %scatter3A_1142 = arith.constant 0 : i32
        %scatter3A_1143 = arith.constant 0 : i32
        %scatter3A_1144 = tpu.memref_slice %arg7[%scatter3A_1141, %scatter3A_1142, %scatter3A_1143] : memref<2x4x1024xf32, #tpu.memory_space<vmem>> -> memref<1x4x1024xf32, #tpu.memory_space<vmem>>
        %scatter3A_1145 = tpu.memref_squeeze %scatter3A_1144 : memref<1x4x1024xf32, #tpu.memory_space<vmem>> -> memref<4x1024xf32, #tpu.memory_space<vmem>>
        tpu.vector_store_idx %scatter3A_1145[%add3A_1140, %add3A_1111], %gather3A_1137 : memref<4x1024xf32, #tpu.memory_space<vmem>>[vector<16xi32>, vector<16xi32>], vector<16xf32>,
      }
      %scan3A_493 = arith.constant 8 : i32
      %lt3A = arith.constant 99 : i32
      %lt3A_494 = arith.cmpi slt, %scan3A_466, %lt3A : i32
      %convert_element_type3A_495 = arith.extui %lt3A_494 : i1 to i32
      %cond3A_496 = arith.constant 0 : i32
      %cond3A_497 = arith.cmpi ne, %convert_element_type3A_495, %cond3A_496 : i32
      scf.if %cond3A_497 {
        %add3A_567 = arith.constant 2 : i32
        %add3A_568 = arith.addi %add3A_470, %add3A_567 : i32
        %jit3A = arith.constant 8 : i32
        %div3A = arith.divsi %add3A_568, %jit3A : i32
        %sign3A = arith.constant 0 : i32
        %sign3A_569 = arith.cmpi sgt, %add3A_568, %sign3A : i32
        %sign3A_570 = arith.extui %sign3A_569 : i1 to i32
        %sign3A_571 = arith.constant 0 : i32
        %sign3A_572 = arith.cmpi slt, %add3A_568, %sign3A_571 : i32
        %sign3A_573 = arith.extui %sign3A_572 : i1 to i32
        %sign3A_574 = arith.subi %sign3A_570, %sign3A_573 : i32
        %sign3A_575 = arith.constant 0 : i32
        %sign3A_576 = arith.cmpi sgt, %jit3A, %sign3A_575 : i32
        %sign3A_577 = arith.extui %sign3A_576 : i1 to i32
        %sign3A_578 = arith.constant 0 : i32
        %sign3A_579 = arith.cmpi slt, %jit3A, %sign3A_578 : i32
        %sign3A_580 = arith.extui %sign3A_579 : i1 to i32
        %sign3A_581 = arith.subi %sign3A_577, %sign3A_580 : i32
        %ne3A = arith.cmpi ne, %sign3A_574, %sign3A_581 : i32
        %rem3A = arith.remsi %add3A_568, %jit3A : i32
        %ne3A_582 = arith.constant 0 : i32
        %ne3A_583 = arith.cmpi ne, %rem3A, %ne3A_582 : i32
        %and3A_584 = arith.andi %ne3A, %ne3A_583 : i1
        %sub3A = arith.constant 1 : i32
        %sub3A_585 = arith.subi %div3A, %sub3A : i32
        %select_n3A = arith.select %and3A_584, %sub3A_585, %div3A : i32
        %jit3A_586 = arith.constant 8 : i32
        %eq3A = arith.constant 0 : i32
        %eq3A_587 = arith.cmpi eq, %jit3A_586, %eq3A : i32
        %jit3A_588 = arith.constant 1 : i32
        %select_n3A_589 = arith.select %eq3A_587, %jit3A_588, %jit3A_586 : i32
        %rem3A_590 = arith.remsi %add3A_568, %select_n3A_589 : i32
        %ne3A_591 = arith.constant 0 : i32
        %ne3A_592 = arith.cmpi ne, %rem3A_590, %ne3A_591 : i32
        %lt3A_593 = arith.constant 0 : i32
        %lt3A_594 = arith.cmpi slt, %rem3A_590, %lt3A_593 : i32
        %lt3A_595 = arith.constant 0 : i32
        %lt3A_596 = arith.cmpi slt, %select_n3A_589, %lt3A_595 : i32
        %ne3A_597 = arith.xori %lt3A_594, %lt3A_596 : i1
        %and3A_598 = arith.andi %ne3A_597, %ne3A_592 : i1
        %add3A_599 = arith.addi %rem3A_590, %select_n3A_589 : i32
        %select_n3A_600 = arith.select %and3A_598, %add3A_599, %rem3A_590 : i32
        %dma_start3A_601 = arith.constant 0 : i32
        %dma_start3A_602 = arith.constant 0 : i32
        %dma_start3A_603 = arith.constant 0 : i32
        %dma_start3A_604 = tpu.memref_slice %arg6[%dma_start3A_601, %dma_start3A_602, %dma_start3A_603] : memref<2x128x32xf32, #tpu.memory_space<vmem>> -> memref<1x128x32xf32, #tpu.memory_space<vmem>>
        %dma_start3A_605 = tpu.memref_squeeze %dma_start3A_604 : memref<1x128x32xf32, #tpu.memory_space<vmem>> -> memref<128x32xf32, #tpu.memory_space<vmem>>
        %dma_start3A_606 = arith.constant 0 : i32
        %dma_start3A_607 = tpu.memref_slice %arg5[%select_n3A, %select_n3A_600, %dma_start3A_606] : memref<25x8x128xi32, #tpu.memory_space<vmem>> -> memref<1x1x128xi32, #tpu.memory_space<vmem>>
        %dma_start3A_608 = tpu.memref_squeeze %dma_start3A_607 : memref<1x1x128xi32, #tpu.memory_space<vmem>> -> memref<128xi32, #tpu.memory_space<vmem>>
        %dma_start3A_609 = arith.constant 0 : i32
        %dma_start3A_610 = arith.constant 0 : i32
        %dma_start3A_611 = tpu.memref_slice %arg2[%dma_start3A_609, %dma_start3A_610] : memref<1000000x32xf32, #tpu.memory_space<hbm>> -> memref<1000000x32xf32, #tpu.memory_space<hbm>>
        tpu.enqueue_indirect_dma source(%dma_start3A_611 : memref<1000000x32xf32, #tpu.memory_space<hbm>>) target(%dma_start3A_605 : memref<128x32xf32, #tpu.memory_space<vmem>>) offsets(%dma_start3A_608 : memref<128xi32, #tpu.memory_space<vmem>>) semaphore(%arg8 : memref<!tpu.dma_semaphore, #tpu.memory_space<semaphore_mem>>)
      } else {
      }
      %dma_start3A_498 = arith.constant 0 : i32
      %dma_start3A_499 = arith.constant 0 : i32
      %dma_start3A_500 = arith.constant 0 : i32
      %dma_start3A_501 = tpu.memref_slice %arg7[%dma_start3A_498, %dma_start3A_499, %dma_start3A_500] : memref<2x4x1024xf32, #tpu.memory_space<vmem>> -> memref<1x4x1024xf32, #tpu.memory_space<vmem>>
      %dma_start3A_502 = tpu.memref_squeeze %dma_start3A_501 : memref<1x4x1024xf32, #tpu.memory_space<vmem>> -> memref<4x1024xf32, #tpu.memory_space<vmem>>
      %dma_start3A_503 = arith.constant 0 : i32
      %dma_start3A_504 = arith.constant 0 : i32
      %dma_start3A_505 = tpu.memref_slice %arg4[%add3A_470, %dma_start3A_503, %add3A, %dma_start3A_504] : memref<200x4x32x1024xf32, #tpu.memory_space<hbm>> -> memref<1x4x1x1024xf32, #tpu.memory_space<hbm>>
      %dma_start3A_506 = tpu.memref_squeeze %dma_start3A_505 : memref<1x4x1x1024xf32, #tpu.memory_space<hbm>> -> memref<4x1024xf32, #tpu.memory_space<hbm>>
      %dma_start3A_507 = arith.constant 0 : i32
      %dma_start3A_508 = arith.constant 0 : i32
      %dma_start3A_509 = tpu.memref_slice %arg4[%add3A_470, %dma_start3A_507, %add3A, %dma_start3A_508] : memref<200x4x32x1024xf32, #tpu.memory_space<hbm>> -> memref<1x4x1x1024xf32, #tpu.memory_space<hbm>>
      %dma_start3A_510 = tpu.memref_squeeze %dma_start3A_509 : memref<1x4x1x1024xf32, #tpu.memory_space<hbm>> -> memref<4x1024xf32, #tpu.memory_space<hbm>>
      %dma_start3A_511 = arith.constant 0 : i32
      %dma_start3A_512 = arith.constant 0 : i32
      %dma_start3A_513 = tpu.memref_slice %arg7[%dma_start3A_498, %dma_start3A_511, %dma_start3A_512] : memref<2x4x1024xf32, #tpu.memory_space<vmem>> -> memref<1x4x1024xf32, #tpu.memory_space<vmem>>
      %dma_start3A_514 = tpu.memref_squeeze %dma_start3A_513 : memref<1x4x1024xf32, #tpu.memory_space<vmem>> -> memref<4x1024xf32, #tpu.memory_space<vmem>>
      tpu.enqueue_dma source(%dma_start3A_514 : memref<4x1024xf32, #tpu.memory_space<vmem>>) target(%dma_start3A_510 : memref<4x1024xf32, #tpu.memory_space<hbm>>) target_semaphore(%arg10 : memref<!tpu.dma_semaphore, #tpu.memory_space<semaphore_mem>>)
      %mul3A_515 = arith.constant 2 : i32
      %mul3A_516 = arith.muli %mul3A_515, %scan3A_466 : i32
      %add3A_517 = arith.constant 1 : i32
      %add3A_518 = arith.addi %mul3A_516, %add3A_517 : i32
      %dma_wait3A_519 = arith.constant 1 : i32
      %dma_wait3A_520 = arith.constant 0 : i32
      %dma_wait3A_521 = arith.constant 0 : i32
      %dma_wait3A_522 = tpu.memref_slice %arg6[%dma_wait3A_519, %dma_wait3A_520, %dma_wait3A_521] : memref<2x128x32xf32, #tpu.memory_space<vmem>> -> memref<1x128x32xf32, #tpu.memory_space<vmem>>
      %dma_wait3A_523 = tpu.memref_squeeze %dma_wait3A_522 : memref<1x128x32xf32, #tpu.memory_space<vmem>> -> memref<128x32xf32, #tpu.memory_space<vmem>>
      %dma_wait3A_524 = arith.constant 0 : i32
      %dma_wait3A_525 = arith.constant 0 : i32
      %dma_wait3A_526 = tpu.memref_slice %arg2[%dma_wait3A_524, %dma_wait3A_525] : memref<1000000x32xf32, #tpu.memory_space<hbm>> -> memref<128x32xf32, #tpu.memory_space<hbm>>
      %dma_wait3A_527 = arith.constant 0 : i32
      %dma_wait3A_528 = arith.constant 0 : i32
      %dma_wait3A_529 = tpu.memref_slice %arg6[%dma_wait3A_519, %dma_wait3A_527, %dma_wait3A_528] : memref<2x128x32xf32, #tpu.memory_space<vmem>> -> memref<1x128x32xf32, #tpu.memory_space<vmem>>
      %dma_wait3A_530 = tpu.memref_squeeze %dma_wait3A_529 : memref<1x128x32xf32, #tpu.memory_space<vmem>> -> memref<128x32xf32, #tpu.memory_space<vmem>>
      %dma_wait3A_531 = arith.constant 0 : i32
      %dma_wait3A_532 = arith.constant 0 : i32
      %dma_wait3A_533 = tpu.memref_slice %arg2[%dma_wait3A_531, %dma_wait3A_532] : memref<1000000x32xf32, #tpu.memory_space<hbm>> -> memref<128x32xf32, #tpu.memory_space<hbm>>
      tpu.wait_dma2 semaphore(%arg9 : memref<!tpu.dma_semaphore, #tpu.memory_space<semaphore_mem>>) src(%dma_wait3A_533 : memref<128x32xf32, #tpu.memory_space<hbm>>) dst(%dma_wait3A_530 : memref<128x32xf32, #tpu.memory_space<vmem>>)
      %ge3A_534 = arith.constant 1 : i32
      %ge3A_535 = arith.cmpi sge, %scan3A_466, %ge3A_534 : i32
      %convert_element_type3A_536 = arith.extui %ge3A_535 : i1 to i32
      %cond3A_537 = arith.constant 0 : i32
      %cond3A_538 = arith.cmpi ne, %convert_element_type3A_536, %cond3A_537 : i32
      scf.if %cond3A_538 {
        %dma_wait3A_567 = arith.constant 0 : i32
        %dma_wait3A_568 = arith.constant 0 : i32
        %dma_wait3A_569 = arith.constant 1 : i32
        %dma_wait3A_570 = arith.constant 0 : i32
        %dma_wait3A_571 = arith.constant 0 : i32
        %dma_wait3A_572 = tpu.memref_slice %arg7[%dma_wait3A_569, %dma_wait3A_570, %dma_wait3A_571] : memref<2x4x1024xf32, #tpu.memory_space<vmem>> -> memref<1x4x1024xf32, #tpu.memory_space<vmem>>
        %dma_wait3A_573 = tpu.memref_squeeze %dma_wait3A_572 : memref<1x4x1024xf32, #tpu.memory_space<vmem>> -> memref<4x1024xf32, #tpu.memory_space<vmem>>
        %dma_wait3A_574 = arith.constant 0 : i32
        %dma_wait3A_575 = arith.constant 0 : i32
        %dma_wait3A_576 = tpu.memref_slice %arg4[%dma_wait3A_567, %dma_wait3A_574, %dma_wait3A_568, %dma_wait3A_575] : memref<200x4x32x1024xf32, #tpu.memory_space<hbm>> -> memref<1x4x1x1024xf32, #tpu.memory_space<hbm>>
        %dma_wait3A_577 = tpu.memref_squeeze %dma_wait3A_576 : memref<1x4x1x1024xf32, #tpu.memory_space<hbm>> -> memref<4x1024xf32, #tpu.memory_space<hbm>>
        %dma_wait3A_578 = arith.constant 0 : i32
        %dma_wait3A_579 = arith.constant 0 : i32
        %dma_wait3A_580 = tpu.memref_slice %arg7[%dma_wait3A_569, %dma_wait3A_578, %dma_wait3A_579] : memref<2x4x1024xf32, #tpu.memory_space<vmem>> -> memref<1x4x1024xf32, #tpu.memory_space<vmem>>
        %dma_wait3A_581 = tpu.memref_squeeze %dma_wait3A_580 : memref<1x4x1024xf32, #tpu.memory_space<vmem>> -> memref<4x1024xf32, #tpu.memory_space<vmem>>
        %dma_wait3A_582 = arith.constant 0 : i32
        %dma_wait3A_583 = arith.constant 0 : i32
        %dma_wait3A_584 = tpu.memref_slice %arg4[%dma_wait3A_567, %dma_wait3A_582, %dma_wait3A_568, %dma_wait3A_583] : memref<200x4x32x1024xf32, #tpu.memory_space<hbm>> -> memref<1x4x1x1024xf32, #tpu.memory_space<hbm>>
        %dma_wait3A_585 = tpu.memref_squeeze %dma_wait3A_584 : memref<1x4x1x1024xf32, #tpu.memory_space<hbm>> -> memref<4x1024xf32, #tpu.memory_space<hbm>>
        tpu.wait_dma2 semaphore(%arg11 : memref<!tpu.dma_semaphore, #tpu.memory_space<semaphore_mem>>) src(%dma_wait3A_585 : memref<4x1024xf32, #tpu.memory_space<hbm>>) dst(%dma_wait3A_581 : memref<4x1024xf32, #tpu.memory_space<vmem>>)
      } else {
      }
      %scan3A_539 = arith.constant 0 : i32
      %scan3A_540 = arith.constant 0 : i32
      %scan3A_541 = arith.constant 8 : i32
      %scan3A_542 = arith.addi %scan3A_540, %scan3A_541 : i32
      %scan3A_543 = arith.constant 1 : i32
      scf.for %scan3A_567 = %scan3A_540 to %scan3A_542 step %scan3A_543  : i32 {
        %mul3A_568 = arith.constant 16 : i32
        %mul3A_569 = arith.muli %scan3A_567, %mul3A_568 : i32
        %add3A_570 = vector.broadcast %mul3A_569 : i32 to vector<16xi32>
        %add3A_571 = arith.addi %iota3A, %add3A_570 : vector<16xi32>
        %add3A_572 = vector.broadcast %mul3A_569 : i32 to vector<16xi32>
        %add3A_573 = arith.addi %add3A_248, %add3A_572 : vector<16xi32>
        %add3A_574 = arith.constant 0 : i32
        %add3A_575 = vector.broadcast %add3A_574 : i32 to vector<16xi32>
        %add3A_576 = arith.addi %and3A_5, %add3A_575 : vector<16xi32>
        %gather3A = arith.constant 1 : i32
        %gather3A_577 = arith.constant 0 : i32
        %gather3A_578 = arith.constant 0 : i32
        %gather3A_579 = tpu.memref_slice %arg6[%gather3A, %gather3A_577, %gather3A_578] : memref<2x128x32xf32, #tpu.memory_space<vmem>> -> memref<1x128x32xf32, #tpu.memory_space<vmem>>
        %gather3A_580 = tpu.memref_squeeze %gather3A_579 : memref<1x128x32xf32, #tpu.memory_space<vmem>> -> memref<128x32xf32, #tpu.memory_space<vmem>>
        %gather3A_581 = tpu.vector_load_idx %gather3A_580[%add3A_571, %add3A_576] : memref<128x32xf32, #tpu.memory_space<vmem>>[vector<16xi32>, vector<16xi32>], vector<16xf32>,
        %add3A_582 = arith.constant 0 : i32
        %add3A_583 = vector.broadcast %add3A_582 : i32 to vector<16xi32>
        %add3A_584 = arith.addi %shift_right_arithmetic3A_103, %add3A_583 : vector<16xi32>
        %scatter3A = arith.constant 1 : i32
        %scatter3A_585 = arith.constant 0 : i32
        %scatter3A_586 = arith.constant 0 : i32
        %scatter3A_587 = tpu.memref_slice %arg7[%scatter3A, %scatter3A_585, %scatter3A_586] : memref<2x4x1024xf32, #tpu.memory_space<vmem>> -> memref<1x4x1024xf32, #tpu.memory_space<vmem>>
        %scatter3A_588 = tpu.memref_squeeze %scatter3A_587 : memref<1x4x1024xf32, #tpu.memory_space<vmem>> -> memref<4x1024xf32, #tpu.memory_space<vmem>>
        tpu.vector_store_idx %scatter3A_588[%add3A_584, %add3A_573], %gather3A_581 : memref<4x1024xf32, #tpu.memory_space<vmem>>[vector<16xi32>, vector<16xi32>], vector<16xf32>,
        %add3A_589 = arith.constant 16 : i32
        %add3A_590 = vector.broadcast %add3A_589 : i32 to vector<16xi32>
        %add3A_591 = arith.addi %and3A_5, %add3A_590 : vector<16xi32>
        %gather3A_592 = arith.constant 1 : i32
        %gather3A_593 = arith.constant 0 : i32
        %gather3A_594 = arith.constant 0 : i32
        %gather3A_595 = tpu.memref_slice %arg6[%gather3A_592, %gather3A_593, %gather3A_594] : memref<2x128x32xf32, #tpu.memory_space<vmem>> -> memref<1x128x32xf32, #tpu.memory_space<vmem>>
        %gather3A_596 = tpu.memref_squeeze %gather3A_595 : memref<1x128x32xf32, #tpu.memory_space<vmem>> -> memref<128x32xf32, #tpu.memory_space<vmem>>
        %gather3A_597 = tpu.vector_load_idx %gather3A_596[%add3A_571, %add3A_591] : memref<128x32xf32, #tpu.memory_space<vmem>>[vector<16xi32>, vector<16xi32>], vector<16xf32>,
        %add3A_598 = arith.constant 2 : i32
        %add3A_599 = vector.broadcast %add3A_598 : i32 to vector<16xi32>
        %add3A_600 = arith.addi %shift_right_arithmetic3A_103, %add3A_599 : vector<16xi32>
        %scatter3A_601 = arith.constant 1 : i32
        %scatter3A_602 = arith.constant 0 : i32
        %scatter3A_603 = arith.constant 0 : i32
        %scatter3A_604 = tpu.memref_slice %arg7[%scatter3A_601, %scatter3A_602, %scatter3A_603] : memref<2x4x1024xf32, #tpu.memory_space<vmem>> -> memref<1x4x1024xf32, #tpu.memory_space<vmem>>
        %scatter3A_605 = tpu.memref_squeeze %scatter3A_604 : memref<1x4x1024xf32, #tpu.memory_space<vmem>> -> memref<4x1024xf32, #tpu.memory_space<vmem>>
        tpu.vector_store_idx %scatter3A_605[%add3A_600, %add3A_573], %gather3A_597 : memref<4x1024xf32, #tpu.memory_space<vmem>>[vector<16xi32>, vector<16xi32>], vector<16xf32>,
        %add3A_606 = vector.broadcast %mul3A_569 : i32 to vector<16xi32>
        %add3A_607 = arith.addi %add3A_258, %add3A_606 : vector<16xi32>
        %add3A_608 = arith.constant 0 : i32
        %add3A_609 = vector.broadcast %add3A_608 : i32 to vector<16xi32>
        %add3A_610 = arith.addi %and3A_11, %add3A_609 : vector<16xi32>
        %gather3A_611 = arith.constant 1 : i32
        %gather3A_612 = arith.constant 0 : i32
        %gather3A_613 = arith.constant 0 : i32
        %gather3A_614 = tpu.memref_slice %arg6[%gather3A_611, %gather3A_612, %gather3A_613] : memref<2x128x32xf32, #tpu.memory_space<vmem>> -> memref<1x128x32xf32, #tpu.memory_space<vmem>>
        %gather3A_615 = tpu.memref_squeeze %gather3A_614 : memref<1x128x32xf32, #tpu.memory_space<vmem>> -> memref<128x32xf32, #tpu.memory_space<vmem>>
        %gather3A_616 = tpu.vector_load_idx %gather3A_615[%add3A_571, %add3A_610] : memref<128x32xf32, #tpu.memory_space<vmem>>[vector<16xi32>, vector<16xi32>], vector<16xf32>,
        %add3A_617 = arith.constant 0 : i32
        %add3A_618 = vector.broadcast %add3A_617 : i32 to vector<16xi32>
        %add3A_619 = arith.addi %shift_right_arithmetic3A_112, %add3A_618 : vector<16xi32>
        %scatter3A_620 = arith.constant 1 : i32
        %scatter3A_621 = arith.constant 0 : i32
        %scatter3A_622 = arith.constant 0 : i32
        %scatter3A_623 = tpu.memref_slice %arg7[%scatter3A_620, %scatter3A_621, %scatter3A_622] : memref<2x4x1024xf32, #tpu.memory_space<vmem>> -> memref<1x4x1024xf32, #tpu.memory_space<vmem>>
        %scatter3A_624 = tpu.memref_squeeze %scatter3A_623 : memref<1x4x1024xf32, #tpu.memory_space<vmem>> -> memref<4x1024xf32, #tpu.memory_space<vmem>>
        tpu.vector_store_idx %scatter3A_624[%add3A_619, %add3A_607], %gather3A_616 : memref<4x1024xf32, #tpu.memory_space<vmem>>[vector<16xi32>, vector<16xi32>], vector<16xf32>,
        %add3A_625 = arith.constant 16 : i32
        %add3A_626 = vector.broadcast %add3A_625 : i32 to vector<16xi32>
        %add3A_627 = arith.addi %and3A_11, %add3A_626 : vector<16xi32>
        %gather3A_628 = arith.constant 1 : i32
        %gather3A_629 = arith.constant 0 : i32
        %gather3A_630 = arith.constant 0 : i32
        %gather3A_631 = tpu.memref_slice %arg6[%gather3A_628, %gather3A_629, %gather3A_630] : memref<2x128x32xf32, #tpu.memory_space<vmem>> -> memref<1x128x32xf32, #tpu.memory_space<vmem>>
        %gather3A_632 = tpu.memref_squeeze %gather3A_631 : memref<1x128x32xf32, #tpu.memory_space<vmem>> -> memref<128x32xf32, #tpu.memory_space<vmem>>
        %gather3A_633 = tpu.vector_load_idx %gather3A_632[%add3A_571, %add3A_627] : memref<128x32xf32, #tpu.memory_space<vmem>>[vector<16xi32>, vector<16xi32>], vector<16xf32>,
        %add3A_634 = arith.constant 2 : i32
        %add3A_635 = vector.broadcast %add3A_634 : i32 to vector<16xi32>
        %add3A_636 = arith.addi %shift_right_arithmetic3A_112, %add3A_635 : vector<16xi32>
        %scatter3A_637 = arith.constant 1 : i32
        %scatter3A_638 = arith.constant 0 : i32
        %scatter3A_639 = arith.constant 0 : i32
        %scatter3A_640 = tpu.memref_slice %arg7[%scatter3A_637, %scatter3A_638, %scatter3A_639] : memref<2x4x1024xf32, #tpu.memory_space<vmem>> -> memref<1x4x1024xf32, #tpu.memory_space<vmem>>
        %scatter3A_641 = tpu.memref_squeeze %scatter3A_640 : memref<1x4x1024xf32, #tpu.memory_space<vmem>> -> memref<4x1024xf32, #tpu.memory_space<vmem>>
        tpu.vector_store_idx %scatter3A_641[%add3A_636, %add3A_607], %gather3A_633 : memref<4x1024xf32, #tpu.memory_space<vmem>>[vector<16xi32>, vector<16xi32>], vector<16xf32>,
        %add3A_642 = vector.broadcast %mul3A_569 : i32 to vector<16xi32>
        %add3A_643 = arith.addi %add3A_268, %add3A_642 : vector<16xi32>
        %add3A_644 = arith.constant 0 : i32
        %add3A_645 = vector.broadcast %add3A_644 : i32 to vector<16xi32>
        %add3A_646 = arith.addi %and3A_17, %add3A_645 : vector<16xi32>
        %gather3A_647 = arith.constant 1 : i32
        %gather3A_648 = arith.constant 0 : i32
        %gather3A_649 = arith.constant 0 : i32
        %gather3A_650 = tpu.memref_slice %arg6[%gather3A_647, %gather3A_648, %gather3A_649] : memref<2x128x32xf32, #tpu.memory_space<vmem>> -> memref<1x128x32xf32, #tpu.memory_space<vmem>>
        %gather3A_651 = tpu.memref_squeeze %gather3A_650 : memref<1x128x32xf32, #tpu.memory_space<vmem>> -> memref<128x32xf32, #tpu.memory_space<vmem>>
        %gather3A_652 = tpu.vector_load_idx %gather3A_651[%add3A_571, %add3A_646] : memref<128x32xf32, #tpu.memory_space<vmem>>[vector<16xi32>, vector<16xi32>], vector<16xf32>,
        %add3A_653 = arith.constant 0 : i32
        %add3A_654 = vector.broadcast %add3A_653 : i32 to vector<16xi32>
        %add3A_655 = arith.addi %shift_right_arithmetic3A_121, %add3A_654 : vector<16xi32>
        %scatter3A_656 = arith.constant 1 : i32
        %scatter3A_657 = arith.constant 0 : i32
        %scatter3A_658 = arith.constant 0 : i32
        %scatter3A_659 = tpu.memref_slice %arg7[%scatter3A_656, %scatter3A_657, %scatter3A_658] : memref<2x4x1024xf32, #tpu.memory_space<vmem>> -> memref<1x4x1024xf32, #tpu.memory_space<vmem>>
        %scatter3A_660 = tpu.memref_squeeze %scatter3A_659 : memref<1x4x1024xf32, #tpu.memory_space<vmem>> -> memref<4x1024xf32, #tpu.memory_space<vmem>>
        tpu.vector_store_idx %scatter3A_660[%add3A_655, %add3A_643], %gather3A_652 : memref<4x1024xf32, #tpu.memory_space<vmem>>[vector<16xi32>, vector<16xi32>], vector<16xf32>,
        %add3A_661 = arith.constant 16 : i32
        %add3A_662 = vector.broadcast %add3A_661 : i32 to vector<16xi32>
        %add3A_663 = arith.addi %and3A_17, %add3A_662 : vector<16xi32>
        %gather3A_664 = arith.constant 1 : i32
        %gather3A_665 = arith.constant 0 : i32
        %gather3A_666 = arith.constant 0 : i32
        %gather3A_667 = tpu.memref_slice %arg6[%gather3A_664, %gather3A_665, %gather3A_666] : memref<2x128x32xf32, #tpu.memory_space<vmem>> -> memref<1x128x32xf32, #tpu.memory_space<vmem>>
        %gather3A_668 = tpu.memref_squeeze %gather3A_667 : memref<1x128x32xf32, #tpu.memory_space<vmem>> -> memref<128x32xf32, #tpu.memory_space<vmem>>
        %gather3A_669 = tpu.vector_load_idx %gather3A_668[%add3A_571, %add3A_663] : memref<128x32xf32, #tpu.memory_space<vmem>>[vector<16xi32>, vector<16xi32>], vector<16xf32>,
        %add3A_670 = arith.constant 2 : i32
        %add3A_671 = vector.broadcast %add3A_670 : i32 to vector<16xi32>
        %add3A_672 = arith.addi %shift_right_arithmetic3A_121, %add3A_671 : vector<16xi32>
        %scatter3A_673 = arith.constant 1 : i32
        %scatter3A_674 = arith.constant 0 : i32
        %scatter3A_675 = arith.constant 0 : i32
        %scatter3A_676 = tpu.memref_slice %arg7[%scatter3A_673, %scatter3A_674, %scatter3A_675] : memref<2x4x1024xf32, #tpu.memory_space<vmem>> -> memref<1x4x1024xf32, #tpu.memory_space<vmem>>
        %scatter3A_677 = tpu.memref_squeeze %scatter3A_676 : memref<1x4x1024xf32, #tpu.memory_space<vmem>> -> memref<4x1024xf32, #tpu.memory_space<vmem>>
        tpu.vector_store_idx %scatter3A_677[%add3A_672, %add3A_643], %gather3A_669 : memref<4x1024xf32, #tpu.memory_space<vmem>>[vector<16xi32>, vector<16xi32>], vector<16xf32>,
        %add3A_678 = vector.broadcast %mul3A_569 : i32 to vector<16xi32>
        %add3A_679 = arith.addi %add3A_278, %add3A_678 : vector<16xi32>
        %add3A_680 = arith.constant 0 : i32
        %add3A_681 = vector.broadcast %add3A_680 : i32 to vector<16xi32>
        %add3A_682 = arith.addi %and3A_23, %add3A_681 : vector<16xi32>
        %gather3A_683 = arith.constant 1 : i32
        %gather3A_684 = arith.constant 0 : i32
        %gather3A_685 = arith.constant 0 : i32
        %gather3A_686 = tpu.memref_slice %arg6[%gather3A_683, %gather3A_684, %gather3A_685] : memref<2x128x32xf32, #tpu.memory_space<vmem>> -> memref<1x128x32xf32, #tpu.memory_space<vmem>>
        %gather3A_687 = tpu.memref_squeeze %gather3A_686 : memref<1x128x32xf32, #tpu.memory_space<vmem>> -> memref<128x32xf32, #tpu.memory_space<vmem>>
        %gather3A_688 = tpu.vector_load_idx %gather3A_687[%add3A_571, %add3A_682] : memref<128x32xf32, #tpu.memory_space<vmem>>[vector<16xi32>, vector<16xi32>], vector<16xf32>,
        %add3A_689 = arith.constant 0 : i32
        %add3A_690 = vector.broadcast %add3A_689 : i32 to vector<16xi32>
        %add3A_691 = arith.addi %shift_right_arithmetic3A_130, %add3A_690 : vector<16xi32>
        %scatter3A_692 = arith.constant 1 : i32
        %scatter3A_693 = arith.constant 0 : i32
        %scatter3A_694 = arith.constant 0 : i32
        %scatter3A_695 = tpu.memref_slice %arg7[%scatter3A_692, %scatter3A_693, %scatter3A_694] : memref<2x4x1024xf32, #tpu.memory_space<vmem>> -> memref<1x4x1024xf32, #tpu.memory_space<vmem>>
        %scatter3A_696 = tpu.memref_squeeze %scatter3A_695 : memref<1x4x1024xf32, #tpu.memory_space<vmem>> -> memref<4x1024xf32, #tpu.memory_space<vmem>>
        tpu.vector_store_idx %scatter3A_696[%add3A_691, %add3A_679], %gather3A_688 : memref<4x1024xf32, #tpu.memory_space<vmem>>[vector<16xi32>, vector<16xi32>], vector<16xf32>,
        %add3A_697 = arith.constant 16 : i32
        %add3A_698 = vector.broadcast %add3A_697 : i32 to vector<16xi32>
        %add3A_699 = arith.addi %and3A_23, %add3A_698 : vector<16xi32>
        %gather3A_700 = arith.constant 1 : i32
        %gather3A_701 = arith.constant 0 : i32
        %gather3A_702 = arith.constant 0 : i32
        %gather3A_703 = tpu.memref_slice %arg6[%gather3A_700, %gather3A_701, %gather3A_702] : memref<2x128x32xf32, #tpu.memory_space<vmem>> -> memref<1x128x32xf32, #tpu.memory_space<vmem>>
        %gather3A_704 = tpu.memref_squeeze %gather3A_703 : memref<1x128x32xf32, #tpu.memory_space<vmem>> -> memref<128x32xf32, #tpu.memory_space<vmem>>
        %gather3A_705 = tpu.vector_load_idx %gather3A_704[%add3A_571, %add3A_699] : memref<128x32xf32, #tpu.memory_space<vmem>>[vector<16xi32>, vector<16xi32>], vector<16xf32>,
        %add3A_706 = arith.constant 2 : i32
        %add3A_707 = vector.broadcast %add3A_706 : i32 to vector<16xi32>
        %add3A_708 = arith.addi %shift_right_arithmetic3A_130, %add3A_707 : vector<16xi32>
        %scatter3A_709 = arith.constant 1 : i32
        %scatter3A_710 = arith.constant 0 : i32
        %scatter3A_711 = arith.constant 0 : i32
        %scatter3A_712 = tpu.memref_slice %arg7[%scatter3A_709, %scatter3A_710, %scatter3A_711] : memref<2x4x1024xf32, #tpu.memory_space<vmem>> -> memref<1x4x1024xf32, #tpu.memory_space<vmem>>
        %scatter3A_713 = tpu.memref_squeeze %scatter3A_712 : memref<1x4x1024xf32, #tpu.memory_space<vmem>> -> memref<4x1024xf32, #tpu.memory_space<vmem>>
        tpu.vector_store_idx %scatter3A_713[%add3A_708, %add3A_679], %gather3A_705 : memref<4x1024xf32, #tpu.memory_space<vmem>>[vector<16xi32>, vector<16xi32>], vector<16xf32>,
        %add3A_714 = vector.broadcast %mul3A_569 : i32 to vector<16xi32>
        %add3A_715 = arith.addi %add3A_288, %add3A_714 : vector<16xi32>
        %add3A_716 = arith.constant 0 : i32
        %add3A_717 = vector.broadcast %add3A_716 : i32 to vector<16xi32>
        %add3A_718 = arith.addi %and3A_29, %add3A_717 : vector<16xi32>
        %gather3A_719 = arith.constant 1 : i32
        %gather3A_720 = arith.constant 0 : i32
        %gather3A_721 = arith.constant 0 : i32
        %gather3A_722 = tpu.memref_slice %arg6[%gather3A_719, %gather3A_720, %gather3A_721] : memref<2x128x32xf32, #tpu.memory_space<vmem>> -> memref<1x128x32xf32, #tpu.memory_space<vmem>>
        %gather3A_723 = tpu.memref_squeeze %gather3A_722 : memref<1x128x32xf32, #tpu.memory_space<vmem>> -> memref<128x32xf32, #tpu.memory_space<vmem>>
        %gather3A_724 = tpu.vector_load_idx %gather3A_723[%add3A_571, %add3A_718] : memref<128x32xf32, #tpu.memory_space<vmem>>[vector<16xi32>, vector<16xi32>], vector<16xf32>,
        %add3A_725 = arith.constant 0 : i32
        %add3A_726 = vector.broadcast %add3A_725 : i32 to vector<16xi32>
        %add3A_727 = arith.addi %shift_right_arithmetic3A_139, %add3A_726 : vector<16xi32>
        %scatter3A_728 = arith.constant 1 : i32
        %scatter3A_729 = arith.constant 0 : i32
        %scatter3A_730 = arith.constant 0 : i32
        %scatter3A_731 = tpu.memref_slice %arg7[%scatter3A_728, %scatter3A_729, %scatter3A_730] : memref<2x4x1024xf32, #tpu.memory_space<vmem>> -> memref<1x4x1024xf32, #tpu.memory_space<vmem>>
        %scatter3A_732 = tpu.memref_squeeze %scatter3A_731 : memref<1x4x1024xf32, #tpu.memory_space<vmem>> -> memref<4x1024xf32, #tpu.memory_space<vmem>>
        tpu.vector_store_idx %scatter3A_732[%add3A_727, %add3A_715], %gather3A_724 : memref<4x1024xf32, #tpu.memory_space<vmem>>[vector<16xi32>, vector<16xi32>], vector<16xf32>,
        %add3A_733 = arith.constant 16 : i32
        %add3A_734 = vector.broadcast %add3A_733 : i32 to vector<16xi32>
        %add3A_735 = arith.addi %and3A_29, %add3A_734 : vector<16xi32>
        %gather3A_736 = arith.constant 1 : i32
        %gather3A_737 = arith.constant 0 : i32
        %gather3A_738 = arith.constant 0 : i32
        %gather3A_739 = tpu.memref_slice %arg6[%gather3A_736, %gather3A_737, %gather3A_738] : memref<2x128x32xf32, #tpu.memory_space<vmem>> -> memref<1x128x32xf32, #tpu.memory_space<vmem>>
        %gather3A_740 = tpu.memref_squeeze %gather3A_739 : memref<1x128x32xf32, #tpu.memory_space<vmem>> -> memref<128x32xf32, #tpu.memory_space<vmem>>
        %gather3A_741 = tpu.vector_load_idx %gather3A_740[%add3A_571, %add3A_735] : memref<128x32xf32, #tpu.memory_space<vmem>>[vector<16xi32>, vector<16xi32>], vector<16xf32>,
        %add3A_742 = arith.constant 2 : i32
        %add3A_743 = vector.broadcast %add3A_742 : i32 to vector<16xi32>
        %add3A_744 = arith.addi %shift_right_arithmetic3A_139, %add3A_743 : vector<16xi32>
        %scatter3A_745 = arith.constant 1 : i32
        %scatter3A_746 = arith.constant 0 : i32
        %scatter3A_747 = arith.constant 0 : i32
        %scatter3A_748 = tpu.memref_slice %arg7[%scatter3A_745, %scatter3A_746, %scatter3A_747] : memref<2x4x1024xf32, #tpu.memory_space<vmem>> -> memref<1x4x1024xf32, #tpu.memory_space<vmem>>
        %scatter3A_749 = tpu.memref_squeeze %scatter3A_748 : memref<1x4x1024xf32, #tpu.memory_space<vmem>> -> memref<4x1024xf32, #tpu.memory_space<vmem>>
        tpu.vector_store_idx %scatter3A_749[%add3A_744, %add3A_715], %gather3A_741 : memref<4x1024xf32, #tpu.memory_space<vmem>>[vector<16xi32>, vector<16xi32>], vector<16xf32>,
        %add3A_750 = vector.broadcast %mul3A_569 : i32 to vector<16xi32>
        %add3A_751 = arith.addi %add3A_298, %add3A_750 : vector<16xi32>
        %add3A_752 = arith.constant 0 : i32
        %add3A_753 = vector.broadcast %add3A_752 : i32 to vector<16xi32>
        %add3A_754 = arith.addi %and3A_35, %add3A_753 : vector<16xi32>
        %gather3A_755 = arith.constant 1 : i32
        %gather3A_756 = arith.constant 0 : i32
        %gather3A_757 = arith.constant 0 : i32
        %gather3A_758 = tpu.memref_slice %arg6[%gather3A_755, %gather3A_756, %gather3A_757] : memref<2x128x32xf32, #tpu.memory_space<vmem>> -> memref<1x128x32xf32, #tpu.memory_space<vmem>>
        %gather3A_759 = tpu.memref_squeeze %gather3A_758 : memref<1x128x32xf32, #tpu.memory_space<vmem>> -> memref<128x32xf32, #tpu.memory_space<vmem>>
        %gather3A_760 = tpu.vector_load_idx %gather3A_759[%add3A_571, %add3A_754] : memref<128x32xf32, #tpu.memory_space<vmem>>[vector<16xi32>, vector<16xi32>], vector<16xf32>,
        %add3A_761 = arith.constant 0 : i32
        %add3A_762 = vector.broadcast %add3A_761 : i32 to vector<16xi32>
        %add3A_763 = arith.addi %shift_right_arithmetic3A_148, %add3A_762 : vector<16xi32>
        %scatter3A_764 = arith.constant 1 : i32
        %scatter3A_765 = arith.constant 0 : i32
        %scatter3A_766 = arith.constant 0 : i32
        %scatter3A_767 = tpu.memref_slice %arg7[%scatter3A_764, %scatter3A_765, %scatter3A_766] : memref<2x4x1024xf32, #tpu.memory_space<vmem>> -> memref<1x4x1024xf32, #tpu.memory_space<vmem>>
        %scatter3A_768 = tpu.memref_squeeze %scatter3A_767 : memref<1x4x1024xf32, #tpu.memory_space<vmem>> -> memref<4x1024xf32, #tpu.memory_space<vmem>>
        tpu.vector_store_idx %scatter3A_768[%add3A_763, %add3A_751], %gather3A_760 : memref<4x1024xf32, #tpu.memory_space<vmem>>[vector<16xi32>, vector<16xi32>], vector<16xf32>,
        %add3A_769 = arith.constant 16 : i32
        %add3A_770 = vector.broadcast %add3A_769 : i32 to vector<16xi32>
        %add3A_771 = arith.addi %and3A_35, %add3A_770 : vector<16xi32>
        %gather3A_772 = arith.constant 1 : i32
        %gather3A_773 = arith.constant 0 : i32
        %gather3A_774 = arith.constant 0 : i32
        %gather3A_775 = tpu.memref_slice %arg6[%gather3A_772, %gather3A_773, %gather3A_774] : memref<2x128x32xf32, #tpu.memory_space<vmem>> -> memref<1x128x32xf32, #tpu.memory_space<vmem>>
        %gather3A_776 = tpu.memref_squeeze %gather3A_775 : memref<1x128x32xf32, #tpu.memory_space<vmem>> -> memref<128x32xf32, #tpu.memory_space<vmem>>
        %gather3A_777 = tpu.vector_load_idx %gather3A_776[%add3A_571, %add3A_771] : memref<128x32xf32, #tpu.memory_space<vmem>>[vector<16xi32>, vector<16xi32>], vector<16xf32>,
        %add3A_778 = arith.constant 2 : i32
        %add3A_779 = vector.broadcast %add3A_778 : i32 to vector<16xi32>
        %add3A_780 = arith.addi %shift_right_arithmetic3A_148, %add3A_779 : vector<16xi32>
        %scatter3A_781 = arith.constant 1 : i32
        %scatter3A_782 = arith.constant 0 : i32
        %scatter3A_783 = arith.constant 0 : i32
        %scatter3A_784 = tpu.memref_slice %arg7[%scatter3A_781, %scatter3A_782, %scatter3A_783] : memref<2x4x1024xf32, #tpu.memory_space<vmem>> -> memref<1x4x1024xf32, #tpu.memory_space<vmem>>
        %scatter3A_785 = tpu.memref_squeeze %scatter3A_784 : memref<1x4x1024xf32, #tpu.memory_space<vmem>> -> memref<4x1024xf32, #tpu.memory_space<vmem>>
        tpu.vector_store_idx %scatter3A_785[%add3A_780, %add3A_751], %gather3A_777 : memref<4x1024xf32, #tpu.memory_space<vmem>>[vector<16xi32>, vector<16xi32>], vector<16xf32>,
        %add3A_786 = vector.broadcast %mul3A_569 : i32 to vector<16xi32>
        %add3A_787 = arith.addi %add3A_308, %add3A_786 : vector<16xi32>
        %add3A_788 = arith.constant 0 : i32
        %add3A_789 = vector.broadcast %add3A_788 : i32 to vector<16xi32>
        %add3A_790 = arith.addi %and3A_41, %add3A_789 : vector<16xi32>
        %gather3A_791 = arith.constant 1 : i32
        %gather3A_792 = arith.constant 0 : i32
        %gather3A_793 = arith.constant 0 : i32
        %gather3A_794 = tpu.memref_slice %arg6[%gather3A_791, %gather3A_792, %gather3A_793] : memref<2x128x32xf32, #tpu.memory_space<vmem>> -> memref<1x128x32xf32, #tpu.memory_space<vmem>>
        %gather3A_795 = tpu.memref_squeeze %gather3A_794 : memref<1x128x32xf32, #tpu.memory_space<vmem>> -> memref<128x32xf32, #tpu.memory_space<vmem>>
        %gather3A_796 = tpu.vector_load_idx %gather3A_795[%add3A_571, %add3A_790] : memref<128x32xf32, #tpu.memory_space<vmem>>[vector<16xi32>, vector<16xi32>], vector<16xf32>,
        %add3A_797 = arith.constant 0 : i32
        %add3A_798 = vector.broadcast %add3A_797 : i32 to vector<16xi32>
        %add3A_799 = arith.addi %shift_right_arithmetic3A_157, %add3A_798 : vector<16xi32>
        %scatter3A_800 = arith.constant 1 : i32
        %scatter3A_801 = arith.constant 0 : i32
        %scatter3A_802 = arith.constant 0 : i32
        %scatter3A_803 = tpu.memref_slice %arg7[%scatter3A_800, %scatter3A_801, %scatter3A_802] : memref<2x4x1024xf32, #tpu.memory_space<vmem>> -> memref<1x4x1024xf32, #tpu.memory_space<vmem>>
        %scatter3A_804 = tpu.memref_squeeze %scatter3A_803 : memref<1x4x1024xf32, #tpu.memory_space<vmem>> -> memref<4x1024xf32, #tpu.memory_space<vmem>>
        tpu.vector_store_idx %scatter3A_804[%add3A_799, %add3A_787], %gather3A_796 : memref<4x1024xf32, #tpu.memory_space<vmem>>[vector<16xi32>, vector<16xi32>], vector<16xf32>,
        %add3A_805 = arith.constant 16 : i32
        %add3A_806 = vector.broadcast %add3A_805 : i32 to vector<16xi32>
        %add3A_807 = arith.addi %and3A_41, %add3A_806 : vector<16xi32>
        %gather3A_808 = arith.constant 1 : i32
        %gather3A_809 = arith.constant 0 : i32
        %gather3A_810 = arith.constant 0 : i32
        %gather3A_811 = tpu.memref_slice %arg6[%gather3A_808, %gather3A_809, %gather3A_810] : memref<2x128x32xf32, #tpu.memory_space<vmem>> -> memref<1x128x32xf32, #tpu.memory_space<vmem>>
        %gather3A_812 = tpu.memref_squeeze %gather3A_811 : memref<1x128x32xf32, #tpu.memory_space<vmem>> -> memref<128x32xf32, #tpu.memory_space<vmem>>
        %gather3A_813 = tpu.vector_load_idx %gather3A_812[%add3A_571, %add3A_807] : memref<128x32xf32, #tpu.memory_space<vmem>>[vector<16xi32>, vector<16xi32>], vector<16xf32>,
        %add3A_814 = arith.constant 2 : i32
        %add3A_815 = vector.broadcast %add3A_814 : i32 to vector<16xi32>
        %add3A_816 = arith.addi %shift_right_arithmetic3A_157, %add3A_815 : vector<16xi32>
        %scatter3A_817 = arith.constant 1 : i32
        %scatter3A_818 = arith.constant 0 : i32
        %scatter3A_819 = arith.constant 0 : i32
        %scatter3A_820 = tpu.memref_slice %arg7[%scatter3A_817, %scatter3A_818, %scatter3A_819] : memref<2x4x1024xf32, #tpu.memory_space<vmem>> -> memref<1x4x1024xf32, #tpu.memory_space<vmem>>
        %scatter3A_821 = tpu.memref_squeeze %scatter3A_820 : memref<1x4x1024xf32, #tpu.memory_space<vmem>> -> memref<4x1024xf32, #tpu.memory_space<vmem>>
        tpu.vector_store_idx %scatter3A_821[%add3A_816, %add3A_787], %gather3A_813 : memref<4x1024xf32, #tpu.memory_space<vmem>>[vector<16xi32>, vector<16xi32>], vector<16xf32>,
        %add3A_822 = vector.broadcast %mul3A_569 : i32 to vector<16xi32>
        %add3A_823 = arith.addi %add3A_318, %add3A_822 : vector<16xi32>
        %add3A_824 = arith.constant 0 : i32
        %add3A_825 = vector.broadcast %add3A_824 : i32 to vector<16xi32>
        %add3A_826 = arith.addi %and3A_47, %add3A_825 : vector<16xi32>
        %gather3A_827 = arith.constant 1 : i32
        %gather3A_828 = arith.constant 0 : i32
        %gather3A_829 = arith.constant 0 : i32
        %gather3A_830 = tpu.memref_slice %arg6[%gather3A_827, %gather3A_828, %gather3A_829] : memref<2x128x32xf32, #tpu.memory_space<vmem>> -> memref<1x128x32xf32, #tpu.memory_space<vmem>>
        %gather3A_831 = tpu.memref_squeeze %gather3A_830 : memref<1x128x32xf32, #tpu.memory_space<vmem>> -> memref<128x32xf32, #tpu.memory_space<vmem>>
        %gather3A_832 = tpu.vector_load_idx %gather3A_831[%add3A_571, %add3A_826] : memref<128x32xf32, #tpu.memory_space<vmem>>[vector<16xi32>, vector<16xi32>], vector<16xf32>,
        %add3A_833 = arith.constant 0 : i32
        %add3A_834 = vector.broadcast %add3A_833 : i32 to vector<16xi32>
        %add3A_835 = arith.addi %shift_right_arithmetic3A_166, %add3A_834 : vector<16xi32>
        %scatter3A_836 = arith.constant 1 : i32
        %scatter3A_837 = arith.constant 0 : i32
        %scatter3A_838 = arith.constant 0 : i32
        %scatter3A_839 = tpu.memref_slice %arg7[%scatter3A_836, %scatter3A_837, %scatter3A_838] : memref<2x4x1024xf32, #tpu.memory_space<vmem>> -> memref<1x4x1024xf32, #tpu.memory_space<vmem>>
        %scatter3A_840 = tpu.memref_squeeze %scatter3A_839 : memref<1x4x1024xf32, #tpu.memory_space<vmem>> -> memref<4x1024xf32, #tpu.memory_space<vmem>>
        tpu.vector_store_idx %scatter3A_840[%add3A_835, %add3A_823], %gather3A_832 : memref<4x1024xf32, #tpu.memory_space<vmem>>[vector<16xi32>, vector<16xi32>], vector<16xf32>,
        %add3A_841 = arith.constant 16 : i32
        %add3A_842 = vector.broadcast %add3A_841 : i32 to vector<16xi32>
        %add3A_843 = arith.addi %and3A_47, %add3A_842 : vector<16xi32>
        %gather3A_844 = arith.constant 1 : i32
        %gather3A_845 = arith.constant 0 : i32
        %gather3A_846 = arith.constant 0 : i32
        %gather3A_847 = tpu.memref_slice %arg6[%gather3A_844, %gather3A_845, %gather3A_846] : memref<2x128x32xf32, #tpu.memory_space<vmem>> -> memref<1x128x32xf32, #tpu.memory_space<vmem>>
        %gather3A_848 = tpu.memref_squeeze %gather3A_847 : memref<1x128x32xf32, #tpu.memory_space<vmem>> -> memref<128x32xf32, #tpu.memory_space<vmem>>
        %gather3A_849 = tpu.vector_load_idx %gather3A_848[%add3A_571, %add3A_843] : memref<128x32xf32, #tpu.memory_space<vmem>>[vector<16xi32>, vector<16xi32>], vector<16xf32>,
        %add3A_850 = arith.constant 2 : i32
        %add3A_851 = vector.broadcast %add3A_850 : i32 to vector<16xi32>
        %add3A_852 = arith.addi %shift_right_arithmetic3A_166, %add3A_851 : vector<16xi32>
        %scatter3A_853 = arith.constant 1 : i32
        %scatter3A_854 = arith.constant 0 : i32
        %scatter3A_855 = arith.constant 0 : i32
        %scatter3A_856 = tpu.memref_slice %arg7[%scatter3A_853, %scatter3A_854, %scatter3A_855] : memref<2x4x1024xf32, #tpu.memory_space<vmem>> -> memref<1x4x1024xf32, #tpu.memory_space<vmem>>
        %scatter3A_857 = tpu.memref_squeeze %scatter3A_856 : memref<1x4x1024xf32, #tpu.memory_space<vmem>> -> memref<4x1024xf32, #tpu.memory_space<vmem>>
        tpu.vector_store_idx %scatter3A_857[%add3A_852, %add3A_823], %gather3A_849 : memref<4x1024xf32, #tpu.memory_space<vmem>>[vector<16xi32>, vector<16xi32>], vector<16xf32>,
        %add3A_858 = vector.broadcast %mul3A_569 : i32 to vector<16xi32>
        %add3A_859 = arith.addi %add3A_328, %add3A_858 : vector<16xi32>
        %add3A_860 = arith.constant 0 : i32
        %add3A_861 = vector.broadcast %add3A_860 : i32 to vector<16xi32>
        %add3A_862 = arith.addi %and3A_53, %add3A_861 : vector<16xi32>
        %gather3A_863 = arith.constant 1 : i32
        %gather3A_864 = arith.constant 0 : i32
        %gather3A_865 = arith.constant 0 : i32
        %gather3A_866 = tpu.memref_slice %arg6[%gather3A_863, %gather3A_864, %gather3A_865] : memref<2x128x32xf32, #tpu.memory_space<vmem>> -> memref<1x128x32xf32, #tpu.memory_space<vmem>>
        %gather3A_867 = tpu.memref_squeeze %gather3A_866 : memref<1x128x32xf32, #tpu.memory_space<vmem>> -> memref<128x32xf32, #tpu.memory_space<vmem>>
        %gather3A_868 = tpu.vector_load_idx %gather3A_867[%add3A_571, %add3A_862] : memref<128x32xf32, #tpu.memory_space<vmem>>[vector<16xi32>, vector<16xi32>], vector<16xf32>,
        %add3A_869 = arith.constant 0 : i32
        %add3A_870 = vector.broadcast %add3A_869 : i32 to vector<16xi32>
        %add3A_871 = arith.addi %shift_right_arithmetic3A_175, %add3A_870 : vector<16xi32>
        %scatter3A_872 = arith.constant 1 : i32
        %scatter3A_873 = arith.constant 0 : i32
        %scatter3A_874 = arith.constant 0 : i32
        %scatter3A_875 = tpu.memref_slice %arg7[%scatter3A_872, %scatter3A_873, %scatter3A_874] : memref<2x4x1024xf32, #tpu.memory_space<vmem>> -> memref<1x4x1024xf32, #tpu.memory_space<vmem>>
        %scatter3A_876 = tpu.memref_squeeze %scatter3A_875 : memref<1x4x1024xf32, #tpu.memory_space<vmem>> -> memref<4x1024xf32, #tpu.memory_space<vmem>>
        tpu.vector_store_idx %scatter3A_876[%add3A_871, %add3A_859], %gather3A_868 : memref<4x1024xf32, #tpu.memory_space<vmem>>[vector<16xi32>, vector<16xi32>], vector<16xf32>,
        %add3A_877 = arith.constant 16 : i32
        %add3A_878 = vector.broadcast %add3A_877 : i32 to vector<16xi32>
        %add3A_879 = arith.addi %and3A_53, %add3A_878 : vector<16xi32>
        %gather3A_880 = arith.constant 1 : i32
        %gather3A_881 = arith.constant 0 : i32
        %gather3A_882 = arith.constant 0 : i32
        %gather3A_883 = tpu.memref_slice %arg6[%gather3A_880, %gather3A_881, %gather3A_882] : memref<2x128x32xf32, #tpu.memory_space<vmem>> -> memref<1x128x32xf32, #tpu.memory_space<vmem>>
        %gather3A_884 = tpu.memref_squeeze %gather3A_883 : memref<1x128x32xf32, #tpu.memory_space<vmem>> -> memref<128x32xf32, #tpu.memory_space<vmem>>
        %gather3A_885 = tpu.vector_load_idx %gather3A_884[%add3A_571, %add3A_879] : memref<128x32xf32, #tpu.memory_space<vmem>>[vector<16xi32>, vector<16xi32>], vector<16xf32>,
        %add3A_886 = arith.constant 2 : i32
        %add3A_887 = vector.broadcast %add3A_886 : i32 to vector<16xi32>
        %add3A_888 = arith.addi %shift_right_arithmetic3A_175, %add3A_887 : vector<16xi32>
        %scatter3A_889 = arith.constant 1 : i32
        %scatter3A_890 = arith.constant 0 : i32
        %scatter3A_891 = arith.constant 0 : i32
        %scatter3A_892 = tpu.memref_slice %arg7[%scatter3A_889, %scatter3A_890, %scatter3A_891] : memref<2x4x1024xf32, #tpu.memory_space<vmem>> -> memref<1x4x1024xf32, #tpu.memory_space<vmem>>
        %scatter3A_893 = tpu.memref_squeeze %scatter3A_892 : memref<1x4x1024xf32, #tpu.memory_space<vmem>> -> memref<4x1024xf32, #tpu.memory_space<vmem>>
        tpu.vector_store_idx %scatter3A_893[%add3A_888, %add3A_859], %gather3A_885 : memref<4x1024xf32, #tpu.memory_space<vmem>>[vector<16xi32>, vector<16xi32>], vector<16xf32>,
        %add3A_894 = vector.broadcast %mul3A_569 : i32 to vector<16xi32>
        %add3A_895 = arith.addi %add3A_338, %add3A_894 : vector<16xi32>
        %add3A_896 = arith.constant 0 : i32
        %add3A_897 = vector.broadcast %add3A_896 : i32 to vector<16xi32>
        %add3A_898 = arith.addi %and3A_59, %add3A_897 : vector<16xi32>
        %gather3A_899 = arith.constant 1 : i32
        %gather3A_900 = arith.constant 0 : i32
        %gather3A_901 = arith.constant 0 : i32
        %gather3A_902 = tpu.memref_slice %arg6[%gather3A_899, %gather3A_900, %gather3A_901] : memref<2x128x32xf32, #tpu.memory_space<vmem>> -> memref<1x128x32xf32, #tpu.memory_space<vmem>>
        %gather3A_903 = tpu.memref_squeeze %gather3A_902 : memref<1x128x32xf32, #tpu.memory_space<vmem>> -> memref<128x32xf32, #tpu.memory_space<vmem>>
        %gather3A_904 = tpu.vector_load_idx %gather3A_903[%add3A_571, %add3A_898] : memref<128x32xf32, #tpu.memory_space<vmem>>[vector<16xi32>, vector<16xi32>], vector<16xf32>,
        %add3A_905 = arith.constant 0 : i32
        %add3A_906 = vector.broadcast %add3A_905 : i32 to vector<16xi32>
        %add3A_907 = arith.addi %shift_right_arithmetic3A_184, %add3A_906 : vector<16xi32>
        %scatter3A_908 = arith.constant 1 : i32
        %scatter3A_909 = arith.constant 0 : i32
        %scatter3A_910 = arith.constant 0 : i32
        %scatter3A_911 = tpu.memref_slice %arg7[%scatter3A_908, %scatter3A_909, %scatter3A_910] : memref<2x4x1024xf32, #tpu.memory_space<vmem>> -> memref<1x4x1024xf32, #tpu.memory_space<vmem>>
        %scatter3A_912 = tpu.memref_squeeze %scatter3A_911 : memref<1x4x1024xf32, #tpu.memory_space<vmem>> -> memref<4x1024xf32, #tpu.memory_space<vmem>>
        tpu.vector_store_idx %scatter3A_912[%add3A_907, %add3A_895], %gather3A_904 : memref<4x1024xf32, #tpu.memory_space<vmem>>[vector<16xi32>, vector<16xi32>], vector<16xf32>,
        %add3A_913 = arith.constant 16 : i32
        %add3A_914 = vector.broadcast %add3A_913 : i32 to vector<16xi32>
        %add3A_915 = arith.addi %and3A_59, %add3A_914 : vector<16xi32>
        %gather3A_916 = arith.constant 1 : i32
        %gather3A_917 = arith.constant 0 : i32
        %gather3A_918 = arith.constant 0 : i32
        %gather3A_919 = tpu.memref_slice %arg6[%gather3A_916, %gather3A_917, %gather3A_918] : memref<2x128x32xf32, #tpu.memory_space<vmem>> -> memref<1x128x32xf32, #tpu.memory_space<vmem>>
        %gather3A_920 = tpu.memref_squeeze %gather3A_919 : memref<1x128x32xf32, #tpu.memory_space<vmem>> -> memref<128x32xf32, #tpu.memory_space<vmem>>
        %gather3A_921 = tpu.vector_load_idx %gather3A_920[%add3A_571, %add3A_915] : memref<128x32xf32, #tpu.memory_space<vmem>>[vector<16xi32>, vector<16xi32>], vector<16xf32>,
        %add3A_922 = arith.constant 2 : i32
        %add3A_923 = vector.broadcast %add3A_922 : i32 to vector<16xi32>
        %add3A_924 = arith.addi %shift_right_arithmetic3A_184, %add3A_923 : vector<16xi32>
        %scatter3A_925 = arith.constant 1 : i32
        %scatter3A_926 = arith.constant 0 : i32
        %scatter3A_927 = arith.constant 0 : i32
        %scatter3A_928 = tpu.memref_slice %arg7[%scatter3A_925, %scatter3A_926, %scatter3A_927] : memref<2x4x1024xf32, #tpu.memory_space<vmem>> -> memref<1x4x1024xf32, #tpu.memory_space<vmem>>
        %scatter3A_929 = tpu.memref_squeeze %scatter3A_928 : memref<1x4x1024xf32, #tpu.memory_space<vmem>> -> memref<4x1024xf32, #tpu.memory_space<vmem>>
        tpu.vector_store_idx %scatter3A_929[%add3A_924, %add3A_895], %gather3A_921 : memref<4x1024xf32, #tpu.memory_space<vmem>>[vector<16xi32>, vector<16xi32>], vector<16xf32>,
        %add3A_930 = vector.broadcast %mul3A_569 : i32 to vector<16xi32>
        %add3A_931 = arith.addi %add3A_348, %add3A_930 : vector<16xi32>
        %add3A_932 = arith.constant 0 : i32
        %add3A_933 = vector.broadcast %add3A_932 : i32 to vector<16xi32>
        %add3A_934 = arith.addi %and3A_65, %add3A_933 : vector<16xi32>
        %gather3A_935 = arith.constant 1 : i32
        %gather3A_936 = arith.constant 0 : i32
        %gather3A_937 = arith.constant 0 : i32
        %gather3A_938 = tpu.memref_slice %arg6[%gather3A_935, %gather3A_936, %gather3A_937] : memref<2x128x32xf32, #tpu.memory_space<vmem>> -> memref<1x128x32xf32, #tpu.memory_space<vmem>>
        %gather3A_939 = tpu.memref_squeeze %gather3A_938 : memref<1x128x32xf32, #tpu.memory_space<vmem>> -> memref<128x32xf32, #tpu.memory_space<vmem>>
        %gather3A_940 = tpu.vector_load_idx %gather3A_939[%add3A_571, %add3A_934] : memref<128x32xf32, #tpu.memory_space<vmem>>[vector<16xi32>, vector<16xi32>], vector<16xf32>,
        %add3A_941 = arith.constant 0 : i32
        %add3A_942 = vector.broadcast %add3A_941 : i32 to vector<16xi32>
        %add3A_943 = arith.addi %shift_right_arithmetic3A_193, %add3A_942 : vector<16xi32>
        %scatter3A_944 = arith.constant 1 : i32
        %scatter3A_945 = arith.constant 0 : i32
        %scatter3A_946 = arith.constant 0 : i32
        %scatter3A_947 = tpu.memref_slice %arg7[%scatter3A_944, %scatter3A_945, %scatter3A_946] : memref<2x4x1024xf32, #tpu.memory_space<vmem>> -> memref<1x4x1024xf32, #tpu.memory_space<vmem>>
        %scatter3A_948 = tpu.memref_squeeze %scatter3A_947 : memref<1x4x1024xf32, #tpu.memory_space<vmem>> -> memref<4x1024xf32, #tpu.memory_space<vmem>>
        tpu.vector_store_idx %scatter3A_948[%add3A_943, %add3A_931], %gather3A_940 : memref<4x1024xf32, #tpu.memory_space<vmem>>[vector<16xi32>, vector<16xi32>], vector<16xf32>,
        %add3A_949 = arith.constant 16 : i32
        %add3A_950 = vector.broadcast %add3A_949 : i32 to vector<16xi32>
        %add3A_951 = arith.addi %and3A_65, %add3A_950 : vector<16xi32>
        %gather3A_952 = arith.constant 1 : i32
        %gather3A_953 = arith.constant 0 : i32
        %gather3A_954 = arith.constant 0 : i32
        %gather3A_955 = tpu.memref_slice %arg6[%gather3A_952, %gather3A_953, %gather3A_954] : memref<2x128x32xf32, #tpu.memory_space<vmem>> -> memref<1x128x32xf32, #tpu.memory_space<vmem>>
        %gather3A_956 = tpu.memref_squeeze %gather3A_955 : memref<1x128x32xf32, #tpu.memory_space<vmem>> -> memref<128x32xf32, #tpu.memory_space<vmem>>
        %gather3A_957 = tpu.vector_load_idx %gather3A_956[%add3A_571, %add3A_951] : memref<128x32xf32, #tpu.memory_space<vmem>>[vector<16xi32>, vector<16xi32>], vector<16xf32>,
        %add3A_958 = arith.constant 2 : i32
        %add3A_959 = vector.broadcast %add3A_958 : i32 to vector<16xi32>
        %add3A_960 = arith.addi %shift_right_arithmetic3A_193, %add3A_959 : vector<16xi32>
        %scatter3A_961 = arith.constant 1 : i32
        %scatter3A_962 = arith.constant 0 : i32
        %scatter3A_963 = arith.constant 0 : i32
        %scatter3A_964 = tpu.memref_slice %arg7[%scatter3A_961, %scatter3A_962, %scatter3A_963] : memref<2x4x1024xf32, #tpu.memory_space<vmem>> -> memref<1x4x1024xf32, #tpu.memory_space<vmem>>
        %scatter3A_965 = tpu.memref_squeeze %scatter3A_964 : memref<1x4x1024xf32, #tpu.memory_space<vmem>> -> memref<4x1024xf32, #tpu.memory_space<vmem>>
        tpu.vector_store_idx %scatter3A_965[%add3A_960, %add3A_931], %gather3A_957 : memref<4x1024xf32, #tpu.memory_space<vmem>>[vector<16xi32>, vector<16xi32>], vector<16xf32>,
        %add3A_966 = vector.broadcast %mul3A_569 : i32 to vector<16xi32>
        %add3A_967 = arith.addi %add3A_358, %add3A_966 : vector<16xi32>
        %add3A_968 = arith.constant 0 : i32
        %add3A_969 = vector.broadcast %add3A_968 : i32 to vector<16xi32>
        %add3A_970 = arith.addi %and3A_71, %add3A_969 : vector<16xi32>
        %gather3A_971 = arith.constant 1 : i32
        %gather3A_972 = arith.constant 0 : i32
        %gather3A_973 = arith.constant 0 : i32
        %gather3A_974 = tpu.memref_slice %arg6[%gather3A_971, %gather3A_972, %gather3A_973] : memref<2x128x32xf32, #tpu.memory_space<vmem>> -> memref<1x128x32xf32, #tpu.memory_space<vmem>>
        %gather3A_975 = tpu.memref_squeeze %gather3A_974 : memref<1x128x32xf32, #tpu.memory_space<vmem>> -> memref<128x32xf32, #tpu.memory_space<vmem>>
        %gather3A_976 = tpu.vector_load_idx %gather3A_975[%add3A_571, %add3A_970] : memref<128x32xf32, #tpu.memory_space<vmem>>[vector<16xi32>, vector<16xi32>], vector<16xf32>,
        %add3A_977 = arith.constant 0 : i32
        %add3A_978 = vector.broadcast %add3A_977 : i32 to vector<16xi32>
        %add3A_979 = arith.addi %shift_right_arithmetic3A_202, %add3A_978 : vector<16xi32>
        %scatter3A_980 = arith.constant 1 : i32
        %scatter3A_981 = arith.constant 0 : i32
        %scatter3A_982 = arith.constant 0 : i32
        %scatter3A_983 = tpu.memref_slice %arg7[%scatter3A_980, %scatter3A_981, %scatter3A_982] : memref<2x4x1024xf32, #tpu.memory_space<vmem>> -> memref<1x4x1024xf32, #tpu.memory_space<vmem>>
        %scatter3A_984 = tpu.memref_squeeze %scatter3A_983 : memref<1x4x1024xf32, #tpu.memory_space<vmem>> -> memref<4x1024xf32, #tpu.memory_space<vmem>>
        tpu.vector_store_idx %scatter3A_984[%add3A_979, %add3A_967], %gather3A_976 : memref<4x1024xf32, #tpu.memory_space<vmem>>[vector<16xi32>, vector<16xi32>], vector<16xf32>,
        %add3A_985 = arith.constant 16 : i32
        %add3A_986 = vector.broadcast %add3A_985 : i32 to vector<16xi32>
        %add3A_987 = arith.addi %and3A_71, %add3A_986 : vector<16xi32>
        %gather3A_988 = arith.constant 1 : i32
        %gather3A_989 = arith.constant 0 : i32
        %gather3A_990 = arith.constant 0 : i32
        %gather3A_991 = tpu.memref_slice %arg6[%gather3A_988, %gather3A_989, %gather3A_990] : memref<2x128x32xf32, #tpu.memory_space<vmem>> -> memref<1x128x32xf32, #tpu.memory_space<vmem>>
        %gather3A_992 = tpu.memref_squeeze %gather3A_991 : memref<1x128x32xf32, #tpu.memory_space<vmem>> -> memref<128x32xf32, #tpu.memory_space<vmem>>
        %gather3A_993 = tpu.vector_load_idx %gather3A_992[%add3A_571, %add3A_987] : memref<128x32xf32, #tpu.memory_space<vmem>>[vector<16xi32>, vector<16xi32>], vector<16xf32>,
        %add3A_994 = arith.constant 2 : i32
        %add3A_995 = vector.broadcast %add3A_994 : i32 to vector<16xi32>
        %add3A_996 = arith.addi %shift_right_arithmetic3A_202, %add3A_995 : vector<16xi32>
        %scatter3A_997 = arith.constant 1 : i32
        %scatter3A_998 = arith.constant 0 : i32
        %scatter3A_999 = arith.constant 0 : i32
        %scatter3A_1000 = tpu.memref_slice %arg7[%scatter3A_997, %scatter3A_998, %scatter3A_999] : memref<2x4x1024xf32, #tpu.memory_space<vmem>> -> memref<1x4x1024xf32, #tpu.memory_space<vmem>>
        %scatter3A_1001 = tpu.memref_squeeze %scatter3A_1000 : memref<1x4x1024xf32, #tpu.memory_space<vmem>> -> memref<4x1024xf32, #tpu.memory_space<vmem>>
        tpu.vector_store_idx %scatter3A_1001[%add3A_996, %add3A_967], %gather3A_993 : memref<4x1024xf32, #tpu.memory_space<vmem>>[vector<16xi32>, vector<16xi32>], vector<16xf32>,
        %add3A_1002 = vector.broadcast %mul3A_569 : i32 to vector<16xi32>
        %add3A_1003 = arith.addi %add3A_368, %add3A_1002 : vector<16xi32>
        %add3A_1004 = arith.constant 0 : i32
        %add3A_1005 = vector.broadcast %add3A_1004 : i32 to vector<16xi32>
        %add3A_1006 = arith.addi %and3A_77, %add3A_1005 : vector<16xi32>
        %gather3A_1007 = arith.constant 1 : i32
        %gather3A_1008 = arith.constant 0 : i32
        %gather3A_1009 = arith.constant 0 : i32
        %gather3A_1010 = tpu.memref_slice %arg6[%gather3A_1007, %gather3A_1008, %gather3A_1009] : memref<2x128x32xf32, #tpu.memory_space<vmem>> -> memref<1x128x32xf32, #tpu.memory_space<vmem>>
        %gather3A_1011 = tpu.memref_squeeze %gather3A_1010 : memref<1x128x32xf32, #tpu.memory_space<vmem>> -> memref<128x32xf32, #tpu.memory_space<vmem>>
        %gather3A_1012 = tpu.vector_load_idx %gather3A_1011[%add3A_571, %add3A_1006] : memref<128x32xf32, #tpu.memory_space<vmem>>[vector<16xi32>, vector<16xi32>], vector<16xf32>,
        %add3A_1013 = arith.constant 0 : i32
        %add3A_1014 = vector.broadcast %add3A_1013 : i32 to vector<16xi32>
        %add3A_1015 = arith.addi %shift_right_arithmetic3A_211, %add3A_1014 : vector<16xi32>
        %scatter3A_1016 = arith.constant 1 : i32
        %scatter3A_1017 = arith.constant 0 : i32
        %scatter3A_1018 = arith.constant 0 : i32
        %scatter3A_1019 = tpu.memref_slice %arg7[%scatter3A_1016, %scatter3A_1017, %scatter3A_1018] : memref<2x4x1024xf32, #tpu.memory_space<vmem>> -> memref<1x4x1024xf32, #tpu.memory_space<vmem>>
        %scatter3A_1020 = tpu.memref_squeeze %scatter3A_1019 : memref<1x4x1024xf32, #tpu.memory_space<vmem>> -> memref<4x1024xf32, #tpu.memory_space<vmem>>
        tpu.vector_store_idx %scatter3A_1020[%add3A_1015, %add3A_1003], %gather3A_1012 : memref<4x1024xf32, #tpu.memory_space<vmem>>[vector<16xi32>, vector<16xi32>], vector<16xf32>,
        %add3A_1021 = arith.constant 16 : i32
        %add3A_1022 = vector.broadcast %add3A_1021 : i32 to vector<16xi32>
        %add3A_1023 = arith.addi %and3A_77, %add3A_1022 : vector<16xi32>
        %gather3A_1024 = arith.constant 1 : i32
        %gather3A_1025 = arith.constant 0 : i32
        %gather3A_1026 = arith.constant 0 : i32
        %gather3A_1027 = tpu.memref_slice %arg6[%gather3A_1024, %gather3A_1025, %gather3A_1026] : memref<2x128x32xf32, #tpu.memory_space<vmem>> -> memref<1x128x32xf32, #tpu.memory_space<vmem>>
        %gather3A_1028 = tpu.memref_squeeze %gather3A_1027 : memref<1x128x32xf32, #tpu.memory_space<vmem>> -> memref<128x32xf32, #tpu.memory_space<vmem>>
        %gather3A_1029 = tpu.vector_load_idx %gather3A_1028[%add3A_571, %add3A_1023] : memref<128x32xf32, #tpu.memory_space<vmem>>[vector<16xi32>, vector<16xi32>], vector<16xf32>,
        %add3A_1030 = arith.constant 2 : i32
        %add3A_1031 = vector.broadcast %add3A_1030 : i32 to vector<16xi32>
        %add3A_1032 = arith.addi %shift_right_arithmetic3A_211, %add3A_1031 : vector<16xi32>
        %scatter3A_1033 = arith.constant 1 : i32
        %scatter3A_1034 = arith.constant 0 : i32
        %scatter3A_1035 = arith.constant 0 : i32
        %scatter3A_1036 = tpu.memref_slice %arg7[%scatter3A_1033, %scatter3A_1034, %scatter3A_1035] : memref<2x4x1024xf32, #tpu.memory_space<vmem>> -> memref<1x4x1024xf32, #tpu.memory_space<vmem>>
        %scatter3A_1037 = tpu.memref_squeeze %scatter3A_1036 : memref<1x4x1024xf32, #tpu.memory_space<vmem>> -> memref<4x1024xf32, #tpu.memory_space<vmem>>
        tpu.vector_store_idx %scatter3A_1037[%add3A_1032, %add3A_1003], %gather3A_1029 : memref<4x1024xf32, #tpu.memory_space<vmem>>[vector<16xi32>, vector<16xi32>], vector<16xf32>,
        %add3A_1038 = vector.broadcast %mul3A_569 : i32 to vector<16xi32>
        %add3A_1039 = arith.addi %add3A_378, %add3A_1038 : vector<16xi32>
        %add3A_1040 = arith.constant 0 : i32
        %add3A_1041 = vector.broadcast %add3A_1040 : i32 to vector<16xi32>
        %add3A_1042 = arith.addi %and3A_83, %add3A_1041 : vector<16xi32>
        %gather3A_1043 = arith.constant 1 : i32
        %gather3A_1044 = arith.constant 0 : i32
        %gather3A_1045 = arith.constant 0 : i32
        %gather3A_1046 = tpu.memref_slice %arg6[%gather3A_1043, %gather3A_1044, %gather3A_1045] : memref<2x128x32xf32, #tpu.memory_space<vmem>> -> memref<1x128x32xf32, #tpu.memory_space<vmem>>
        %gather3A_1047 = tpu.memref_squeeze %gather3A_1046 : memref<1x128x32xf32, #tpu.memory_space<vmem>> -> memref<128x32xf32, #tpu.memory_space<vmem>>
        %gather3A_1048 = tpu.vector_load_idx %gather3A_1047[%add3A_571, %add3A_1042] : memref<128x32xf32, #tpu.memory_space<vmem>>[vector<16xi32>, vector<16xi32>], vector<16xf32>,
        %add3A_1049 = arith.constant 0 : i32
        %add3A_1050 = vector.broadcast %add3A_1049 : i32 to vector<16xi32>
        %add3A_1051 = arith.addi %shift_right_arithmetic3A_220, %add3A_1050 : vector<16xi32>
        %scatter3A_1052 = arith.constant 1 : i32
        %scatter3A_1053 = arith.constant 0 : i32
        %scatter3A_1054 = arith.constant 0 : i32
        %scatter3A_1055 = tpu.memref_slice %arg7[%scatter3A_1052, %scatter3A_1053, %scatter3A_1054] : memref<2x4x1024xf32, #tpu.memory_space<vmem>> -> memref<1x4x1024xf32, #tpu.memory_space<vmem>>
        %scatter3A_1056 = tpu.memref_squeeze %scatter3A_1055 : memref<1x4x1024xf32, #tpu.memory_space<vmem>> -> memref<4x1024xf32, #tpu.memory_space<vmem>>
        tpu.vector_store_idx %scatter3A_1056[%add3A_1051, %add3A_1039], %gather3A_1048 : memref<4x1024xf32, #tpu.memory_space<vmem>>[vector<16xi32>, vector<16xi32>], vector<16xf32>,
        %add3A_1057 = arith.constant 16 : i32
        %add3A_1058 = vector.broadcast %add3A_1057 : i32 to vector<16xi32>
        %add3A_1059 = arith.addi %and3A_83, %add3A_1058 : vector<16xi32>
        %gather3A_1060 = arith.constant 1 : i32
        %gather3A_1061 = arith.constant 0 : i32
        %gather3A_1062 = arith.constant 0 : i32
        %gather3A_1063 = tpu.memref_slice %arg6[%gather3A_1060, %gather3A_1061, %gather3A_1062] : memref<2x128x32xf32, #tpu.memory_space<vmem>> -> memref<1x128x32xf32, #tpu.memory_space<vmem>>
        %gather3A_1064 = tpu.memref_squeeze %gather3A_1063 : memref<1x128x32xf32, #tpu.memory_space<vmem>> -> memref<128x32xf32, #tpu.memory_space<vmem>>
        %gather3A_1065 = tpu.vector_load_idx %gather3A_1064[%add3A_571, %add3A_1059] : memref<128x32xf32, #tpu.memory_space<vmem>>[vector<16xi32>, vector<16xi32>], vector<16xf32>,
        %add3A_1066 = arith.constant 2 : i32
        %add3A_1067 = vector.broadcast %add3A_1066 : i32 to vector<16xi32>
        %add3A_1068 = arith.addi %shift_right_arithmetic3A_220, %add3A_1067 : vector<16xi32>
        %scatter3A_1069 = arith.constant 1 : i32
        %scatter3A_1070 = arith.constant 0 : i32
        %scatter3A_1071 = arith.constant 0 : i32
        %scatter3A_1072 = tpu.memref_slice %arg7[%scatter3A_1069, %scatter3A_1070, %scatter3A_1071] : memref<2x4x1024xf32, #tpu.memory_space<vmem>> -> memref<1x4x1024xf32, #tpu.memory_space<vmem>>
        %scatter3A_1073 = tpu.memref_squeeze %scatter3A_1072 : memref<1x4x1024xf32, #tpu.memory_space<vmem>> -> memref<4x1024xf32, #tpu.memory_space<vmem>>
        tpu.vector_store_idx %scatter3A_1073[%add3A_1068, %add3A_1039], %gather3A_1065 : memref<4x1024xf32, #tpu.memory_space<vmem>>[vector<16xi32>, vector<16xi32>], vector<16xf32>,
        %add3A_1074 = vector.broadcast %mul3A_569 : i32 to vector<16xi32>
        %add3A_1075 = arith.addi %add3A_388, %add3A_1074 : vector<16xi32>
        %add3A_1076 = arith.constant 0 : i32
        %add3A_1077 = vector.broadcast %add3A_1076 : i32 to vector<16xi32>
        %add3A_1078 = arith.addi %and3A_89, %add3A_1077 : vector<16xi32>
        %gather3A_1079 = arith.constant 1 : i32
        %gather3A_1080 = arith.constant 0 : i32
        %gather3A_1081 = arith.constant 0 : i32
        %gather3A_1082 = tpu.memref_slice %arg6[%gather3A_1079, %gather3A_1080, %gather3A_1081] : memref<2x128x32xf32, #tpu.memory_space<vmem>> -> memref<1x128x32xf32, #tpu.memory_space<vmem>>
        %gather3A_1083 = tpu.memref_squeeze %gather3A_1082 : memref<1x128x32xf32, #tpu.memory_space<vmem>> -> memref<128x32xf32, #tpu.memory_space<vmem>>
        %gather3A_1084 = tpu.vector_load_idx %gather3A_1083[%add3A_571, %add3A_1078] : memref<128x32xf32, #tpu.memory_space<vmem>>[vector<16xi32>, vector<16xi32>], vector<16xf32>,
        %add3A_1085 = arith.constant 0 : i32
        %add3A_1086 = vector.broadcast %add3A_1085 : i32 to vector<16xi32>
        %add3A_1087 = arith.addi %shift_right_arithmetic3A_229, %add3A_1086 : vector<16xi32>
        %scatter3A_1088 = arith.constant 1 : i32
        %scatter3A_1089 = arith.constant 0 : i32
        %scatter3A_1090 = arith.constant 0 : i32
        %scatter3A_1091 = tpu.memref_slice %arg7[%scatter3A_1088, %scatter3A_1089, %scatter3A_1090] : memref<2x4x1024xf32, #tpu.memory_space<vmem>> -> memref<1x4x1024xf32, #tpu.memory_space<vmem>>
        %scatter3A_1092 = tpu.memref_squeeze %scatter3A_1091 : memref<1x4x1024xf32, #tpu.memory_space<vmem>> -> memref<4x1024xf32, #tpu.memory_space<vmem>>
        tpu.vector_store_idx %scatter3A_1092[%add3A_1087, %add3A_1075], %gather3A_1084 : memref<4x1024xf32, #tpu.memory_space<vmem>>[vector<16xi32>, vector<16xi32>], vector<16xf32>,
        %add3A_1093 = arith.constant 16 : i32
        %add3A_1094 = vector.broadcast %add3A_1093 : i32 to vector<16xi32>
        %add3A_1095 = arith.addi %and3A_89, %add3A_1094 : vector<16xi32>
        %gather3A_1096 = arith.constant 1 : i32
        %gather3A_1097 = arith.constant 0 : i32
        %gather3A_1098 = arith.constant 0 : i32
        %gather3A_1099 = tpu.memref_slice %arg6[%gather3A_1096, %gather3A_1097, %gather3A_1098] : memref<2x128x32xf32, #tpu.memory_space<vmem>> -> memref<1x128x32xf32, #tpu.memory_space<vmem>>
        %gather3A_1100 = tpu.memref_squeeze %gather3A_1099 : memref<1x128x32xf32, #tpu.memory_space<vmem>> -> memref<128x32xf32, #tpu.memory_space<vmem>>
        %gather3A_1101 = tpu.vector_load_idx %gather3A_1100[%add3A_571, %add3A_1095] : memref<128x32xf32, #tpu.memory_space<vmem>>[vector<16xi32>, vector<16xi32>], vector<16xf32>,
        %add3A_1102 = arith.constant 2 : i32
        %add3A_1103 = vector.broadcast %add3A_1102 : i32 to vector<16xi32>
        %add3A_1104 = arith.addi %shift_right_arithmetic3A_229, %add3A_1103 : vector<16xi32>
        %scatter3A_1105 = arith.constant 1 : i32
        %scatter3A_1106 = arith.constant 0 : i32
        %scatter3A_1107 = arith.constant 0 : i32
        %scatter3A_1108 = tpu.memref_slice %arg7[%scatter3A_1105, %scatter3A_1106, %scatter3A_1107] : memref<2x4x1024xf32, #tpu.memory_space<vmem>> -> memref<1x4x1024xf32, #tpu.memory_space<vmem>>
        %scatter3A_1109 = tpu.memref_squeeze %scatter3A_1108 : memref<1x4x1024xf32, #tpu.memory_space<vmem>> -> memref<4x1024xf32, #tpu.memory_space<vmem>>
        tpu.vector_store_idx %scatter3A_1109[%add3A_1104, %add3A_1075], %gather3A_1101 : memref<4x1024xf32, #tpu.memory_space<vmem>>[vector<16xi32>, vector<16xi32>], vector<16xf32>,
        %add3A_1110 = vector.broadcast %mul3A_569 : i32 to vector<16xi32>
        %add3A_1111 = arith.addi %add3A_398, %add3A_1110 : vector<16xi32>
        %add3A_1112 = arith.constant 0 : i32
        %add3A_1113 = vector.broadcast %add3A_1112 : i32 to vector<16xi32>
        %add3A_1114 = arith.addi %and3A_95, %add3A_1113 : vector<16xi32>
        %gather3A_1115 = arith.constant 1 : i32
        %gather3A_1116 = arith.constant 0 : i32
        %gather3A_1117 = arith.constant 0 : i32
        %gather3A_1118 = tpu.memref_slice %arg6[%gather3A_1115, %gather3A_1116, %gather3A_1117] : memref<2x128x32xf32, #tpu.memory_space<vmem>> -> memref<1x128x32xf32, #tpu.memory_space<vmem>>
        %gather3A_1119 = tpu.memref_squeeze %gather3A_1118 : memref<1x128x32xf32, #tpu.memory_space<vmem>> -> memref<128x32xf32, #tpu.memory_space<vmem>>
        %gather3A_1120 = tpu.vector_load_idx %gather3A_1119[%add3A_571, %add3A_1114] : memref<128x32xf32, #tpu.memory_space<vmem>>[vector<16xi32>, vector<16xi32>], vector<16xf32>,
        %add3A_1121 = arith.constant 0 : i32
        %add3A_1122 = vector.broadcast %add3A_1121 : i32 to vector<16xi32>
        %add3A_1123 = arith.addi %shift_right_arithmetic3A_238, %add3A_1122 : vector<16xi32>
        %scatter3A_1124 = arith.constant 1 : i32
        %scatter3A_1125 = arith.constant 0 : i32
        %scatter3A_1126 = arith.constant 0 : i32
        %scatter3A_1127 = tpu.memref_slice %arg7[%scatter3A_1124, %scatter3A_1125, %scatter3A_1126] : memref<2x4x1024xf32, #tpu.memory_space<vmem>> -> memref<1x4x1024xf32, #tpu.memory_space<vmem>>
        %scatter3A_1128 = tpu.memref_squeeze %scatter3A_1127 : memref<1x4x1024xf32, #tpu.memory_space<vmem>> -> memref<4x1024xf32, #tpu.memory_space<vmem>>
        tpu.vector_store_idx %scatter3A_1128[%add3A_1123, %add3A_1111], %gather3A_1120 : memref<4x1024xf32, #tpu.memory_space<vmem>>[vector<16xi32>, vector<16xi32>], vector<16xf32>,
        %add3A_1129 = arith.constant 16 : i32
        %add3A_1130 = vector.broadcast %add3A_1129 : i32 to vector<16xi32>
        %add3A_1131 = arith.addi %and3A_95, %add3A_1130 : vector<16xi32>
        %gather3A_1132 = arith.constant 1 : i32
        %gather3A_1133 = arith.constant 0 : i32
        %gather3A_1134 = arith.constant 0 : i32
        %gather3A_1135 = tpu.memref_slice %arg6[%gather3A_1132, %gather3A_1133, %gather3A_1134] : memref<2x128x32xf32, #tpu.memory_space<vmem>> -> memref<1x128x32xf32, #tpu.memory_space<vmem>>
        %gather3A_1136 = tpu.memref_squeeze %gather3A_1135 : memref<1x128x32xf32, #tpu.memory_space<vmem>> -> memref<128x32xf32, #tpu.memory_space<vmem>>
        %gather3A_1137 = tpu.vector_load_idx %gather3A_1136[%add3A_571, %add3A_1131] : memref<128x32xf32, #tpu.memory_space<vmem>>[vector<16xi32>, vector<16xi32>], vector<16xf32>,
        %add3A_1138 = arith.constant 2 : i32
        %add3A_1139 = vector.broadcast %add3A_1138 : i32 to vector<16xi32>
        %add3A_1140 = arith.addi %shift_right_arithmetic3A_238, %add3A_1139 : vector<16xi32>
        %scatter3A_1141 = arith.constant 1 : i32
        %scatter3A_1142 = arith.constant 0 : i32
        %scatter3A_1143 = arith.constant 0 : i32
        %scatter3A_1144 = tpu.memref_slice %arg7[%scatter3A_1141, %scatter3A_1142, %scatter3A_1143] : memref<2x4x1024xf32, #tpu.memory_space<vmem>> -> memref<1x4x1024xf32, #tpu.memory_space<vmem>>
        %scatter3A_1145 = tpu.memref_squeeze %scatter3A_1144 : memref<1x4x1024xf32, #tpu.memory_space<vmem>> -> memref<4x1024xf32, #tpu.memory_space<vmem>>
        tpu.vector_store_idx %scatter3A_1145[%add3A_1140, %add3A_1111], %gather3A_1137 : memref<4x1024xf32, #tpu.memory_space<vmem>>[vector<16xi32>, vector<16xi32>], vector<16xf32>,
      }
      %scan3A_544 = arith.constant 8 : i32
      %lt3A_545 = arith.constant 99 : i32
      %lt3A_546 = arith.cmpi slt, %scan3A_466, %lt3A_545 : i32
      %convert_element_type3A_547 = arith.extui %lt3A_546 : i1 to i32
      %cond3A_548 = arith.constant 0 : i32
      %cond3A_549 = arith.cmpi ne, %convert_element_type3A_547, %cond3A_548 : i32
      scf.if %cond3A_549 {
        %add3A_567 = arith.constant 2 : i32
        %add3A_568 = arith.addi %add3A_518, %add3A_567 : i32
        %jit3A = arith.constant 8 : i32
        %div3A = arith.divsi %add3A_568, %jit3A : i32
        %sign3A = arith.constant 0 : i32
        %sign3A_569 = arith.cmpi sgt, %add3A_568, %sign3A : i32
        %sign3A_570 = arith.extui %sign3A_569 : i1 to i32
        %sign3A_571 = arith.constant 0 : i32
        %sign3A_572 = arith.cmpi slt, %add3A_568, %sign3A_571 : i32
        %sign3A_573 = arith.extui %sign3A_572 : i1 to i32
        %sign3A_574 = arith.subi %sign3A_570, %sign3A_573 : i32
        %sign3A_575 = arith.constant 0 : i32
        %sign3A_576 = arith.cmpi sgt, %jit3A, %sign3A_575 : i32
        %sign3A_577 = arith.extui %sign3A_576 : i1 to i32
        %sign3A_578 = arith.constant 0 : i32
        %sign3A_579 = arith.cmpi slt, %jit3A, %sign3A_578 : i32
        %sign3A_580 = arith.extui %sign3A_579 : i1 to i32
        %sign3A_581 = arith.subi %sign3A_577, %sign3A_580 : i32
        %ne3A = arith.cmpi ne, %sign3A_574, %sign3A_581 : i32
        %rem3A = arith.remsi %add3A_568, %jit3A : i32
        %ne3A_582 = arith.constant 0 : i32
        %ne3A_583 = arith.cmpi ne, %rem3A, %ne3A_582 : i32
        %and3A_584 = arith.andi %ne3A, %ne3A_583 : i1
        %sub3A = arith.constant 1 : i32
        %sub3A_585 = arith.subi %div3A, %sub3A : i32
        %select_n3A = arith.select %and3A_584, %sub3A_585, %div3A : i32
        %jit3A_586 = arith.constant 8 : i32
        %eq3A = arith.constant 0 : i32
        %eq3A_587 = arith.cmpi eq, %jit3A_586, %eq3A : i32
        %jit3A_588 = arith.constant 1 : i32
        %select_n3A_589 = arith.select %eq3A_587, %jit3A_588, %jit3A_586 : i32
        %rem3A_590 = arith.remsi %add3A_568, %select_n3A_589 : i32
        %ne3A_591 = arith.constant 0 : i32
        %ne3A_592 = arith.cmpi ne, %rem3A_590, %ne3A_591 : i32
        %lt3A_593 = arith.constant 0 : i32
        %lt3A_594 = arith.cmpi slt, %rem3A_590, %lt3A_593 : i32
        %lt3A_595 = arith.constant 0 : i32
        %lt3A_596 = arith.cmpi slt, %select_n3A_589, %lt3A_595 : i32
        %ne3A_597 = arith.xori %lt3A_594, %lt3A_596 : i1
        %and3A_598 = arith.andi %ne3A_597, %ne3A_592 : i1
        %add3A_599 = arith.addi %rem3A_590, %select_n3A_589 : i32
        %select_n3A_600 = arith.select %and3A_598, %add3A_599, %rem3A_590 : i32
        %dma_start3A_601 = arith.constant 1 : i32
        %dma_start3A_602 = arith.constant 0 : i32
        %dma_start3A_603 = arith.constant 0 : i32
        %dma_start3A_604 = tpu.memref_slice %arg6[%dma_start3A_601, %dma_start3A_602, %dma_start3A_603] : memref<2x128x32xf32, #tpu.memory_space<vmem>> -> memref<1x128x32xf32, #tpu.memory_space<vmem>>
        %dma_start3A_605 = tpu.memref_squeeze %dma_start3A_604 : memref<1x128x32xf32, #tpu.memory_space<vmem>> -> memref<128x32xf32, #tpu.memory_space<vmem>>
        %dma_start3A_606 = arith.constant 0 : i32
        %dma_start3A_607 = tpu.memref_slice %arg5[%select_n3A, %select_n3A_600, %dma_start3A_606] : memref<25x8x128xi32, #tpu.memory_space<vmem>> -> memref<1x1x128xi32, #tpu.memory_space<vmem>>
        %dma_start3A_608 = tpu.memref_squeeze %dma_start3A_607 : memref<1x1x128xi32, #tpu.memory_space<vmem>> -> memref<128xi32, #tpu.memory_space<vmem>>
        %dma_start3A_609 = arith.constant 0 : i32
        %dma_start3A_610 = arith.constant 0 : i32
        %dma_start3A_611 = tpu.memref_slice %arg2[%dma_start3A_609, %dma_start3A_610] : memref<1000000x32xf32, #tpu.memory_space<hbm>> -> memref<1000000x32xf32, #tpu.memory_space<hbm>>
        tpu.enqueue_indirect_dma source(%dma_start3A_611 : memref<1000000x32xf32, #tpu.memory_space<hbm>>) target(%dma_start3A_605 : memref<128x32xf32, #tpu.memory_space<vmem>>) offsets(%dma_start3A_608 : memref<128xi32, #tpu.memory_space<vmem>>) semaphore(%arg9 : memref<!tpu.dma_semaphore, #tpu.memory_space<semaphore_mem>>)
      } else {
      }
      %dma_start3A_550 = arith.constant 1 : i32
      %dma_start3A_551 = arith.constant 0 : i32
      %dma_start3A_552 = arith.constant 0 : i32
      %dma_start3A_553 = tpu.memref_slice %arg7[%dma_start3A_550, %dma_start3A_551, %dma_start3A_552] : memref<2x4x1024xf32, #tpu.memory_space<vmem>> -> memref<1x4x1024xf32, #tpu.memory_space<vmem>>
      %dma_start3A_554 = tpu.memref_squeeze %dma_start3A_553 : memref<1x4x1024xf32, #tpu.memory_space<vmem>> -> memref<4x1024xf32, #tpu.memory_space<vmem>>
      %dma_start3A_555 = arith.constant 0 : i32
      %dma_start3A_556 = arith.constant 0 : i32
      %dma_start3A_557 = tpu.memref_slice %arg4[%add3A_518, %dma_start3A_555, %add3A, %dma_start3A_556] : memref<200x4x32x1024xf32, #tpu.memory_space<hbm>> -> memref<1x4x1x1024xf32, #tpu.memory_space<hbm>>
      %dma_start3A_558 = tpu.memref_squeeze %dma_start3A_557 : memref<1x4x1x1024xf32, #tpu.memory_space<hbm>> -> memref<4x1024xf32, #tpu.memory_space<hbm>>
      %dma_start3A_559 = arith.constant 0 : i32
      %dma_start3A_560 = arith.constant 0 : i32
      %dma_start3A_561 = tpu.memref_slice %arg4[%add3A_518, %dma_start3A_559, %add3A, %dma_start3A_560] : memref<200x4x32x1024xf32, #tpu.memory_space<hbm>> -> memref<1x4x1x1024xf32, #tpu.memory_space<hbm>>
      %dma_start3A_562 = tpu.memref_squeeze %dma_start3A_561 : memref<1x4x1x1024xf32, #tpu.memory_space<hbm>> -> memref<4x1024xf32, #tpu.memory_space<hbm>>
      %dma_start3A_563 = arith.constant 0 : i32
      %dma_start3A_564 = arith.constant 0 : i32
      %dma_start3A_565 = tpu.memref_slice %arg7[%dma_start3A_550, %dma_start3A_563, %dma_start3A_564] : memref<2x4x1024xf32, #tpu.memory_space<vmem>> -> memref<1x4x1024xf32, #tpu.memory_space<vmem>>
      %dma_start3A_566 = tpu.memref_squeeze %dma_start3A_565 : memref<1x4x1024xf32, #tpu.memory_space<vmem>> -> memref<4x1024xf32, #tpu.memory_space<vmem>>
      tpu.enqueue_dma source(%dma_start3A_566 : memref<4x1024xf32, #tpu.memory_space<vmem>>) target(%dma_start3A_562 : memref<4x1024xf32, #tpu.memory_space<hbm>>) target_semaphore(%arg11 : memref<!tpu.dma_semaphore, #tpu.memory_space<semaphore_mem>>)
    }
    %scan3A_428 = arith.constant 100 : i32
    %dma_wait3A = arith.constant 0 : i32
    %dma_wait3A_429 = arith.constant 0 : i32
    %dma_wait3A_430 = arith.constant 0 : i32
    %dma_wait3A_431 = arith.constant 0 : i32
    %dma_wait3A_432 = arith.constant 0 : i32
    %dma_wait3A_433 = tpu.memref_slice %arg7[%dma_wait3A_430, %dma_wait3A_431, %dma_wait3A_432] : memref<2x4x1024xf32, #tpu.memory_space<vmem>> -> memref<1x4x1024xf32, #tpu.memory_space<vmem>>
    %dma_wait3A_434 = tpu.memref_squeeze %dma_wait3A_433 : memref<1x4x1024xf32, #tpu.memory_space<vmem>> -> memref<4x1024xf32, #tpu.memory_space<vmem>>
    %dma_wait3A_435 = arith.constant 0 : i32
    %dma_wait3A_436 = arith.constant 0 : i32
    %dma_wait3A_437 = tpu.memref_slice %arg4[%dma_wait3A, %dma_wait3A_435, %dma_wait3A_429, %dma_wait3A_436] : memref<200x4x32x1024xf32, #tpu.memory_space<hbm>> -> memref<1x4x1x1024xf32, #tpu.memory_space<hbm>>
    %dma_wait3A_438 = tpu.memref_squeeze %dma_wait3A_437 : memref<1x4x1x1024xf32, #tpu.memory_space<hbm>> -> memref<4x1024xf32, #tpu.memory_space<hbm>>
    %dma_wait3A_439 = arith.constant 0 : i32
    %dma_wait3A_440 = arith.constant 0 : i32
    %dma_wait3A_441 = tpu.memref_slice %arg7[%dma_wait3A_430, %dma_wait3A_439, %dma_wait3A_440] : memref<2x4x1024xf32, #tpu.memory_space<vmem>> -> memref<1x4x1024xf32, #tpu.memory_space<vmem>>
    %dma_wait3A_442 = tpu.memref_squeeze %dma_wait3A_441 : memref<1x4x1024xf32, #tpu.memory_space<vmem>> -> memref<4x1024xf32, #tpu.memory_space<vmem>>
    %dma_wait3A_443 = arith.constant 0 : i32
    %dma_wait3A_444 = arith.constant 0 : i32
    %dma_wait3A_445 = tpu.memref_slice %arg4[%dma_wait3A, %dma_wait3A_443, %dma_wait3A_429, %dma_wait3A_444] : memref<200x4x32x1024xf32, #tpu.memory_space<hbm>> -> memref<1x4x1x1024xf32, #tpu.memory_space<hbm>>
    %dma_wait3A_446 = tpu.memref_squeeze %dma_wait3A_445 : memref<1x4x1x1024xf32, #tpu.memory_space<hbm>> -> memref<4x1024xf32, #tpu.memory_space<hbm>>
    tpu.wait_dma2 semaphore(%arg10 : memref<!tpu.dma_semaphore, #tpu.memory_space<semaphore_mem>>) src(%dma_wait3A_446 : memref<4x1024xf32, #tpu.memory_space<hbm>>) dst(%dma_wait3A_442 : memref<4x1024xf32, #tpu.memory_space<vmem>>)
    %dma_wait3A_447 = arith.constant 0 : i32
    %dma_wait3A_448 = arith.constant 0 : i32
    %dma_wait3A_449 = arith.constant 1 : i32
    %dma_wait3A_450 = arith.constant 0 : i32
    %dma_wait3A_451 = arith.constant 0 : i32
    %dma_wait3A_452 = tpu.memref_slice %arg7[%dma_wait3A_449, %dma_wait3A_450, %dma_wait3A_451] : memref<2x4x1024xf32, #tpu.memory_space<vmem>> -> memref<1x4x1024xf32, #tpu.memory_space<vmem>>
    %dma_wait3A_453 = tpu.memref_squeeze %dma_wait3A_452 : memref<1x4x1024xf32, #tpu.memory_space<vmem>> -> memref<4x1024xf32, #tpu.memory_space<vmem>>
    %dma_wait3A_454 = arith.constant 0 : i32
    %dma_wait3A_455 = arith.constant 0 : i32
    %dma_wait3A_456 = tpu.memref_slice %arg4[%dma_wait3A_447, %dma_wait3A_454, %dma_wait3A_448, %dma_wait3A_455] : memref<200x4x32x1024xf32, #tpu.memory_space<hbm>> -> memref<1x4x1x1024xf32, #tpu.memory_space<hbm>>
    %dma_wait3A_457 = tpu.memref_squeeze %dma_wait3A_456 : memref<1x4x1x1024xf32, #tpu.memory_space<hbm>> -> memref<4x1024xf32, #tpu.memory_space<hbm>>
    %dma_wait3A_458 = arith.constant 0 : i32
    %dma_wait3A_459 = arith.constant 0 : i32
    %dma_wait3A_460 = tpu.memref_slice %arg7[%dma_wait3A_449, %dma_wait3A_458, %dma_wait3A_459] : memref<2x4x1024xf32, #tpu.memory_space<vmem>> -> memref<1x4x1024xf32, #tpu.memory_space<vmem>>
    %dma_wait3A_461 = tpu.memref_squeeze %dma_wait3A_460 : memref<1x4x1024xf32, #tpu.memory_space<vmem>> -> memref<4x1024xf32, #tpu.memory_space<vmem>>
    %dma_wait3A_462 = arith.constant 0 : i32
    %dma_wait3A_463 = arith.constant 0 : i32
    %dma_wait3A_464 = tpu.memref_slice %arg4[%dma_wait3A_447, %dma_wait3A_462, %dma_wait3A_448, %dma_wait3A_463] : memref<200x4x32x1024xf32, #tpu.memory_space<hbm>> -> memref<1x4x1x1024xf32, #tpu.memory_space<hbm>>
    %dma_wait3A_465 = tpu.memref_squeeze %dma_wait3A_464 : memref<1x4x1x1024xf32, #tpu.memory_space<hbm>> -> memref<4x1024xf32, #tpu.memory_space<hbm>>
    tpu.wait_dma2 semaphore(%arg11 : memref<!tpu.dma_semaphore, #tpu.memory_space<semaphore_mem>>) src(%dma_wait3A_465 : memref<4x1024xf32, #tpu.memory_space<hbm>>) dst(%dma_wait3A_461 : memref<4x1024xf32, #tpu.memory_space<vmem>>)
    return
  }
}

</mosaic_0001>

<sc_bundles>
// kernel: kernel.4.cloned.1.call-start
scs
__scs_entry_jumppad:
0x0: {  	(pc) =	sbr.rel $0x88, $3  }
0x1: {  	(tag) =	ssettag $0x0;
	lr =	simm.s32 $0x1  }
0x2: {  	[smem:$0x3F9F] =	sst lr;
	_ =	strace $0xD0000000  }
0x3: {  	_ = 	snop  }
0x4: {  	_ = 	snop  }
0x5: {  	_ = 	snop  }
0x6: {  	_ = 	snop  }
0x7: {  	_ = 	snop  }
__scs_overlays_trampoline_lowered:
0x8: {  	[smem:$0x3FAE] =	sst s0  }
0x9: {  	[smem:$0x3FAF] =	sst s1  }
0xa: {  	[smem:$0x3FB0] =	sst s2  }
0xb: {  	[smem:$0x3FB1] =	sst s3  }
0xc: {  	[smem:$0x3FB2] =	sst s4  }
0xd: {  	[smem:$0x3FB3] =	sst s5  }
0xe: {  	[smem:$0x3FB4] =	sst s6  }
0xf: {  	[smem:$0x3FB5] =	sst s7  }
0x10: {  	[smem:$0x3FB6] =	sst s8  }
0x11: {  	[smem:$0x3FB7] =	sst s9;
	s0 =	simm.s32 @!p0 $0x0  }
0x12: {  	s1 =	sld [smem:$0x3F9D];
	s0 =	simm.s32 @p0 $0x1  }
0x13: {  	[smem:$0x3FB8] =	sst s0;
	s0 =	simm.s32 @!p1 $0x0  }
0x14: {  	s2 =	sld [smem:$0x3F9C];
	s0 =	simm.s32 @p1 $0x1  }
0x15: {  	[smem:$0x3FB9] =	sst s0;
	s0 =	simm.s32 @!p2 $0x0  }
0x16: {  	s3 =	sld [smem:$0x3FDB];
	s0 =	simm.s32 @p2 $0x1  }
0x17: {  	s4 =	simm.s32 $0x1BF5;
	[smem:$0x3FBB] =	sst s0  }
0x18: {  	s0 =	sld [smem:$0x3F9E];
	_ =	swait.ge [sflag:s4], $0x0  }
0x19: {  	s7 =	sld [smem:$0x3F9F]  }
0x1a: {  	s8 =	sadd.s32 $0xFFFFE003, lr  }
0x1b: {  	s9 =	sadd.s32 $0xFFFFFEF7, lr;
	s5 =	simm.s32 $0xFFFFFFFF;
	p2 =	slt.u32 s8, $0xFFFFF086  }
0x1c: {  	p1 =	slt.u32 s9, $0xF7A;
	s5 =	simm.s32 @!p2 $0x0  }
0x1d: {  	s5 =	simm.s32 @p1 $0x1;
	p0 =	seq.s32 s7, s2  }
0x1e: {  	s7 =	smul.u32 @!p0 $0xF7A, s2;
	p2 =	seq.s32 @!p0 s5, $0x0  }
0x1f: {  	s9 =	smul.u32 $0xF7A, s1;
	s8 =	simm.s32 @!p0 $0x1BF5;
	p2 =	por !p2, p0  }
0x20: {  	[sflag:s8] =	ssyncset.s32 @!p0 $0xFFFFF086;
	s6 =	sadd.s32 @!p0 s3, s7;
	s7 =	simm.s32 @!p0 $0x108  }
0x21: {  	s3 =	sadd.s32 s3, s9;
	s6 =	sadd.s32 @!p0 $0x88, s6;
	s7 =	simm.s32 @p2 $0x1082  }
0x22: {  	[simem:s7], [sflag:s8] =	dma.local @!p0 [hbm:s6], $0xF7A  }
0x23: {  	s9 =	sor.u32 $0xD0000000, s2;
	s6 =	simm.s32 $0x108;
	_ =	swait.ge @!p0 [sflag:s8], $0x0  }
0x24: {  	s3 =	sadd.s32 $0x88, s3;
	s6 =	simm.s32 @!p1 $0x1082;
	[sflag:s4] =	ssyncset.s32 $0xFFFFF086  }
0x25: {  	[simem:s6], [sflag:s4] =	dma.local [hbm:s3], $0xF7A  }
0x26: {  	[smem:$0x3F9F] =	sst s1;
	(tag) =	ssettag s2;
	_ =	strace s9  }
0x27: {  	s1 =	sld [smem:$0x3FAF]  }
0x28: {  	s2 =	sld [smem:$0x3FB0]  }
0x29: {  	s4 =	sld [smem:$0x3FB2]  }
0x2a: {  	p0 =	seq.s32 s5, $0x0;
	s5 =	sld [smem:$0x3FB3]  }
0x2b: {  	s6 =	sld [smem:$0x3FB4]  }
0x2c: {  	s7 =	sld [smem:$0x3FB5]  }
0x2d: {  	s3 =	simm.s32 $0x108;
	s8 =	sld [smem:$0x3FB6]  }
0x2e: {  	s3 =	simm.s32 @!p0 $0x1082;
	s9 =	sld [smem:$0x3FB7]  }
0x2f: {  	lr =	sadd.s32 s0, s3;
	s0 =	sld [smem:$0x3FAE]  }
0x30: {  	s3 =	sld [smem:$0x3FB1]  }
0x31: {  	[smem:$0x3FBA] =	sst s10  }
0x32: {  	s10 =	sld [smem:$0x3FB8];
	_ =	sdelay $0x3  }
0x33: {  	p0 =	seq.s32 s10, $0x1;
	s10 =	sld [smem:$0x3FBA];
	_ =	sdelay $0x3  }
0x34: {  	[smem:$0x3FBA] =	sst s10  }
0x35: {  	s10 =	sld [smem:$0x3FB9];
	_ =	sdelay $0x3  }
0x36: {  	p1 =	seq.s32 s10, $0x1;
	s10 =	sld [smem:$0x3FBA];
	_ =	sdelay $0x3  }
0x37: {  	[smem:$0x3FBA] =	sst s10  }
0x38: {  	s10 =	sld [smem:$0x3FBB]  }
0x39: {  	_ = 	snop;
	(pc) =	sbr.ind lr, $3  }
0x3a: {  	_ = 	snop  }
0x3b: {  	_ = 	snop  }
0x3c: {  	p2 =	seq.s32 s10, $0x1;
	s10 =	sld [smem:$0x3FBA]  }
0x3d: {  	_ =	shalt  }
0x3e: {  	_ =	shalt  }
0x3f: {  	_ =	shalt  }
0x40: {  	_ =	shalt  }
0x41: {  	_ =	shalt  }
0x42: {  	_ =	shalt  }
0x43: {  	_ =	shalt  }
0x44: {  	_ =	shalt  }
0x45: {  	_ =	shalt  }
0x46: {  	_ =	shalt  }
0x47: {  	_ =	shalt  }
0x48: {  	_ =	shalt  }
0x49: {  	_ =	shalt  }
0x4a: {  	_ =	shalt  }
0x4b: {  	_ =	shalt  }
0x4c: {  	_ =	shalt  }
0x4d: {  	_ =	shalt  }
0x4e: {  	_ =	shalt  }
0x4f: {  	_ =	shalt  }
0x50: {  	_ =	shalt  }
0x51: {  	_ =	shalt  }
0x52: {  	_ =	shalt  }
0x53: {  	_ =	shalt  }
0x54: {  	_ =	shalt  }
0x55: {  	_ =	shalt  }
0x56: {  	_ =	shalt  }
0x57: {  	_ =	shalt  }
0x58: {  	_ =	shalt  }
0x59: {  	_ =	shalt  }
0x5a: {  	_ =	shalt  }
0x5b: {  	_ =	shalt  }
0x5c: {  	_ =	shalt  }
0x5d: {  	_ =	shalt  }
0x5e: {  	_ =	shalt  }
0x5f: {  	_ =	shalt  }
0x60: {  	_ =	shalt  }
0x61: {  	_ =	shalt  }
0x62: {  	_ =	shalt  }
0x63: {  	_ =	shalt  }
0x64: {  	_ =	shalt  }
0x65: {  	_ =	shalt  }
0x66: {  	_ =	shalt  }
0x67: {  	_ =	shalt  }
0x68: {  	_ =	shalt  }
0x69: {  	_ =	shalt  }
0x6a: {  	_ =	shalt  }
0x6b: {  	_ =	shalt  }
0x6c: {  	_ =	shalt  }
0x6d: {  	_ =	shalt  }
0x6e: {  	_ =	shalt  }
0x6f: {  	_ =	shalt  }
0x70: {  	_ =	shalt  }
0x71: {  	_ =	shalt  }
0x72: {  	_ =	shalt  }
0x73: {  	_ =	shalt  }
0x74: {  	_ =	shalt  }
0x75: {  	_ =	shalt  }
0x76: {  	_ =	shalt  }
0x77: {  	_ =	shalt  }
0x78: {  	_ =	shalt  }
0x79: {  	_ =	shalt  }
0x7a: {  	_ =	shalt  }
0x7b: {  	_ =	shalt  }
0x7c: {  	_ =	shalt  }
0x7d: {  	_ =	shalt  }
0x7e: {  	_ =	shalt  }
0x7f: {  	_ =	shalt  }
0x80: {  	_ =	shalt  }
0x81: {  	_ =	shalt  }
0x82: {  	_ =	shalt  }
0x83: {  	_ =	shalt  }
0x84: {  	_ =	shalt  }
0x85: {  	_ =	shalt  }
0x86: {  	_ =	shalt  }
0x87: {  	_ =	shalt  }
.Lfunc_end0:
.L_simem_size_0:
called_computation_lowered:
.L_overlay_start_0:
0x88: {  	s2 =	sld [smem:$0x3FD9]  }
0x89: {  	s3 =	sld [smem:$0x3FFE];
	_ =	sdelay $0x1  }
0x8a: {  	s1 =	srdreg.scid  }
0x8b: {  	s0 =	sand.u32 $0x1, s1  }
0x8c: {  	s17 =	sshll.u32 s0, $0xA;
	s2 =	sadd.s32 s3, s2  }
0x8d: {  	s2 =	sadd.s32 s2, s17  }
0x8e: {  	[smem:$0x3FC6] =	sst s2  }
0x8f: {  	_ = 	snop  }
0x90: {  	s2 =	sld [smem:$0x3FC8]  }
0x91: {  	s18 =	sld [smem:$0x3FD0];
	(tm) =	ssettm $0x1  }
0x92: {  	s4 =	sld [smem:$0x3FFB];
	_ =	sdelay $0x3  }
0x93: {  	_ =	strace s4  }
0x94: {  	s4 =	sld [smem:$0x3FFC];
	_ =	sdelay $0x3  }
0x95: {  	_ =	strace s4  }
0x96: {  	s4 =	sld [smem:$0x3FFD];
	_ =	sdelay $0x3  }
0x97: {  	_ =	strace s4  }
0x98: {  	_ =	strace $0x8FFFFFFF  }
0x99: {  	s19 =	sld [smem:$0x3FDB];
	_ =	sdelay $0x1  }
0x9a: {  	s5 =	simm.s32 $_scs_section_size  }
0x9b: {  	s6 =	simm.s32 $_size__tile_overlayer_lowered;
	s7 =	simm.s32 $_tile_overlayer_lowered  }
0x9c: {  	s22 =	simm.s32 $0x1BFF;
	s21 =	sshll.u32 s7, $0x1;
	s4 =	sadd.s32 s5, s19  }
0x9d: {  	s8 =	simm.s32 $0x0;
	s20 =	sshll.u32 s6, $0x1;
	s6 =	sadd.s32 s21, s4  }
0x9e: {  	[timem:s8], [sflag:s22] =	dma.local [hbm:s6], s20  }
0x9f: {  	_ =	swait.ge [sflag:s22], s20  }
0xa0: {  	s5 =	ssub.s32 $0x0, s20;
	[sflag:s22] =	ssyncset.done $0x0  }
0xa1: {  	[sflag:s22] =	ssyncadd.s32 s5;
	_ =	sdelay $0x1  }
0xa2: {  	s23 =	simm.s32 $0x1B8B  }
0xa3: {  	_ =	swait.ge [sflag:s23], $0x1  }
0xa4: {  	[sflag:s23] =	ssyncset.done $0x0  }
0xa5: {  	s25 =	simm.s32 $0x1B8E;
	s24 =	sld [smem:$0x3FFE];
	[sflag:s23] =	ssyncadd.s32 $0xFFFFFFFF  }
0xa6: {  	s26 =	simm.s32 $execute0_lowered;
	[smem:$0x3FD2] =	sst s25  }
0xa7: {  	s6 =	sshll.u32 s26, $0x1;
	_ =	strace $0x80000046;
	[dreg:$0x1] =	wrdreg $0xFFFFFFFF  }
0xa8: {  	s28 =	simm.s32 $_size_execute0_lowered;
	s4 =	sadd.s32 s4, s6;
	[dreg:$0x0] =	wrdreg $0x0  }
0xa9: {  	s6 =	sshll.u32 s28, $0x1;
	[dreg:$0x2] =	wrdreg s4  }
0xaa: {  	[dreg:$0x3] =	wrdreg s6  }
0xab: {  	[dreg:$0x4] =	wrdreg $0xC0  }
0xac: {  	_ =	task [dreg:s8], $0x5FFFF  }
0xad: {  	[dreg:$0x1] =	wrdreg $0xFFFFFFFF  }
0xae: {  	[dreg:$0x0] =	wrdreg $0x60  }
0xaf: {  	[dreg:$0x2] =	wrdreg s2  }
0xb0: {  	[dreg:$0x3] =	wrdreg s18  }
0xb1: {  	[dreg:$0x4] =	wrdreg s24  }
0xb2: {  	[dreg:$0x5] =	wrdreg $0x9  }
0xb3: {  	_ =	task.clear_ibuf [dreg:s8], $0x6FFFF;
	_ =	strace $0x90000046  }
0xb4: {  	s29 =	simm.s32 $0x9;
	_ =	strace $0x80000048  }
0xb5: {  	_ =	swait.ge [sflag:s29], $0x1  }
0xb6: {  	[sflag:s29] =	ssyncadd.s32 $0xFFFFFFFF  }
0xb7: {  	_ =	strace $0x90000048  }
0xb8: {  	_ =	sfence  }
0xb9: {  	s30 =	sld [smem:$0x0];
	_ =	sdelay $0x2  }
0xba: {  	s31 =	sshll.u32 s1, $0xD;
	s1 =	sshrl.u32 s1, $0x2  }
0xbb: {  	s3 =	sand.u32 $0x4000, s31;
	s1 =	sadd.s32 s1, s30  }
0xbc: {  	s0 =	sor.u32 s3, s0;
	s1 =	sshll.u32 s1, $0x11  }
0xbd: {  	s0 =	sor.u32 s1, s0  }
0xbe: {  	s0 =	sadd.s32 $0x8F2B, s0  }
0xbf: {  	[sflag:s0] =	ssyncadd.remote.s32 $0x1  }
0xc0: {  	_ =	sfence.sel $0xFFFF  }
0xc1: {  	[dreg:$0x0] =	wrdreg $0xFFFFFFFF;
	(pc) =	sbr.abs _section_cstart, $3  }
0xc2: {  	[dreg:$0x1] =	wrdreg $0xFFFFFFFF  }
0xc3: {  	_ =	task.clear_ibuf [dreg:s8], $0x2FFFF;
	_ =	strace $0x9FFFFFFF  }
0xc4: {  	(tm) =	ssettm $0x7FFFFFFF  }
0xc5: {  	_ =	shalt  }
tec
execute0_lowered:
.L_overlay_start_1:
0x0: {  	(tag) =	ssettag $0x1  }
0x1: {  	vm10 =	vcmask $0x300;
	vm9 =	vcmask $0x704  }
0x2: {  	vm8 =	vcmask $0xB08;
	vm7 =	vcmask $0xF0C;
	vm6 =	vcmask $0x1310  }
0x3: {  	vm5 =	vcmask $0x1714;
	vm4 =	vcmask $0x1B18;
	v0 =	vimm.s32 $0x83624120  }
0x4: {  	vm3 =	vcmask $0x1F1C;
	vm2 =	vcmask $0x2320;
	vm1 =	vcmask $0x2724  }
0x5: {  	vm0 =	vcmask $0x2B28;
	v1 =	vimm.s32 $0xE6C5A4;
	vm11 =	vcmask $0xF00  }
0x6: {  	v2 =	vimm.s32 $0xA3826140;
	v3 =	vimm.s32 $0x168;
	vm12 =	vcmask $0x1B10  }
0x7: {  	v4 =	vimm.s32 $0xE2C1A0;
	vm13 =	vcmask $0xB00;
	vm14 =	vcmask $0x1F14  }
0x8: {  	v7 =	vimm.s32 $0x10F;
	v8 =	vimm.s32 $0x12F;
	v10 =	vimm.s32 $0x8BEECDAC  }
0x9: {  	v12 =	vimm.s32 $0x14F;
	vm15 =	vcmask $0x3324;
	v13 =	vimm.s32 $0xCBAA89EC  }
0xa: {  	v14 =	vimm.s32 $0x783;
	v15 =	vimm.s32 $0x784;
	v16 =	vimm.s32 $0x785  }
0xb: {  	v18 =	vimm.s32 $0x786;
	v19 =	vimm.s32 $0x787;
	v20 =	vimm.s32 $0x788  }
0xc: {  	v21 =	vimm.s32 $0x789;
	v22 =	vimm.s32 $0x78A;
	v23 =	vimm.s32 $0x78B  }
0xd: {  	v24 =	vimm.s32 $0x78C;
	v25 =	vimm.s32 $0x78D;
	v26 =	vimm.s32 $0x78E  }
0xe: {  	v27 =	vimm.s32 $0xF80;
	v28 =	vimm.s32 $0xF81;
	v29 =	vimm.s32 $0xF82  }
0xf: {  	v30 =	vimm.s32 $0xF83;
	v31 =	vimm.s32 $0xF84;
	v32 =	vimm.s32 $0xF85  }
0x10: {  	v33 =	vimm.s32 $0xF86;
	v34 =	vimm.s32 $0xF87;
	v35 =	vimm.s32 $0xF88  }
0x11: {  	v36 =	vimm.s32 $0xF89;
	v37 =	vimm.s32 $0xF8A;
	v38 =	vimm.s32 $0xF8B  }
0x12: {  	v39 =	vimm.s32 $0xF8C;
	v40 =	vimm.s32 $0xF8D;
	v41 =	vimm.s32 $0xF8E  }
0x13: {  	v42 =	vimm.s32 $0x100;
	v45 =	vimm.s32 $0xC3A28160;
	v47 =	vimm.s32 $0xE3C2A180  }
0x14: {  	v49 =	vlaneseq.u32;
	v0 =	vunpack.c.0.s8.s32 v0;
	v1 =	vunpack.c.0.s8.s32 v1  }
0x15: {  	v2 =	vunpack.c.0.s8.s32 v2;
	v3 =	vsel vm9, $0x189, v3;
	v4 =	vunpack.c.0.s8.s32 v4  }
0x16: {  	v7 =	vsel vm10, $0x120, v7;
	v8 =	vsel vm10, $0x140, v8;
	v10 =	vunpack.c.0.s8.s32 v10  }
0x17: {  	v14 =	vsel vm10, $0x4, v14;
	v15 =	vsel vm10, $0x5, v15;
	v16 =	vsel vm10, $0x6, v16  }
0x18: {  	v18 =	vsel vm10, $0x7, v18;
	v19 =	vsel vm10, $0x8, v19;
	v20 =	vsel vm10, $0x9, v20  }
0x19: {  	v21 =	vsel vm10, $0xA, v21;
	v22 =	vsel vm10, $0xB, v22;
	v23 =	vsel vm10, $0xC, v23  }
0x1a: {  	v24 =	vsel vm10, $0xD, v24;
	v25 =	vsel vm10, $0xE, v25;
	v26 =	vsel vm10, $0xF, v26  }
0x1b: {  	v27 =	vsel vm10, $0x801, v27;
	v28 =	vsel vm10, $0x802, v28;
	v29 =	vsel vm10, $0x803, v29  }
0x1c: {  	v30 =	vsel vm10, $0x804, v30;
	v31 =	vsel vm10, $0x805, v31;
	v32 =	vsel vm10, $0x806, v32  }
0x1d: {  	v33 =	vsel vm10, $0x807, v33;
	v34 =	vsel vm10, $0x808, v34;
	v35 =	vsel vm10, $0x809, v35  }
0x1e: {  	v36 =	vsel vm10, $0x80A, v36;
	v37 =	vsel vm10, $0x80B, v37;
	v38 =	vsel vm10, $0x80C, v38  }
0x1f: {  	v39 =	vsel vm10, $0x80D, v39;
	v40 =	vsel vm10, $0x80E, v40;
	v41 =	vsel vm10, $0x80F, v41  }
0x20: {  	v42 =	vsel vm9, $0x121, v42;
	v45 =	vunpack.c.0.s8.s32 v45;
	v47 =	vunpack.c.0.s8.s32 v47  }
0x21: {  	v3 =	vsel vm8, $0x1AA, v3;
	v7 =	vsel vm9, $0x141, v7;
	v8 =	vsel vm9, $0x161, v8  }
0x22: {  	v14 =	vsel vm9, $0x85, v14;
	v15 =	vsel vm9, $0x86, v15;
	v16 =	vsel vm9, $0x87, v16  }
0x23: {  	v18 =	vsel vm9, $0x88, v18;
	v19 =	vsel vm9, $0x89, v19;
	v20 =	vsel vm9, $0x8A, v20  }
0x24: {  	v21 =	vsel vm9, $0x8B, v21;
	v22 =	vsel vm9, $0x8C, v22;
	v23 =	vsel vm9, $0x8D, v23  }
0x25: {  	v24 =	vsel vm9, $0x8E, v24;
	v25 =	vsel vm9, $0x8F, v25;
	v26 =	vsel vm9, $0x80, v26  }
0x26: {  	v27 =	vsel vm9, $0x882, v27;
	v28 =	vsel vm9, $0x883, v28;
	v29 =	vsel vm9, $0x884, v29  }
0x27: {  	v30 =	vsel vm9, $0x885, v30;
	v31 =	vsel vm9, $0x886, v31;
	v32 =	vsel vm9, $0x887, v32  }
0x28: {  	v33 =	vsel vm9, $0x888, v33;
	v34 =	vsel vm9, $0x889, v34;
	v35 =	vsel vm9, $0x88A, v35  }
0x29: {  	v36 =	vsel vm9, $0x88B, v36;
	v37 =	vsel vm9, $0x88C, v37;
	v38 =	vsel vm9, $0x88D, v38  }
0x2a: {  	v39 =	vsel vm9, $0x88E, v39;
	v40 =	vsel vm9, $0x88F, v40;
	v41 =	vsel vm9, $0x880, v41  }
0x2b: {  	v42 =	vsel vm8, $0x142, v42;
	v0 =	vand.u32 $0xFF, v0;
	v1 =	vand.u32 $0xFF, v1  }
0x2c: {  	v2 =	vand.u32 $0xFF, v2;
	v3 =	vsel vm7, $0x1CB, v3;
	v7 =	vsel vm8, $0x162, v7  }
0x2d: {  	v10 =	vand.u32 $0xFF, v10;
	v14 =	vsel vm8, $0x106, v14;
	v15 =	vsel vm8, $0x107, v15  }
0x2e: {  	v16 =	vsel vm8, $0x108, v16;
	v18 =	vsel vm8, $0x109, v18;
	v19 =	vsel vm8, $0x10A, v19  }
0x2f: {  	v20 =	vsel vm8, $0x10B, v20;
	v21 =	vsel vm8, $0x10C, v21;
	v22 =	vsel vm8, $0x10D, v22  }
0x30: {  	v23 =	vsel vm8, $0x10E, v23;
	v24 =	vsel vm8, $0x10F, v24;
	v25 =	vsel vm8, $0x100, v25  }
0x31: {  	v26 =	vsel vm8, $0x101, v26;
	v27 =	vsel vm8, $0x903, v27;
	v28 =	vsel vm8, $0x904, v28  }
0x32: {  	v29 =	vsel vm8, $0x905, v29;
	v30 =	vsel vm8, $0x906, v30;
	v31 =	vsel vm8, $0x907, v31  }
0x33: {  	v32 =	vsel vm8, $0x908, v32;
	v33 =	vsel vm8, $0x909, v33;
	v34 =	vsel vm8, $0x90A, v34  }
0x34: {  	v35 =	vsel vm8, $0x90B, v35;
	v36 =	vsel vm8, $0x90C, v36;
	v37 =	vsel vm8, $0x90D, v37  }
0x35: {  	v38 =	vsel vm8, $0x90E, v38;
	v39 =	vsel vm8, $0x90F, v39;
	v40 =	vsel vm8, $0x900, v40  }
0x36: {  	v41 =	vsel vm8, $0x901, v41;
	v42 =	vsel vm7, $0x163, v42;
	v45 =	vand.u32 $0xFF, v45  }
0x37: {  	v47 =	vand.u32 $0xFF, v47;
	v0 =	vnsel vm11, $0xF, v0;
	v9 =	vnsel vm11, $0x2F, v2  }
0x38: {  	v2 =	vand.u32 $0xFF, v4;
	vm11 =	vcmask $0x1F10;
	v4 =	vimm.s32 $0xCF  }
0x39: {  	v14 =	vsel vm7, $0x187, v14;
	v15 =	vsel vm7, $0x188, v15;
	v16 =	vsel vm7, $0x189, v16  }
0x3a: {  	v18 =	vsel vm7, $0x18A, v18;
	v19 =	vsel vm7, $0x18B, v19;
	v20 =	vsel vm7, $0x18C, v20  }
0x3b: {  	v21 =	vsel vm7, $0x18D, v21;
	v22 =	vsel vm7, $0x18E, v22;
	v23 =	vsel vm7, $0x18F, v23  }
0x3c: {  	v24 =	vsel vm7, $0x180, v24;
	v25 =	vsel vm7, $0x181, v25;
	v26 =	vsel vm7, $0x182, v26  }
0x3d: {  	v27 =	vsel vm7, $0x984, v27;
	v28 =	vsel vm7, $0x985, v28;
	v29 =	vsel vm7, $0x986, v29  }
0x3e: {  	v30 =	vsel vm7, $0x987, v30;
	v31 =	vsel vm7, $0x988, v31;
	v32 =	vsel vm7, $0x989, v32  }
0x3f: {  	v33 =	vsel vm7, $0x98A, v33;
	v34 =	vsel vm7, $0x98B, v34;
	v35 =	vsel vm7, $0x98C, v35  }
0x40: {  	v36 =	vsel vm7, $0x98D, v36;
	v37 =	vsel vm7, $0x98E, v37;
	v38 =	vsel vm7, $0x98F, v38  }
0x41: {  	v39 =	vsel vm7, $0x980, v39;
	v40 =	vsel vm7, $0x981, v40;
	v41 =	vsel vm7, $0x982, v41  }
0x42: {  	v45 =	vsel vm6, $0xE4, v45;
	v47 =	vsel vm6, $0x104, v47;
	v42 =	vsel vm6, $0x184, v42  }
0x43: {  	v6 =	vsel vm12, v1, v0;
	v0 =	vsel vm6, $0x1EC, v3;
	v1 =	vimm.s32 $0x4F2E0D00  }
0x44: {  	v3 =	vimm.s32 $0x188;
	v2 =	vnsel vm13, $0x8F, v2;
	vm13 =	vcmask $0x3B2C  }
0x45: {  	v4 =	vsel vm10, $0xE0, v4;
	vm12 =	vcmask $0x2B1C;
	v9 =	vsel vm6, $0xC4, v9  }
0x46: {  	v14 =	vsel vm6, $0x208, v14;
	v15 =	vsel vm6, $0x209, v15;
	v16 =	vsel vm6, $0x20A, v16  }
0x47: {  	v18 =	vsel vm6, $0x20B, v18;
	v19 =	vsel vm6, $0x20C, v19;
	v20 =	vsel vm6, $0x20D, v20  }
0x48: {  	v21 =	vsel vm6, $0x20E, v21;
	v22 =	vsel vm6, $0x20F, v22;
	v23 =	vsel vm6, $0x200, v23  }
0x49: {  	v24 =	vsel vm6, $0x201, v24;
	v25 =	vsel vm6, $0x202, v25;
	v26 =	vsel vm6, $0x203, v26  }
0x4a: {  	v27 =	vsel vm6, $0xA05, v27;
	v28 =	vsel vm6, $0xA06, v28;
	v29 =	vsel vm6, $0xA07, v29  }
0x4b: {  	v30 =	vsel vm6, $0xA08, v30;
	v31 =	vsel vm6, $0xA09, v31;
	v32 =	vsel vm6, $0xA0A, v32  }
0x4c: {  	v33 =	vsel vm6, $0xA0B, v33;
	v34 =	vsel vm6, $0xA0C, v34;
	v35 =	vsel vm6, $0xA0D, v35  }
0x4d: {  	v36 =	vsel vm6, $0xA0E, v36;
	v37 =	vsel vm6, $0xA0F, v37;
	v38 =	vsel vm6, $0xA00, v38  }
0x4e: {  	v39 =	vsel vm6, $0xA01, v39;
	v40 =	vsel vm6, $0xA02, v40;
	v41 =	vsel vm6, $0xA03, v41  }
0x4f: {  	v45 =	vsel vm5, $0x105, v45;
	v47 =	vsel vm5, $0x125, v47;
	v42 =	vsel vm5, $0x1A5, v42  }
0x50: {  	v1 =	vunpack.c.0.s8.s32 v1;
	v3 =	vsel vm9, $0x1A9, v3;
	v2 =	vsel vm7, $0x103, v2  }
0x51: {  	v9 =	vsel vm5, $0xE5, v9;
	v14 =	vsel vm5, $0x289, v14;
	v15 =	vsel vm5, $0x28A, v15  }
0x52: {  	v16 =	vsel vm5, $0x28B, v16;
	v18 =	vsel vm5, $0x28C, v18;
	v19 =	vsel vm5, $0x28D, v19  }
0x53: {  	v20 =	vsel vm5, $0x28E, v20;
	v21 =	vsel vm5, $0x28F, v21;
	v22 =	vsel vm5, $0x280, v22  }
0x54: {  	v23 =	vsel vm5, $0x281, v23;
	v24 =	vsel vm5, $0x282, v24;
	v25 =	vsel vm5, $0x283, v25  }
0x55: {  	v26 =	vsel vm5, $0x284, v26;
	v27 =	vsel vm5, $0xA86, v27;
	v28 =	vsel vm5, $0xA87, v28  }
0x56: {  	v29 =	vsel vm5, $0xA88, v29;
	v30 =	vsel vm5, $0xA89, v30;
	v31 =	vsel vm5, $0xA8A, v31  }
0x57: {  	v32 =	vsel vm5, $0xA8B, v32;
	v33 =	vsel vm5, $0xA8C, v33;
	v34 =	vsel vm5, $0xA8D, v34  }
0x58: {  	v35 =	vsel vm5, $0xA8E, v35;
	v36 =	vsel vm5, $0xA8F, v36;
	v37 =	vsel vm5, $0xA80, v37  }
0x59: {  	v38 =	vsel vm5, $0xA81, v38;
	v39 =	vsel vm5, $0xA82, v39;
	v40 =	vsel vm5, $0xA83, v40  }
0x5a: {  	v41 =	vsel vm5, $0xA84, v41;
	v45 =	vsel vm4, $0x126, v45;
	v47 =	vsel vm4, $0x146, v47  }
0x5b: {  	v42 =	vsel vm4, $0x1C6, v42;
	v6 =	vsel vm3, $0x107, v6;
	v9 =	vsel vm4, $0x106, v9  }
0x5c: {  	v14 =	vsel vm4, $0x30A, v14;
	v15 =	vsel vm4, $0x30B, v15;
	v16 =	vsel vm4, $0x30C, v16  }
0x5d: {  	v18 =	vsel vm4, $0x30D, v18;
	v19 =	vsel vm4, $0x30E, v19;
	v20 =	vsel vm4, $0x30F, v20  }
0x5e: {  	v21 =	vsel vm4, $0x300, v21;
	v22 =	vsel vm4, $0x301, v22;
	v23 =	vsel vm4, $0x302, v23  }
0x5f: {  	v24 =	vsel vm4, $0x303, v24;
	v25 =	vsel vm4, $0x304, v25;
	v26 =	vsel vm4, $0x305, v26  }
0x60: {  	v27 =	vsel vm4, $0xB07, v27;
	v28 =	vsel vm4, $0xB08, v28;
	v29 =	vsel vm4, $0xB09, v29  }
0x61: {  	v30 =	vsel vm4, $0xB0A, v30;
	v31 =	vsel vm4, $0xB0B, v31;
	v32 =	vsel vm4, $0xB0C, v32  }
0x62: {  	v33 =	vsel vm4, $0xB0D, v33;
	v34 =	vsel vm4, $0xB0E, v34;
	v35 =	vsel vm4, $0xB0F, v35  }
0x63: {  	v36 =	vsel vm4, $0xB00, v36;
	v37 =	vsel vm4, $0xB01, v37;
	v38 =	vsel vm4, $0xB02, v38  }
0x64: {  	v39 =	vsel vm4, $0xB03, v39;
	v40 =	vsel vm4, $0xB04, v40;
	v41 =	vsel vm4, $0xB05, v41  }
0x65: {  	v43 =	vsel vm3, $0x147, v45;
	v56 =	vsel vm3, $0x167, v47;
	v42 =	vsel vm3, $0x1E7, v42  }
0x66: {  	v6 =	vsel vm2, $0x128, v6;
	v0 =	vsel vm14, v1, v0;
	v1 =	vsel vm6, $0x124, v2  }
0x67: {  	vm14 =	vcmask $0x3728;
	v9 =	vsel vm3, $0x127, v9;
	v14 =	vsel vm3, $0x38B, v14  }
0x68: {  	v15 =	vsel vm3, $0x38C, v15;
	v16 =	vsel vm3, $0x38D, v16;
	v18 =	vsel vm3, $0x38E, v18  }
0x69: {  	v19 =	vsel vm3, $0x38F, v19;
	v20 =	vsel vm3, $0x380, v20;
	v21 =	vsel vm3, $0x381, v21  }
0x6a: {  	v22 =	vsel vm3, $0x382, v22;
	v23 =	vsel vm3, $0x383, v23;
	v24 =	vsel vm3, $0x384, v24  }
0x6b: {  	v25 =	vsel vm3, $0x385, v25;
	v26 =	vsel vm3, $0x386, v26;
	v27 =	vsel vm3, $0xB88, v27  }
0x6c: {  	v28 =	vsel vm3, $0xB89, v28;
	v29 =	vsel vm3, $0xB8A, v29;
	v30 =	vsel vm3, $0xB8B, v30  }
0x6d: {  	v31 =	vsel vm3, $0xB8C, v31;
	v32 =	vsel vm3, $0xB8D, v32;
	v33 =	vsel vm3, $0xB8E, v33  }
0x6e: {  	v34 =	vsel vm3, $0xB8F, v34;
	v35 =	vsel vm3, $0xB80, v35;
	v36 =	vsel vm3, $0xB81, v36  }
0x6f: {  	v37 =	vsel vm3, $0xB82, v37;
	v38 =	vsel vm3, $0xB83, v38;
	v39 =	vsel vm3, $0xB84, v39  }
0x70: {  	v40 =	vsel vm3, $0xB85, v40;
	v41 =	vsel vm3, $0xB86, v41;
	v6 =	vsel vm1, $0x149, v6  }
0x71: {  	[tilespmem:$0x1FFA0] =	vst v0;
	v0 =	vsel vm8, $0x1CA, v3;
	v3 =	vimm.s32 $0x6F4E2D0C;
	v9 =	vsel vm2, $0x148, v9  }
0x72: {  	v14 =	vsel vm2, $0x40C, v14;
	v15 =	vsel vm2, $0x40D, v15;
	v16 =	vsel vm2, $0x40E, v16  }
0x73: {  	v18 =	vsel vm2, $0x40F, v18;
	v19 =	vsel vm2, $0x400, v19;
	v20 =	vsel vm2, $0x401, v20  }
0x74: {  	v21 =	vsel vm2, $0x402, v21;
	v22 =	vsel vm2, $0x403, v22;
	v23 =	vsel vm2, $0x404, v23  }
0x75: {  	v24 =	vsel vm2, $0x405, v24;
	v25 =	vsel vm2, $0x406, v25;
	v26 =	vsel vm2, $0x407, v26  }
0x76: {  	v27 =	vsel vm2, $0xC09, v27;
	v28 =	vsel vm2, $0xC0A, v28;
	v29 =	vsel vm2, $0xC0B, v29  }
0x77: {  	v30 =	vsel vm2, $0xC0C, v30;
	v31 =	vsel vm2, $0xC0D, v31;
	v32 =	vsel vm2, $0xC0E, v32  }
0x78: {  	v33 =	vsel vm2, $0xC0F, v33;
	v34 =	vsel vm2, $0xC00, v34;
	v35 =	vsel vm2, $0xC01, v35  }
0x79: {  	v36 =	vsel vm2, $0xC02, v36;
	v37 =	vsel vm2, $0xC03, v37;
	v38 =	vsel vm2, $0xC04, v38  }
0x7a: {  	v39 =	vsel vm2, $0xC05, v39;
	v40 =	vsel vm2, $0xC06, v40;
	v41 =	vsel vm2, $0xC07, v41  }
0x7b: {  	v6 =	vsel vm0, $0x16A, v6;
	v2 =	vsel vm7, $0x1EB, v0;
	v0 =	vsel vm5, $0x145, v1  }
0x7c: {  	v1 =	vimm.s32 $0xAF;
	v5 =	vunpack.c.0.s8.s32 v3;
	v3 =	vimm.s32 $0xB6E4D2C  }
0x7d: {  	v9 =	vsel vm1, $0x169, v9;
	v14 =	vsel vm1, $0x48D, v14;
	v15 =	vsel vm1, $0x48E, v15  }
0x7e: {  	v16 =	vsel vm1, $0x48F, v16;
	v18 =	vsel vm1, $0x480, v18;
	v19 =	vsel vm1, $0x481, v19  }
0x7f: {  	v20 =	vsel vm1, $0x482, v20;
	v21 =	vsel vm1, $0x483, v21;
	v22 =	vsel vm1, $0x484, v22  }
0x80: {  	v23 =	vsel vm1, $0x485, v23;
	v24 =	vsel vm1, $0x486, v24;
	v25 =	vsel vm1, $0x487, v25  }
0x81: {  	v26 =	vsel vm1, $0x488, v26;
	v27 =	vsel vm1, $0xC8A, v27;
	v28 =	vsel vm1, $0xC8B, v28  }
0x82: {  	v29 =	vsel vm1, $0xC8C, v29;
	v30 =	vsel vm1, $0xC8D, v30;
	v31 =	vsel vm1, $0xC8E, v31  }
0x83: {  	v32 =	vsel vm1, $0xC8F, v32;
	v33 =	vsel vm1, $0xC80, v33;
	v34 =	vsel vm1, $0xC81, v34  }
0x84: {  	v35 =	vsel vm1, $0xC82, v35;
	v36 =	vsel vm1, $0xC83, v36;
	v37 =	vsel vm1, $0xC84, v37  }
0x85: {  	v38 =	vsel vm1, $0xC85, v38;
	v39 =	vsel vm1, $0xC86, v39;
	v40 =	vsel vm1, $0xC87, v40  }
0x86: {  	v41 =	vsel vm1, $0xC88, v41;
	v0 =	vsel vm4, $0x166, v0;
	v1 =	vsel vm10, $0xC0, v1  }
0x87: {  	v3 =	vunpack.c.0.s8.s32 v3;
	v9 =	vsel vm0, $0x18A, v9;
	v14 =	vsel vm0, $0x50E, v14  }
0x88: {  	v15 =	vsel vm0, $0x50F, v15;
	v16 =	vsel vm0, $0x500, v16;
	v18 =	vsel vm0, $0x501, v18  }
0x89: {  	v19 =	vsel vm0, $0x502, v19;
	v20 =	vsel vm0, $0x503, v20;
	v21 =	vsel vm0, $0x504, v21  }
0x8a: {  	v22 =	vsel vm0, $0x505, v22;
	v23 =	vsel vm0, $0x506, v23;
	v24 =	vsel vm0, $0x507, v24  }
0x8b: {  	v25 =	vsel vm0, $0x508, v25;
	v26 =	vsel vm0, $0x509, v26;
	v27 =	vsel vm0, $0xD0B, v27  }
0x8c: {  	v28 =	vsel vm0, $0xD0C, v28;
	v29 =	vsel vm0, $0xD0D, v29;
	v30 =	vsel vm0, $0xD0E, v30  }
0x8d: {  	v31 =	vsel vm0, $0xD0F, v31;
	v32 =	vsel vm0, $0xD00, v32;
	v33 =	vsel vm0, $0xD01, v33  }
0x8e: {  	v34 =	vsel vm0, $0xD02, v34;
	v35 =	vsel vm0, $0xD03, v35;
	v36 =	vsel vm0, $0xD04, v36  }
0x8f: {  	v37 =	vsel vm0, $0xD05, v37;
	v38 =	vsel vm0, $0xD06, v38;
	v39 =	vsel vm0, $0xD07, v39  }
0x90: {  	v40 =	vsel vm0, $0xD08, v40;
	v0 =	vsel vm3, $0x187, v0;
	v1 =	vsel vm9, $0xE1, v1  }
0x91: {  	v2 =	vsel vm11, v5, v2;
	v5 =	vimm.s32 $0xEFCEAD8C;
	v0 =	vsel vm2, $0x1A8, v0  }
0x92: {  	v1 =	vsel vm8, $0x102, v1;
	v3 =	vand.u32 $0xFF, v3;
	v0 =	vsel vm1, $0x1C9, v0  }
0x93: {  	[tilespmem:$0x1FFC0] =	vst v2;
	v2 =	vimm.s32 $0x6B4A2908;
	v1 =	vsel vm7, $0x123, v1;
	v0 =	vsel vm0, $0x1EA, v0  }
0x94: {  	v1 =	vsel vm6, $0x144, v1;
	v0 =	vsel vm13, v3, v0;
	v3 =	vsel vm9, $0x101, v4  }
0x95: {  	v5 =	vunpack.c.0.s8.s32 v5;
	v1 =	vsel vm5, $0x165, v1;
	v3 =	vsel vm8, $0x122, v3  }
0x96: {  	v4 =	vimm.s32 $0x2B0A6D4C;
	v1 =	vsel vm4, $0x186, v1;
	v3 =	vsel vm7, $0x143, v3  }
0x97: {  	v4 =	vunpack.c.0.s8.s32 v4;
	v1 =	vsel vm3, $0x1A7, v1;
	v3 =	vsel vm6, $0x164, v3  }
0x98: {  	v2 =	vunpack.c.0.s8.s32 v2;
	v1 =	vsel vm2, $0x1C8, v1;
	v3 =	vsel vm5, $0x185, v3  }
0x99: {  	v4 =	vand.u32 $0xFF, v4;
	v1 =	vsel vm1, $0x1E9, v1;
	v3 =	vsel vm4, $0x1A6, v3  }
0x9a: {  	v11 =	vsel vm14, v4, v1;
	v1 =	vsel vm3, $0x1C7, v3;
	v3 =	vsel vm7, $0x183, v7  }
0x9b: {  	v4 =	vsel vm2, $0x1E8, v1;
	v1 =	vsel vm6, $0x1A4, v3;
	v3 =	vimm.s32 $0x76A4928  }
0x9c: {  	v5 =	vand.u32 $0xFF, v5;
	v2 =	vand.u32 $0xFF, v2;
	v3 =	vunpack.c.0.s8.s32 v3  }
0x9d: {  	v41 =	vsel vm0, $0xD09, v41;
	v2 =	vsel vm11, v5, v2;
	v1 =	vsel vm5, $0x1C5, v1  }
0x9e: {  	v7 =	vimm.s32 $0x4B2A096C;
	v1 =	vsel vm4, $0x1E6, v1;
	v3 =	vand.u32 $0xFF, v3  }
0x9f: {  	v1 =	vsel vm12, v3, v1;
	v3 =	vsel vm8, $0x182, v8;
	v8 =	vimm.s32 $0x27066948  }
0xa0: {  	v7 =	vunpack.c.0.s8.s32 v7;
	v3 =	vsel vm7, $0x1A3, v3;
	v8 =	vunpack.c.0.s8.s32 v8  }
0xa1: {  	v1 =	vsel vm13, v10, v1;
	v10 =	vimm.s32 $0xAB8AEDCC;
	v3 =	vsel vm6, $0x1C4, v3  }
0xa2: {  	vm13 =	vcmask $0x2718;
	v3 =	vsel vm5, $0x1E5, v3;
	v8 =	vand.u32 $0xFF, v8  }
0xa3: {  	v10 =	vunpack.c.0.s8.s32 v10;
	v3 =	vsel vm13, v8, v3;
	v8 =	vsel vm10, $0x160, v12  }
0xa4: {  	v7 =	vand.u32 $0xFF, v7;
	v12 =	vimm.s32 $0x47260568;
	v8 =	vsel vm9, $0x181, v8  }
0xa5: {  	v10 =	vand.u32 $0xFF, v10;
	v12 =	vunpack.c.0.s8.s32 v12;
	v8 =	vsel vm8, $0x1A2, v8  }
0xa6: {  	v17 =	vsel vm14, v10, v3;
	v3 =	vsel vm7, $0x1C3, v8;
	v8 =	vunpack.c.0.s8.s32 v13  }
0xa7: {  	vm14 =	vcmask $0x2314;
	v10 =	vand.u32 $0xFF, v12;
	v3 =	vsel vm6, $0x1E4, v3  }
0xa8: {  	v4 =	vsel vm15, v7, v4;
	v3 =	vsel vm14, v10, v3;
	v7 =	vand.u32 $0xFF, v8  }
0xa9: {  	v5 =	vimm.s32 $0x18F;
	v3 =	vsel vm15, v7, v3;
	v7 =	vimm.s32 $0x16F  }
0xaa: {  	v5 =	vsel vm10, $0x1A0, v5;
	v8 =	vimm.s32 $0x67462504;
	v7 =	vsel vm10, $0x180, v7  }
0xab: {  	v12 =	vimm.s32 $0x1AF;
	v8 =	vunpack.c.0.s8.s32 v8;
	v7 =	vsel vm9, $0x1A1, v7  }
0xac: {  	v13 =	vimm.s32 $0x1CF;
	v10 =	vimm.s32 $0xEBCAA988;
	v7 =	vsel vm8, $0x1C2, v7  }
0xad: {  	v10 =	vunpack.c.0.s8.s32 v10;
	v8 =	vand.u32 $0xFF, v8;
	v7 =	vsel vm7, $0x1E3, v7  }
0xae: {  	[tilespmem:$0x1FFE0] =	vst v2;
	v13 =	vsel vm10, $0x1E0, v13;
	vm15 =	vcmask $0x2F20;
	v2 =	vsel vm11, v8, v7  }
0xaf: {  	v7 =	vand.u32 $0xFF, v10;
	v8 =	vimm.s32 $0x3664524;
	v10 =	vsel vm9, $0x1C1, v5  }
0xb0: {  	v8 =	vunpack.c.0.s8.s32 v8;
	v5 =	vsel vm15, v7, v2;
	v7 =	vimm.s32 $0x87EAC9A8  }
0xb1: {  	v2 =	vsel vm8, $0x1E2, v10;
	v10 =	vimm.s32 $0x23026544;
	v7 =	vunpack.c.0.s8.s32 v7  }
0xb2: {  	vm15 =	vcmask $0x1B0C;
	v10 =	vunpack.c.0.s8.s32 v10;
	v8 =	vand.u32 $0xFF, v8  }
0xb3: {  	v2 =	vsel vm15, v8, v2;
	v7 =	vand.u32 $0xFF, v7;
	v8 =	vsel vm10, $0x1C0, v12  }
0xb4: {  	v10 =	vand.u32 $0xFF, v10;
	vm15 =	vcmask $0x1708;
	v12 =	vimm.s32 $0xC7A685E8  }
0xb5: {  	v8 =	vsel vm9, $0x1E1, v8;
	v2 =	vsel vm12, v7, v2;
	v12 =	vunpack.c.0.s8.s32 v12  }
0xb6: {  	vm12 =	vcmask $0x2F2C;
	v7 =	vsel vm15, v10, v8;
	v8 =	vimm.s32 $0x43220164  }
0xb7: {  	v10 =	vimm.s32 $0xA786E9C8;
	vm15 =	vcmask $0x1304;
	v6 =	vsel vm12, $0x18B, v6  }
0xb8: {  	v9 =	vsel vm12, $0x1AB, v9;
	v14 =	vsel vm12, $0x58F, v14;
	v15 =	vsel vm12, $0x580, v15  }
0xb9: {  	v16 =	vsel vm12, $0x581, v16;
	v18 =	vsel vm12, $0x582, v18;
	v19 =	vsel vm12, $0x583, v19  }
0xba: {  	v20 =	vsel vm12, $0x584, v20;
	v21 =	vsel vm12, $0x585, v21;
	v22 =	vsel vm12, $0x586, v22  }
0xbb: {  	v23 =	vsel vm12, $0x587, v23;
	v24 =	vsel vm12, $0x588, v24;
	v57 =	vsel vm12, $0x10B, v2  }
0xbc: {  	v25 =	vsel vm12, $0x589, v25;
	v26 =	vsel vm12, $0x58A, v26;
	v27 =	vsel vm12, $0xD8C, v27  }
0xbd: {  	v28 =	vsel vm12, $0xD8D, v28;
	v29 =	vsel vm12, $0xD8E, v29;
	v30 =	vsel vm12, $0xD8F, v30  }
0xbe: {  	v31 =	vsel vm12, $0xD80, v31;
	v32 =	vsel vm12, $0xD81, v32;
	v33 =	vsel vm12, $0xD82, v33  }
0xbf: {  	v34 =	vsel vm12, $0xD83, v34;
	v35 =	vsel vm12, $0xD84, v35;
	v36 =	vsel vm12, $0xD85, v36  }
0xc0: {  	v37 =	vsel vm12, $0xD86, v37;
	v38 =	vsel vm12, $0xD87, v38;
	v8 =	vunpack.c.0.s8.s32 v8  }
0xc1: {  	v39 =	vsel vm12, $0xD88, v39;
	v40 =	vsel vm12, $0xD89, v40;
	v10 =	vunpack.c.0.s8.s32 v10  }
0xc2: {  	v41 =	vsel vm12, $0xD8A, v41;
	v2 =	vmul.u32 $0x81, v49;
	v8 =	vand.u32 $0xFF, v8  }
0xc3: {  	v12 =	vand.u32 $0xFF, v12;
	v10 =	vand.u32 $0xFF, v10;
	v8 =	vsel vm15, v8, v13  }
0xc4: {  	v7 =	vsel vm13, v10, v7;
	v10 =	vimm.s32 $0x780;
	v13 =	vimm.s32 $0x782  }
0xc5: {  	vm13 =	vcmask $0x3330;
	vm15 =	vcmask $0x3B38;
	v8 =	vsel vm14, v12, v8  }
0xc6: {  	v10 =	vsel vm10, $0x1, v10;
	v12 =	vimm.s32 $0x781;
	v13 =	vsel vm10, $0x3, v13  }
0xc7: {  	v7 =	vsel vm0, $0x10A, v7;
	v6 =	vsel vm13, $0x1AC, v6;
	v9 =	vsel vm13, $0x1CC, v9  }
0xc8: {  	v14 =	vsel vm13, $0x600, v14;
	v15 =	vsel vm13, $0x601, v15;
	v16 =	vsel vm13, $0x602, v16  }
0xc9: {  	v18 =	vsel vm13, $0x603, v18;
	v19 =	vsel vm13, $0x604, v19;
	v20 =	vsel vm13, $0x605, v20  }
0xca: {  	v21 =	vsel vm13, $0x606, v21;
	v22 =	vsel vm13, $0x607, v22;
	v23 =	vsel vm13, $0x608, v23  }
0xcb: {  	[tilespmem:$0x1FFF0] =	vst v42;
	v5 =	vsel vm13, $0x10C, v5;
	v24 =	vsel vm13, $0x609, v24;
	v42 =	vsel vm13, $0x12C, v57  }
0xcc: {  	v25 =	vsel vm13, $0x60A, v25;
	v26 =	vsel vm13, $0x60B, v26;
	v27 =	vsel vm13, $0xE0D, v27  }
0xcd: {  	v28 =	vsel vm13, $0xE0E, v28;
	v29 =	vsel vm13, $0xE0F, v29;
	v30 =	vsel vm13, $0xE00, v30  }
0xce: {  	v31 =	vsel vm13, $0xE01, v31;
	v32 =	vsel vm13, $0xE02, v32;
	v33 =	vsel vm13, $0xE03, v33  }
0xcf: {  	v34 =	vsel vm13, $0xE04, v34;
	v35 =	vsel vm13, $0xE05, v35;
	v36 =	vsel vm13, $0xE06, v36  }
0xd0: {  	v37 =	vsel vm13, $0xE07, v37;
	v38 =	vsel vm13, $0xE08, v38;
	v39 =	vsel vm13, $0xE09, v39  }
0xd1: {  	v40 =	vsel vm13, $0xE0A, v40;
	v41 =	vsel vm13, $0xE0B, v41;
	vm14 =	vcmask $0x3734  }
0xd2: {  	v11 =	vsel vm15, $0x8E, v11;
	v17 =	vsel vm15, $0x10E, v17;
	v12 =	vsel vm10, $0x2, v12  }
0xd3: {  	v10 =	vsel vm9, $0x82, v10;
	v13 =	vsel vm9, $0x84, v13;
	v8 =	vsel vm1, $0x109, v8  }
0xd4: {  	v7 =	vsel vm12, $0x12B, v7;
	v6 =	vsel vm14, $0x1CD, v6;
	v9 =	vsel vm14, $0x1ED, v9  }
0xd5: {  	v14 =	vsel vm14, $0x681, v14;
	v15 =	vsel vm14, $0x682, v15;
	v16 =	vsel vm14, $0x683, v16  }
0xd6: {  	v18 =	vsel vm14, $0x684, v18;
	v50 =	vsel vm14, $0x8D, v4;
	v19 =	vsel vm14, $0x685, v19  }
0xd7: {  	v20 =	vsel vm14, $0x686, v20;
	v21 =	vsel vm14, $0x687, v21;
	v22 =	vsel vm14, $0x688, v22  }
0xd8: {  	v51 =	vsel vm14, $0x10D, v3;
	v23 =	vsel vm14, $0x689, v23;
	v52 =	vsel vm14, $0x12D, v5  }
0xd9: {  	v24 =	vsel vm14, $0x68A, v24;
	v42 =	vsel vm14, $0x14D, v42;
	v25 =	vsel vm14, $0x68B, v25  }
0xda: {  	[tilespmem:$0x1FFD0] =	vst v56;
	v26 =	vsel vm14, $0x68C, v26;
	v55 =	vsel vm14, $0xE8E, v27;
	v56 =	vsel vm14, $0xE8F, v28  }
0xdb: {  	v57 =	vsel vm14, $0xE80, v29;
	v58 =	vsel vm14, $0xE81, v30;
	v59 =	vsel vm14, $0xE82, v31  }
0xdc: {  	v60 =	vsel vm14, $0xE83, v32;
	v61 =	vsel vm14, $0xE84, v33;
	v62 =	vsel vm14, $0xE85, v34  }
0xdd: {  	[tilespmem:$0x1FFB0] =	vst v43;
	v63 =	vsel vm14, $0xE86, v35;
	v43 =	vsel vm14, $0xE87, v36;
	v44 =	vsel vm14, $0xE88, v37  }
0xde: {  	v47 =	vsel vm14, $0xE89, v38;
	v46 =	vsel vm14, $0xE8A, v39;
	v45 =	vsel vm14, $0xE8B, v40  }
0xdf: {  	v48 =	vsel vm14, $0xE8C, v41;
	v12 =	vsel vm9, $0x83, v12;
	v10 =	vsel vm8, $0x103, v10  }
0xe0: {  	v13 =	vsel vm8, $0x105, v13;
	v8 =	vsel vm0, $0x12A, v8;
	v7 =	vsel vm13, $0x14C, v7  }
0xe1: {  	v4 =	vsel vm15, $0x1EE, v6;
	v6 =	vsel vm15, $0xE, v9;
	v9 =	vsel vm15, $0x703, v15  }
0xe2: {  	v15 =	vsel vm15, $0x707, v20;
	v20 =	vsel vm15, $0x70A, v23;
	v23 =	vsel vm15, $0x16E, v42  }
0xe3: {  	s0 =	rddreg [dreg:$0x0];
	v26 =	vsel vm15, $0x70D, v26;
	v28 =	vsel vm15, $0xF0F, v55;
	v29 =	vsel vm15, $0xF00, v56  }
0xe4: {  	s1 =	rddreg [dreg:$0x1];
	s4 =	simm.s32 $0x0;
	v30 =	vsel vm15, $0xF01, v57;
	v31 =	vsel vm15, $0xF02, v58;
	v32 =	vsel vm15, $0xF03, v59  }
0xe5: {  	[smem:$0x7FF] =	sst s4;
	v33 =	vsel vm15, $0xF04, v60;
	v34 =	vsel vm15, $0xF05, v61;
	v35 =	vsel vm15, $0xF06, v62  }
0xe6: {  	s14 =	rddreg [dreg:$0x2];
	_ =	strace $0x80000047;
	v36 =	vsel vm15, $0xF07, v63;
	v37 =	vsel vm15, $0xF08, v43;
	v38 =	vsel vm15, $0xF09, v44  }
0xe7: {  	v39 =	vsel vm15, $0xF0A, v47;
	v40 =	vsel vm15, $0xF0B, v46;
	v41 =	vsel vm15, $0xF0C, v45;
	v58 =	vld [tilespmem:$0x1FFA0]  }
0xe8: {  	v42 =	vsel vm15, $0xF0D, v48;
	v59 =	vld [tilespmem:$0x1FFB0];
	v45 =	vmul.u32 $0x21, v49;
	v47 =	vor.u32 $0x800, v2  }
0xe9: {  	v60 =	vld [tilespmem:$0x1FFC0];
	v12 =	vsel vm8, $0x104, v12;
	v10 =	vsel vm7, $0x184, v10;
	v13 =	vsel vm7, $0x186, v13  }
0xea: {  	v61 =	vld [tilespmem:$0x1FFD0];
	v8 =	vsel vm12, $0x14B, v8;
	v53 =	vsel vm14, $0x16D, v7;
	v12 =	vsel vm7, $0x185, v12  }
0xeb: {  	v62 =	vld [tilespmem:$0x1FFE0];
	v10 =	vsel vm6, $0x205, v10;
	v13 =	vsel vm6, $0x207, v13;
	v8 =	vsel vm13, $0x16C, v8  }
0xec: {  	v63 =	vld [tilespmem:$0x1FFF0];
	v12 =	vsel vm6, $0x206, v12;
	v10 =	vsel vm5, $0x286, v10;
	v13 =	vsel vm5, $0x288, v13  }
0xed: {  	v54 =	vsel vm14, $0x18D, v8;
	v8 =	vsel vm15, $0x702, v14;
	v14 =	vsel vm15, $0x706, v19  }
0xee: {  	v19 =	vsel vm15, $0x12E, v51;
	v12 =	vsel vm5, $0x287, v12;
	v10 =	vsel vm4, $0x307, v10  }
0xef: {  	v13 =	vsel vm4, $0x309, v13;
	v27 =	vsel vm15, $0x1AE, v54;
	v12 =	vsel vm4, $0x308, v12  }
0xf0: {  	s3 =	srdreg.scid;
	s2 =	stileid.u32;
	s15 =	simm.s32 $0x400;
	v10 =	vsel vm3, $0x388, v10;
	v13 =	vsel vm3, $0x38A, v13;
	v43 =	vcombine.low v59, v58  }
0xf1: {  	s17 =	simm.s32 $0x7A1400;
	s18 =	simm.s32 $0x1000;
	s19 =	simm.s32 $0x1;
	v44 =	vcombine.low v61, v60;
	v46 =	vcombine.low v63, v62;
	v12 =	vsel vm3, $0x389, v12  }
0xf2: {  	s20 =	simm.s32 $0x2000;
	s21 =	simm.s32 $0x2;
	s22 =	simm.s32 $0x3000;
	v10 =	vsel vm2, $0x409, v10;
	v13 =	vsel vm2, $0x40B, v13;
	v12 =	vsel vm2, $0x40A, v12  }
0xf3: {  	s23 =	simm.s32 $0x3;
	s24 =	simm.s32 $0x4;
	s25 =	simm.s32 $0x0;
	v10 =	vsel vm1, $0x48A, v10;
	v13 =	vsel vm1, $0x48C, v13;
	v12 =	vsel vm1, $0x48B, v12  }
0xf4: {  	s6 =	sand.u32 $0x1, s3;
	s31 =	sshll.u32 s2, $0x1;
	s5 =	sadd.s32 $0x800, s14;
	v10 =	vsel vm0, $0x50B, v10;
	v13 =	vsel vm0, $0x50D, v13;
	v12 =	vsel vm0, $0x50C, v12  }
0xf5: {  	s14 =	sadd.s32 $0x3D1000, s14;
	s3 =	sor.u32 s6, s31;
	s8 =	ssub.s32 $0x2, s6;
	v10 =	vsel vm12, $0x58C, v10;
	v13 =	vsel vm12, $0x58E, v13;
	v12 =	vsel vm12, $0x58D, v12  }
0xf6: {  	p0 =	sgt.u32 s2, $0x1;
	s7 =	smul.u32 $0x7A00, s3;
	s9 =	sshrl.u32 s8, $0x1;
	v10 =	vsel vm13, $0x60D, v10;
	v13 =	vsel vm13, $0x60F, v13;
	v12 =	vsel vm13, $0x60E, v12  }
.Ltmp0:
0xf7: {  	s13 =	sor.u32 $0x1E80, s3;
	p1 =	sne.s32 s3, $0x1F;
	v10 =	vsel vm14, $0x68E, v10;
	v13 =	vsel vm14, $0x680, v13;
	v12 =	vsel vm14, $0x68F, v12;
	(pc) =	sbr.rel .LBB2_1-.Ltmp0, $4  }
0xf8: {  	s16 =	ssub.s32 s8, s9;
	s12 =	sshll.u32 s13, $0x7;
	s13 =	sshll.u32 s13, $0x9;
	v3 =	vsel vm15, $0x70F, v10;
	v7 =	vsel vm15, $0x701, v13;
	v10 =	vsel vm15, $0x704, v16  }
0xf9: {  	s6 =	sadd.s32 s0, s7;
	s7 =	smul.u32 $0xF4, s3;
	s12 =	sadd.s32 s0, s12;
	v13 =	vsel vm15, $0xAE, v50;
	v16 =	vsel vm15, $0x708, v21;
	v21 =	vsel vm15, $0x14E, v52  }
0xfa: {  	s13 =	sadd.s32 s5, s13;
	s16 =	smax.u32 s16, $0x1;
	s8 =	sadd.s32 $0x80, s6;
	v5 =	vsel vm15, $0x700, v12;
	v12 =	vsel vm15, $0x705, v18;
	v18 =	vsel vm15, $0x709, v22  }
0xfb: {  	s9 =	sor.u32 $0x2, s7;
	s10 =	sor.u32 $0x3, s7;
	s11 =	sor.u32 $0x1, s7;
	v22 =	vsel vm15, $0x70B, v24;
	v24 =	vsel vm15, $0x70C, v25;
	v25 =	vsel vm15, $0x18E, v53  }
.LBB2_11:
0xfc: {  	s3 =	simm.s32 @!p1 $0x0;
	s26 =	simm.s32 @!p1 $0x3000;
	s28 =	simm.s32 @!p1 $0x5  }
0xfd: {  	[tilespmem:s26], [sflag:$0x5] =	stream.linear.gather @!p1 [hbm4b:s1+s3], $0x800, $0x38;
	[tilespmem:$0x4000] =	vst v63  }
0xfe: {  	s25 =	sadd.s32 $0x1, s25;
	_ =	swait.ge @!p1 [sflag:s28], $0x800  }
0xff: {  	p2 =	sne.s32 s25, s16;
	[sflag:s28] =	ssyncset.done @!p1 $0x0  }
.Ltmp1:
0x100: {  	[sflag:s28] =	ssyncadd.s32 @!p1 $0xFFFFF800;
	(pc) =	sbr.rel @!p2 .LBB2_12-.Ltmp1, $4  }
0x101: {  	[hbm4b:s14+s3] =	stream.linear.scatter @!p1 [tilespmem:s26], [sflag:$0x5], $0x800, $0x38;
	[tilespmem:$0x4000] =	vst v63  }
0x102: {  	_ =	swait.ge @!p1 [sflag:s28], $0x800  }
0x103: {  	[sflag:s28] =	ssyncset.done @!p1 $0x0  }
0x104: {  	[sflag:s28] =	ssyncadd.s32 @!p1 $0xFFFFF800  }
.LBB2_1:
0x105: {  	[tilespmem:s4], [sflag:$0x1] =	stream.strided.gather [hbm4b:s6+s15], $0x1000, s17, s15, $0x38;
	[tilespmem:$0x4000] =	vst v63  }
0x106: {  	s26 =	simm.s32 $0x0  }
0x107: {  	[tilespmem:s18], [sflag:$0x2] =	stream.strided.gather [hbm4b:s8+s15], $0x1000, s17, s15, $0x38;
	[tilespmem:$0x4000] =	vst v63  }
.LBB2_2:
0x108: {  	_ =	swait.ge [sflag:s19], $0x1000;
	s30 =	simm.s32 $0x0  }
0x109: {  	p3 =	seq.s32 s26, $0x0;
	[sflag:s19] =	ssyncset.done $0x0;
	v48 =	vor.u32 s30, v2  }
0x10a: {  	s3 =	simm.s32 @!p3 $0x3;
	[sflag:s19] =	ssyncadd.s32 $0xFFFFF000  }
0x10b: {  	_ =	swait.ge @!p3 [sflag:s3], $0x1000  }
0x10c: {  	[sflag:s3] =	ssyncset.done @!p3 $0x0  }
0x10d: {  	[sflag:s3] =	ssyncadd.s32 @!p3 $0xFFFFF000  }
0x10e: {  	v49 =	vor.u32 s30, v45;
	v48 =	vld.idx.msk [tilespmem:v48+s4+$0x0], $0xffff  }
0x10f: {  	v50 =	vor.u32 s30, v3;
	_ =	sdelay $0x3  }
0x110: {  	[tilespmem:v49+s20+$0x0] =	vst.idx.msk $0xffff, v48  }
0x111: {  	v52 =	vor.u32 s30, v4;
	v48 =	vld.idx.msk [tilespmem:v50+s4+$0x0], $0xffff  }
0x112: {  	v53 =	vor.u32 s30, v5;
	_ =	sdelay $0x3  }
0x113: {  	[tilespmem:v52+s20+$0x0] =	vst.idx.msk $0xffff, v48  }
0x114: {  	v54 =	vor.u32 s30, v6;
	v48 =	vld.idx.msk [tilespmem:v53+s4+$0x0], $0xffff  }
0x115: {  	v55 =	vor.u32 s30, v7;
	_ =	sdelay $0x3  }
0x116: {  	[tilespmem:v54+s20+$0x0] =	vst.idx.msk $0xffff, v48  }
0x117: {  	v56 =	vor.u32 s30, v43;
	v48 =	vld.idx.msk [tilespmem:v55+s4+$0x0], $0xffff  }
0x118: {  	v57 =	vor.u32 s30, v8;
	_ =	sdelay $0x3  }
0x119: {  	[tilespmem:v56+s20+$0x0] =	vst.idx.msk $0xffff, v48  }
0x11a: {  	v58 =	vor.u32 s30, v44;
	v48 =	vld.idx.msk [tilespmem:v57+s4+$0x0], $0xffff  }
0x11b: {  	v59 =	vor.u32 s30, v9;
	_ =	sdelay $0x3  }
0x11c: {  	[tilespmem:v58+s20+$0x0] =	vst.idx.msk $0xffff, v48  }
0x11d: {  	v60 =	vor.u32 s30, v0;
	v48 =	vld.idx.msk [tilespmem:v59+s4+$0x0], $0xffff  }
0x11e: {  	v61 =	vor.u32 s30, v10;
	_ =	sdelay $0x3  }
0x11f: {  	[tilespmem:v60+s20+$0x0] =	vst.idx.msk $0xffff, v48  }
0x120: {  	v62 =	vor.u32 s30, v11;
	v48 =	vld.idx.msk [tilespmem:v61+s4+$0x0], $0xffff  }
0x121: {  	v63 =	vor.u32 s30, v12;
	_ =	sdelay $0x3  }
0x122: {  	[tilespmem:v62+s20+$0x0] =	vst.idx.msk $0xffff, v48  }
0x123: {  	v52 =	vor.u32 s30, v13;
	v48 =	vld.idx.msk [tilespmem:v63+s4+$0x0], $0xffff  }
0x124: {  	v53 =	vor.u32 s30, v14;
	_ =	sdelay $0x3  }
0x125: {  	[tilespmem:v52+s20+$0x0] =	vst.idx.msk $0xffff, v48  }
0x126: {  	v54 =	vor.u32 s30, v46;
	v48 =	vld.idx.msk [tilespmem:v53+s4+$0x0], $0xffff  }
0x127: {  	v55 =	vor.u32 s30, v15;
	_ =	sdelay $0x3  }
0x128: {  	[tilespmem:v54+s20+$0x0] =	vst.idx.msk $0xffff, v48  }
0x129: {  	v56 =	vor.u32 s30, v1;
	v48 =	vld.idx.msk [tilespmem:v55+s4+$0x0], $0xffff  }
0x12a: {  	v57 =	vor.u32 s30, v16;
	_ =	sdelay $0x3  }
0x12b: {  	[tilespmem:v56+s20+$0x0] =	vst.idx.msk $0xffff, v48  }
0x12c: {  	v58 =	vor.u32 s30, v17;
	v48 =	vld.idx.msk [tilespmem:v57+s4+$0x0], $0xffff  }
0x12d: {  	v59 =	vor.u32 s30, v18;
	_ =	sdelay $0x3  }
0x12e: {  	[tilespmem:v58+s20+$0x0] =	vst.idx.msk $0xffff, v48  }
0x12f: {  	v60 =	vor.u32 s30, v19;
	v48 =	vld.idx.msk [tilespmem:v59+s4+$0x0], $0xffff  }
0x130: {  	v61 =	vor.u32 s30, v20;
	_ =	sdelay $0x3  }
0x131: {  	[tilespmem:v60+s20+$0x0] =	vst.idx.msk $0xffff, v48  }
0x132: {  	v62 =	vor.u32 s30, v21;
	v48 =	vld.idx.msk [tilespmem:v61+s4+$0x0], $0xffff  }
0x133: {  	v63 =	vor.u32 s30, v22;
	_ =	sdelay $0x3  }
0x134: {  	[tilespmem:v62+s20+$0x0] =	vst.idx.msk $0xffff, v48  }
0x135: {  	v52 =	vor.u32 s30, v23;
	v48 =	vld.idx.msk [tilespmem:v63+s4+$0x0], $0xffff  }
0x136: {  	v53 =	vor.u32 s30, v24;
	_ =	sdelay $0x3  }
0x137: {  	[tilespmem:v52+s20+$0x0] =	vst.idx.msk $0xffff, v48  }
0x138: {  	v54 =	vor.u32 s30, v25;
	v48 =	vld.idx.msk [tilespmem:v53+s4+$0x0], $0xffff  }
0x139: {  	v55 =	vor.u32 s30, v26;
	_ =	sdelay $0x3  }
0x13a: {  	[tilespmem:v54+s20+$0x0] =	vst.idx.msk $0xffff, v48  }
0x13b: {  	v56 =	vor.u32 s30, v27;
	v48 =	vld.idx.msk [tilespmem:v55+s4+$0x0], $0xffff  }
0x13c: {  	v57 =	vor.u32 s30, v47;
	_ =	sdelay $0x3  }
0x13d: {  	s29 =	simm.s32 $0x10;
	[tilespmem:v56+s20+$0x0] =	vst.idx.msk $0xffff, v48  }
0x13e: {  	v58 =	vor.u32 s29, v45;
	v48 =	vld.idx.msk [tilespmem:v57+s4+$0x0], $0xffff  }
0x13f: {  	v59 =	vor.u32 s30, v28;
	_ =	sdelay $0x3  }
0x140: {  	[tilespmem:v58+s20+$0x0] =	vst.idx.msk $0xffff, v48  }
0x141: {  	v60 =	vor.u32 s29, v4;
	v48 =	vld.idx.msk [tilespmem:v59+s4+$0x0], $0xffff  }
0x142: {  	v61 =	vor.u32 s30, v29;
	_ =	sdelay $0x3  }
0x143: {  	[tilespmem:v60+s20+$0x0] =	vst.idx.msk $0xffff, v48  }
0x144: {  	v62 =	vor.u32 s29, v6;
	v48 =	vld.idx.msk [tilespmem:v61+s4+$0x0], $0xffff  }
0x145: {  	v63 =	vor.u32 s30, v30;
	_ =	sdelay $0x3  }
0x146: {  	[tilespmem:v62+s20+$0x0] =	vst.idx.msk $0xffff, v48  }
0x147: {  	v52 =	vor.u32 s29, v43;
	v48 =	vld.idx.msk [tilespmem:v63+s4+$0x0], $0xffff  }
0x148: {  	v53 =	vor.u32 s30, v31;
	_ =	sdelay $0x3  }
0x149: {  	[tilespmem:v52+s20+$0x0] =	vst.idx.msk $0xffff, v48  }
0x14a: {  	v54 =	vor.u32 s29, v44;
	v48 =	vld.idx.msk [tilespmem:v53+s4+$0x0], $0xffff  }
0x14b: {  	v55 =	vor.u32 s30, v32;
	_ =	sdelay $0x3  }
0x14c: {  	[tilespmem:v54+s20+$0x0] =	vst.idx.msk $0xffff, v48  }
0x14d: {  	v56 =	vor.u32 s29, v0;
	v48 =	vld.idx.msk [tilespmem:v55+s4+$0x0], $0xffff  }
0x14e: {  	v57 =	vor.u32 s30, v33;
	_ =	sdelay $0x3  }
0x14f: {  	[tilespmem:v56+s20+$0x0] =	vst.idx.msk $0xffff, v48  }
0x150: {  	v58 =	vor.u32 s29, v11;
	v48 =	vld.idx.msk [tilespmem:v57+s4+$0x0], $0xffff  }
0x151: {  	v59 =	vor.u32 s30, v34;
	_ =	sdelay $0x3  }
0x152: {  	[tilespmem:v58+s20+$0x0] =	vst.idx.msk $0xffff, v48  }
0x153: {  	v60 =	vor.u32 s29, v13;
	v48 =	vld.idx.msk [tilespmem:v59+s4+$0x0], $0xffff  }
0x154: {  	v61 =	vor.u32 s30, v35;
	_ =	sdelay $0x3  }
0x155: {  	[tilespmem:v60+s20+$0x0] =	vst.idx.msk $0xffff, v48  }
0x156: {  	v62 =	vor.u32 s29, v46;
	v48 =	vld.idx.msk [tilespmem:v61+s4+$0x0], $0xffff  }
0x157: {  	v63 =	vor.u32 s30, v36;
	_ =	sdelay $0x3  }
0x158: {  	[tilespmem:v62+s20+$0x0] =	vst.idx.msk $0xffff, v48  }
0x159: {  	v52 =	vor.u32 s29, v1;
	v48 =	vld.idx.msk [tilespmem:v63+s4+$0x0], $0xffff  }
0x15a: {  	v53 =	vor.u32 s30, v37;
	_ =	sdelay $0x3  }
0x15b: {  	[tilespmem:v52+s20+$0x0] =	vst.idx.msk $0xffff, v48  }
0x15c: {  	v54 =	vor.u32 s29, v17;
	v48 =	vld.idx.msk [tilespmem:v53+s4+$0x0], $0xffff  }
0x15d: {  	v55 =	vor.u32 s30, v38;
	_ =	sdelay $0x3  }
0x15e: {  	[tilespmem:v54+s20+$0x0] =	vst.idx.msk $0xffff, v48  }
0x15f: {  	v56 =	vor.u32 s29, v19;
	v48 =	vld.idx.msk [tilespmem:v55+s4+$0x0], $0xffff  }
0x160: {  	v57 =	vor.u32 s30, v39;
	_ =	sdelay $0x3  }
0x161: {  	[tilespmem:v56+s20+$0x0] =	vst.idx.msk $0xffff, v48  }
0x162: {  	v58 =	vor.u32 s29, v21;
	v48 =	vld.idx.msk [tilespmem:v57+s4+$0x0], $0xffff  }
0x163: {  	v59 =	vor.u32 s30, v40;
	_ =	sdelay $0x3  }
0x164: {  	[tilespmem:v58+s20+$0x0] =	vst.idx.msk $0xffff, v48  }
0x165: {  	v60 =	vor.u32 s29, v23;
	v48 =	vld.idx.msk [tilespmem:v59+s4+$0x0], $0xffff  }
0x166: {  	v61 =	vor.u32 s30, v41;
	_ =	sdelay $0x3  }
0x167: {  	[tilespmem:v60+s20+$0x0] =	vst.idx.msk $0xffff, v48  }
0x168: {  	v62 =	vor.u32 s29, v25;
	v48 =	vld.idx.msk [tilespmem:v61+s4+$0x0], $0xffff  }
0x169: {  	v63 =	vor.u32 s30, v42;
	_ =	sdelay $0x3  }
0x16a: {  	[tilespmem:v62+s20+$0x0] =	vst.idx.msk $0xffff, v48  }
0x16b: {  	v50 =	vor.u32 s29, v27;
	v48 =	vld.idx.msk [tilespmem:v63+s4+$0x0], $0xffff  }
0x16c: {  	s28 =	sshll.u32 s26, $0x1;
	s31 =	simm.s32 $0x20;
	v49 =	vor.u32 s29, v2  }
.LBB2_3:
0x16d: {  	p2 =	sne.s32 s31, $0x70;
	_ =	sdelay $0x2  }
0x16e: {  	[tilespmem:v50+s20+$0x0] =	vst.idx.msk $0xffff, v48  }
0x16f: {  	s30 =	sadd.s32 $0x200, s30;
	v48 =	vld.idx.msk [tilespmem:v49+s4+$0x0], $0xffff  }
0x170: {  	v49 =	vor.u32 s30, v45  }
0x171: {  	v50 =	vor.u32 s29, v3;
	_ =	sdelay $0x3  }
0x172: {  	[tilespmem:v49+s20+$0x0] =	vst.idx.msk $0xffff, v48  }
0x173: {  	v48 =	vld.idx.msk [tilespmem:v50+s4+$0x0], $0xffff  }
0x174: {  	v49 =	vor.u32 s30, v4  }
0x175: {  	v50 =	vor.u32 s29, v5;
	_ =	sdelay $0x3  }
0x176: {  	[tilespmem:v49+s20+$0x0] =	vst.idx.msk $0xffff, v48  }
0x177: {  	v48 =	vld.idx.msk [tilespmem:v50+s4+$0x0], $0xffff  }
0x178: {  	v49 =	vor.u32 s30, v6  }
0x179: {  	v50 =	vor.u32 s29, v7;
	_ =	sdelay $0x3  }
0x17a: {  	[tilespmem:v49+s20+$0x0] =	vst.idx.msk $0xffff, v48  }
0x17b: {  	v48 =	vld.idx.msk [tilespmem:v50+s4+$0x0], $0xffff  }
0x17c: {  	v49 =	vor.u32 s30, v43  }
0x17d: {  	v50 =	vor.u32 s29, v8;
	_ =	sdelay $0x3  }
0x17e: {  	[tilespmem:v49+s20+$0x0] =	vst.idx.msk $0xffff, v48  }
0x17f: {  	v48 =	vld.idx.msk [tilespmem:v50+s4+$0x0], $0xffff  }
0x180: {  	v49 =	vor.u32 s30, v44  }
0x181: {  	v50 =	vor.u32 s29, v9;
	_ =	sdelay $0x3  }
0x182: {  	[tilespmem:v49+s20+$0x0] =	vst.idx.msk $0xffff, v48  }
0x183: {  	v48 =	vld.idx.msk [tilespmem:v50+s4+$0x0], $0xffff  }
0x184: {  	v49 =	vor.u32 s30, v0  }
0x185: {  	v50 =	vor.u32 s29, v10;
	_ =	sdelay $0x3  }
0x186: {  	[tilespmem:v49+s20+$0x0] =	vst.idx.msk $0xffff, v48  }
0x187: {  	v48 =	vld.idx.msk [tilespmem:v50+s4+$0x0], $0xffff  }
0x188: {  	v49 =	vor.u32 s30, v11  }
0x189: {  	v50 =	vor.u32 s29, v12;
	_ =	sdelay $0x3  }
0x18a: {  	[tilespmem:v49+s20+$0x0] =	vst.idx.msk $0xffff, v48  }
0x18b: {  	v48 =	vld.idx.msk [tilespmem:v50+s4+$0x0], $0xffff  }
0x18c: {  	v49 =	vor.u32 s30, v13  }
0x18d: {  	v50 =	vor.u32 s29, v14;
	_ =	sdelay $0x3  }
0x18e: {  	[tilespmem:v49+s20+$0x0] =	vst.idx.msk $0xffff, v48  }
0x18f: {  	v48 =	vld.idx.msk [tilespmem:v50+s4+$0x0], $0xffff  }
0x190: {  	v49 =	vor.u32 s30, v46  }
0x191: {  	v50 =	vor.u32 s29, v15;
	_ =	sdelay $0x3  }
0x192: {  	[tilespmem:v49+s20+$0x0] =	vst.idx.msk $0xffff, v48  }
0x193: {  	v48 =	vld.idx.msk [tilespmem:v50+s4+$0x0], $0xffff  }
0x194: {  	v49 =	vor.u32 s30, v1  }
0x195: {  	v50 =	vor.u32 s29, v16;
	_ =	sdelay $0x3  }
0x196: {  	[tilespmem:v49+s20+$0x0] =	vst.idx.msk $0xffff, v48  }
0x197: {  	v48 =	vld.idx.msk [tilespmem:v50+s4+$0x0], $0xffff  }
0x198: {  	v49 =	vor.u32 s30, v17  }
0x199: {  	v50 =	vor.u32 s29, v18;
	_ =	sdelay $0x3  }
0x19a: {  	[tilespmem:v49+s20+$0x0] =	vst.idx.msk $0xffff, v48  }
0x19b: {  	v48 =	vld.idx.msk [tilespmem:v50+s4+$0x0], $0xffff  }
0x19c: {  	v49 =	vor.u32 s30, v19  }
0x19d: {  	v50 =	vor.u32 s29, v20;
	_ =	sdelay $0x3  }
0x19e: {  	[tilespmem:v49+s20+$0x0] =	vst.idx.msk $0xffff, v48  }
0x19f: {  	v48 =	vld.idx.msk [tilespmem:v50+s4+$0x0], $0xffff  }
0x1a0: {  	v49 =	vor.u32 s30, v21  }
0x1a1: {  	v50 =	vor.u32 s29, v22;
	_ =	sdelay $0x3  }
0x1a2: {  	[tilespmem:v49+s20+$0x0] =	vst.idx.msk $0xffff, v48  }
0x1a3: {  	v48 =	vld.idx.msk [tilespmem:v50+s4+$0x0], $0xffff  }
0x1a4: {  	v49 =	vor.u32 s30, v23  }
0x1a5: {  	v50 =	vor.u32 s29, v24;
	_ =	sdelay $0x3  }
0x1a6: {  	[tilespmem:v49+s20+$0x0] =	vst.idx.msk $0xffff, v48  }
0x1a7: {  	v48 =	vld.idx.msk [tilespmem:v50+s4+$0x0], $0xffff  }
0x1a8: {  	v49 =	vor.u32 s30, v25  }
0x1a9: {  	v50 =	vor.u32 s29, v26;
	_ =	sdelay $0x3  }
0x1aa: {  	[tilespmem:v49+s20+$0x0] =	vst.idx.msk $0xffff, v48  }
0x1ab: {  	v48 =	vld.idx.msk [tilespmem:v50+s4+$0x0], $0xffff  }
0x1ac: {  	v49 =	vor.u32 s30, v27  }
0x1ad: {  	v50 =	vor.u32 s29, v47;
	_ =	sdelay $0x3  }
0x1ae: {  	[tilespmem:v49+s20+$0x0] =	vst.idx.msk $0xffff, v48  }
0x1af: {  	s3 =	sadd.s32 $0x10, s30;
	v48 =	vld.idx.msk [tilespmem:v50+s4+$0x0], $0xffff  }
0x1b0: {  	v49 =	vor.u32 s3, v45  }
0x1b1: {  	v50 =	vor.u32 s29, v28;
	_ =	sdelay $0x3  }
0x1b2: {  	[tilespmem:v49+s20+$0x0] =	vst.idx.msk $0xffff, v48  }
0x1b3: {  	v48 =	vld.idx.msk [tilespmem:v50+s4+$0x0], $0xffff  }
0x1b4: {  	v49 =	vor.u32 s3, v4  }
0x1b5: {  	v50 =	vor.u32 s29, v29;
	_ =	sdelay $0x3  }
0x1b6: {  	[tilespmem:v49+s20+$0x0] =	vst.idx.msk $0xffff, v48  }
0x1b7: {  	v48 =	vld.idx.msk [tilespmem:v50+s4+$0x0], $0xffff  }
0x1b8: {  	v49 =	vor.u32 s3, v6  }
0x1b9: {  	v50 =	vor.u32 s29, v30;
	_ =	sdelay $0x3  }
0x1ba: {  	[tilespmem:v49+s20+$0x0] =	vst.idx.msk $0xffff, v48  }
0x1bb: {  	v48 =	vld.idx.msk [tilespmem:v50+s4+$0x0], $0xffff  }
0x1bc: {  	v49 =	vor.u32 s3, v43  }
0x1bd: {  	v50 =	vor.u32 s29, v31;
	_ =	sdelay $0x3  }
0x1be: {  	[tilespmem:v49+s20+$0x0] =	vst.idx.msk $0xffff, v48  }
0x1bf: {  	v48 =	vld.idx.msk [tilespmem:v50+s4+$0x0], $0xffff  }
0x1c0: {  	v49 =	vor.u32 s3, v44  }
0x1c1: {  	v50 =	vor.u32 s29, v32;
	_ =	sdelay $0x3  }
0x1c2: {  	[tilespmem:v49+s20+$0x0] =	vst.idx.msk $0xffff, v48  }
0x1c3: {  	v48 =	vld.idx.msk [tilespmem:v50+s4+$0x0], $0xffff  }
0x1c4: {  	v49 =	vor.u32 s3, v0  }
0x1c5: {  	v50 =	vor.u32 s29, v33;
	_ =	sdelay $0x3  }
0x1c6: {  	[tilespmem:v49+s20+$0x0] =	vst.idx.msk $0xffff, v48  }
0x1c7: {  	v48 =	vld.idx.msk [tilespmem:v50+s4+$0x0], $0xffff  }
0x1c8: {  	v49 =	vor.u32 s3, v11  }
0x1c9: {  	v50 =	vor.u32 s29, v34;
	_ =	sdelay $0x3  }
0x1ca: {  	[tilespmem:v49+s20+$0x0] =	vst.idx.msk $0xffff, v48  }
0x1cb: {  	v48 =	vld.idx.msk [tilespmem:v50+s4+$0x0], $0xffff  }
0x1cc: {  	v49 =	vor.u32 s3, v13  }
0x1cd: {  	v50 =	vor.u32 s29, v35;
	_ =	sdelay $0x3  }
0x1ce: {  	[tilespmem:v49+s20+$0x0] =	vst.idx.msk $0xffff, v48  }
0x1cf: {  	v48 =	vld.idx.msk [tilespmem:v50+s4+$0x0], $0xffff  }
0x1d0: {  	v49 =	vor.u32 s3, v46  }
0x1d1: {  	v50 =	vor.u32 s29, v36;
	_ =	sdelay $0x3  }
0x1d2: {  	[tilespmem:v49+s20+$0x0] =	vst.idx.msk $0xffff, v48  }
0x1d3: {  	v48 =	vld.idx.msk [tilespmem:v50+s4+$0x0], $0xffff  }
0x1d4: {  	v49 =	vor.u32 s3, v1  }
0x1d5: {  	v50 =	vor.u32 s29, v37;
	_ =	sdelay $0x3  }
0x1d6: {  	[tilespmem:v49+s20+$0x0] =	vst.idx.msk $0xffff, v48  }
0x1d7: {  	v48 =	vld.idx.msk [tilespmem:v50+s4+$0x0], $0xffff  }
0x1d8: {  	v49 =	vor.u32 s3, v17  }
0x1d9: {  	v50 =	vor.u32 s29, v38;
	_ =	sdelay $0x3  }
0x1da: {  	[tilespmem:v49+s20+$0x0] =	vst.idx.msk $0xffff, v48  }
0x1db: {  	v48 =	vld.idx.msk [tilespmem:v50+s4+$0x0], $0xffff  }
0x1dc: {  	v49 =	vor.u32 s3, v19  }
0x1dd: {  	v50 =	vor.u32 s29, v39;
	_ =	sdelay $0x3  }
0x1de: {  	[tilespmem:v49+s20+$0x0] =	vst.idx.msk $0xffff, v48  }
0x1df: {  	v48 =	vld.idx.msk [tilespmem:v50+s4+$0x0], $0xffff  }
0x1e0: {  	v49 =	vor.u32 s3, v21  }
0x1e1: {  	v50 =	vor.u32 s29, v40;
	_ =	sdelay $0x3  }
0x1e2: {  	[tilespmem:v49+s20+$0x0] =	vst.idx.msk $0xffff, v48  }
0x1e3: {  	v48 =	vld.idx.msk [tilespmem:v50+s4+$0x0], $0xffff  }
0x1e4: {  	v49 =	vor.u32 s3, v23  }
0x1e5: {  	v50 =	vor.u32 s29, v41;
	_ =	sdelay $0x3  }
0x1e6: {  	[tilespmem:v49+s20+$0x0] =	vst.idx.msk $0xffff, v48  }
0x1e7: {  	v48 =	vld.idx.msk [tilespmem:v50+s4+$0x0], $0xffff  }
0x1e8: {  	v49 =	vor.u32 s3, v25  }
0x1e9: {  	v50 =	vor.u32 s29, v42;
	s29 =	smov.u32 s31;
	_ =	sdelay $0x2  }
.Ltmp2:
0x1ea: {  	(pc) =	sbr.rel @p2 .LBB2_3-.Ltmp2, $4  }
0x1eb: {  	[tilespmem:v49+s20+$0x0] =	vst.idx.msk $0xffff, v48  }
0x1ec: {  	v48 =	vld.idx.msk [tilespmem:v50+s4+$0x0], $0xffff  }
0x1ed: {  	v50 =	vor.u32 s3, v27  }
0x1ee: {  	s31 =	sadd.s32 $0x10, s31;
	v49 =	vor.u32 s29, v2  }
0x1ef: {  	_ =	sdelay $0x3  }
0x1f0: {  	s3 =	sadd.s32 $0x200, s30;
	[tilespmem:v50+s20+$0x0] =	vst.idx.msk $0xffff, v48  }
0x1f1: {  	v58 =	vor.u32 s3, v45;
	v48 =	vld.idx.msk [tilespmem:v49+s4+$0x0], $0xffff  }
0x1f2: {  	v59 =	vor.u32 s29, v3;
	_ =	sdelay $0x3  }
0x1f3: {  	[tilespmem:v58+s20+$0x0] =	vst.idx.msk $0xffff, v48  }
0x1f4: {  	v60 =	vor.u32 s3, v4;
	v48 =	vld.idx.msk [tilespmem:v59+s4+$0x0], $0xffff  }
0x1f5: {  	v61 =	vor.u32 s29, v5;
	_ =	sdelay $0x3  }
0x1f6: {  	[tilespmem:v60+s20+$0x0] =	vst.idx.msk $0xffff, v48  }
0x1f7: {  	v62 =	vor.u32 s3, v6;
	v48 =	vld.idx.msk [tilespmem:v61+s4+$0x0], $0xffff  }
0x1f8: {  	v63 =	vor.u32 s29, v7;
	_ =	sdelay $0x3  }
0x1f9: {  	[tilespmem:v62+s20+$0x0] =	vst.idx.msk $0xffff, v48  }
0x1fa: {  	v52 =	vor.u32 s3, v43;
	v48 =	vld.idx.msk [tilespmem:v63+s4+$0x0], $0xffff  }
0x1fb: {  	v53 =	vor.u32 s29, v8;
	_ =	sdelay $0x3  }
0x1fc: {  	[tilespmem:v52+s20+$0x0] =	vst.idx.msk $0xffff, v48  }
0x1fd: {  	v54 =	vor.u32 s3, v44;
	v48 =	vld.idx.msk [tilespmem:v53+s4+$0x0], $0xffff  }
0x1fe: {  	v55 =	vor.u32 s29, v9;
	_ =	sdelay $0x3  }
0x1ff: {  	[tilespmem:v54+s20+$0x0] =	vst.idx.msk $0xffff, v48  }
0x200: {  	v56 =	vor.u32 s3, v0;
	v48 =	vld.idx.msk [tilespmem:v55+s4+$0x0], $0xffff  }
0x201: {  	v57 =	vor.u32 s29, v10;
	_ =	sdelay $0x3  }
0x202: {  	[tilespmem:v56+s20+$0x0] =	vst.idx.msk $0xffff, v48  }
0x203: {  	v58 =	vor.u32 s3, v11;
	v48 =	vld.idx.msk [tilespmem:v57+s4+$0x0], $0xffff  }
0x204: {  	v59 =	vor.u32 s29, v12;
	_ =	sdelay $0x3  }
0x205: {  	[tilespmem:v58+s20+$0x0] =	vst.idx.msk $0xffff, v48  }
0x206: {  	v60 =	vor.u32 s3, v13;
	v48 =	vld.idx.msk [tilespmem:v59+s4+$0x0], $0xffff  }
0x207: {  	v61 =	vor.u32 s29, v14;
	_ =	sdelay $0x3  }
0x208: {  	[tilespmem:v60+s20+$0x0] =	vst.idx.msk $0xffff, v48  }
0x209: {  	v62 =	vor.u32 s3, v46;
	v48 =	vld.idx.msk [tilespmem:v61+s4+$0x0], $0xffff  }
0x20a: {  	v63 =	vor.u32 s29, v15;
	_ =	sdelay $0x3  }
0x20b: {  	[tilespmem:v62+s20+$0x0] =	vst.idx.msk $0xffff, v48  }
0x20c: {  	v52 =	vor.u32 s3, v1;
	v48 =	vld.idx.msk [tilespmem:v63+s4+$0x0], $0xffff  }
0x20d: {  	v53 =	vor.u32 s29, v16;
	_ =	sdelay $0x3  }
0x20e: {  	[tilespmem:v52+s20+$0x0] =	vst.idx.msk $0xffff, v48  }
0x20f: {  	v54 =	vor.u32 s3, v17;
	v48 =	vld.idx.msk [tilespmem:v53+s4+$0x0], $0xffff  }
0x210: {  	v55 =	vor.u32 s29, v18;
	_ =	sdelay $0x3  }
0x211: {  	[tilespmem:v54+s20+$0x0] =	vst.idx.msk $0xffff, v48  }
0x212: {  	v56 =	vor.u32 s3, v19;
	v48 =	vld.idx.msk [tilespmem:v55+s4+$0x0], $0xffff  }
0x213: {  	v57 =	vor.u32 s29, v20;
	_ =	sdelay $0x3  }
0x214: {  	[tilespmem:v56+s20+$0x0] =	vst.idx.msk $0xffff, v48  }
0x215: {  	v58 =	vor.u32 s3, v21;
	v48 =	vld.idx.msk [tilespmem:v57+s4+$0x0], $0xffff  }
0x216: {  	v59 =	vor.u32 s29, v22;
	_ =	sdelay $0x3  }
0x217: {  	[tilespmem:v58+s20+$0x0] =	vst.idx.msk $0xffff, v48  }
0x218: {  	v60 =	vor.u32 s3, v23;
	v48 =	vld.idx.msk [tilespmem:v59+s4+$0x0], $0xffff  }
0x219: {  	v61 =	vor.u32 s29, v24;
	_ =	sdelay $0x3  }
0x21a: {  	[tilespmem:v60+s20+$0x0] =	vst.idx.msk $0xffff, v48  }
0x21b: {  	v62 =	vor.u32 s3, v25;
	v48 =	vld.idx.msk [tilespmem:v61+s4+$0x0], $0xffff  }
0x21c: {  	v63 =	vor.u32 s29, v26;
	_ =	sdelay $0x3  }
0x21d: {  	[tilespmem:v62+s20+$0x0] =	vst.idx.msk $0xffff, v48  }
0x21e: {  	v52 =	vor.u32 s3, v27;
	v48 =	vld.idx.msk [tilespmem:v63+s4+$0x0], $0xffff  }
0x21f: {  	v53 =	vor.u32 s29, v47;
	_ =	sdelay $0x3  }
0x220: {  	s3 =	sadd.s32 $0x10, s3;
	[tilespmem:v52+s20+$0x0] =	vst.idx.msk $0xffff, v48  }
0x221: {  	v54 =	vor.u32 s3, v45;
	v48 =	vld.idx.msk [tilespmem:v53+s4+$0x0], $0xffff  }
0x222: {  	v55 =	vor.u32 s29, v28;
	_ =	sdelay $0x3  }
0x223: {  	[tilespmem:v54+s20+$0x0] =	vst.idx.msk $0xffff, v48  }
0x224: {  	v56 =	vor.u32 s3, v4;
	v48 =	vld.idx.msk [tilespmem:v55+s4+$0x0], $0xffff  }
0x225: {  	v57 =	vor.u32 s29, v29;
	_ =	sdelay $0x3  }
0x226: {  	[tilespmem:v56+s20+$0x0] =	vst.idx.msk $0xffff, v48  }
0x227: {  	v58 =	vor.u32 s3, v6;
	v48 =	vld.idx.msk [tilespmem:v57+s4+$0x0], $0xffff  }
0x228: {  	v59 =	vor.u32 s29, v30;
	_ =	sdelay $0x3  }
0x229: {  	[tilespmem:v58+s20+$0x0] =	vst.idx.msk $0xffff, v48  }
0x22a: {  	v60 =	vor.u32 s3, v43;
	v48 =	vld.idx.msk [tilespmem:v59+s4+$0x0], $0xffff  }
0x22b: {  	v61 =	vor.u32 s29, v31;
	_ =	sdelay $0x3  }
0x22c: {  	[tilespmem:v60+s20+$0x0] =	vst.idx.msk $0xffff, v48  }
0x22d: {  	v62 =	vor.u32 s3, v44;
	v48 =	vld.idx.msk [tilespmem:v61+s4+$0x0], $0xffff  }
0x22e: {  	v63 =	vor.u32 s29, v32;
	_ =	sdelay $0x3  }
0x22f: {  	[tilespmem:v62+s20+$0x0] =	vst.idx.msk $0xffff, v48  }
0x230: {  	v52 =	vor.u32 s3, v0;
	v48 =	vld.idx.msk [tilespmem:v63+s4+$0x0], $0xffff  }
0x231: {  	v53 =	vor.u32 s29, v33;
	_ =	sdelay $0x3  }
0x232: {  	[tilespmem:v52+s20+$0x0] =	vst.idx.msk $0xffff, v48  }
0x233: {  	v54 =	vor.u32 s3, v11;
	v48 =	vld.idx.msk [tilespmem:v53+s4+$0x0], $0xffff  }
0x234: {  	v55 =	vor.u32 s29, v34;
	_ =	sdelay $0x3  }
0x235: {  	[tilespmem:v54+s20+$0x0] =	vst.idx.msk $0xffff, v48  }
0x236: {  	v56 =	vor.u32 s3, v13;
	v48 =	vld.idx.msk [tilespmem:v55+s4+$0x0], $0xffff  }
0x237: {  	v57 =	vor.u32 s29, v35;
	_ =	sdelay $0x3  }
0x238: {  	[tilespmem:v56+s20+$0x0] =	vst.idx.msk $0xffff, v48  }
0x239: {  	v58 =	vor.u32 s3, v46;
	v48 =	vld.idx.msk [tilespmem:v57+s4+$0x0], $0xffff  }
0x23a: {  	v59 =	vor.u32 s29, v36;
	_ =	sdelay $0x3  }
0x23b: {  	[tilespmem:v58+s20+$0x0] =	vst.idx.msk $0xffff, v48  }
0x23c: {  	v60 =	vor.u32 s3, v1;
	v48 =	vld.idx.msk [tilespmem:v59+s4+$0x0], $0xffff  }
0x23d: {  	v61 =	vor.u32 s29, v37;
	_ =	sdelay $0x3  }
0x23e: {  	[tilespmem:v60+s20+$0x0] =	vst.idx.msk $0xffff, v48  }
0x23f: {  	v62 =	vor.u32 s3, v17;
	v48 =	vld.idx.msk [tilespmem:v61+s4+$0x0], $0xffff  }
0x240: {  	v63 =	vor.u32 s29, v38;
	_ =	sdelay $0x3  }
0x241: {  	[tilespmem:v62+s20+$0x0] =	vst.idx.msk $0xffff, v48  }
0x242: {  	v52 =	vor.u32 s3, v19;
	v48 =	vld.idx.msk [tilespmem:v63+s4+$0x0], $0xffff  }
0x243: {  	v53 =	vor.u32 s29, v39;
	_ =	sdelay $0x3  }
0x244: {  	[tilespmem:v52+s20+$0x0] =	vst.idx.msk $0xffff, v48  }
0x245: {  	v54 =	vor.u32 s3, v21;
	v48 =	vld.idx.msk [tilespmem:v53+s4+$0x0], $0xffff  }
0x246: {  	v55 =	vor.u32 s29, v40;
	_ =	sdelay $0x3  }
0x247: {  	[tilespmem:v54+s20+$0x0] =	vst.idx.msk $0xffff, v48  }
0x248: {  	v56 =	vor.u32 s3, v23;
	v48 =	vld.idx.msk [tilespmem:v55+s4+$0x0], $0xffff  }
0x249: {  	v57 =	vor.u32 s29, v41;
	_ =	sdelay $0x3  }
0x24a: {  	[tilespmem:v56+s20+$0x0] =	vst.idx.msk $0xffff, v48  }
0x24b: {  	v58 =	vor.u32 s3, v25;
	v48 =	vld.idx.msk [tilespmem:v57+s4+$0x0], $0xffff  }
0x24c: {  	v59 =	vor.u32 s29, v42;
	_ =	sdelay $0x3  }
0x24d: {  	[tilespmem:v58+s20+$0x0] =	vst.idx.msk $0xffff, v48  }
0x24e: {  	v60 =	vor.u32 s3, v27;
	v48 =	vld.idx.msk [tilespmem:v59+s4+$0x0], $0xffff  }
0x24f: {  	p2 =	seq.s32 s26, $0x79  }
0x250: {  	s3 =	sadd.s32 @!p2 s28, s9  }
0x251: {  	s3 =	sshll.u32 @!p2 s3, $0x7  }
0x252: {  	s30 =	simm.s32 @!p2 $0x7A1400;
	s3 =	sand.u32 @!p2 $0x1FFFFF00, s3  }
0x253: {  	s31 =	simm.s32 @!p2 $0x0;
	s29 =	simm.s32 @!p2 $0x400;
	s3 =	sadd.s32 @!p2 s0, s3;
	[tilespmem:v60+s20+$0x0] =	vst.idx.msk $0xffff, v48  }
0x254: {  	[tilespmem:s31], [sflag:$0x1] =	stream.strided.gather @!p2 [hbm4b:s3+s29], $0x1000, s30, s29, $0x38;
	[tilespmem:$0x4000] =	vst v63  }
0x255: {  	s3 =	sadd.s32 s7, s28  }
0x256: {  	s3 =	sshll.u32 s3, $0x9  }
0x257: {  	s3 =	sadd.s32 s5, s3  }
0x258: {  	[hbm4b:s3+s4] =	stream.linear.scatter [tilespmem:s20], [sflag:$0x3], $0x1000, $0x38;
	[tilespmem:$0x4000] =	vst v63  }
0x259: {  	s30 =	simm.s32 $0x0;
	_ =	swait.ge [sflag:s21], $0x1000  }
0x25a: {  	v61 =	vor.u32 s30, v2;
	[sflag:s21] =	ssyncset.done $0x0  }
0x25b: {  	s3 =	simm.s32 @!p3 $0x4;
	[sflag:s21] =	ssyncadd.s32 $0xFFFFF000  }
0x25c: {  	_ =	swait.ge @!p3 [sflag:s3], $0x1000  }
0x25d: {  	[sflag:s3] =	ssyncset.done @!p3 $0x0  }
0x25e: {  	[sflag:s3] =	ssyncadd.s32 @!p3 $0xFFFFF000  }
0x25f: {  	v62 =	vor.u32 s30, v45;
	v48 =	vld.idx.msk [tilespmem:v61+s18+$0x0], $0xffff  }
0x260: {  	v63 =	vor.u32 s30, v3;
	_ =	sdelay $0x3  }
0x261: {  	[tilespmem:v62+s22+$0x0] =	vst.idx.msk $0xffff, v48  }
0x262: {  	v52 =	vor.u32 s30, v4;
	v48 =	vld.idx.msk [tilespmem:v63+s18+$0x0], $0xffff  }
0x263: {  	v53 =	vor.u32 s30, v5;
	_ =	sdelay $0x3  }
0x264: {  	[tilespmem:v52+s22+$0x0] =	vst.idx.msk $0xffff, v48  }
0x265: {  	v54 =	vor.u32 s30, v6;
	v48 =	vld.idx.msk [tilespmem:v53+s18+$0x0], $0xffff  }
0x266: {  	v55 =	vor.u32 s30, v7;
	_ =	sdelay $0x3  }
0x267: {  	[tilespmem:v54+s22+$0x0] =	vst.idx.msk $0xffff, v48  }
0x268: {  	v56 =	vor.u32 s30, v43;
	v48 =	vld.idx.msk [tilespmem:v55+s18+$0x0], $0xffff  }
0x269: {  	v57 =	vor.u32 s30, v8;
	_ =	sdelay $0x3  }
0x26a: {  	[tilespmem:v56+s22+$0x0] =	vst.idx.msk $0xffff, v48  }
0x26b: {  	v58 =	vor.u32 s30, v44;
	v48 =	vld.idx.msk [tilespmem:v57+s18+$0x0], $0xffff  }
0x26c: {  	v59 =	vor.u32 s30, v9;
	_ =	sdelay $0x3  }
0x26d: {  	[tilespmem:v58+s22+$0x0] =	vst.idx.msk $0xffff, v48  }
0x26e: {  	v60 =	vor.u32 s30, v0;
	v48 =	vld.idx.msk [tilespmem:v59+s18+$0x0], $0xffff  }
0x26f: {  	v61 =	vor.u32 s30, v10;
	_ =	sdelay $0x3  }
0x270: {  	[tilespmem:v60+s22+$0x0] =	vst.idx.msk $0xffff, v48  }
0x271: {  	v62 =	vor.u32 s30, v11;
	v48 =	vld.idx.msk [tilespmem:v61+s18+$0x0], $0xffff  }
0x272: {  	v63 =	vor.u32 s30, v12;
	_ =	sdelay $0x3  }
0x273: {  	[tilespmem:v62+s22+$0x0] =	vst.idx.msk $0xffff, v48  }
0x274: {  	v52 =	vor.u32 s30, v13;
	v48 =	vld.idx.msk [tilespmem:v63+s18+$0x0], $0xffff  }
0x275: {  	v53 =	vor.u32 s30, v14;
	_ =	sdelay $0x3  }
0x276: {  	[tilespmem:v52+s22+$0x0] =	vst.idx.msk $0xffff, v48  }
0x277: {  	v54 =	vor.u32 s30, v46;
	v48 =	vld.idx.msk [tilespmem:v53+s18+$0x0], $0xffff  }
0x278: {  	v55 =	vor.u32 s30, v15;
	_ =	sdelay $0x3  }
0x279: {  	[tilespmem:v54+s22+$0x0] =	vst.idx.msk $0xffff, v48  }
0x27a: {  	v56 =	vor.u32 s30, v1;
	v48 =	vld.idx.msk [tilespmem:v55+s18+$0x0], $0xffff  }
0x27b: {  	v57 =	vor.u32 s30, v16;
	_ =	sdelay $0x3  }
0x27c: {  	[tilespmem:v56+s22+$0x0] =	vst.idx.msk $0xffff, v48  }
0x27d: {  	v58 =	vor.u32 s30, v17;
	v48 =	vld.idx.msk [tilespmem:v57+s18+$0x0], $0xffff  }
0x27e: {  	v59 =	vor.u32 s30, v18;
	_ =	sdelay $0x3  }
0x27f: {  	[tilespmem:v58+s22+$0x0] =	vst.idx.msk $0xffff, v48  }
0x280: {  	v60 =	vor.u32 s30, v19;
	v48 =	vld.idx.msk [tilespmem:v59+s18+$0x0], $0xffff  }
0x281: {  	v61 =	vor.u32 s30, v20;
	_ =	sdelay $0x3  }
0x282: {  	[tilespmem:v60+s22+$0x0] =	vst.idx.msk $0xffff, v48  }
0x283: {  	v62 =	vor.u32 s30, v21;
	v48 =	vld.idx.msk [tilespmem:v61+s18+$0x0], $0xffff  }
0x284: {  	v63 =	vor.u32 s30, v22;
	_ =	sdelay $0x3  }
0x285: {  	[tilespmem:v62+s22+$0x0] =	vst.idx.msk $0xffff, v48  }
0x286: {  	v52 =	vor.u32 s30, v23;
	v48 =	vld.idx.msk [tilespmem:v63+s18+$0x0], $0xffff  }
0x287: {  	v53 =	vor.u32 s30, v24;
	_ =	sdelay $0x3  }
0x288: {  	[tilespmem:v52+s22+$0x0] =	vst.idx.msk $0xffff, v48  }
0x289: {  	v54 =	vor.u32 s30, v25;
	v48 =	vld.idx.msk [tilespmem:v53+s18+$0x0], $0xffff  }
0x28a: {  	v55 =	vor.u32 s30, v26;
	_ =	sdelay $0x3  }
0x28b: {  	[tilespmem:v54+s22+$0x0] =	vst.idx.msk $0xffff, v48  }
0x28c: {  	v56 =	vor.u32 s30, v27;
	v48 =	vld.idx.msk [tilespmem:v55+s18+$0x0], $0xffff  }
0x28d: {  	v57 =	vor.u32 s30, v47;
	_ =	sdelay $0x3  }
0x28e: {  	s29 =	simm.s32 $0x10;
	[tilespmem:v56+s22+$0x0] =	vst.idx.msk $0xffff, v48  }
0x28f: {  	v58 =	vor.u32 s29, v45;
	v48 =	vld.idx.msk [tilespmem:v57+s18+$0x0], $0xffff  }
0x290: {  	v59 =	vor.u32 s30, v28;
	_ =	sdelay $0x3  }
0x291: {  	[tilespmem:v58+s22+$0x0] =	vst.idx.msk $0xffff, v48  }
0x292: {  	v60 =	vor.u32 s29, v4;
	v48 =	vld.idx.msk [tilespmem:v59+s18+$0x0], $0xffff  }
0x293: {  	v61 =	vor.u32 s30, v29;
	_ =	sdelay $0x3  }
0x294: {  	[tilespmem:v60+s22+$0x0] =	vst.idx.msk $0xffff, v48  }
0x295: {  	v62 =	vor.u32 s29, v6;
	v48 =	vld.idx.msk [tilespmem:v61+s18+$0x0], $0xffff  }
0x296: {  	v63 =	vor.u32 s30, v30;
	_ =	sdelay $0x3  }
0x297: {  	[tilespmem:v62+s22+$0x0] =	vst.idx.msk $0xffff, v48  }
0x298: {  	v52 =	vor.u32 s29, v43;
	v48 =	vld.idx.msk [tilespmem:v63+s18+$0x0], $0xffff  }
0x299: {  	v53 =	vor.u32 s30, v31;
	_ =	sdelay $0x3  }
0x29a: {  	[tilespmem:v52+s22+$0x0] =	vst.idx.msk $0xffff, v48  }
0x29b: {  	v54 =	vor.u32 s29, v44;
	v48 =	vld.idx.msk [tilespmem:v53+s18+$0x0], $0xffff  }
0x29c: {  	v55 =	vor.u32 s30, v32;
	_ =	sdelay $0x3  }
0x29d: {  	[tilespmem:v54+s22+$0x0] =	vst.idx.msk $0xffff, v48  }
0x29e: {  	v56 =	vor.u32 s29, v0;
	v48 =	vld.idx.msk [tilespmem:v55+s18+$0x0], $0xffff  }
0x29f: {  	v57 =	vor.u32 s30, v33;
	_ =	sdelay $0x3  }
0x2a0: {  	[tilespmem:v56+s22+$0x0] =	vst.idx.msk $0xffff, v48  }
0x2a1: {  	v58 =	vor.u32 s29, v11;
	v48 =	vld.idx.msk [tilespmem:v57+s18+$0x0], $0xffff  }
0x2a2: {  	v59 =	vor.u32 s30, v34;
	_ =	sdelay $0x3  }
0x2a3: {  	[tilespmem:v58+s22+$0x0] =	vst.idx.msk $0xffff, v48  }
0x2a4: {  	v60 =	vor.u32 s29, v13;
	v48 =	vld.idx.msk [tilespmem:v59+s18+$0x0], $0xffff  }
0x2a5: {  	v61 =	vor.u32 s30, v35;
	_ =	sdelay $0x3  }
0x2a6: {  	[tilespmem:v60+s22+$0x0] =	vst.idx.msk $0xffff, v48  }
0x2a7: {  	v62 =	vor.u32 s29, v46;
	v48 =	vld.idx.msk [tilespmem:v61+s18+$0x0], $0xffff  }
0x2a8: {  	v63 =	vor.u32 s30, v36;
	_ =	sdelay $0x3  }
0x2a9: {  	[tilespmem:v62+s22+$0x0] =	vst.idx.msk $0xffff, v48  }
0x2aa: {  	v52 =	vor.u32 s29, v1;
	v48 =	vld.idx.msk [tilespmem:v63+s18+$0x0], $0xffff  }
0x2ab: {  	v53 =	vor.u32 s30, v37;
	_ =	sdelay $0x3  }
0x2ac: {  	[tilespmem:v52+s22+$0x0] =	vst.idx.msk $0xffff, v48  }
0x2ad: {  	v54 =	vor.u32 s29, v17;
	v48 =	vld.idx.msk [tilespmem:v53+s18+$0x0], $0xffff  }
0x2ae: {  	v55 =	vor.u32 s30, v38;
	_ =	sdelay $0x3  }
0x2af: {  	[tilespmem:v54+s22+$0x0] =	vst.idx.msk $0xffff, v48  }
0x2b0: {  	v56 =	vor.u32 s29, v19;
	v48 =	vld.idx.msk [tilespmem:v55+s18+$0x0], $0xffff  }
0x2b1: {  	v57 =	vor.u32 s30, v39;
	_ =	sdelay $0x3  }
0x2b2: {  	[tilespmem:v56+s22+$0x0] =	vst.idx.msk $0xffff, v48  }
0x2b3: {  	v58 =	vor.u32 s29, v21;
	v48 =	vld.idx.msk [tilespmem:v57+s18+$0x0], $0xffff  }
0x2b4: {  	v59 =	vor.u32 s30, v40;
	_ =	sdelay $0x3  }
0x2b5: {  	[tilespmem:v58+s22+$0x0] =	vst.idx.msk $0xffff, v48  }
0x2b6: {  	v60 =	vor.u32 s29, v23;
	v48 =	vld.idx.msk [tilespmem:v59+s18+$0x0], $0xffff  }
0x2b7: {  	v61 =	vor.u32 s30, v41;
	_ =	sdelay $0x3  }
0x2b8: {  	[tilespmem:v60+s22+$0x0] =	vst.idx.msk $0xffff, v48  }
0x2b9: {  	v62 =	vor.u32 s29, v25;
	v48 =	vld.idx.msk [tilespmem:v61+s18+$0x0], $0xffff  }
0x2ba: {  	v63 =	vor.u32 s30, v42;
	_ =	sdelay $0x3  }
0x2bb: {  	[tilespmem:v62+s22+$0x0] =	vst.idx.msk $0xffff, v48  }
0x2bc: {  	v50 =	vor.u32 s29, v27;
	v48 =	vld.idx.msk [tilespmem:v63+s18+$0x0], $0xffff  }
0x2bd: {  	s31 =	simm.s32 $0x20;
	v49 =	vor.u32 s29, v2  }
.LBB2_5:
0x2be: {  	p3 =	sne.s32 s31, $0x70;
	_ =	sdelay $0x2  }
0x2bf: {  	[tilespmem:v50+s22+$0x0] =	vst.idx.msk $0xffff, v48  }
0x2c0: {  	s30 =	sadd.s32 $0x200, s30;
	v48 =	vld.idx.msk [tilespmem:v49+s18+$0x0], $0xffff  }
0x2c1: {  	v49 =	vor.u32 s30, v45  }
0x2c2: {  	v50 =	vor.u32 s29, v3;
	_ =	sdelay $0x3  }
0x2c3: {  	[tilespmem:v49+s22+$0x0] =	vst.idx.msk $0xffff, v48  }
0x2c4: {  	v48 =	vld.idx.msk [tilespmem:v50+s18+$0x0], $0xffff  }
0x2c5: {  	v49 =	vor.u32 s30, v4  }
0x2c6: {  	v50 =	vor.u32 s29, v5;
	_ =	sdelay $0x3  }
0x2c7: {  	[tilespmem:v49+s22+$0x0] =	vst.idx.msk $0xffff, v48  }
0x2c8: {  	v48 =	vld.idx.msk [tilespmem:v50+s18+$0x0], $0xffff  }
0x2c9: {  	v49 =	vor.u32 s30, v6  }
0x2ca: {  	v50 =	vor.u32 s29, v7;
	_ =	sdelay $0x3  }
0x2cb: {  	[tilespmem:v49+s22+$0x0] =	vst.idx.msk $0xffff, v48  }
0x2cc: {  	v48 =	vld.idx.msk [tilespmem:v50+s18+$0x0], $0xffff  }
0x2cd: {  	v49 =	vor.u32 s30, v43  }
0x2ce: {  	v50 =	vor.u32 s29, v8;
	_ =	sdelay $0x3  }
0x2cf: {  	[tilespmem:v49+s22+$0x0] =	vst.idx.msk $0xffff, v48  }
0x2d0: {  	v48 =	vld.idx.msk [tilespmem:v50+s18+$0x0], $0xffff  }
0x2d1: {  	v49 =	vor.u32 s30, v44  }
0x2d2: {  	v50 =	vor.u32 s29, v9;
	_ =	sdelay $0x3  }
0x2d3: {  	[tilespmem:v49+s22+$0x0] =	vst.idx.msk $0xffff, v48  }
0x2d4: {  	v48 =	vld.idx.msk [tilespmem:v50+s18+$0x0], $0xffff  }
0x2d5: {  	v49 =	vor.u32 s30, v0  }
0x2d6: {  	v50 =	vor.u32 s29, v10;
	_ =	sdelay $0x3  }
0x2d7: {  	[tilespmem:v49+s22+$0x0] =	vst.idx.msk $0xffff, v48  }
0x2d8: {  	v48 =	vld.idx.msk [tilespmem:v50+s18+$0x0], $0xffff  }
0x2d9: {  	v49 =	vor.u32 s30, v11  }
0x2da: {  	v50 =	vor.u32 s29, v12;
	_ =	sdelay $0x3  }
0x2db: {  	[tilespmem:v49+s22+$0x0] =	vst.idx.msk $0xffff, v48  }
0x2dc: {  	v48 =	vld.idx.msk [tilespmem:v50+s18+$0x0], $0xffff  }
0x2dd: {  	v49 =	vor.u32 s30, v13  }
0x2de: {  	v50 =	vor.u32 s29, v14;
	_ =	sdelay $0x3  }
0x2df: {  	[tilespmem:v49+s22+$0x0] =	vst.idx.msk $0xffff, v48  }
0x2e0: {  	v48 =	vld.idx.msk [tilespmem:v50+s18+$0x0], $0xffff  }
0x2e1: {  	v49 =	vor.u32 s30, v46  }
0x2e2: {  	v50 =	vor.u32 s29, v15;
	_ =	sdelay $0x3  }
0x2e3: {  	[tilespmem:v49+s22+$0x0] =	vst.idx.msk $0xffff, v48  }
0x2e4: {  	v48 =	vld.idx.msk [tilespmem:v50+s18+$0x0], $0xffff  }
0x2e5: {  	v49 =	vor.u32 s30, v1  }
0x2e6: {  	v50 =	vor.u32 s29, v16;
	_ =	sdelay $0x3  }
0x2e7: {  	[tilespmem:v49+s22+$0x0] =	vst.idx.msk $0xffff, v48  }
0x2e8: {  	v48 =	vld.idx.msk [tilespmem:v50+s18+$0x0], $0xffff  }
0x2e9: {  	v49 =	vor.u32 s30, v17  }
0x2ea: {  	v50 =	vor.u32 s29, v18;
	_ =	sdelay $0x3  }
0x2eb: {  	[tilespmem:v49+s22+$0x0] =	vst.idx.msk $0xffff, v48  }
0x2ec: {  	v48 =	vld.idx.msk [tilespmem:v50+s18+$0x0], $0xffff  }
0x2ed: {  	v49 =	vor.u32 s30, v19  }
0x2ee: {  	v50 =	vor.u32 s29, v20;
	_ =	sdelay $0x3  }
0x2ef: {  	[tilespmem:v49+s22+$0x0] =	vst.idx.msk $0xffff, v48  }
0x2f0: {  	v48 =	vld.idx.msk [tilespmem:v50+s18+$0x0], $0xffff  }
0x2f1: {  	v49 =	vor.u32 s30, v21  }
0x2f2: {  	v50 =	vor.u32 s29, v22;
	_ =	sdelay $0x3  }
0x2f3: {  	[tilespmem:v49+s22+$0x0] =	vst.idx.msk $0xffff, v48  }
0x2f4: {  	v48 =	vld.idx.msk [tilespmem:v50+s18+$0x0], $0xffff  }
0x2f5: {  	v49 =	vor.u32 s30, v23  }
0x2f6: {  	v50 =	vor.u32 s29, v24;
	_ =	sdelay $0x3  }
0x2f7: {  	[tilespmem:v49+s22+$0x0] =	vst.idx.msk $0xffff, v48  }
0x2f8: {  	v48 =	vld.idx.msk [tilespmem:v50+s18+$0x0], $0xffff  }
0x2f9: {  	v49 =	vor.u32 s30, v25  }
0x2fa: {  	v50 =	vor.u32 s29, v26;
	_ =	sdelay $0x3  }
0x2fb: {  	[tilespmem:v49+s22+$0x0] =	vst.idx.msk $0xffff, v48  }
0x2fc: {  	v48 =	vld.idx.msk [tilespmem:v50+s18+$0x0], $0xffff  }
0x2fd: {  	v49 =	vor.u32 s30, v27  }
0x2fe: {  	v50 =	vor.u32 s29, v47;
	_ =	sdelay $0x3  }
0x2ff: {  	[tilespmem:v49+s22+$0x0] =	vst.idx.msk $0xffff, v48  }
0x300: {  	s3 =	sadd.s32 $0x10, s30;
	v48 =	vld.idx.msk [tilespmem:v50+s18+$0x0], $0xffff  }
0x301: {  	v49 =	vor.u32 s3, v45  }
0x302: {  	v50 =	vor.u32 s29, v28;
	_ =	sdelay $0x3  }
0x303: {  	[tilespmem:v49+s22+$0x0] =	vst.idx.msk $0xffff, v48  }
0x304: {  	v48 =	vld.idx.msk [tilespmem:v50+s18+$0x0], $0xffff  }
0x305: {  	v49 =	vor.u32 s3, v4  }
0x306: {  	v50 =	vor.u32 s29, v29;
	_ =	sdelay $0x3  }
0x307: {  	[tilespmem:v49+s22+$0x0] =	vst.idx.msk $0xffff, v48  }
0x308: {  	v48 =	vld.idx.msk [tilespmem:v50+s18+$0x0], $0xffff  }
0x309: {  	v49 =	vor.u32 s3, v6  }
0x30a: {  	v50 =	vor.u32 s29, v30;
	_ =	sdelay $0x3  }
0x30b: {  	[tilespmem:v49+s22+$0x0] =	vst.idx.msk $0xffff, v48  }
0x30c: {  	v48 =	vld.idx.msk [tilespmem:v50+s18+$0x0], $0xffff  }
0x30d: {  	v49 =	vor.u32 s3, v43  }
0x30e: {  	v50 =	vor.u32 s29, v31;
	_ =	sdelay $0x3  }
0x30f: {  	[tilespmem:v49+s22+$0x0] =	vst.idx.msk $0xffff, v48  }
0x310: {  	v48 =	vld.idx.msk [tilespmem:v50+s18+$0x0], $0xffff  }
0x311: {  	v49 =	vor.u32 s3, v44  }
0x312: {  	v50 =	vor.u32 s29, v32;
	_ =	sdelay $0x3  }
0x313: {  	[tilespmem:v49+s22+$0x0] =	vst.idx.msk $0xffff, v48  }
0x314: {  	v48 =	vld.idx.msk [tilespmem:v50+s18+$0x0], $0xffff  }
0x315: {  	v49 =	vor.u32 s3, v0  }
0x316: {  	v50 =	vor.u32 s29, v33;
	_ =	sdelay $0x3  }
0x317: {  	[tilespmem:v49+s22+$0x0] =	vst.idx.msk $0xffff, v48  }
0x318: {  	v48 =	vld.idx.msk [tilespmem:v50+s18+$0x0], $0xffff  }
0x319: {  	v49 =	vor.u32 s3, v11  }
0x31a: {  	v50 =	vor.u32 s29, v34;
	_ =	sdelay $0x3  }
0x31b: {  	[tilespmem:v49+s22+$0x0] =	vst.idx.msk $0xffff, v48  }
0x31c: {  	v48 =	vld.idx.msk [tilespmem:v50+s18+$0x0], $0xffff  }
0x31d: {  	v49 =	vor.u32 s3, v13  }
0x31e: {  	v50 =	vor.u32 s29, v35;
	_ =	sdelay $0x3  }
0x31f: {  	[tilespmem:v49+s22+$0x0] =	vst.idx.msk $0xffff, v48  }
0x320: {  	v48 =	vld.idx.msk [tilespmem:v50+s18+$0x0], $0xffff  }
0x321: {  	v49 =	vor.u32 s3, v46  }
0x322: {  	v50 =	vor.u32 s29, v36;
	_ =	sdelay $0x3  }
0x323: {  	[tilespmem:v49+s22+$0x0] =	vst.idx.msk $0xffff, v48  }
0x324: {  	v48 =	vld.idx.msk [tilespmem:v50+s18+$0x0], $0xffff  }
0x325: {  	v49 =	vor.u32 s3, v1  }
0x326: {  	v50 =	vor.u32 s29, v37;
	_ =	sdelay $0x3  }
0x327: {  	[tilespmem:v49+s22+$0x0] =	vst.idx.msk $0xffff, v48  }
0x328: {  	v48 =	vld.idx.msk [tilespmem:v50+s18+$0x0], $0xffff  }
0x329: {  	v49 =	vor.u32 s3, v17  }
0x32a: {  	v50 =	vor.u32 s29, v38;
	_ =	sdelay $0x3  }
0x32b: {  	[tilespmem:v49+s22+$0x0] =	vst.idx.msk $0xffff, v48  }
0x32c: {  	v48 =	vld.idx.msk [tilespmem:v50+s18+$0x0], $0xffff  }
0x32d: {  	v49 =	vor.u32 s3, v19  }
0x32e: {  	v50 =	vor.u32 s29, v39;
	_ =	sdelay $0x3  }
0x32f: {  	[tilespmem:v49+s22+$0x0] =	vst.idx.msk $0xffff, v48  }
0x330: {  	v48 =	vld.idx.msk [tilespmem:v50+s18+$0x0], $0xffff  }
0x331: {  	v49 =	vor.u32 s3, v21  }
0x332: {  	v50 =	vor.u32 s29, v40;
	_ =	sdelay $0x3  }
0x333: {  	[tilespmem:v49+s22+$0x0] =	vst.idx.msk $0xffff, v48  }
0x334: {  	v48 =	vld.idx.msk [tilespmem:v50+s18+$0x0], $0xffff  }
0x335: {  	v49 =	vor.u32 s3, v23  }
0x336: {  	v50 =	vor.u32 s29, v41;
	_ =	sdelay $0x3  }
0x337: {  	[tilespmem:v49+s22+$0x0] =	vst.idx.msk $0xffff, v48  }
0x338: {  	v48 =	vld.idx.msk [tilespmem:v50+s18+$0x0], $0xffff  }
0x339: {  	v49 =	vor.u32 s3, v25  }
0x33a: {  	v50 =	vor.u32 s29, v42;
	s29 =	smov.u32 s31;
	_ =	sdelay $0x2  }
.Ltmp3:
0x33b: {  	(pc) =	sbr.rel @p3 .LBB2_5-.Ltmp3, $4  }
0x33c: {  	[tilespmem:v49+s22+$0x0] =	vst.idx.msk $0xffff, v48  }
0x33d: {  	v48 =	vld.idx.msk [tilespmem:v50+s18+$0x0], $0xffff  }
0x33e: {  	v50 =	vor.u32 s3, v27  }
0x33f: {  	s31 =	sadd.s32 $0x10, s31;
	v49 =	vor.u32 s29, v2  }
0x340: {  	_ =	sdelay $0x3  }
0x341: {  	s3 =	sadd.s32 $0x200, s30;
	[tilespmem:v50+s22+$0x0] =	vst.idx.msk $0xffff, v48  }
0x342: {  	v61 =	vor.u32 s3, v45;
	v48 =	vld.idx.msk [tilespmem:v49+s18+$0x0], $0xffff  }
0x343: {  	v62 =	vor.u32 s29, v3;
	_ =	sdelay $0x3  }
0x344: {  	[tilespmem:v61+s22+$0x0] =	vst.idx.msk $0xffff, v48  }
0x345: {  	v63 =	vor.u32 s3, v4;
	v48 =	vld.idx.msk [tilespmem:v62+s18+$0x0], $0xffff  }
0x346: {  	v52 =	vor.u32 s29, v5;
	_ =	sdelay $0x3  }
0x347: {  	[tilespmem:v63+s22+$0x0] =	vst.idx.msk $0xffff, v48  }
0x348: {  	v53 =	vor.u32 s3, v6;
	v48 =	vld.idx.msk [tilespmem:v52+s18+$0x0], $0xffff  }
0x349: {  	v54 =	vor.u32 s29, v7;
	_ =	sdelay $0x3  }
0x34a: {  	[tilespmem:v53+s22+$0x0] =	vst.idx.msk $0xffff, v48  }
0x34b: {  	v55 =	vor.u32 s3, v43;
	v48 =	vld.idx.msk [tilespmem:v54+s18+$0x0], $0xffff  }
0x34c: {  	v56 =	vor.u32 s29, v8;
	_ =	sdelay $0x3  }
0x34d: {  	[tilespmem:v55+s22+$0x0] =	vst.idx.msk $0xffff, v48  }
0x34e: {  	v57 =	vor.u32 s3, v44;
	v48 =	vld.idx.msk [tilespmem:v56+s18+$0x0], $0xffff  }
0x34f: {  	v58 =	vor.u32 s29, v9;
	_ =	sdelay $0x3  }
0x350: {  	[tilespmem:v57+s22+$0x0] =	vst.idx.msk $0xffff, v48  }
0x351: {  	v59 =	vor.u32 s3, v0;
	v48 =	vld.idx.msk [tilespmem:v58+s18+$0x0], $0xffff  }
0x352: {  	v60 =	vor.u32 s29, v10;
	_ =	sdelay $0x3  }
0x353: {  	[tilespmem:v59+s22+$0x0] =	vst.idx.msk $0xffff, v48  }
0x354: {  	v61 =	vor.u32 s3, v11;
	v48 =	vld.idx.msk [tilespmem:v60+s18+$0x0], $0xffff  }
0x355: {  	v62 =	vor.u32 s29, v12;
	_ =	sdelay $0x3  }
0x356: {  	[tilespmem:v61+s22+$0x0] =	vst.idx.msk $0xffff, v48  }
0x357: {  	v63 =	vor.u32 s3, v13;
	v48 =	vld.idx.msk [tilespmem:v62+s18+$0x0], $0xffff  }
0x358: {  	v52 =	vor.u32 s29, v14;
	_ =	sdelay $0x3  }
0x359: {  	[tilespmem:v63+s22+$0x0] =	vst.idx.msk $0xffff, v48  }
0x35a: {  	v53 =	vor.u32 s3, v46;
	v48 =	vld.idx.msk [tilespmem:v52+s18+$0x0], $0xffff  }
0x35b: {  	v54 =	vor.u32 s29, v15;
	_ =	sdelay $0x3  }
0x35c: {  	[tilespmem:v53+s22+$0x0] =	vst.idx.msk $0xffff, v48  }
0x35d: {  	v55 =	vor.u32 s3, v1;
	v48 =	vld.idx.msk [tilespmem:v54+s18+$0x0], $0xffff  }
0x35e: {  	v56 =	vor.u32 s29, v16;
	_ =	sdelay $0x3  }
0x35f: {  	[tilespmem:v55+s22+$0x0] =	vst.idx.msk $0xffff, v48  }
0x360: {  	v57 =	vor.u32 s3, v17;
	v48 =	vld.idx.msk [tilespmem:v56+s18+$0x0], $0xffff  }
0x361: {  	v58 =	vor.u32 s29, v18;
	_ =	sdelay $0x3  }
0x362: {  	[tilespmem:v57+s22+$0x0] =	vst.idx.msk $0xffff, v48  }
0x363: {  	v59 =	vor.u32 s3, v19;
	v48 =	vld.idx.msk [tilespmem:v58+s18+$0x0], $0xffff  }
0x364: {  	v60 =	vor.u32 s29, v20;
	_ =	sdelay $0x3  }
0x365: {  	[tilespmem:v59+s22+$0x0] =	vst.idx.msk $0xffff, v48  }
0x366: {  	v61 =	vor.u32 s3, v21;
	v48 =	vld.idx.msk [tilespmem:v60+s18+$0x0], $0xffff  }
0x367: {  	v62 =	vor.u32 s29, v22;
	_ =	sdelay $0x3  }
0x368: {  	[tilespmem:v61+s22+$0x0] =	vst.idx.msk $0xffff, v48  }
0x369: {  	v63 =	vor.u32 s3, v23;
	v48 =	vld.idx.msk [tilespmem:v62+s18+$0x0], $0xffff  }
0x36a: {  	v52 =	vor.u32 s29, v24;
	_ =	sdelay $0x3  }
0x36b: {  	[tilespmem:v63+s22+$0x0] =	vst.idx.msk $0xffff, v48  }
0x36c: {  	v53 =	vor.u32 s3, v25;
	v48 =	vld.idx.msk [tilespmem:v52+s18+$0x0], $0xffff  }
0x36d: {  	v54 =	vor.u32 s29, v26;
	_ =	sdelay $0x3  }
0x36e: {  	[tilespmem:v53+s22+$0x0] =	vst.idx.msk $0xffff, v48  }
0x36f: {  	v55 =	vor.u32 s3, v27;
	v48 =	vld.idx.msk [tilespmem:v54+s18+$0x0], $0xffff  }
0x370: {  	v56 =	vor.u32 s29, v47;
	_ =	sdelay $0x3  }
0x371: {  	s3 =	sadd.s32 $0x10, s3;
	[tilespmem:v55+s22+$0x0] =	vst.idx.msk $0xffff, v48  }
0x372: {  	v57 =	vor.u32 s3, v45;
	v48 =	vld.idx.msk [tilespmem:v56+s18+$0x0], $0xffff  }
0x373: {  	v58 =	vor.u32 s29, v28;
	_ =	sdelay $0x3  }
0x374: {  	[tilespmem:v57+s22+$0x0] =	vst.idx.msk $0xffff, v48  }
0x375: {  	v59 =	vor.u32 s3, v4;
	v48 =	vld.idx.msk [tilespmem:v58+s18+$0x0], $0xffff  }
0x376: {  	v60 =	vor.u32 s29, v29;
	_ =	sdelay $0x3  }
0x377: {  	[tilespmem:v59+s22+$0x0] =	vst.idx.msk $0xffff, v48  }
0x378: {  	v61 =	vor.u32 s3, v6;
	v48 =	vld.idx.msk [tilespmem:v60+s18+$0x0], $0xffff  }
0x379: {  	v62 =	vor.u32 s29, v30;
	_ =	sdelay $0x3  }
0x37a: {  	[tilespmem:v61+s22+$0x0] =	vst.idx.msk $0xffff, v48  }
0x37b: {  	v63 =	vor.u32 s3, v43;
	v48 =	vld.idx.msk [tilespmem:v62+s18+$0x0], $0xffff  }
0x37c: {  	v52 =	vor.u32 s29, v31;
	_ =	sdelay $0x3  }
0x37d: {  	[tilespmem:v63+s22+$0x0] =	vst.idx.msk $0xffff, v48  }
0x37e: {  	v53 =	vor.u32 s3, v44;
	v48 =	vld.idx.msk [tilespmem:v52+s18+$0x0], $0xffff  }
0x37f: {  	v54 =	vor.u32 s29, v32;
	_ =	sdelay $0x3  }
0x380: {  	[tilespmem:v53+s22+$0x0] =	vst.idx.msk $0xffff, v48  }
0x381: {  	v55 =	vor.u32 s3, v0;
	v48 =	vld.idx.msk [tilespmem:v54+s18+$0x0], $0xffff  }
0x382: {  	v56 =	vor.u32 s29, v33;
	_ =	sdelay $0x3  }
0x383: {  	[tilespmem:v55+s22+$0x0] =	vst.idx.msk $0xffff, v48  }
0x384: {  	v57 =	vor.u32 s3, v11;
	v48 =	vld.idx.msk [tilespmem:v56+s18+$0x0], $0xffff  }
0x385: {  	v58 =	vor.u32 s29, v34;
	_ =	sdelay $0x3  }
0x386: {  	[tilespmem:v57+s22+$0x0] =	vst.idx.msk $0xffff, v48  }
0x387: {  	v59 =	vor.u32 s3, v13;
	v48 =	vld.idx.msk [tilespmem:v58+s18+$0x0], $0xffff  }
0x388: {  	v60 =	vor.u32 s29, v35;
	_ =	sdelay $0x3  }
0x389: {  	[tilespmem:v59+s22+$0x0] =	vst.idx.msk $0xffff, v48  }
0x38a: {  	v61 =	vor.u32 s3, v46;
	v48 =	vld.idx.msk [tilespmem:v60+s18+$0x0], $0xffff  }
0x38b: {  	v62 =	vor.u32 s29, v36;
	_ =	sdelay $0x3  }
0x38c: {  	[tilespmem:v61+s22+$0x0] =	vst.idx.msk $0xffff, v48  }
0x38d: {  	v63 =	vor.u32 s3, v1;
	v48 =	vld.idx.msk [tilespmem:v62+s18+$0x0], $0xffff  }
0x38e: {  	v52 =	vor.u32 s29, v37;
	_ =	sdelay $0x3  }
0x38f: {  	[tilespmem:v63+s22+$0x0] =	vst.idx.msk $0xffff, v48  }
0x390: {  	v53 =	vor.u32 s3, v17;
	v48 =	vld.idx.msk [tilespmem:v52+s18+$0x0], $0xffff  }
0x391: {  	v54 =	vor.u32 s29, v38;
	_ =	sdelay $0x3  }
0x392: {  	[tilespmem:v53+s22+$0x0] =	vst.idx.msk $0xffff, v48  }
0x393: {  	v55 =	vor.u32 s3, v19;
	v48 =	vld.idx.msk [tilespmem:v54+s18+$0x0], $0xffff  }
0x394: {  	v56 =	vor.u32 s29, v39;
	_ =	sdelay $0x3  }
0x395: {  	[tilespmem:v55+s22+$0x0] =	vst.idx.msk $0xffff, v48  }
0x396: {  	v57 =	vor.u32 s3, v21;
	v48 =	vld.idx.msk [tilespmem:v56+s18+$0x0], $0xffff  }
0x397: {  	v58 =	vor.u32 s29, v40;
	_ =	sdelay $0x3  }
0x398: {  	[tilespmem:v57+s22+$0x0] =	vst.idx.msk $0xffff, v48  }
0x399: {  	v59 =	vor.u32 s3, v23;
	v48 =	vld.idx.msk [tilespmem:v58+s18+$0x0], $0xffff  }
0x39a: {  	v60 =	vor.u32 s29, v41;
	_ =	sdelay $0x3  }
0x39b: {  	[tilespmem:v59+s22+$0x0] =	vst.idx.msk $0xffff, v48  }
0x39c: {  	v61 =	vor.u32 s3, v25;
	v48 =	vld.idx.msk [tilespmem:v60+s18+$0x0], $0xffff  }
0x39d: {  	v62 =	vor.u32 s29, v42;
	_ =	sdelay $0x3  }
0x39e: {  	[tilespmem:v61+s22+$0x0] =	vst.idx.msk $0xffff, v48  }
0x39f: {  	v63 =	vor.u32 s3, v27;
	v48 =	vld.idx.msk [tilespmem:v62+s18+$0x0], $0xffff;
	_ =	sdelay $0x1  }
0x3a0: {  	s3 =	sadd.s32 @!p2 s28, s10  }
0x3a1: {  	s30 =	simm.s32 @!p2 $0x7A1400;
	s3 =	sshll.u32 @!p2 s3, $0x7  }
0x3a2: {  	s31 =	simm.s32 @!p2 $0x1000;
	s3 =	sand.u32 @!p2 $0x1FFFFF80, s3  }
0x3a3: {  	s26 =	sadd.s32 $0x1, s26;
	s29 =	simm.s32 @!p2 $0x400;
	s3 =	sadd.s32 @!p2 s0, s3;
	[tilespmem:v63+s22+$0x0] =	vst.idx.msk $0xffff, v48  }
0x3a4: {  	[tilespmem:s31], [sflag:$0x2] =	stream.strided.gather @!p2 [hbm4b:s3+s29], $0x1000, s30, s29, $0x38;
	[tilespmem:$0x4000] =	vst v63  }
0x3a5: {  	p2 =	sne.s32 s26, $0x7A  }
.Ltmp4:
0x3a6: {  	s31 =	sadd.s32 s28, s11;
	(pc) =	sbr.rel @p2 .LBB2_2-.Ltmp4, $4  }
0x3a7: {  	s3 =	sshll.u32 s31, $0x9  }
0x3a8: {  	s3 =	sand.u32 $0x1FFFFE00, s3  }
0x3a9: {  	s3 =	sadd.s32 s5, s3  }
0x3aa: {  	[hbm4b:s3+s4] =	stream.linear.scatter [tilespmem:s22], [sflag:$0x4], $0x1000, $0x38;
	[tilespmem:$0x4000] =	vst v63  }
0x3ab: {  	_ =	swait.ge [sflag:s23], $0x1000  }
.Ltmp5:
0x3ac: {  	[sflag:s23] =	ssyncset.done $0x0;
	(pc) =	sbr.rel @p0 .LBB2_11-.Ltmp5, $4  }
0x3ad: {  	[sflag:s23] =	ssyncadd.s32 $0xFFFFF000  }
0x3ae: {  	_ =	swait.ge [sflag:s24], $0x1000  }
0x3af: {  	[sflag:s24] =	ssyncset.done $0x0  }
0x3b0: {  	[sflag:s24] =	ssyncadd.s32 $0xFFFFF000  }
0x3b1: {  	s28 =	simm.s32 $0x0  }
0x3b2: {  	v48 =	vor.u32 s28, v2  }
0x3b3: {  	[tilespmem:s28], [sflag:$0x1] =	stream.strided.gather [hbm4b:s12+s15], $0x1000, s17, s15, $0x38;
	[tilespmem:$0x4000] =	vst v63  }
0x3b4: {  	_ =	swait.ge [sflag:s19], $0x1000  }
0x3b5: {  	[sflag:s19] =	ssyncset.done $0x0  }
0x3b6: {  	[sflag:s19] =	ssyncadd.s32 $0xFFFFF000  }
0x3b7: {  	v49 =	vor.u32 s28, v45;
	v48 =	vld.idx.msk [tilespmem:v48+s4+$0x0], $0xffff  }
0x3b8: {  	v50 =	vor.u32 s28, v3;
	_ =	sdelay $0x3  }
0x3b9: {  	[tilespmem:v49+s20+$0x0] =	vst.idx.msk $0xffff, v48  }
0x3ba: {  	v52 =	vor.u32 s28, v4;
	v48 =	vld.idx.msk [tilespmem:v50+s4+$0x0], $0xffff  }
0x3bb: {  	v53 =	vor.u32 s28, v5;
	_ =	sdelay $0x3  }
0x3bc: {  	[tilespmem:v52+s20+$0x0] =	vst.idx.msk $0xffff, v48  }
0x3bd: {  	v54 =	vor.u32 s28, v6;
	v48 =	vld.idx.msk [tilespmem:v53+s4+$0x0], $0xffff  }
0x3be: {  	v55 =	vor.u32 s28, v7;
	_ =	sdelay $0x3  }
0x3bf: {  	[tilespmem:v54+s20+$0x0] =	vst.idx.msk $0xffff, v48  }
0x3c0: {  	v56 =	vor.u32 s28, v43;
	v48 =	vld.idx.msk [tilespmem:v55+s4+$0x0], $0xffff  }
0x3c1: {  	v57 =	vor.u32 s28, v8;
	_ =	sdelay $0x3  }
0x3c2: {  	[tilespmem:v56+s20+$0x0] =	vst.idx.msk $0xffff, v48  }
0x3c3: {  	v58 =	vor.u32 s28, v44;
	v48 =	vld.idx.msk [tilespmem:v57+s4+$0x0], $0xffff  }
0x3c4: {  	v59 =	vor.u32 s28, v9;
	_ =	sdelay $0x3  }
0x3c5: {  	[tilespmem:v58+s20+$0x0] =	vst.idx.msk $0xffff, v48  }
0x3c6: {  	v60 =	vor.u32 s28, v0;
	v48 =	vld.idx.msk [tilespmem:v59+s4+$0x0], $0xffff  }
0x3c7: {  	v61 =	vor.u32 s28, v10;
	_ =	sdelay $0x3  }
0x3c8: {  	[tilespmem:v60+s20+$0x0] =	vst.idx.msk $0xffff, v48  }
0x3c9: {  	v62 =	vor.u32 s28, v11;
	v48 =	vld.idx.msk [tilespmem:v61+s4+$0x0], $0xffff  }
0x3ca: {  	v63 =	vor.u32 s28, v12;
	_ =	sdelay $0x3  }
0x3cb: {  	[tilespmem:v62+s20+$0x0] =	vst.idx.msk $0xffff, v48  }
0x3cc: {  	v52 =	vor.u32 s28, v13;
	v48 =	vld.idx.msk [tilespmem:v63+s4+$0x0], $0xffff  }
0x3cd: {  	v53 =	vor.u32 s28, v14;
	_ =	sdelay $0x3  }
0x3ce: {  	[tilespmem:v52+s20+$0x0] =	vst.idx.msk $0xffff, v48  }
0x3cf: {  	v54 =	vor.u32 s28, v46;
	v48 =	vld.idx.msk [tilespmem:v53+s4+$0x0], $0xffff  }
0x3d0: {  	v55 =	vor.u32 s28, v15;
	_ =	sdelay $0x3  }
0x3d1: {  	[tilespmem:v54+s20+$0x0] =	vst.idx.msk $0xffff, v48  }
0x3d2: {  	v56 =	vor.u32 s28, v1;
	v48 =	vld.idx.msk [tilespmem:v55+s4+$0x0], $0xffff  }
0x3d3: {  	v57 =	vor.u32 s28, v16;
	_ =	sdelay $0x3  }
0x3d4: {  	[tilespmem:v56+s20+$0x0] =	vst.idx.msk $0xffff, v48  }
0x3d5: {  	v58 =	vor.u32 s28, v17;
	v48 =	vld.idx.msk [tilespmem:v57+s4+$0x0], $0xffff  }
0x3d6: {  	v59 =	vor.u32 s28, v18;
	_ =	sdelay $0x3  }
0x3d7: {  	[tilespmem:v58+s20+$0x0] =	vst.idx.msk $0xffff, v48  }
0x3d8: {  	v60 =	vor.u32 s28, v19;
	v48 =	vld.idx.msk [tilespmem:v59+s4+$0x0], $0xffff  }
0x3d9: {  	v61 =	vor.u32 s28, v20;
	_ =	sdelay $0x3  }
0x3da: {  	[tilespmem:v60+s20+$0x0] =	vst.idx.msk $0xffff, v48  }
0x3db: {  	v62 =	vor.u32 s28, v21;
	v48 =	vld.idx.msk [tilespmem:v61+s4+$0x0], $0xffff  }
0x3dc: {  	v63 =	vor.u32 s28, v22;
	_ =	sdelay $0x3  }
0x3dd: {  	[tilespmem:v62+s20+$0x0] =	vst.idx.msk $0xffff, v48  }
0x3de: {  	v52 =	vor.u32 s28, v23;
	v48 =	vld.idx.msk [tilespmem:v63+s4+$0x0], $0xffff  }
0x3df: {  	v53 =	vor.u32 s28, v24;
	_ =	sdelay $0x3  }
0x3e0: {  	[tilespmem:v52+s20+$0x0] =	vst.idx.msk $0xffff, v48  }
0x3e1: {  	v54 =	vor.u32 s28, v25;
	v48 =	vld.idx.msk [tilespmem:v53+s4+$0x0], $0xffff  }
0x3e2: {  	v55 =	vor.u32 s28, v26;
	_ =	sdelay $0x3  }
0x3e3: {  	[tilespmem:v54+s20+$0x0] =	vst.idx.msk $0xffff, v48  }
0x3e4: {  	v56 =	vor.u32 s28, v27;
	v48 =	vld.idx.msk [tilespmem:v55+s4+$0x0], $0xffff  }
0x3e5: {  	v57 =	vor.u32 s28, v47;
	_ =	sdelay $0x3  }
0x3e6: {  	s26 =	simm.s32 $0x10;
	[tilespmem:v56+s20+$0x0] =	vst.idx.msk $0xffff, v48  }
0x3e7: {  	v58 =	vor.u32 s26, v45;
	v48 =	vld.idx.msk [tilespmem:v57+s4+$0x0], $0xffff  }
0x3e8: {  	v59 =	vor.u32 s28, v28;
	_ =	sdelay $0x3  }
0x3e9: {  	[tilespmem:v58+s20+$0x0] =	vst.idx.msk $0xffff, v48  }
0x3ea: {  	v60 =	vor.u32 s26, v4;
	v48 =	vld.idx.msk [tilespmem:v59+s4+$0x0], $0xffff  }
0x3eb: {  	v61 =	vor.u32 s28, v29;
	_ =	sdelay $0x3  }
0x3ec: {  	[tilespmem:v60+s20+$0x0] =	vst.idx.msk $0xffff, v48  }
0x3ed: {  	v62 =	vor.u32 s26, v6;
	v48 =	vld.idx.msk [tilespmem:v61+s4+$0x0], $0xffff  }
0x3ee: {  	v63 =	vor.u32 s28, v30;
	_ =	sdelay $0x3  }
0x3ef: {  	[tilespmem:v62+s20+$0x0] =	vst.idx.msk $0xffff, v48  }
0x3f0: {  	v52 =	vor.u32 s26, v43;
	v48 =	vld.idx.msk [tilespmem:v63+s4+$0x0], $0xffff  }
0x3f1: {  	v53 =	vor.u32 s28, v31;
	_ =	sdelay $0x3  }
0x3f2: {  	[tilespmem:v52+s20+$0x0] =	vst.idx.msk $0xffff, v48  }
0x3f3: {  	v54 =	vor.u32 s26, v44;
	v48 =	vld.idx.msk [tilespmem:v53+s4+$0x0], $0xffff  }
0x3f4: {  	v55 =	vor.u32 s28, v32;
	_ =	sdelay $0x3  }
0x3f5: {  	[tilespmem:v54+s20+$0x0] =	vst.idx.msk $0xffff, v48  }
0x3f6: {  	v56 =	vor.u32 s26, v0;
	v48 =	vld.idx.msk [tilespmem:v55+s4+$0x0], $0xffff  }
0x3f7: {  	v57 =	vor.u32 s28, v33;
	_ =	sdelay $0x3  }
0x3f8: {  	[tilespmem:v56+s20+$0x0] =	vst.idx.msk $0xffff, v48  }
0x3f9: {  	v58 =	vor.u32 s26, v11;
	v48 =	vld.idx.msk [tilespmem:v57+s4+$0x0], $0xffff  }
0x3fa: {  	v59 =	vor.u32 s28, v34;
	_ =	sdelay $0x3  }
0x3fb: {  	[tilespmem:v58+s20+$0x0] =	vst.idx.msk $0xffff, v48  }
0x3fc: {  	v60 =	vor.u32 s26, v13;
	v48 =	vld.idx.msk [tilespmem:v59+s4+$0x0], $0xffff  }
0x3fd: {  	v61 =	vor.u32 s28, v35;
	_ =	sdelay $0x3  }
0x3fe: {  	[tilespmem:v60+s20+$0x0] =	vst.idx.msk $0xffff, v48  }
0x3ff: {  	v62 =	vor.u32 s26, v46;
	v48 =	vld.idx.msk [tilespmem:v61+s4+$0x0], $0xffff  }
0x400: {  	v63 =	vor.u32 s28, v36;
	_ =	sdelay $0x3  }
0x401: {  	[tilespmem:v62+s20+$0x0] =	vst.idx.msk $0xffff, v48  }
0x402: {  	v52 =	vor.u32 s26, v1;
	v48 =	vld.idx.msk [tilespmem:v63+s4+$0x0], $0xffff  }
0x403: {  	v53 =	vor.u32 s28, v37;
	_ =	sdelay $0x3  }
0x404: {  	[tilespmem:v52+s20+$0x0] =	vst.idx.msk $0xffff, v48  }
0x405: {  	v54 =	vor.u32 s26, v17;
	v48 =	vld.idx.msk [tilespmem:v53+s4+$0x0], $0xffff  }
0x406: {  	v55 =	vor.u32 s28, v38;
	_ =	sdelay $0x3  }
0x407: {  	[tilespmem:v54+s20+$0x0] =	vst.idx.msk $0xffff, v48  }
0x408: {  	v56 =	vor.u32 s26, v19;
	v48 =	vld.idx.msk [tilespmem:v55+s4+$0x0], $0xffff  }
0x409: {  	v57 =	vor.u32 s28, v39;
	_ =	sdelay $0x3  }
0x40a: {  	[tilespmem:v56+s20+$0x0] =	vst.idx.msk $0xffff, v48  }
0x40b: {  	v58 =	vor.u32 s26, v21;
	v48 =	vld.idx.msk [tilespmem:v57+s4+$0x0], $0xffff  }
0x40c: {  	v59 =	vor.u32 s28, v40;
	_ =	sdelay $0x3  }
0x40d: {  	[tilespmem:v58+s20+$0x0] =	vst.idx.msk $0xffff, v48  }
0x40e: {  	v60 =	vor.u32 s26, v23;
	v48 =	vld.idx.msk [tilespmem:v59+s4+$0x0], $0xffff  }
0x40f: {  	v61 =	vor.u32 s28, v41;
	_ =	sdelay $0x3  }
0x410: {  	[tilespmem:v60+s20+$0x0] =	vst.idx.msk $0xffff, v48  }
0x411: {  	v62 =	vor.u32 s26, v25;
	v48 =	vld.idx.msk [tilespmem:v61+s4+$0x0], $0xffff  }
0x412: {  	v63 =	vor.u32 s28, v42;
	_ =	sdelay $0x3  }
0x413: {  	[tilespmem:v62+s20+$0x0] =	vst.idx.msk $0xffff, v48  }
0x414: {  	v50 =	vor.u32 s26, v27;
	v48 =	vld.idx.msk [tilespmem:v63+s4+$0x0], $0xffff  }
0x415: {  	s29 =	simm.s32 $0x20;
	v49 =	vor.u32 s26, v2  }
.LBB2_9:
0x416: {  	p2 =	sne.s32 s29, $0x70;
	_ =	sdelay $0x2  }
0x417: {  	[tilespmem:v50+s20+$0x0] =	vst.idx.msk $0xffff, v48  }
0x418: {  	s28 =	sadd.s32 $0x200, s28;
	v48 =	vld.idx.msk [tilespmem:v49+s4+$0x0], $0xffff  }
0x419: {  	v49 =	vor.u32 s28, v45  }
0x41a: {  	v50 =	vor.u32 s26, v3;
	_ =	sdelay $0x3  }
0x41b: {  	[tilespmem:v49+s20+$0x0] =	vst.idx.msk $0xffff, v48  }
0x41c: {  	v48 =	vld.idx.msk [tilespmem:v50+s4+$0x0], $0xffff  }
0x41d: {  	v49 =	vor.u32 s28, v4  }
0x41e: {  	v50 =	vor.u32 s26, v5;
	_ =	sdelay $0x3  }
0x41f: {  	[tilespmem:v49+s20+$0x0] =	vst.idx.msk $0xffff, v48  }
0x420: {  	v48 =	vld.idx.msk [tilespmem:v50+s4+$0x0], $0xffff  }
0x421: {  	v49 =	vor.u32 s28, v6  }
0x422: {  	v50 =	vor.u32 s26, v7;
	_ =	sdelay $0x3  }
0x423: {  	[tilespmem:v49+s20+$0x0] =	vst.idx.msk $0xffff, v48  }
0x424: {  	v48 =	vld.idx.msk [tilespmem:v50+s4+$0x0], $0xffff  }
0x425: {  	v49 =	vor.u32 s28, v43  }
0x426: {  	v50 =	vor.u32 s26, v8;
	_ =	sdelay $0x3  }
0x427: {  	[tilespmem:v49+s20+$0x0] =	vst.idx.msk $0xffff, v48  }
0x428: {  	v48 =	vld.idx.msk [tilespmem:v50+s4+$0x0], $0xffff  }
0x429: {  	v49 =	vor.u32 s28, v44  }
0x42a: {  	v50 =	vor.u32 s26, v9;
	_ =	sdelay $0x3  }
0x42b: {  	[tilespmem:v49+s20+$0x0] =	vst.idx.msk $0xffff, v48  }
0x42c: {  	v48 =	vld.idx.msk [tilespmem:v50+s4+$0x0], $0xffff  }
0x42d: {  	v49 =	vor.u32 s28, v0  }
0x42e: {  	v50 =	vor.u32 s26, v10;
	_ =	sdelay $0x3  }
0x42f: {  	[tilespmem:v49+s20+$0x0] =	vst.idx.msk $0xffff, v48  }
0x430: {  	v48 =	vld.idx.msk [tilespmem:v50+s4+$0x0], $0xffff  }
0x431: {  	v49 =	vor.u32 s28, v11  }
0x432: {  	v50 =	vor.u32 s26, v12;
	_ =	sdelay $0x3  }
0x433: {  	[tilespmem:v49+s20+$0x0] =	vst.idx.msk $0xffff, v48  }
0x434: {  	v48 =	vld.idx.msk [tilespmem:v50+s4+$0x0], $0xffff  }
0x435: {  	v49 =	vor.u32 s28, v13  }
0x436: {  	v50 =	vor.u32 s26, v14;
	_ =	sdelay $0x3  }
0x437: {  	[tilespmem:v49+s20+$0x0] =	vst.idx.msk $0xffff, v48  }
0x438: {  	v48 =	vld.idx.msk [tilespmem:v50+s4+$0x0], $0xffff  }
0x439: {  	v49 =	vor.u32 s28, v46  }
0x43a: {  	v50 =	vor.u32 s26, v15;
	_ =	sdelay $0x3  }
0x43b: {  	[tilespmem:v49+s20+$0x0] =	vst.idx.msk $0xffff, v48  }
0x43c: {  	v48 =	vld.idx.msk [tilespmem:v50+s4+$0x0], $0xffff  }
0x43d: {  	v49 =	vor.u32 s28, v1  }
0x43e: {  	v50 =	vor.u32 s26, v16;
	_ =	sdelay $0x3  }
0x43f: {  	[tilespmem:v49+s20+$0x0] =	vst.idx.msk $0xffff, v48  }
0x440: {  	v48 =	vld.idx.msk [tilespmem:v50+s4+$0x0], $0xffff  }
0x441: {  	v49 =	vor.u32 s28, v17  }
0x442: {  	v50 =	vor.u32 s26, v18;
	_ =	sdelay $0x3  }
0x443: {  	[tilespmem:v49+s20+$0x0] =	vst.idx.msk $0xffff, v48  }
0x444: {  	v48 =	vld.idx.msk [tilespmem:v50+s4+$0x0], $0xffff  }
0x445: {  	v49 =	vor.u32 s28, v19  }
0x446: {  	v50 =	vor.u32 s26, v20;
	_ =	sdelay $0x3  }
0x447: {  	[tilespmem:v49+s20+$0x0] =	vst.idx.msk $0xffff, v48  }
0x448: {  	v48 =	vld.idx.msk [tilespmem:v50+s4+$0x0], $0xffff  }
0x449: {  	v49 =	vor.u32 s28, v21  }
0x44a: {  	v50 =	vor.u32 s26, v22;
	_ =	sdelay $0x3  }
0x44b: {  	[tilespmem:v49+s20+$0x0] =	vst.idx.msk $0xffff, v48  }
0x44c: {  	v48 =	vld.idx.msk [tilespmem:v50+s4+$0x0], $0xffff  }
0x44d: {  	v49 =	vor.u32 s28, v23  }
0x44e: {  	v50 =	vor.u32 s26, v24;
	_ =	sdelay $0x3  }
0x44f: {  	[tilespmem:v49+s20+$0x0] =	vst.idx.msk $0xffff, v48  }
0x450: {  	v48 =	vld.idx.msk [tilespmem:v50+s4+$0x0], $0xffff  }
0x451: {  	v49 =	vor.u32 s28, v25  }
0x452: {  	v50 =	vor.u32 s26, v26;
	_ =	sdelay $0x3  }
0x453: {  	[tilespmem:v49+s20+$0x0] =	vst.idx.msk $0xffff, v48  }
0x454: {  	v48 =	vld.idx.msk [tilespmem:v50+s4+$0x0], $0xffff  }
0x455: {  	v49 =	vor.u32 s28, v27  }
0x456: {  	v50 =	vor.u32 s26, v47;
	_ =	sdelay $0x3  }
0x457: {  	[tilespmem:v49+s20+$0x0] =	vst.idx.msk $0xffff, v48  }
0x458: {  	s3 =	sadd.s32 $0x10, s28;
	v48 =	vld.idx.msk [tilespmem:v50+s4+$0x0], $0xffff  }
0x459: {  	v49 =	vor.u32 s3, v45  }
0x45a: {  	v50 =	vor.u32 s26, v28;
	_ =	sdelay $0x3  }
0x45b: {  	[tilespmem:v49+s20+$0x0] =	vst.idx.msk $0xffff, v48  }
0x45c: {  	v48 =	vld.idx.msk [tilespmem:v50+s4+$0x0], $0xffff  }
0x45d: {  	v49 =	vor.u32 s3, v4  }
0x45e: {  	v50 =	vor.u32 s26, v29;
	_ =	sdelay $0x3  }
0x45f: {  	[tilespmem:v49+s20+$0x0] =	vst.idx.msk $0xffff, v48  }
0x460: {  	v48 =	vld.idx.msk [tilespmem:v50+s4+$0x0], $0xffff  }
0x461: {  	v49 =	vor.u32 s3, v6  }
0x462: {  	v50 =	vor.u32 s26, v30;
	_ =	sdelay $0x3  }
0x463: {  	[tilespmem:v49+s20+$0x0] =	vst.idx.msk $0xffff, v48  }
0x464: {  	v48 =	vld.idx.msk [tilespmem:v50+s4+$0x0], $0xffff  }
0x465: {  	v49 =	vor.u32 s3, v43  }
0x466: {  	v50 =	vor.u32 s26, v31;
	_ =	sdelay $0x3  }
0x467: {  	[tilespmem:v49+s20+$0x0] =	vst.idx.msk $0xffff, v48  }
0x468: {  	v48 =	vld.idx.msk [tilespmem:v50+s4+$0x0], $0xffff  }
0x469: {  	v49 =	vor.u32 s3, v44  }
0x46a: {  	v50 =	vor.u32 s26, v32;
	_ =	sdelay $0x3  }
0x46b: {  	[tilespmem:v49+s20+$0x0] =	vst.idx.msk $0xffff, v48  }
0x46c: {  	v48 =	vld.idx.msk [tilespmem:v50+s4+$0x0], $0xffff  }
0x46d: {  	v49 =	vor.u32 s3, v0  }
0x46e: {  	v50 =	vor.u32 s26, v33;
	_ =	sdelay $0x3  }
0x46f: {  	[tilespmem:v49+s20+$0x0] =	vst.idx.msk $0xffff, v48  }
0x470: {  	v48 =	vld.idx.msk [tilespmem:v50+s4+$0x0], $0xffff  }
0x471: {  	v49 =	vor.u32 s3, v11  }
0x472: {  	v50 =	vor.u32 s26, v34;
	_ =	sdelay $0x3  }
0x473: {  	[tilespmem:v49+s20+$0x0] =	vst.idx.msk $0xffff, v48  }
0x474: {  	v48 =	vld.idx.msk [tilespmem:v50+s4+$0x0], $0xffff  }
0x475: {  	v49 =	vor.u32 s3, v13  }
0x476: {  	v50 =	vor.u32 s26, v35;
	_ =	sdelay $0x3  }
0x477: {  	[tilespmem:v49+s20+$0x0] =	vst.idx.msk $0xffff, v48  }
0x478: {  	v48 =	vld.idx.msk [tilespmem:v50+s4+$0x0], $0xffff  }
0x479: {  	v49 =	vor.u32 s3, v46  }
0x47a: {  	v50 =	vor.u32 s26, v36;
	_ =	sdelay $0x3  }
0x47b: {  	[tilespmem:v49+s20+$0x0] =	vst.idx.msk $0xffff, v48  }
0x47c: {  	v48 =	vld.idx.msk [tilespmem:v50+s4+$0x0], $0xffff  }
0x47d: {  	v49 =	vor.u32 s3, v1  }
0x47e: {  	v50 =	vor.u32 s26, v37;
	_ =	sdelay $0x3  }
0x47f: {  	[tilespmem:v49+s20+$0x0] =	vst.idx.msk $0xffff, v48  }
0x480: {  	v48 =	vld.idx.msk [tilespmem:v50+s4+$0x0], $0xffff  }
0x481: {  	v49 =	vor.u32 s3, v17  }
0x482: {  	v50 =	vor.u32 s26, v38;
	_ =	sdelay $0x3  }
0x483: {  	[tilespmem:v49+s20+$0x0] =	vst.idx.msk $0xffff, v48  }
0x484: {  	v48 =	vld.idx.msk [tilespmem:v50+s4+$0x0], $0xffff  }
0x485: {  	v49 =	vor.u32 s3, v19  }
0x486: {  	v50 =	vor.u32 s26, v39;
	_ =	sdelay $0x3  }
0x487: {  	[tilespmem:v49+s20+$0x0] =	vst.idx.msk $0xffff, v48  }
0x488: {  	v48 =	vld.idx.msk [tilespmem:v50+s4+$0x0], $0xffff  }
0x489: {  	v49 =	vor.u32 s3, v21  }
0x48a: {  	v50 =	vor.u32 s26, v40;
	_ =	sdelay $0x3  }
0x48b: {  	[tilespmem:v49+s20+$0x0] =	vst.idx.msk $0xffff, v48  }
0x48c: {  	v48 =	vld.idx.msk [tilespmem:v50+s4+$0x0], $0xffff  }
0x48d: {  	v49 =	vor.u32 s3, v23  }
0x48e: {  	v50 =	vor.u32 s26, v41;
	_ =	sdelay $0x3  }
0x48f: {  	[tilespmem:v49+s20+$0x0] =	vst.idx.msk $0xffff, v48  }
0x490: {  	v48 =	vld.idx.msk [tilespmem:v50+s4+$0x0], $0xffff  }
0x491: {  	v49 =	vor.u32 s3, v25  }
0x492: {  	v50 =	vor.u32 s26, v42;
	s26 =	smov.u32 s29;
	_ =	sdelay $0x2  }
.Ltmp6:
0x493: {  	(pc) =	sbr.rel @p2 .LBB2_9-.Ltmp6, $4  }
0x494: {  	[tilespmem:v49+s20+$0x0] =	vst.idx.msk $0xffff, v48  }
0x495: {  	v48 =	vld.idx.msk [tilespmem:v50+s4+$0x0], $0xffff  }
0x496: {  	v50 =	vor.u32 s3, v27  }
0x497: {  	s29 =	sadd.s32 $0x10, s29;
	v49 =	vor.u32 s26, v2  }
0x498: {  	_ =	sdelay $0x3  }
0x499: {  	s3 =	sadd.s32 $0x200, s28;
	[tilespmem:v50+s20+$0x0] =	vst.idx.msk $0xffff, v48  }
0x49a: {  	v61 =	vor.u32 s3, v45;
	v48 =	vld.idx.msk [tilespmem:v49+s4+$0x0], $0xffff  }
0x49b: {  	v62 =	vor.u32 s26, v3;
	_ =	sdelay $0x3  }
0x49c: {  	[tilespmem:v61+s20+$0x0] =	vst.idx.msk $0xffff, v48  }
0x49d: {  	v63 =	vor.u32 s3, v4;
	v48 =	vld.idx.msk [tilespmem:v62+s4+$0x0], $0xffff  }
0x49e: {  	v52 =	vor.u32 s26, v5;
	_ =	sdelay $0x3  }
0x49f: {  	[tilespmem:v63+s20+$0x0] =	vst.idx.msk $0xffff, v48  }
0x4a0: {  	v53 =	vor.u32 s3, v6;
	v48 =	vld.idx.msk [tilespmem:v52+s4+$0x0], $0xffff  }
0x4a1: {  	v54 =	vor.u32 s26, v7;
	_ =	sdelay $0x3  }
0x4a2: {  	[tilespmem:v53+s20+$0x0] =	vst.idx.msk $0xffff, v48  }
0x4a3: {  	v55 =	vor.u32 s3, v43;
	v48 =	vld.idx.msk [tilespmem:v54+s4+$0x0], $0xffff  }
0x4a4: {  	v56 =	vor.u32 s26, v8;
	_ =	sdelay $0x3  }
0x4a5: {  	[tilespmem:v55+s20+$0x0] =	vst.idx.msk $0xffff, v48  }
0x4a6: {  	v57 =	vor.u32 s3, v44;
	v48 =	vld.idx.msk [tilespmem:v56+s4+$0x0], $0xffff  }
0x4a7: {  	v58 =	vor.u32 s26, v9;
	_ =	sdelay $0x3  }
0x4a8: {  	[tilespmem:v57+s20+$0x0] =	vst.idx.msk $0xffff, v48  }
0x4a9: {  	v59 =	vor.u32 s3, v0;
	v48 =	vld.idx.msk [tilespmem:v58+s4+$0x0], $0xffff  }
0x4aa: {  	v60 =	vor.u32 s26, v10;
	_ =	sdelay $0x3  }
0x4ab: {  	[tilespmem:v59+s20+$0x0] =	vst.idx.msk $0xffff, v48  }
0x4ac: {  	v61 =	vor.u32 s3, v11;
	v48 =	vld.idx.msk [tilespmem:v60+s4+$0x0], $0xffff  }
0x4ad: {  	v62 =	vor.u32 s26, v12;
	_ =	sdelay $0x3  }
0x4ae: {  	[tilespmem:v61+s20+$0x0] =	vst.idx.msk $0xffff, v48  }
0x4af: {  	v63 =	vor.u32 s3, v13;
	v48 =	vld.idx.msk [tilespmem:v62+s4+$0x0], $0xffff  }
0x4b0: {  	v52 =	vor.u32 s26, v14;
	_ =	sdelay $0x3  }
0x4b1: {  	[tilespmem:v63+s20+$0x0] =	vst.idx.msk $0xffff, v48  }
0x4b2: {  	v53 =	vor.u32 s3, v46;
	v48 =	vld.idx.msk [tilespmem:v52+s4+$0x0], $0xffff  }
0x4b3: {  	v54 =	vor.u32 s26, v15;
	_ =	sdelay $0x3  }
0x4b4: {  	[tilespmem:v53+s20+$0x0] =	vst.idx.msk $0xffff, v48  }
0x4b5: {  	v55 =	vor.u32 s3, v1;
	v48 =	vld.idx.msk [tilespmem:v54+s4+$0x0], $0xffff  }
0x4b6: {  	v56 =	vor.u32 s26, v16;
	_ =	sdelay $0x3  }
0x4b7: {  	[tilespmem:v55+s20+$0x0] =	vst.idx.msk $0xffff, v48  }
0x4b8: {  	v57 =	vor.u32 s3, v17;
	v48 =	vld.idx.msk [tilespmem:v56+s4+$0x0], $0xffff  }
0x4b9: {  	v58 =	vor.u32 s26, v18;
	_ =	sdelay $0x3  }
0x4ba: {  	[tilespmem:v57+s20+$0x0] =	vst.idx.msk $0xffff, v48  }
0x4bb: {  	v59 =	vor.u32 s3, v19;
	v48 =	vld.idx.msk [tilespmem:v58+s4+$0x0], $0xffff  }
0x4bc: {  	v60 =	vor.u32 s26, v20;
	_ =	sdelay $0x3  }
0x4bd: {  	[tilespmem:v59+s20+$0x0] =	vst.idx.msk $0xffff, v48  }
0x4be: {  	v61 =	vor.u32 s3, v21;
	v48 =	vld.idx.msk [tilespmem:v60+s4+$0x0], $0xffff  }
0x4bf: {  	v62 =	vor.u32 s26, v22;
	_ =	sdelay $0x3  }
0x4c0: {  	[tilespmem:v61+s20+$0x0] =	vst.idx.msk $0xffff, v48  }
0x4c1: {  	v63 =	vor.u32 s3, v23;
	v48 =	vld.idx.msk [tilespmem:v62+s4+$0x0], $0xffff  }
0x4c2: {  	v52 =	vor.u32 s26, v24;
	_ =	sdelay $0x3  }
0x4c3: {  	[tilespmem:v63+s20+$0x0] =	vst.idx.msk $0xffff, v48  }
0x4c4: {  	v53 =	vor.u32 s3, v25;
	v48 =	vld.idx.msk [tilespmem:v52+s4+$0x0], $0xffff  }
0x4c5: {  	v54 =	vor.u32 s26, v26;
	_ =	sdelay $0x3  }
0x4c6: {  	[tilespmem:v53+s20+$0x0] =	vst.idx.msk $0xffff, v48  }
0x4c7: {  	v55 =	vor.u32 s3, v27;
	v48 =	vld.idx.msk [tilespmem:v54+s4+$0x0], $0xffff  }
0x4c8: {  	v56 =	vor.u32 s26, v47;
	_ =	sdelay $0x3  }
0x4c9: {  	s3 =	sadd.s32 $0x10, s3;
	[tilespmem:v55+s20+$0x0] =	vst.idx.msk $0xffff, v48  }
0x4ca: {  	v57 =	vor.u32 s3, v45;
	v48 =	vld.idx.msk [tilespmem:v56+s4+$0x0], $0xffff  }
0x4cb: {  	v58 =	vor.u32 s26, v28;
	_ =	sdelay $0x3  }
0x4cc: {  	[tilespmem:v57+s20+$0x0] =	vst.idx.msk $0xffff, v48  }
0x4cd: {  	v59 =	vor.u32 s3, v4;
	v48 =	vld.idx.msk [tilespmem:v58+s4+$0x0], $0xffff  }
0x4ce: {  	v60 =	vor.u32 s26, v29;
	_ =	sdelay $0x3  }
0x4cf: {  	[tilespmem:v59+s20+$0x0] =	vst.idx.msk $0xffff, v48  }
0x4d0: {  	v61 =	vor.u32 s3, v6;
	v48 =	vld.idx.msk [tilespmem:v60+s4+$0x0], $0xffff  }
0x4d1: {  	v62 =	vor.u32 s26, v30;
	_ =	sdelay $0x3  }
0x4d2: {  	[tilespmem:v61+s20+$0x0] =	vst.idx.msk $0xffff, v48  }
0x4d3: {  	v63 =	vor.u32 s3, v43;
	v48 =	vld.idx.msk [tilespmem:v62+s4+$0x0], $0xffff  }
0x4d4: {  	v52 =	vor.u32 s26, v31;
	_ =	sdelay $0x3  }
0x4d5: {  	[tilespmem:v63+s20+$0x0] =	vst.idx.msk $0xffff, v48  }
0x4d6: {  	v53 =	vor.u32 s3, v44;
	v48 =	vld.idx.msk [tilespmem:v52+s4+$0x0], $0xffff  }
0x4d7: {  	v54 =	vor.u32 s26, v32;
	_ =	sdelay $0x3  }
0x4d8: {  	[tilespmem:v53+s20+$0x0] =	vst.idx.msk $0xffff, v48  }
0x4d9: {  	v55 =	vor.u32 s3, v0;
	v48 =	vld.idx.msk [tilespmem:v54+s4+$0x0], $0xffff  }
0x4da: {  	v56 =	vor.u32 s26, v33;
	_ =	sdelay $0x3  }
0x4db: {  	[tilespmem:v55+s20+$0x0] =	vst.idx.msk $0xffff, v48  }
0x4dc: {  	v57 =	vor.u32 s3, v11;
	v48 =	vld.idx.msk [tilespmem:v56+s4+$0x0], $0xffff  }
0x4dd: {  	v58 =	vor.u32 s26, v34;
	_ =	sdelay $0x3  }
0x4de: {  	[tilespmem:v57+s20+$0x0] =	vst.idx.msk $0xffff, v48  }
0x4df: {  	v59 =	vor.u32 s3, v13;
	v48 =	vld.idx.msk [tilespmem:v58+s4+$0x0], $0xffff  }
0x4e0: {  	v60 =	vor.u32 s26, v35;
	_ =	sdelay $0x3  }
0x4e1: {  	[tilespmem:v59+s20+$0x0] =	vst.idx.msk $0xffff, v48  }
0x4e2: {  	v61 =	vor.u32 s3, v46;
	v48 =	vld.idx.msk [tilespmem:v60+s4+$0x0], $0xffff  }
0x4e3: {  	v62 =	vor.u32 s26, v36;
	_ =	sdelay $0x3  }
0x4e4: {  	[tilespmem:v61+s20+$0x0] =	vst.idx.msk $0xffff, v48  }
0x4e5: {  	v63 =	vor.u32 s3, v1;
	v48 =	vld.idx.msk [tilespmem:v62+s4+$0x0], $0xffff  }
0x4e6: {  	v52 =	vor.u32 s26, v37;
	_ =	sdelay $0x3  }
0x4e7: {  	[tilespmem:v63+s20+$0x0] =	vst.idx.msk $0xffff, v48  }
0x4e8: {  	v53 =	vor.u32 s3, v17;
	v48 =	vld.idx.msk [tilespmem:v52+s4+$0x0], $0xffff  }
0x4e9: {  	v54 =	vor.u32 s26, v38;
	_ =	sdelay $0x3  }
0x4ea: {  	[tilespmem:v53+s20+$0x0] =	vst.idx.msk $0xffff, v48  }
0x4eb: {  	v55 =	vor.u32 s3, v19;
	v48 =	vld.idx.msk [tilespmem:v54+s4+$0x0], $0xffff  }
0x4ec: {  	v56 =	vor.u32 s26, v39;
	_ =	sdelay $0x3  }
0x4ed: {  	[tilespmem:v55+s20+$0x0] =	vst.idx.msk $0xffff, v48  }
0x4ee: {  	v57 =	vor.u32 s3, v21;
	v48 =	vld.idx.msk [tilespmem:v56+s4+$0x0], $0xffff  }
0x4ef: {  	v58 =	vor.u32 s26, v40;
	_ =	sdelay $0x3  }
0x4f0: {  	[tilespmem:v57+s20+$0x0] =	vst.idx.msk $0xffff, v48  }
0x4f1: {  	v59 =	vor.u32 s3, v23;
	v48 =	vld.idx.msk [tilespmem:v58+s4+$0x0], $0xffff  }
0x4f2: {  	v60 =	vor.u32 s26, v41;
	_ =	sdelay $0x3  }
0x4f3: {  	[tilespmem:v59+s20+$0x0] =	vst.idx.msk $0xffff, v48  }
0x4f4: {  	v61 =	vor.u32 s3, v25;
	v48 =	vld.idx.msk [tilespmem:v60+s4+$0x0], $0xffff  }
0x4f5: {  	v62 =	vor.u32 s26, v42;
	_ =	sdelay $0x3  }
0x4f6: {  	[tilespmem:v61+s20+$0x0] =	vst.idx.msk $0xffff, v48  }
0x4f7: {  	v63 =	vor.u32 s3, v27;
	v48 =	vld.idx.msk [tilespmem:v62+s4+$0x0], $0xffff;
	_ =	sdelay $0x4  }
.Ltmp7:
0x4f8: {  	[tilespmem:v63+s20+$0x0] =	vst.idx.msk $0xffff, v48;
	(pc) =	sbr.rel .LBB2_11-.Ltmp7, $4  }
0x4f9: {  	[hbm4b:s13+s4] =	stream.linear.scatter [tilespmem:s20], [sflag:$0x3], $0x1000, $0x38;
	[tilespmem:$0x4000] =	vst v63  }
0x4fa: {  	_ =	swait.ge [sflag:s23], $0x1000  }
0x4fb: {  	[sflag:s23] =	ssyncset.done $0x0  }
0x4fc: {  	[sflag:s23] =	ssyncadd.s32 $0xFFFFF000  }
.LBB2_12:
0x4fd: {  	_ =	sfence.sel $0x180000  }
0x4fe: {  	[bflag:$0x0] =	sbarrier.arrive $0xFFFF  }
0x4ff: {  	_ =	strace $0x90000047  }
0x500: {  	[bflag:$0x2] =	sbarrier.arrive $0xFFFF  }
0x501: {  	p0 =	sne.s32 s2, $0x0;
	s0 =	rddreg [dreg:$0x3]  }
0x502: {  	s0 =	sadd.s32 @!p0 $0x100000, s0  }
0x503: {  	[sflag:s0] =	ssyncadd.tile.s32 @!p0 $0x1;
	_ =	shalt  }
.Lfunc_end2:
_tile_overlayer_lowered:
.L_overlay_start_2:
0x504: {  	(tag) =	ssettag $0x2  }
0x505: {  	s0 =	rddreg [dreg:$0x0];
	s2 =	stileid.u32  }
0x506: {  	s1 =	rddreg [dreg:$0x1];
	p0 =	sne.s32 s2, $0x0  }
0x507: {  	s3 =	rddreg [dreg:$0x2];
	[bflag:$0x3] =	sbarrier.arrive $0xFFFF;
	s2 =	simm.s32 @!p0 $0x1C05  }
0x508: {  	[timem:s3], [sflag:s2] =	dma.local @!p0 [hbm:s0], s1  }
0x509: {  	s0 =	simm.s32 @!p0 $0x5  }
0x50a: {  	_ =	swait.ge @!p0 [sflag:s0], s1  }
0x50b: {  	s1 =	ssub.s32 @!p0 $0x0, s1;
	[sflag:s0] =	ssyncset.done @!p0 $0x0  }
0x50c: {  	[sflag:s0] =	ssyncadd.s32 @!p0 s1  }
0x50d: {  	[bflag:$0x3] =	sbarrier.arrive $0xFFFF  }
0x50e: {  	_ =	shalt  }

// kernel: kernel.7.cloned.1.call-start
scs
__scs_entry_jumppad:
0x0: {  	(pc) =	sbr.rel $0x88, $3  }
0x1: {  	(tag) =	ssettag $0x0;
	lr =	simm.s32 $0x1  }
0x2: {  	[smem:$0x3F9F] =	sst lr;
	_ =	strace $0xD0000000  }
0x3: {  	_ = 	snop  }
0x4: {  	_ = 	snop  }
0x5: {  	_ = 	snop  }
0x6: {  	_ = 	snop  }
0x7: {  	_ = 	snop  }
__scs_overlays_trampoline_lowered:
0x8: {  	[smem:$0x3FAE] =	sst s0  }
0x9: {  	[smem:$0x3FAF] =	sst s1  }
0xa: {  	[smem:$0x3FB0] =	sst s2  }
0xb: {  	[smem:$0x3FB1] =	sst s3  }
0xc: {  	[smem:$0x3FB2] =	sst s4  }
0xd: {  	[smem:$0x3FB3] =	sst s5  }
0xe: {  	[smem:$0x3FB4] =	sst s6  }
0xf: {  	[smem:$0x3FB5] =	sst s7  }
0x10: {  	[smem:$0x3FB6] =	sst s8  }
0x11: {  	[smem:$0x3FB7] =	sst s9;
	s0 =	simm.s32 @!p0 $0x0  }
0x12: {  	s1 =	sld [smem:$0x3F9D];
	s0 =	simm.s32 @p0 $0x1  }
0x13: {  	[smem:$0x3FB8] =	sst s0;
	s0 =	simm.s32 @!p1 $0x0  }
0x14: {  	s2 =	sld [smem:$0x3F9C];
	s0 =	simm.s32 @p1 $0x1  }
0x15: {  	[smem:$0x3FB9] =	sst s0;
	s0 =	simm.s32 @!p2 $0x0  }
0x16: {  	s3 =	sld [smem:$0x3FDB];
	s0 =	simm.s32 @p2 $0x1  }
0x17: {  	s4 =	simm.s32 $0x1BF5;
	[smem:$0x3FBB] =	sst s0  }
0x18: {  	s0 =	sld [smem:$0x3F9E];
	_ =	swait.ge [sflag:s4], $0x0  }
0x19: {  	s7 =	sld [smem:$0x3F9F]  }
0x1a: {  	s8 =	sadd.s32 $0xFFFFE003, lr  }
0x1b: {  	s9 =	sadd.s32 $0xFFFFFEF7, lr;
	s5 =	simm.s32 $0xFFFFFFFF;
	p2 =	slt.u32 s8, $0xFFFFF086  }
0x1c: {  	p1 =	slt.u32 s9, $0xF7A;
	s5 =	simm.s32 @!p2 $0x0  }
0x1d: {  	s5 =	simm.s32 @p1 $0x1;
	p0 =	seq.s32 s7, s2  }
0x1e: {  	s7 =	smul.u32 @!p0 $0xF7A, s2;
	p2 =	seq.s32 @!p0 s5, $0x0  }
0x1f: {  	s9 =	smul.u32 $0xF7A, s1;
	s8 =	simm.s32 @!p0 $0x1BF5;
	p2 =	por !p2, p0  }
0x20: {  	[sflag:s8] =	ssyncset.s32 @!p0 $0xFFFFF086;
	s6 =	sadd.s32 @!p0 s3, s7;
	s7 =	simm.s32 @!p0 $0x108  }
0x21: {  	s3 =	sadd.s32 s3, s9;
	s6 =	sadd.s32 @!p0 $0x88, s6;
	s7 =	simm.s32 @p2 $0x1082  }
0x22: {  	[simem:s7], [sflag:s8] =	dma.local @!p0 [hbm:s6], $0xF7A  }
0x23: {  	s9 =	sor.u32 $0xD0000000, s2;
	s6 =	simm.s32 $0x108;
	_ =	swait.ge @!p0 [sflag:s8], $0x0  }
0x24: {  	s3 =	sadd.s32 $0x88, s3;
	s6 =	simm.s32 @!p1 $0x1082;
	[sflag:s4] =	ssyncset.s32 $0xFFFFF086  }
0x25: {  	[simem:s6], [sflag:s4] =	dma.local [hbm:s3], $0xF7A  }
0x26: {  	[smem:$0x3F9F] =	sst s1;
	(tag) =	ssettag s2;
	_ =	strace s9  }
0x27: {  	s1 =	sld [smem:$0x3FAF]  }
0x28: {  	s2 =	sld [smem:$0x3FB0]  }
0x29: {  	s4 =	sld [smem:$0x3FB2]  }
0x2a: {  	p0 =	seq.s32 s5, $0x0;
	s5 =	sld [smem:$0x3FB3]  }
0x2b: {  	s6 =	sld [smem:$0x3FB4]  }
0x2c: {  	s7 =	sld [smem:$0x3FB5]  }
0x2d: {  	s3 =	simm.s32 $0x108;
	s8 =	sld [smem:$0x3FB6]  }
0x2e: {  	s3 =	simm.s32 @!p0 $0x1082;
	s9 =	sld [smem:$0x3FB7]  }
0x2f: {  	lr =	sadd.s32 s0, s3;
	s0 =	sld [smem:$0x3FAE]  }
0x30: {  	s3 =	sld [smem:$0x3FB1]  }
0x31: {  	[smem:$0x3FBA] =	sst s10  }
0x32: {  	s10 =	sld [smem:$0x3FB8];
	_ =	sdelay $0x3  }
0x33: {  	p0 =	seq.s32 s10, $0x1;
	s10 =	sld [smem:$0x3FBA];
	_ =	sdelay $0x3  }
0x34: {  	[smem:$0x3FBA] =	sst s10  }
0x35: {  	s10 =	sld [smem:$0x3FB9];
	_ =	sdelay $0x3  }
0x36: {  	p1 =	seq.s32 s10, $0x1;
	s10 =	sld [smem:$0x3FBA];
	_ =	sdelay $0x3  }
0x37: {  	[smem:$0x3FBA] =	sst s10  }
0x38: {  	s10 =	sld [smem:$0x3FBB]  }
0x39: {  	_ = 	snop;
	(pc) =	sbr.ind lr, $3  }
0x3a: {  	_ = 	snop  }
0x3b: {  	_ = 	snop  }
0x3c: {  	p2 =	seq.s32 s10, $0x1;
	s10 =	sld [smem:$0x3FBA]  }
0x3d: {  	_ =	shalt  }
0x3e: {  	_ =	shalt  }
0x3f: {  	_ =	shalt  }
0x40: {  	_ =	shalt  }
0x41: {  	_ =	shalt  }
0x42: {  	_ =	shalt  }
0x43: {  	_ =	shalt  }
0x44: {  	_ =	shalt  }
0x45: {  	_ =	shalt  }
0x46: {  	_ =	shalt  }
0x47: {  	_ =	shalt  }
0x48: {  	_ =	shalt  }
0x49: {  	_ =	shalt  }
0x4a: {  	_ =	shalt  }
0x4b: {  	_ =	shalt  }
0x4c: {  	_ =	shalt  }
0x4d: {  	_ =	shalt  }
0x4e: {  	_ =	shalt  }
0x4f: {  	_ =	shalt  }
0x50: {  	_ =	shalt  }
0x51: {  	_ =	shalt  }
0x52: {  	_ =	shalt  }
0x53: {  	_ =	shalt  }
0x54: {  	_ =	shalt  }
0x55: {  	_ =	shalt  }
0x56: {  	_ =	shalt  }
0x57: {  	_ =	shalt  }
0x58: {  	_ =	shalt  }
0x59: {  	_ =	shalt  }
0x5a: {  	_ =	shalt  }
0x5b: {  	_ =	shalt  }
0x5c: {  	_ =	shalt  }
0x5d: {  	_ =	shalt  }
0x5e: {  	_ =	shalt  }
0x5f: {  	_ =	shalt  }
0x60: {  	_ =	shalt  }
0x61: {  	_ =	shalt  }
0x62: {  	_ =	shalt  }
0x63: {  	_ =	shalt  }
0x64: {  	_ =	shalt  }
0x65: {  	_ =	shalt  }
0x66: {  	_ =	shalt  }
0x67: {  	_ =	shalt  }
0x68: {  	_ =	shalt  }
0x69: {  	_ =	shalt  }
0x6a: {  	_ =	shalt  }
0x6b: {  	_ =	shalt  }
0x6c: {  	_ =	shalt  }
0x6d: {  	_ =	shalt  }
0x6e: {  	_ =	shalt  }
0x6f: {  	_ =	shalt  }
0x70: {  	_ =	shalt  }
0x71: {  	_ =	shalt  }
0x72: {  	_ =	shalt  }
0x73: {  	_ =	shalt  }
0x74: {  	_ =	shalt  }
0x75: {  	_ =	shalt  }
0x76: {  	_ =	shalt  }
0x77: {  	_ =	shalt  }
0x78: {  	_ =	shalt  }
0x79: {  	_ =	shalt  }
0x7a: {  	_ =	shalt  }
0x7b: {  	_ =	shalt  }
0x7c: {  	_ =	shalt  }
0x7d: {  	_ =	shalt  }
0x7e: {  	_ =	shalt  }
0x7f: {  	_ =	shalt  }
0x80: {  	_ =	shalt  }
0x81: {  	_ =	shalt  }
0x82: {  	_ =	shalt  }
0x83: {  	_ =	shalt  }
0x84: {  	_ =	shalt  }
0x85: {  	_ =	shalt  }
0x86: {  	_ =	shalt  }
0x87: {  	_ =	shalt  }
.Lfunc_end0:
.L_simem_size_0:
called_computation.1_lowered:
.L_overlay_start_0:
0x88: {  	s2 =	sld [smem:$0x3FD9]  }
0x89: {  	s3 =	sld [smem:$0x3FFE];
	_ =	sdelay $0x1  }
0x8a: {  	s1 =	srdreg.scid  }
0x8b: {  	s0 =	sand.u32 $0x1, s1  }
0x8c: {  	s17 =	sshll.u32 s0, $0xA;
	s2 =	sadd.s32 s3, s2  }
0x8d: {  	s2 =	sadd.s32 s2, s17  }
0x8e: {  	[smem:$0x3FC6] =	sst s2  }
0x8f: {  	_ = 	snop  }
0x90: {  	s2 =	sld [smem:$0x3FC9]  }
0x91: {  	s18 =	sld [smem:$0x3FD0];
	(tm) =	ssettm $0x1  }
0x92: {  	s4 =	sld [smem:$0x3FFB];
	_ =	sdelay $0x3  }
0x93: {  	_ =	strace s4  }
0x94: {  	s4 =	sld [smem:$0x3FFC];
	_ =	sdelay $0x3  }
0x95: {  	_ =	strace s4  }
0x96: {  	s4 =	sld [smem:$0x3FFD];
	_ =	sdelay $0x3  }
0x97: {  	_ =	strace s4  }
0x98: {  	_ =	strace $0x8FFFFFFF  }
0x99: {  	s19 =	sld [smem:$0x3FDB];
	_ =	sdelay $0x1  }
0x9a: {  	s5 =	simm.s32 $_scs_section_size  }
0x9b: {  	s6 =	simm.s32 $_size__tile_overlayer_lowered;
	s7 =	simm.s32 $_tile_overlayer_lowered  }
0x9c: {  	s22 =	simm.s32 $0x1BFF;
	s21 =	sshll.u32 s7, $0x1;
	s4 =	sadd.s32 s5, s19  }
0x9d: {  	s8 =	simm.s32 $0x0;
	s20 =	sshll.u32 s6, $0x1;
	s6 =	sadd.s32 s21, s4  }
0x9e: {  	[timem:s8], [sflag:s22] =	dma.local [hbm:s6], s20  }
0x9f: {  	_ =	swait.ge [sflag:s22], s20  }
0xa0: {  	s5 =	ssub.s32 $0x0, s20;
	[sflag:s22] =	ssyncset.done $0x0  }
0xa1: {  	[sflag:s22] =	ssyncadd.s32 s5;
	_ =	sdelay $0x1  }
0xa2: {  	s23 =	simm.s32 $0x1B8B  }
0xa3: {  	_ =	swait.ge [sflag:s23], $0x1  }
0xa4: {  	[sflag:s23] =	ssyncset.done $0x0  }
0xa5: {  	s25 =	simm.s32 $0x1B8E;
	s24 =	sld [smem:$0x3FFE];
	[sflag:s23] =	ssyncadd.s32 $0xFFFFFFFF  }
0xa6: {  	s26 =	simm.s32 $execute0_lowered;
	[smem:$0x3FD2] =	sst s25  }
0xa7: {  	s6 =	sshll.u32 s26, $0x1;
	_ =	strace $0x80000049;
	[dreg:$0x1] =	wrdreg $0xFFFFFFFF  }
0xa8: {  	s28 =	simm.s32 $_size_execute0_lowered;
	s4 =	sadd.s32 s4, s6;
	[dreg:$0x0] =	wrdreg $0x0  }
0xa9: {  	s6 =	sshll.u32 s28, $0x1;
	[dreg:$0x2] =	wrdreg s4  }
0xaa: {  	[dreg:$0x3] =	wrdreg s6  }
0xab: {  	[dreg:$0x4] =	wrdreg $0xC0  }
0xac: {  	_ =	task [dreg:s8], $0x5FFFF  }
0xad: {  	[dreg:$0x1] =	wrdreg $0xFFFFFFFF  }
0xae: {  	[dreg:$0x0] =	wrdreg $0x60  }
0xaf: {  	[dreg:$0x2] =	wrdreg s24  }
0xb0: {  	[dreg:$0x3] =	wrdreg s2  }
0xb1: {  	[dreg:$0x4] =	wrdreg s18  }
0xb2: {  	[dreg:$0x5] =	wrdreg $0x9  }
0xb3: {  	_ =	task.clear_ibuf [dreg:s8], $0x6FFFF;
	_ =	strace $0x90000049  }
0xb4: {  	s29 =	simm.s32 $0x9;
	_ =	strace $0x8000004B  }
0xb5: {  	_ =	swait.ge [sflag:s29], $0x1  }
0xb6: {  	[sflag:s29] =	ssyncadd.s32 $0xFFFFFFFF  }
0xb7: {  	_ =	strace $0x9000004B  }
0xb8: {  	_ =	sfence  }
0xb9: {  	s30 =	sld [smem:$0x0];
	_ =	sdelay $0x2  }
0xba: {  	s31 =	sshll.u32 s1, $0xD;
	s1 =	sshrl.u32 s1, $0x2  }
0xbb: {  	s3 =	sand.u32 $0x4000, s31;
	s1 =	sadd.s32 s1, s30  }
0xbc: {  	s0 =	sor.u32 s3, s0;
	s1 =	sshll.u32 s1, $0x11  }
0xbd: {  	s0 =	sor.u32 s1, s0  }
0xbe: {  	s0 =	sadd.s32 $0x8F2B, s0  }
0xbf: {  	[sflag:s0] =	ssyncadd.remote.s32 $0x1  }
0xc0: {  	_ =	sfence.sel $0xFFFF  }
0xc1: {  	[dreg:$0x0] =	wrdreg $0xFFFFFFFF;
	(pc) =	sbr.abs _section_cstart, $3  }
0xc2: {  	[dreg:$0x1] =	wrdreg $0xFFFFFFFF  }
0xc3: {  	_ =	task.clear_ibuf [dreg:s8], $0x2FFFF;
	_ =	strace $0x9FFFFFFF  }
0xc4: {  	(tm) =	ssettm $0x7FFFFFFF  }
0xc5: {  	_ =	shalt  }
tec
execute0_lowered:
.L_overlay_start_1:
0x0: {  	(tag) =	ssettag $0x1  }
0x1: {  	v0 =	vimm.s32 $0xFEDCBA9;
	vm9 =	vcmask $0x300  }
0x2: {  	v1 =	vimm.s32 $0xF;
	vm11 =	vcmask $0x704;
	v2 =	vimm.s32 $0x87654321  }
0x3: {  	vm12 =	vcmask $0xB08;
	vm13 =	vcmask $0xF0C;
	vm14 =	vcmask $0x1310  }
0x4: {  	vm15 =	vcmask $0x1714;
	vm10 =	vcmask $0x1B18;
	v1 =	vsel vm9, $0x80, v1  }
0x5: {  	v0 =	vunpack.c.l.s4.s8 v0;
	v2 =	vunpack.c.l.s4.s8 v2;
	v1 =	vsel vm11, $0x101, v1  }
0x6: {  	vm8 =	vcmask $0x1F1C;
	vm7 =	vcmask $0x2320;
	v1 =	vsel vm12, $0x182, v1  }
0x7: {  	v3 =	vunpack.c.0.s8.s32 v0;
	v0 =	vsel vm13, $0x203, v1;
	v1 =	vunpack.c.0.s8.s32 v2  }
0x8: {  	vm6 =	vcmask $0x2724;
	vm5 =	vcmask $0x2B28;
	v0 =	vsel vm14, $0x284, v0  }
0x9: {  	vm4 =	vcmask $0x2F2C;
	v0 =	vsel vm15, $0x305, v0;
	[tilespmem:$0x1FAF0] =	vst v1;
	v1 =	vcombine.low v1, v3  }
0xa: {  	vm3 =	vcmask $0x3330;
	vm2 =	vcmask $0x3734;
	v0 =	vsel vm10, $0x386, v0  }
0xb: {  	v0 =	vsel vm8, $0x407, v0;
	v58 =	vand.u32 $0xF, v1;
	v1 =	vimm.s32 $0x80F  }
0xc: {  	vm1 =	vcmask $0x3B38;
	v0 =	vsel vm7, $0x488, v0;
	v1 =	vsel vm9, $0x880, v1  }
0xd: {  	vm0 =	vcmask $0x1F10;
	v0 =	vsel vm6, $0x509, v0;
	v1 =	vsel vm11, $0x901, v1  }
0xe: {  	v4 =	vimm.s32 $0x14131211;
	v0 =	vsel vm5, $0x58A, v0;
	v1 =	vsel vm12, $0x982, v1  }
0xf: {  	v7 =	vimm.s32 $0x98765432;
	v0 =	vsel vm4, $0x60B, v0;
	v1 =	vsel vm13, $0xA03, v1  }
0x10: {  	v7 =	vunpack.c.l.s4.s8 v7;
	v0 =	vsel vm3, $0x68C, v0;
	v1 =	vsel vm14, $0xA84, v1  }
0x11: {  	v2 =	vimm.s32 $0x101F1E1D;
	[tilespmem:$0x1FAE0] =	vst v3;
	v0 =	vsel vm2, $0x70D, v0;
	v3 =	vsel vm15, $0xB05, v1  }
0x12: {  	v1 =	vunpack.c.0.s8.s32 v2;
	v2 =	vsel vm10, $0xB86, v3;
	v3 =	vimm.s32 $0x8F  }
0x13: {  	v59 =	vsel vm1, $0x78E, v0;
	v0 =	vimm.s32 $0x1C1B1A19;
	v3 =	vsel vm9, $0x100, v3  }
0x14: {  	v0 =	vunpack.c.0.s8.s32 v0;
	v2 =	vsel vm8, $0xC07, v2;
	v3 =	vsel vm11, $0x181, v3  }
0x15: {  	v7 =	vunpack.c.0.s8.s32 v7;
	v2 =	vsel vm7, $0xC88, v2;
	v3 =	vsel vm12, $0x202, v3  }
0x16: {  	v9 =	vsel vm0, v1, v0;
	v5 =	vsel vm6, $0xD09, v2;
	v3 =	vsel vm13, $0x283, v3  }
0x17: {  	v2 =	vunpack.c.0.s8.s32 v4;
	v4 =	vsel vm5, $0xD8A, v5;
	v3 =	vsel vm14, $0x304, v3  }
0x18: {  	v6 =	vsel vm4, $0xE0B, v4;
	v4 =	vimm.s32 $0x10FEDCBA;
	v3 =	vsel vm15, $0x385, v3  }
0x19: {  	v5 =	vimm.s32 $0x18171615;
	v8 =	vunpack.c.l.s4.s8 v4;
	v3 =	vsel vm10, $0x406, v3  }
0x1a: {  	v4 =	vunpack.c.0.s8.s32 v5;
	v5 =	vsel vm3, $0xE8C, v6;
	v3 =	vsel vm8, $0x487, v3  }
0x1b: {  	v5 =	vsel vm2, $0xF0D, v5;
	v6 =	vunpack.c.0.s8.s32 v8;
	v3 =	vsel vm7, $0x508, v3  }
0x1c: {  	[tilespmem:$0x1FB10] =	vst v7;
	v8 =	vsel vm0, v4, v2;
	v41 =	vsel vm1, $0xF8E, v5;
	v3 =	vsel vm6, $0x589, v3  }
0x1d: {  	[tilespmem:$0x1FB00] =	vst v6;
	v6 =	vcombine.low v7, v6;
	v7 =	vimm.s32 $0x88F;
	v3 =	vsel vm5, $0x60A, v3  }
0x1e: {  	v5 =	vsel vm9, $0x900, v7;
	v7 =	vimm.s32 $0xA9876543;
	v3 =	vsel vm4, $0x68B, v3  }
0x1f: {  	v27 =	vand.u32 $0xF, v6;
	v5 =	vsel vm11, $0x981, v5;
	v6 =	vimm.s32 $0x1D1C1B1A  }
0x20: {  	v7 =	vunpack.c.l.s4.s8 v7;
	v3 =	vsel vm3, $0x70C, v3;
	v5 =	vsel vm12, $0xA02, v5  }
0x21: {  	v13 =	vunpack.c.0.s8.s32 v6;
	v6 =	vimm.s32 $0x10F;
	v3 =	vsel vm2, $0x78D, v3  }
0x22: {  	v30 =	vsel vm1, $0xE, v3;
	v3 =	vsel vm13, $0xA83, v5;
	v5 =	vimm.s32 $0x11101F1E  }
0x23: {  	v3 =	vsel vm14, $0xB04, v3;
	v14 =	vunpack.c.0.s8.s32 v5;
	v5 =	vsel vm9, $0x180, v6  }
0x24: {  	v6 =	vimm.s32 $0x15141312;
	v3 =	vsel vm15, $0xB85, v3;
	v5 =	vsel vm11, $0x201, v5  }
0x25: {  	v15 =	vunpack.c.0.s8.s32 v6;
	v6 =	vimm.s32 $0x19181716;
	v5 =	vsel vm12, $0x282, v5  }
0x26: {  	v3 =	vsel vm10, $0xC06, v3;
	v16 =	vunpack.c.0.s8.s32 v6;
	v5 =	vsel vm13, $0x303, v5  }
0x27: {  	v6 =	vimm.s32 $0x210FEDCB;
	v3 =	vsel vm8, $0xC87, v3;
	v5 =	vsel vm14, $0x384, v5  }
0x28: {  	v6 =	vunpack.c.l.s4.s8 v6;
	v3 =	vsel vm7, $0xD08, v3;
	v5 =	vsel vm15, $0x405, v5  }
0x29: {  	v7 =	vunpack.c.0.s8.s32 v7;
	v3 =	vsel vm6, $0xD89, v3;
	v5 =	vsel vm10, $0x486, v5  }
0x2a: {  	v11 =	vunpack.c.0.s8.s32 v6;
	v6 =	vimm.s32 $0x90F;
	v5 =	vsel vm8, $0x507, v5  }
0x2b: {  	v3 =	vsel vm5, $0xE0A, v3;
	v6 =	vsel vm9, $0x980, v6;
	v5 =	vsel vm7, $0x588, v5  }
0x2c: {  	[tilespmem:$0x1FB30] =	vst v7;
	v3 =	vsel vm4, $0xE8B, v3;
	v7 =	vcombine.low v7, v11;
	v5 =	vsel vm6, $0x609, v5  }
0x2d: {  	v6 =	vsel vm11, $0xA01, v6;
	v3 =	vsel vm3, $0xF0C, v3;
	v5 =	vsel vm5, $0x68A, v5  }
0x2e: {  	v3 =	vsel vm2, $0xF8D, v3;
	v18 =	vand.u32 $0xF, v7;
	v5 =	vsel vm4, $0x70B, v5  }
0x2f: {  	v32 =	vsel vm1, $0x80E, v3;
	v3 =	vsel vm3, $0x78C, v5;
	v5 =	vsel vm12, $0xA82, v6  }
0x30: {  	v7 =	vimm.s32 $0xBA987654;
	v3 =	vsel vm2, $0xD, v3;
	v5 =	vsel vm13, $0xB03, v5  }
0x31: {  	v12 =	vsel vm1, $0x8E, v3;
	v3 =	vimm.s32 $0x1E1D1C1B;
	v5 =	vsel vm14, $0xB84, v5  }
0x32: {  	v20 =	vunpack.c.0.s8.s32 v3;
	v3 =	vimm.s32 $0x1211101F;
	v5 =	vsel vm15, $0xC05, v5  }
0x33: {  	v21 =	vunpack.c.0.s8.s32 v3;
	v3 =	vsel vm10, $0xC86, v5;
	v5 =	vimm.s32 $0x18F  }
0x34: {  	v7 =	vunpack.c.l.s4.s8 v7;
	v6 =	vimm.s32 $0x16151413;
	v5 =	vsel vm9, $0x200, v5  }
0x35: {  	v22 =	vunpack.c.0.s8.s32 v6;
	v6 =	vimm.s32 $0x1A191817;
	v5 =	vsel vm11, $0x281, v5  }
0x36: {  	v23 =	vunpack.c.0.s8.s32 v6;
	v6 =	vimm.s32 $0x3210FEDC;
	v5 =	vsel vm12, $0x302, v5  }
0x37: {  	v6 =	vunpack.c.l.s4.s8 v6;
	v3 =	vsel vm8, $0xD07, v3;
	v5 =	vsel vm13, $0x383, v5  }
0x38: {  	v7 =	vunpack.c.0.s8.s32 v7;
	v3 =	vsel vm7, $0xD88, v3;
	v5 =	vsel vm14, $0x404, v5  }
0x39: {  	[tilespmem:$0x1FB20] =	vst v11;
	v11 =	vunpack.c.0.s8.s32 v6;
	v3 =	vsel vm6, $0xE09, v3;
	v5 =	vsel vm15, $0x485, v5  }
0x3a: {  	v6 =	vimm.s32 $0x98F;
	v3 =	vsel vm5, $0xE8A, v3;
	v5 =	vsel vm10, $0x506, v5  }
0x3b: {  	v6 =	vsel vm9, $0xA00, v6;
	v3 =	vsel vm4, $0xF0B, v3;
	v5 =	vsel vm8, $0x587, v5  }
0x3c: {  	v6 =	vsel vm11, $0xA81, v6;
	v3 =	vsel vm3, $0xF8C, v3;
	v5 =	vsel vm7, $0x608, v5  }
0x3d: {  	[tilespmem:$0x1FB50] =	vst v7;
	v7 =	vcombine.low v7, v11;
	v3 =	vsel vm2, $0x80D, v3;
	v5 =	vsel vm6, $0x689, v5  }
0x3e: {  	v6 =	vsel vm12, $0xB02, v6;
	v38 =	vsel vm1, $0x88E, v3;
	v5 =	vsel vm5, $0x70A, v5  }
0x3f: {  	v3 =	vsel vm4, $0x78B, v5;
	v5 =	vsel vm13, $0xB83, v6;
	v6 =	vimm.s32 $0x1F1E1D1C  }
0x40: {  	v3 =	vsel vm3, $0xC, v3;
	v5 =	vsel vm14, $0xC04, v5;
	v24 =	vunpack.c.0.s8.s32 v6  }
0x41: {  	v6 =	vimm.s32 $0x20F;
	v3 =	vsel vm2, $0x8D, v3;
	v5 =	vsel vm15, $0xC85, v5  }
0x42: {  	v40 =	vsel vm1, $0x10E, v3;
	v3 =	vsel vm10, $0xD06, v5;
	v5 =	vimm.s32 $0x13121110  }
0x43: {  	v31 =	vsel vm0, v0, v4;
	v25 =	vunpack.c.0.s8.s32 v5;
	v5 =	vsel vm9, $0x280, v6  }
0x44: {  	v39 =	vand.u32 $0xF, v7;
	v7 =	vimm.s32 $0xA0F;
	v5 =	vsel vm11, $0x301, v5  }
0x45: {  	v4 =	vimm.s32 $0xDCBA9876;
	v7 =	vsel vm9, $0xA80, v7;
	v5 =	vsel vm12, $0x382, v5  }
0x46: {  	v7 =	vsel vm11, $0xB01, v7;
	v3 =	vsel vm8, $0xD87, v3;
	v5 =	vsel vm13, $0x403, v5  }
0x47: {  	v6 =	vimm.s32 $0x17161514;
	v3 =	vsel vm7, $0xE08, v3;
	v5 =	vsel vm14, $0x484, v5  }
0x48: {  	v29 =	vunpack.c.0.s8.s32 v6;
	v6 =	vimm.s32 $0x1B1A1918;
	v5 =	vsel vm15, $0x505, v5  }
0x49: {  	v10 =	vunpack.c.0.s8.s32 v6;
	v6 =	vimm.s32 $0x43210FED;
	v5 =	vsel vm10, $0x586, v5  }
0x4a: {  	v3 =	vsel vm6, $0xE89, v3;
	v6 =	vunpack.c.l.s4.s8 v6;
	v5 =	vsel vm8, $0x607, v5  }
0x4b: {  	v7 =	vsel vm12, $0xB82, v7;
	v3 =	vsel vm5, $0xF0A, v3;
	v5 =	vsel vm7, $0x688, v5  }
0x4c: {  	v17 =	vunpack.c.0.s8.s32 v6;
	v6 =	vsel vm13, $0xC03, v7;
	v5 =	vsel vm6, $0x709, v5  }
0x4d: {  	v3 =	vsel vm4, $0xF8B, v3;
	v6 =	vsel vm14, $0xC84, v6;
	v5 =	vsel vm5, $0x78A, v5  }
0x4e: {  	v3 =	vsel vm3, $0x80C, v3;
	v6 =	vsel vm15, $0xD05, v6;
	v5 =	vsel vm4, $0xB, v5  }
0x4f: {  	v3 =	vsel vm2, $0x88D, v3;
	v6 =	vsel vm10, $0xD86, v6;
	v5 =	vsel vm3, $0x8C, v5  }
0x50: {  	v42 =	vsel vm1, $0x90E, v3;
	v3 =	vsel vm2, $0x10D, v5;
	v5 =	vsel vm8, $0xE07, v6  }
0x51: {  	v4 =	vunpack.c.l.s4.s8 v4;
	v43 =	vsel vm1, $0x18E, v3;
	v3 =	vsel vm7, $0xE88, v5  }
0x52: {  	v5 =	vsel vm0, v2, v1;
	v2 =	vimm.s32 $0x28F;
	v1 =	vsel vm6, $0xF09, v3  }
0x53: {  	v0 =	vsel vm5, $0xF8A, v1;
	v1 =	vsel vm9, $0x300, v2  }
0x54: {  	v4 =	vunpack.c.0.s8.s32 v4;
	v1 =	vsel vm11, $0x381, v1  }
0x55: {  	[tilespmem:$0x1FB40] =	vst v11;
	v11 =	vimm.s32 $0xCBA98765;
	v2 =	vimm.s32 $0xA8F;
	v1 =	vsel vm12, $0x402, v1  }
0x56: {  	v11 =	vunpack.c.l.s4.s8 v11;
	v2 =	vsel vm9, $0xB00, v2;
	v1 =	vsel vm13, $0x483, v1  }
0x57: {  	v3 =	vimm.s32 $0x543210FE;
	v2 =	vsel vm11, $0xB81, v2;
	v1 =	vsel vm14, $0x504, v1  }
0x58: {  	v3 =	vunpack.c.l.s4.s8 v3;
	v2 =	vsel vm12, $0xC02, v2;
	v1 =	vsel vm15, $0x585, v1  }
0x59: {  	v0 =	vsel vm4, $0x80B, v0;
	v2 =	vsel vm13, $0xC83, v2;
	v1 =	vsel vm10, $0x606, v1  }
0x5a: {  	v0 =	vsel vm3, $0x88C, v0;
	v2 =	vsel vm14, $0xD04, v2;
	v1 =	vsel vm8, $0x687, v1  }
0x5b: {  	v3 =	vunpack.c.0.s8.s32 v3;
	v2 =	vsel vm15, $0xD85, v2;
	v1 =	vsel vm7, $0x708, v1  }
0x5c: {  	v0 =	vsel vm2, $0x90D, v0;
	v2 =	vsel vm10, $0xE06, v2;
	v1 =	vsel vm6, $0x789, v1  }
0x5d: {  	[tilespmem:$0x1FB80] =	vst v3;
	v3 =	vcombine.low v4, v3;
	v2 =	vsel vm8, $0xE87, v2;
	v1 =	vsel vm5, $0xA, v1  }
0x5e: {  	v44 =	vsel vm1, $0x98E, v0;
	v2 =	vsel vm7, $0xF08, v2;
	v0 =	vsel vm4, $0x8B, v1  }
0x5f: {  	v7 =	vunpack.c.0.s8.s32 v11;
	v1 =	vsel vm6, $0xF89, v2;
	v0 =	vsel vm3, $0x10C, v0  }
0x60: {  	v45 =	vand.u32 $0xF, v3;
	v1 =	vsel vm5, $0x80A, v1;
	v0 =	vsel vm2, $0x18D, v0  }
0x61: {  	v2 =	vimm.s32 $0x30F;
	v1 =	vsel vm4, $0x88B, v1;
	v46 =	vsel vm1, $0x20E, v0  }
0x62: {  	v0 =	vsel vm3, $0x90C, v1;
	v1 =	vsel vm9, $0x380, v2;
	v2 =	vimm.s32 $0x6543210F  }
0x63: {  	v3 =	vimm.s32 $0xEDCBA987;
	v0 =	vsel vm2, $0x98D, v0;
	v2 =	vunpack.c.l.s4.s8 v2  }
0x64: {  	v1 =	vsel vm11, $0x401, v1;
	v47 =	vsel vm1, $0xA0E, v0;
	v0 =	vunpack.c.l.s4.s8 v3  }
0x65: {  	v1 =	vsel vm12, $0x482, v1;
	v2 =	vunpack.c.0.s8.s32 v2  }
0x66: {  	[tilespmem:$0x1FB70] =	vst v7;
	v7 =	vcombine.low v7, v17;
	v1 =	vsel vm13, $0x503, v1;
	v0 =	vunpack.c.0.s8.s32 v0  }
0x67: {  	v36 =	vcombine.low v8, v9;
	v1 =	vsel vm14, $0x584, v1;
	[tilespmem:$0x1FBA0] =	vst v2;
	v2 =	vimm.s32 $0xB0F  }
0x68: {  	v26 =	vand.u32 $0xF, v7;
	[tilespmem:$0x1FBB0] =	vst v0;
	v0 =	vsel vm15, $0x605, v1;
	v1 =	vsel vm9, $0xB80, v2  }
0x69: {  	v2 =	vimm.s32 $0x38F;
	v0 =	vsel vm10, $0x686, v0;
	v1 =	vsel vm11, $0xC01, v1  }
0x6a: {  	v2 =	vsel vm9, $0x400, v2;
	v0 =	vsel vm8, $0x707, v0;
	v1 =	vsel vm12, $0xC82, v1  }
0x6b: {  	v2 =	vsel vm11, $0x481, v2;
	v0 =	vsel vm7, $0x788, v0;
	v1 =	vsel vm13, $0xD03, v1  }
0x6c: {  	v2 =	vsel vm12, $0x502, v2;
	v0 =	vsel vm6, $0x9, v0;
	v1 =	vsel vm14, $0xD84, v1  }
0x6d: {  	v2 =	vsel vm13, $0x583, v2;
	v0 =	vsel vm5, $0x8A, v0;
	v1 =	vsel vm15, $0xE05, v1  }
0x6e: {  	v2 =	vsel vm14, $0x604, v2;
	v0 =	vsel vm4, $0x10B, v0;
	v1 =	vsel vm10, $0xE86, v1  }
0x6f: {  	v2 =	vsel vm15, $0x685, v2;
	v0 =	vsel vm3, $0x18C, v0;
	v1 =	vsel vm8, $0xF07, v1  }
0x70: {  	v2 =	vsel vm10, $0x706, v2;
	v0 =	vsel vm2, $0x20D, v0;
	v1 =	vsel vm7, $0xF88, v1  }
0x71: {  	v63 =	vsel vm1, $0x28E, v0;
	v0 =	vsel vm6, $0x809, v1;
	v1 =	vsel vm8, $0x787, v2  }
0x72: {  	v3 =	vimm.s32 $0x76543210;
	v2 =	vimm.s32 $0xFEDCBA98;
	v1 =	vsel vm7, $0x8, v1  }
0x73: {  	v0 =	vsel vm5, $0x88A, v0;
	v2 =	vunpack.c.l.s4.s8 v2;
	v1 =	vsel vm6, $0x89, v1  }
0x74: {  	v3 =	vunpack.c.l.s4.s8 v3;
	v0 =	vsel vm4, $0x90B, v0;
	v1 =	vsel vm5, $0x10A, v1  }
0x75: {  	v0 =	vsel vm3, $0x98C, v0;
	v2 =	vunpack.c.0.s8.s32 v2;
	v1 =	vsel vm4, $0x18B, v1  }
0x76: {  	v3 =	vunpack.c.0.s8.s32 v3;
	v0 =	vsel vm2, $0xA0D, v0;
	v1 =	vsel vm3, $0x20C, v1  }
0x77: {  	v55 =	vsel vm1, $0xA8E, v0;
	v0 =	vand.u32 $0xF, v2;
	v2 =	vimm.s32 $0xC0F  }
0x78: {  	v1 =	vsel vm2, $0x28D, v1;
	v48 =	vcombine.low v0, v3;
	v0 =	vimm.s32 $0xB8F  }
0x79: {  	v53 =	vsel vm1, $0x30E, v1;
	v0 =	vsel vm9, $0xC00, v0;
	v1 =	vimm.s32 $0x40F  }
0x7a: {  	v2 =	vsel vm9, $0xC80, v2;
	v0 =	vsel vm11, $0xC81, v0;
	v1 =	vsel vm9, $0x480, v1  }
0x7b: {  	v3 =	vsel vm0, v16, v15;
	v0 =	vsel vm12, $0xD02, v0;
	v1 =	vsel vm11, $0x501, v1  }
0x7c: {  	v2 =	vsel vm11, $0xD01, v2;
	v0 =	vsel vm13, $0xD83, v0;
	v1 =	vsel vm12, $0x582, v1  }
0x7d: {  	v2 =	vsel vm12, $0xD82, v2;
	v0 =	vsel vm14, $0xE04, v0;
	v1 =	vsel vm13, $0x603, v1  }
0x7e: {  	v2 =	vsel vm13, $0xE03, v2;
	v0 =	vsel vm15, $0xE85, v0;
	v1 =	vsel vm14, $0x684, v1  }
0x7f: {  	v2 =	vsel vm14, $0xE84, v2;
	v0 =	vsel vm10, $0xF06, v0;
	v1 =	vsel vm15, $0x705, v1  }
0x80: {  	v2 =	vsel vm15, $0xF05, v2;
	v0 =	vsel vm8, $0xF87, v0;
	v1 =	vsel vm10, $0x786, v1  }
0x81: {  	v2 =	vsel vm10, $0xF86, v2;
	v0 =	vsel vm7, $0x808, v0;
	v1 =	vsel vm8, $0x7, v1  }
0x82: {  	v2 =	vsel vm8, $0x807, v2;
	v0 =	vsel vm6, $0x889, v0;
	v1 =	vsel vm7, $0x88, v1  }
0x83: {  	v2 =	vsel vm7, $0x888, v2;
	v0 =	vsel vm5, $0x90A, v0;
	v1 =	vsel vm6, $0x109, v1  }
0x84: {  	v2 =	vsel vm6, $0x909, v2;
	v0 =	vsel vm4, $0x98B, v0;
	v1 =	vsel vm5, $0x18A, v1  }
0x85: {  	v2 =	vsel vm5, $0x98A, v2;
	v0 =	vsel vm3, $0xA0C, v0;
	v1 =	vsel vm4, $0x20B, v1  }
0x86: {  	v2 =	vsel vm4, $0xA0B, v2;
	v0 =	vsel vm2, $0xA8D, v0;
	v1 =	vsel vm3, $0x28C, v1  }
0x87: {  	v2 =	vsel vm3, $0xA8C, v2;
	v49 =	vsel vm1, $0xB0E, v0;
	v0 =	vsel vm2, $0x30D, v1  }
0x88: {  	v1 =	vsel vm2, $0xB0D, v2;
	v56 =	vsel vm1, $0x38E, v0;
	v0 =	vimm.s32 $0x48F  }
0x89: {  	v50 =	vsel vm1, $0xB8E, v1;
	v1 =	vimm.s32 $0xC8F;
	v0 =	vsel vm9, $0x500, v0  }
0x8a: {  	v2 =	vimm.s32 $0x50F;
	v1 =	vsel vm9, $0xD00, v1;
	v0 =	vsel vm11, $0x581, v0  }
0x8b: {  	v2 =	vsel vm9, $0x580, v2;
	v1 =	vsel vm11, $0xD81, v1;
	v0 =	vsel vm12, $0x602, v0  }
0x8c: {  	v2 =	vsel vm11, $0x601, v2;
	v1 =	vsel vm12, $0xE02, v1;
	v0 =	vsel vm13, $0x683, v0  }
0x8d: {  	v2 =	vsel vm12, $0x682, v2;
	v1 =	vsel vm13, $0xE83, v1;
	v0 =	vsel vm14, $0x704, v0  }
0x8e: {  	v2 =	vsel vm13, $0x703, v2;
	v1 =	vsel vm14, $0xF04, v1;
	v0 =	vsel vm15, $0x785, v0  }
0x8f: {  	v2 =	vsel vm14, $0x784, v2;
	v1 =	vsel vm15, $0xF85, v1;
	v0 =	vsel vm10, $0x6, v0  }
0x90: {  	v2 =	vsel vm15, $0x5, v2;
	v1 =	vsel vm10, $0x806, v1;
	v0 =	vsel vm8, $0x87, v0  }
0x91: {  	s5 =	rddreg [dreg:$0x0];
	v2 =	vsel vm10, $0x86, v2;
	v1 =	vsel vm8, $0x887, v1;
	v0 =	vsel vm7, $0x108, v0  }
0x92: {  	s6 =	rddreg [dreg:$0x1];
	s3 =	srdreg.scid;
	v2 =	vsel vm8, $0x107, v2;
	v1 =	vsel vm7, $0x908, v1;
	v0 =	vsel vm6, $0x189, v0  }
0x93: {  	s1 =	rddreg [dreg:$0x2];
	s4 =	sand.u32 $0x1, s3;
	s3 =	simm.s32 $0x0;
	[tilespmem:$0x1FB90] =	vst v4;
	v2 =	vsel vm7, $0x188, v2;
	v1 =	vsel vm6, $0x989, v1;
	v0 =	vsel vm5, $0x20A, v0  }
0x94: {  	[smem:$0x7FF] =	sst s3;
	[tilespmem:$0x1FB60] =	vst v17;
	v2 =	vsel vm6, $0x209, v2;
	v1 =	vsel vm5, $0xA0A, v1;
	v0 =	vsel vm4, $0x28B, v0  }
0x95: {  	s0 =	rddreg [dreg:$0x3];
	_ =	strace $0x8000004A;
	[tilespmem:$0x1FBC0] =	vst v9;
	v2 =	vsel vm5, $0x28A, v2;
	v1 =	vsel vm4, $0xA8B, v1;
	v0 =	vsel vm3, $0x30C, v0  }
0x96: {  	[tilespmem:$0x1FBD0] =	vst v8;
	v2 =	vsel vm4, $0x30B, v2;
	v1 =	vsel vm3, $0xB0C, v1;
	v0 =	vsel vm2, $0x38D, v0  }
0x97: {  	[tilespmem:$0x1FBE0] =	vst v13;
	v2 =	vsel vm3, $0x38C, v2;
	v57 =	vsel vm1, $0x40E, v0;
	v0 =	vsel vm2, $0xB8D, v1  }
0x98: {  	[tilespmem:$0x1FBF0] =	vst v14;
	v1 =	vsel vm2, $0x40D, v2;
	v51 =	vsel vm1, $0xC0E, v0;
	v0 =	vimm.s32 $0xD0F  }
0x99: {  	[tilespmem:$0x1FC00] =	vst v15;
	v28 =	vsel vm1, $0x48E, v1;
	v1 =	vimm.s32 $0x58F;
	v0 =	vsel vm9, $0xD80, v0  }
0x9a: {  	[tilespmem:$0x1FC10] =	vst v16;
	v15 =	vcombine.low v31, v5;
	v1 =	vsel vm9, $0x600, v1;
	v0 =	vsel vm11, $0xE01, v0  }
0x9b: {  	[tilespmem:$0x1FC40] =	vst v20;
	v2 =	vimm.s32 $0xD8F;
	v1 =	vsel vm11, $0x681, v1;
	v0 =	vsel vm12, $0xE82, v0  }
0x9c: {  	[tilespmem:$0x1FC50] =	vst v21;
	v2 =	vsel vm9, $0xE00, v2;
	v1 =	vsel vm12, $0x702, v1;
	v0 =	vsel vm13, $0xF03, v0  }
0x9d: {  	[tilespmem:$0x1FC60] =	vst v22;
	v2 =	vsel vm11, $0xE81, v2;
	v1 =	vsel vm13, $0x783, v1;
	v0 =	vsel vm14, $0xF84, v0  }
0x9e: {  	[tilespmem:$0x1FC70] =	vst v23;
	v2 =	vsel vm12, $0xF02, v2;
	v1 =	vsel vm14, $0x4, v1;
	v0 =	vsel vm15, $0x805, v0  }
0x9f: {  	[tilespmem:$0x1FCA0] =	vst v24;
	v2 =	vsel vm13, $0xF83, v2;
	v1 =	vsel vm15, $0x85, v1;
	v0 =	vsel vm10, $0x886, v0  }
0xa0: {  	[tilespmem:$0x1FCB0] =	vst v25;
	v2 =	vsel vm14, $0x804, v2;
	v1 =	vsel vm10, $0x106, v1;
	v0 =	vsel vm8, $0x907, v0  }
0xa1: {  	[tilespmem:$0x1FCC0] =	vst v29;
	v2 =	vsel vm15, $0x885, v2;
	v1 =	vsel vm8, $0x187, v1;
	v0 =	vsel vm7, $0x988, v0  }
0xa2: {  	[tilespmem:$0x1FCD0] =	vst v10;
	v2 =	vsel vm10, $0x906, v2;
	v1 =	vsel vm7, $0x208, v1;
	v0 =	vsel vm6, $0xA09, v0  }
0xa3: {  	[tilespmem:$0x1FD00] =	vst v5;
	v2 =	vsel vm8, $0x987, v2;
	v1 =	vsel vm6, $0x289, v1;
	v0 =	vsel vm5, $0xA8A, v0  }
0xa4: {  	[tilespmem:$0x1FD10] =	vst v31;
	v2 =	vsel vm7, $0xA08, v2;
	v1 =	vsel vm5, $0x30A, v1;
	v0 =	vsel vm4, $0xB0B, v0  }
0xa5: {  	[tilespmem:$0x1FD20] =	vst v47;
	v2 =	vsel vm6, $0xA89, v2;
	v1 =	vsel vm4, $0x38B, v1;
	v0 =	vsel vm3, $0xB8C, v0  }
0xa6: {  	[tilespmem:$0x1FD50] =	vst v38;
	v2 =	vsel vm5, $0xB0A, v2;
	v1 =	vsel vm3, $0x40C, v1;
	v0 =	vsel vm2, $0xC0D, v0  }
0xa7: {  	[tilespmem:$0x1FD60] =	vst v40;
	v2 =	vsel vm4, $0xB8B, v2;
	v54 =	vsel vm1, $0xC8E, v0;
	v0 =	vsel vm2, $0x48D, v1  }
0xa8: {  	[tilespmem:$0x1FD70] =	vst v41;
	v2 =	vsel vm3, $0xC0C, v2;
	v61 =	vsel vm1, $0x50E, v0;
	v0 =	vimm.s32 $0x60F  }
0xa9: {  	[tilespmem:$0x1FD80] =	vst v30;
	v1 =	vsel vm2, $0xC8D, v2;
	v2 =	vimm.s32 $0x68F;
	v0 =	vsel vm9, $0x680, v0  }
0xaa: {  	[tilespmem:$0x1FD90] =	vst v42;
	v17 =	vsel vm1, $0xD0E, v1;
	v1 =	vimm.s32 $0xE0F;
	v0 =	vsel vm11, $0x701, v0  }
0xab: {  	[tilespmem:$0x1FDA0] =	vst v43;
	v2 =	vsel vm9, $0x700, v2;
	v1 =	vsel vm9, $0xE80, v1;
	v0 =	vsel vm12, $0x782, v0  }
0xac: {  	[tilespmem:$0x1FDC0] =	vst v44;
	v2 =	vsel vm11, $0x781, v2;
	v1 =	vsel vm11, $0xF01, v1;
	v0 =	vsel vm13, $0x3, v0  }
0xad: {  	[tilespmem:$0x1FDD0] =	vst v46;
	v2 =	vsel vm12, $0x2, v2;
	v1 =	vsel vm12, $0xF82, v1;
	v0 =	vsel vm14, $0x84, v0  }
0xae: {  	[tilespmem:$0x1FED0] =	vst v59;
	v2 =	vsel vm13, $0x83, v2;
	v1 =	vsel vm13, $0x803, v1;
	v0 =	vsel vm15, $0x105, v0  }
0xaf: {  	[tilespmem:$0x1FEE0] =	vst v32;
	v2 =	vsel vm14, $0x104, v2;
	v1 =	vsel vm14, $0x884, v1;
	v0 =	vsel vm10, $0x186, v0  }
0xb0: {  	[tilespmem:$0x1FEF0] =	vst v12;
	v2 =	vsel vm15, $0x185, v2;
	v1 =	vsel vm15, $0x905, v1;
	v0 =	vsel vm8, $0x207, v0  }
0xb1: {  	[tilespmem:$0x1FF00] =	vst v36;
	v2 =	vsel vm10, $0x206, v2;
	v1 =	vsel vm10, $0x986, v1;
	v0 =	vsel vm7, $0x288, v0  }
0xb2: {  	[tilespmem:$0x1FF30] =	vst v39;
	v2 =	vsel vm8, $0x287, v2;
	v1 =	vsel vm8, $0xA07, v1;
	v0 =	vsel vm6, $0x309, v0  }
0xb3: {  	[tilespmem:$0x1FF40] =	vst v27;
	v2 =	vsel vm7, $0x308, v2;
	v1 =	vsel vm7, $0xA88, v1;
	v0 =	vsel vm5, $0x38A, v0  }
0xb4: {  	[tilespmem:$0x1FF50] =	vst v26;
	v2 =	vsel vm6, $0x389, v2;
	v1 =	vsel vm6, $0xB09, v1;
	v0 =	vsel vm4, $0x40B, v0  }
0xb5: {  	[tilespmem:$0x1FF80] =	vst v45;
	v2 =	vsel vm5, $0x40A, v2;
	v1 =	vsel vm5, $0xB8A, v1;
	v0 =	vsel vm3, $0x48C, v0  }
0xb6: {  	[tilespmem:$0x1FFD0] =	vst v58;
	v2 =	vsel vm4, $0x48B, v2;
	v1 =	vsel vm4, $0xC0B, v1;
	v0 =	vsel vm2, $0x50D, v0  }
0xb7: {  	[tilespmem:$0x1FFE0] =	vst v18;
	v2 =	vsel vm3, $0x50C, v2;
	v1 =	vsel vm3, $0xC8C, v1;
	v33 =	vsel vm1, $0x58E, v0  }
0xb8: {  	[tilespmem:$0x1FEB0] =	vst v63;
	v0 =	vsel vm2, $0xD0D, v1;
	v1 =	vsel vm2, $0x58D, v2;
	v2 =	vimm.s32 $0xF0F  }
0xb9: {  	[tilespmem:$0x1FE00] =	vst v55;
	v6 =	vsel vm1, $0xD8E, v0;
	v4 =	vsel vm1, $0x60E, v1;
	v0 =	vimm.s32 $0xE8F  }
0xba: {  	[tilespmem:$0x1FC30] =	vst v3;
	v1 =	vimm.s32 $0x70F;
	v2 =	vsel vm9, $0xF80, v2;
	v0 =	vsel vm9, $0xF00, v0  }
0xbb: {  	[tilespmem:$0x1FD30] =	vst v48;
	v1 =	vsel vm9, $0x780, v1;
	v2 =	vsel vm11, $0x801, v2;
	v0 =	vsel vm11, $0xF81, v0  }
0xbc: {  	[tilespmem:$0x1FE10] =	vst v53;
	v1 =	vsel vm11, $0x1, v1;
	v2 =	vsel vm12, $0x882, v2;
	v0 =	vsel vm12, $0x802, v0  }
0xbd: {  	[tilespmem:$0x1FF60] =	vst v15;
	v1 =	vsel vm12, $0x82, v1;
	v2 =	vsel vm13, $0x903, v2;
	v0 =	vsel vm13, $0x883, v0  }
0xbe: {  	[tilespmem:$0x1FDE0] =	vst v49;
	v1 =	vsel vm13, $0x103, v1;
	v2 =	vsel vm14, $0x984, v2;
	v0 =	vsel vm14, $0x904, v0  }
0xbf: {  	[tilespmem:$0x1FDF0] =	vst v50;
	v1 =	vsel vm14, $0x184, v1;
	v2 =	vsel vm15, $0xA05, v2;
	v0 =	vsel vm15, $0x985, v0  }
0xc0: {  	[tilespmem:$0x1FE20] =	vst v56;
	v1 =	vsel vm15, $0x205, v1;
	v2 =	vsel vm10, $0xA86, v2;
	v0 =	vsel vm10, $0xA06, v0  }
0xc1: {  	[tilespmem:$0x1FE30] =	vst v57;
	v1 =	vsel vm10, $0x286, v1;
	v2 =	vsel vm8, $0xB07, v2;
	v0 =	vsel vm8, $0xA87, v0  }
0xc2: {  	[tilespmem:$0x1FE40] =	vst v51;
	v1 =	vsel vm8, $0x307, v1;
	v2 =	vsel vm7, $0xB88, v2;
	v0 =	vsel vm7, $0xB08, v0  }
0xc3: {  	[tilespmem:$0x1FE50] =	vst v28;
	v1 =	vsel vm7, $0x388, v1;
	v2 =	vsel vm6, $0xC09, v2;
	v0 =	vsel vm6, $0xB89, v0  }
0xc4: {  	[tilespmem:$0x1FE60] =	vst v54;
	v1 =	vsel vm6, $0x409, v1;
	v2 =	vsel vm5, $0xC8A, v2;
	v0 =	vsel vm5, $0xC0A, v0  }
0xc5: {  	[tilespmem:$0x1FE70] =	vst v61;
	v1 =	vsel vm5, $0x48A, v1;
	v2 =	vsel vm4, $0xD0B, v2;
	v0 =	vsel vm4, $0xC8B, v0  }
0xc6: {  	[tilespmem:$0x1FE80] =	vst v17;
	v1 =	vsel vm4, $0x50B, v1;
	v2 =	vsel vm3, $0xD8C, v2;
	v0 =	vsel vm3, $0xD0C, v0  }
0xc7: {  	[tilespmem:$0x1FEA0] =	vst v33;
	v1 =	vsel vm3, $0x58C, v1;
	v2 =	vsel vm2, $0xE0D, v2;
	v0 =	vsel vm2, $0xD8D, v0  }
0xc8: {  	[tilespmem:$0x1FEC0] =	vst v4;
	v1 =	vsel vm2, $0x60D, v1;
	v11 =	vsel vm1, $0xE8E, v2;
	v2 =	vlaneseq.u32  }
0xc9: {  	[tilespmem:$0x1FF90] =	vst v6;
	v52 =	vsel vm1, $0xE0E, v0;
	v7 =	vsel vm1, $0x68E, v1;
	v0 =	vmul.u32 $0x20, v2  }
0xca: {  	v1 =	vmul.u32 $0x81, v2;
	v34 =	vor.u32 $0x10, v2;
	v2 =	vsel vm0, v14, v13;
	[tilespmem:$0x1FFF0] =	vst v11  }
0xcb: {  	[tilespmem:$0x1FC20] =	vst v2  }
0xcc: {  	[tilespmem:$0x1FFA0] =	vst v34  }
0xcd: {  	[tilespmem:$0x1FFB0] =	vst v52  }
0xce: {  	v37 =	vcombine.low v3, v2;
	v2 =	vsel vm0, v21, v20;
	[tilespmem:$0x1FFC0] =	vst v7  }
0xcf: {  	v3 =	vsel vm0, v23, v22;
	[tilespmem:$0x1FC80] =	vst v2  }
0xd0: {  	s2 =	stileid.u32;
	[tilespmem:$0x1FC90] =	vst v3  }
0xd1: {  	s10 =	simm.s32 $0x8000;
	s11 =	simm.s32 $0x5;
	s12 =	simm.s32 $0x80;
	[tilespmem:$0x1FD40] =	vst v0  }
0xd2: {  	s13 =	simm.s32 $0x6400;
	s14 =	simm.s32 $0x7400;
	s15 =	simm.s32 $0x1;
	v14 =	vcombine.low v3, v2;
	v2 =	vsel vm0, v25, v24;
	[tilespmem:$0x1FE90] =	vst v1  }
0xd3: {  	s16 =	simm.s32 $0x8400;
	s17 =	simm.s32 $0x2;
	s18 =	simm.s32 $0x9400;
	v3 =	vsel vm0, v10, v29;
	[tilespmem:$0x1FCE0] =	vst v2  }
0xd4: {  	s19 =	simm.s32 $0x3;
	s20 =	simm.s32 $0x4;
	s21 =	simm.s32 $0x0;
	v29 =	vor.u32 $0x800, v1;
	[tilespmem:$0x1FCF0] =	vst v3  }
0xd5: {  	s7 =	sshll.u32 s2, $0xB;
	s8 =	sshll.u32 s4, $0xA;
	s9 =	ssub.s32 $0x2, s4;
	[tilespmem:$0x1FDB0] =	vst v29  }
0xd6: {  	s5 =	sadd.s32 $0x800, s5;
	s4 =	sor.u32 s8, s7;
	s31 =	sshrl.u32 s9, $0x1;
	v25 =	vcombine.low v3, v2;
	[tilespmem:$0x1FF10] =	vst v37  }
0xd7: {  	s7 =	sadd.s32 $0x4000, s1;
	s8 =	sshrl.u32 s4, $0x3;
	s9 =	ssub.s32 s9, s31;
	[tilespmem:$0x1FF20] =	vst v14  }
0xd8: {  	s6 =	sadd.s32 s6, s8;
	s8 =	smax.u32 s9, $0x1;
	s9 =	simm.s32 $0x400;
	[tilespmem:$0x1FF70] =	vst v25  }
.LBB2_1:
0xd9: {  	[tilespmem:s3], [sflag:$0x5] =	stream.strided.gather [hbm4b:s6+s9], $0x6400, s10, s9, $0x38;
	[tilespmem:$0xA400] =	vst v63  }
0xda: {  	_ =	swait.ge [sflag:s11], $0x6400  }
0xdb: {  	[sflag:s11] =	ssyncset.done $0x0  }
0xdc: {  	[sflag:s11] =	ssyncadd.s32 $0xFFFF9C00  }
0xdd: {  	[tilespmem:s13], [sflag:$0x1] =	stream.indirect.gather [hbm4b:s5+s12], $0x20, s3, s12, $0xb8;
	[tilespmem:$0xA400] =	vst v63  }
0xde: {  	s22 =	simm.s32 $0x0  }
0xdf: {  	[tilespmem:s14], [sflag:$0x2] =	stream.indirect.gather [hbm4b:s5+s12], $0x20, s12, s12, $0xb8;
	[tilespmem:$0xA400] =	vst v63  }
.LBB2_2:
0xe0: {  	s23 =	simm.s32 $0x0  }
0xe1: {  	v2 =	vmov s23  }
0xe2: {  	v2 =	vshll.u32 v2, $0x5  }
0xe3: {  	_ =	swait.ge [sflag:s15], $0x1000;
	v3 =	vlaneseq.u32;
	v2 =	vor.u32 v0, v2  }
0xe4: {  	p0 =	seq.s32 s22, $0x0;
	[sflag:s15] =	ssyncset.done $0x0;
	v3 =	vor.u32 v3, v2  }
0xe5: {  	s24 =	simm.s32 @!p0 $0x3;
	[sflag:s15] =	ssyncadd.s32 $0xFFFFF000  }
0xe6: {  	_ =	swait.ge @!p0 [sflag:s24], $0x1000  }
0xe7: {  	[sflag:s24] =	ssyncset.done @!p0 $0x0  }
0xe8: {  	[sflag:s24] =	ssyncadd.s32 @!p0 $0xFFFFF000  }
0xe9: {  	v5 =	vor.u32 s23, v1;
	v3 =	vld.idx.msk [tilespmem:v3+s13+$0x0], $0xffff  }
0xea: {  	v13 =	vor.u32 v34, v2;
	_ =	sdelay $0x3  }
0xeb: {  	[tilespmem:v5+s16+$0x0] =	vst.idx.msk $0xffff, v3  }
0xec: {  	v5 =	vor.u32 s23, v29;
	v3 =	vld.idx.msk [tilespmem:v13+s13+$0x0], $0xffff  }
0xed: {  	v13 =	vor.u32 v58, v2;
	_ =	sdelay $0x3  }
0xee: {  	[tilespmem:v5+s16+$0x0] =	vst.idx.msk $0xffff, v3  }
0xef: {  	v5 =	vor.u32 s23, v59;
	v3 =	vld.idx.msk [tilespmem:v13+s13+$0x0], $0xffff  }
0xf0: {  	v13 =	vor.u32 v36, v2;
	_ =	sdelay $0x3  }
0xf1: {  	[tilespmem:v5+s16+$0x0] =	vst.idx.msk $0xffff, v3  }
0xf2: {  	v5 =	vor.u32 s23, v41;
	v3 =	vld.idx.msk [tilespmem:v13+s13+$0x0], $0xffff  }
0xf3: {  	v13 =	vor.u32 v27, v2;
	_ =	sdelay $0x3  }
0xf4: {  	[tilespmem:v5+s16+$0x0] =	vst.idx.msk $0xffff, v3  }
0xf5: {  	v5 =	vor.u32 s23, v30;
	v3 =	vld.idx.msk [tilespmem:v13+s13+$0x0], $0xffff  }
0xf6: {  	v13 =	vor.u32 v37, v2;
	_ =	sdelay $0x3  }
0xf7: {  	[tilespmem:v5+s16+$0x0] =	vst.idx.msk $0xffff, v3  }
0xf8: {  	v5 =	vor.u32 s23, v32;
	v3 =	vld.idx.msk [tilespmem:v13+s13+$0x0], $0xffff  }
0xf9: {  	v13 =	vor.u32 v18, v2;
	_ =	sdelay $0x3  }
0xfa: {  	[tilespmem:v5+s16+$0x0] =	vst.idx.msk $0xffff, v3  }
0xfb: {  	v5 =	vor.u32 s23, v12;
	v3 =	vld.idx.msk [tilespmem:v13+s13+$0x0], $0xffff  }
0xfc: {  	v13 =	vor.u32 v14, v2;
	_ =	sdelay $0x3  }
0xfd: {  	[tilespmem:v5+s16+$0x0] =	vst.idx.msk $0xffff, v3  }
0xfe: {  	v5 =	vor.u32 s23, v38;
	v3 =	vld.idx.msk [tilespmem:v13+s13+$0x0], $0xffff  }
0xff: {  	v13 =	vor.u32 v39, v2;
	_ =	sdelay $0x3  }
0x100: {  	[tilespmem:v5+s16+$0x0] =	vst.idx.msk $0xffff, v3  }
0x101: {  	v5 =	vor.u32 s23, v40;
	v3 =	vld.idx.msk [tilespmem:v13+s13+$0x0], $0xffff  }
0x102: {  	v13 =	vor.u32 v25, v2;
	_ =	sdelay $0x3  }
0x103: {  	[tilespmem:v5+s16+$0x0] =	vst.idx.msk $0xffff, v3  }
0x104: {  	v5 =	vor.u32 s23, v42;
	v3 =	vld.idx.msk [tilespmem:v13+s13+$0x0], $0xffff  }
0x105: {  	v13 =	vor.u32 v26, v2;
	_ =	sdelay $0x1  }
0x106: {  	v8 =	vld [tilespmem:$0x1FBF0]  }
0x107: {  	v9 =	vld [tilespmem:$0x1FC00]  }
0x108: {  	[tilespmem:v5+s16+$0x0] =	vst.idx.msk $0xffff, v3  }
0x109: {  	v5 =	vor.u32 s23, v43;
	v3 =	vld.idx.msk [tilespmem:v13+s13+$0x0], $0xffff  }
0x10a: {  	v13 =	vor.u32 v15, v2;
	_ =	sdelay $0x1  }
0x10b: {  	v10 =	vsel vm0, v9, v8;
	v8 =	vld [tilespmem:$0x1FBE0]  }
0x10c: {  	v9 =	vld [tilespmem:$0x1FC10]  }
0x10d: {  	[tilespmem:v5+s16+$0x0] =	vst.idx.msk $0xffff, v3  }
0x10e: {  	v5 =	vor.u32 s23, v44;
	v3 =	vld.idx.msk [tilespmem:v13+s13+$0x0], $0xffff  }
0x10f: {  	v13 =	vor.u32 v45, v2;
	_ =	sdelay $0x1  }
0x110: {  	v8 =	vsel vm0, v8, v9  }
0x111: {  	[tilespmem:$0x1FAB0] =	vst v8  }
0x112: {  	v9 =	vld [tilespmem:$0x1FBB0];
	v8 =	vcombine.low v8, v10;
	[tilespmem:v5+s16+$0x0] =	vst.idx.msk $0xffff, v3  }
0x113: {  	v3 =	vld.idx.msk [tilespmem:v13+s13+$0x0], $0xffff  }
0x114: {  	[tilespmem:$0x1FA80] =	vst v8;
	v13 =	vor.u32 v8, v2;
	v8 =	vld [tilespmem:$0x1FBA0]  }
0x115: {  	v5 =	vor.u32 s23, v46;
	_ =	sdelay $0x3  }
0x116: {  	v8 =	vcombine.low v9, v8  }
0x117: {  	[tilespmem:v5+s16+$0x0] =	vst.idx.msk $0xffff, v3;
	v9 =	vld [tilespmem:$0x1FC60]  }
0x118: {  	v3 =	vld.idx.msk [tilespmem:v13+s13+$0x0], $0xffff;
	v8 =	vand.u32 $0xF, v8  }
0x119: {  	[tilespmem:$0x1FA90] =	vst v8;
	v13 =	vor.u32 v8, v2;
	v8 =	vld [tilespmem:$0x1FC50];
	_ =	sdelay $0x4  }
0x11a: {  	v16 =	vsel vm0, v9, v8;
	v8 =	vld [tilespmem:$0x1FC40]  }
0x11b: {  	v5 =	vor.u32 s23, v47;
	v9 =	vld [tilespmem:$0x1FC70];
	_ =	sdelay $0x3  }
0x11c: {  	[tilespmem:$0x1FAA0] =	vst v10  }
0x11d: {  	[tilespmem:v5+s16+$0x0] =	vst.idx.msk $0xffff, v3;
	v10 =	vsel vm0, v8, v9;
	v8 =	vld [tilespmem:$0x1FCB0]  }
0x11e: {  	v9 =	vld [tilespmem:$0x1FCC0];
	[tilespmem:$0x1FAC0] =	vst v10;
	v10 =	vcombine.low v10, v16  }
0x11f: {  	v5 =	vor.u32 s23, v63;
	v3 =	vld.idx.msk [tilespmem:v13+s13+$0x0], $0xffff  }
0x120: {  	v13 =	vor.u32 v10, v2;
	_ =	sdelay $0x2  }
0x121: {  	v20 =	vsel vm0, v9, v8;
	v8 =	vld [tilespmem:$0x1FCA0]  }
0x122: {  	[tilespmem:v5+s16+$0x0] =	vst.idx.msk $0xffff, v3;
	v9 =	vld [tilespmem:$0x1FCD0]  }
0x123: {  	v5 =	vor.u32 s23, v55;
	v3 =	vld.idx.msk [tilespmem:v13+s13+$0x0], $0xffff  }
0x124: {  	v13 =	vor.u32 v48, v2;
	_ =	sdelay $0x2  }
0x125: {  	[tilespmem:$0x1FAD0] =	vst v16;
	v16 =	vsel vm0, v8, v9  }
0x126: {  	v8 =	vcombine.low v16, v20;
	[tilespmem:v5+s16+$0x0] =	vst.idx.msk $0xffff, v3  }
0x127: {  	v5 =	vor.u32 s23, v53;
	v3 =	vld.idx.msk [tilespmem:v13+s13+$0x0], $0xffff  }
0x128: {  	v13 =	vor.u32 v8, v2;
	_ =	sdelay $0x2  }
0x129: {  	v9 =	vld [tilespmem:$0x1FAF0]  }
0x12a: {  	v21 =	vmov v8;
	v8 =	vld [tilespmem:$0x1FAE0];
	[tilespmem:v5+s16+$0x0] =	vst.idx.msk $0xffff, v3  }
0x12b: {  	v5 =	vor.u32 s23, v49;
	v3 =	vld.idx.msk [tilespmem:v13+s13+$0x0], $0xffff;
	_ =	sdelay $0x3  }
0x12c: {  	v8 =	vcombine.low v8, v9  }
0x12d: {  	[tilespmem:v5+s16+$0x0] =	vst.idx.msk $0xffff, v3;
	v3 =	vld [tilespmem:$0x1FBC0]  }
0x12e: {  	v8 =	vand.u32 $0xF, v8;
	v5 =	vld [tilespmem:$0x1FBD0]  }
0x12f: {  	v13 =	vor.u32 v8, v2;
	_ =	sdelay $0x3  }
0x130: {  	v19 =	vmovc v30;
	v30 =	vmovc v56;
	v48 =	vmov v33;
	v33 =	vmov v4;
	v4 =	vcombine.low v3, v5  }
0x131: {  	v3 =	vld.idx.msk [tilespmem:v13+s13+$0x0], $0xffff;
	v5 =	vor.u32 s23, v30  }
0x132: {  	v13 =	vor.u32 v4, v2;
	_ =	sdelay $0x2  }
0x133: {  	v9 =	vld [tilespmem:$0x1FB10]  }
0x134: {  	v56 =	vmov v55;
	v55 =	vmov v8;
	v8 =	vld [tilespmem:$0x1FB00];
	[tilespmem:v5+s16+$0x0] =	vst.idx.msk $0xffff, v3  }
0x135: {  	v5 =	vor.u32 s23, v50;
	v3 =	vld.idx.msk [tilespmem:v13+s13+$0x0], $0xffff;
	_ =	sdelay $0x3  }
0x136: {  	v8 =	vcombine.low v8, v9  }
0x137: {  	[tilespmem:v5+s16+$0x0] =	vst.idx.msk $0xffff, v3;
	v3 =	vld [tilespmem:$0x1FC20]  }
0x138: {  	v35 =	vmov v4;
	v4 =	vand.u32 $0xF, v8;
	v5 =	vld [tilespmem:$0x1FC30]  }
0x139: {  	v13 =	vor.u32 v4, v2;
	_ =	sdelay $0x3  }
0x13a: {  	v22 =	vmov v4;
	v4 =	vcombine.low v3, v5  }
0x13b: {  	v3 =	vld.idx.msk [tilespmem:v13+s13+$0x0], $0xffff;
	v5 =	vor.u32 s23, v57  }
0x13c: {  	v13 =	vor.u32 v4, v2;
	_ =	sdelay $0x2  }
0x13d: {  	v9 =	vld [tilespmem:$0x1FB30]  }
0x13e: {  	v8 =	vld [tilespmem:$0x1FB20];
	[tilespmem:v5+s16+$0x0] =	vst.idx.msk $0xffff, v3  }
0x13f: {  	v5 =	vor.u32 s23, v51;
	v3 =	vld.idx.msk [tilespmem:v13+s13+$0x0], $0xffff;
	_ =	sdelay $0x2  }
0x140: {  	v60 =	vmov v58  }
0x141: {  	v8 =	vcombine.low v8, v9  }
0x142: {  	v58 =	vmov v18;
	[tilespmem:v5+s16+$0x0] =	vst.idx.msk $0xffff, v3;
	v3 =	vld [tilespmem:$0x1FC80]  }
0x143: {  	v18 =	vmovc v27;
	v27 =	vmovc v28;
	v28 =	vmov v60;
	v60 =	vmov v4;
	v4 =	vand.u32 $0xF, v8;
	v5 =	vld [tilespmem:$0x1FC90]  }
0x144: {  	v8 =	vor.u32 v4, v2;
	_ =	sdelay $0x3  }
0x145: {  	v62 =	vmov v4;
	v4 =	vcombine.low v3, v5  }
0x146: {  	v3 =	vld.idx.msk [tilespmem:v8+s13+$0x0], $0xffff;
	v5 =	vor.u32 s23, v27  }
0x147: {  	v20 =	vor.u32 v4, v2;
	_ =	sdelay $0x2  }
0x148: {  	v9 =	vld [tilespmem:$0x1FB50]  }
0x149: {  	v24 =	vmov v54;
	v8 =	vld [tilespmem:$0x1FB40];
	[tilespmem:v5+s16+$0x0] =	vst.idx.msk $0xffff, v3  }
0x14a: {  	v5 =	vor.u32 s23, v24;
	v3 =	vld.idx.msk [tilespmem:v20+s13+$0x0], $0xffff;
	_ =	sdelay $0x3  }
0x14b: {  	v16 =	vcombine.low v8, v9  }
0x14c: {  	[tilespmem:v5+s16+$0x0] =	vst.idx.msk $0xffff, v3;
	v3 =	vld [tilespmem:$0x1FCE0]  }
0x14d: {  	v13 =	vmov v4;
	v4 =	vand.u32 $0xF, v16;
	v5 =	vld [tilespmem:$0x1FCF0]  }
0x14e: {  	v52 =	vmov v6;
	v6 =	vor.u32 v4, v2;
	_ =	sdelay $0x3  }
0x14f: {  	v20 =	vmov v4;
	v4 =	vcombine.low v3, v5  }
0x150: {  	v3 =	vld.idx.msk [tilespmem:v6+s13+$0x0], $0xffff;
	v5 =	vor.u32 s23, v61  }
0x151: {  	v16 =	vmov v4;
	v4 =	vor.u32 v4, v2;
	_ =	sdelay $0x2  }
0x152: {  	v8 =	vld [tilespmem:$0x1FB60]  }
0x153: {  	v7 =	vmov v17;
	v9 =	vld [tilespmem:$0x1FB70];
	[tilespmem:v5+s16+$0x0] =	vst.idx.msk $0xffff, v3  }
0x154: {  	v5 =	vor.u32 s23, v7;
	v3 =	vld.idx.msk [tilespmem:v4+s13+$0x0], $0xffff;
	_ =	sdelay $0x3  }
0x155: {  	v6 =	vcombine.low v8, v9  }
0x156: {  	[tilespmem:v5+s16+$0x0] =	vst.idx.msk $0xffff, v3;
	v3 =	vld [tilespmem:$0x1FD00]  }
0x157: {  	v4 =	vand.u32 $0xF, v6;
	v5 =	vld [tilespmem:$0x1FD10]  }
0x158: {  	v8 =	vor.u32 v4, v2;
	_ =	sdelay $0x3  }
0x159: {  	v9 =	vld [tilespmem:$0x1FB90];
	v6 =	vcombine.low v3, v5  }
0x15a: {  	v3 =	vld.idx.msk [tilespmem:v8+s13+$0x0], $0xffff;
	v5 =	vor.u32 s23, v48  }
0x15b: {  	v23 =	vmov v4;
	v4 =	vmov v48;
	v8 =	vld [tilespmem:$0x1FB80];
	v48 =	vor.u32 v6, v2;
	_ =	sdelay $0x3  }
0x15c: {  	[tilespmem:v5+s16+$0x0] =	vst.idx.msk $0xffff, v3  }
0x15d: {  	v47 =	vmovc v30;
	v30 =	vmovc v24;
	v24 =	vmov v7;
	v7 =	vcombine.low v8, v9;
	v5 =	vor.u32 s23, v52;
	v8 =	vld.idx.msk [tilespmem:v48+s13+$0x0], $0xffff;
	_ =	sdelay $0x3  }
0x15e: {  	v48 =	vand.u32 $0xF, v7;
	v7 =	vld [tilespmem:$0x1FAB0]  }
0x15f: {  	v3 =	vor.u32 v48, v2;
	[tilespmem:v5+s16+$0x0] =	vst.idx.msk $0xffff, v8;
	v5 =	vld [tilespmem:$0x1FAA0];
	_ =	sdelay $0x4  }
0x160: {  	v3 =	vld.idx.msk [tilespmem:v3+s13+$0x0], $0xffff;
	v7 =	vcombine.low v5, v7;
	v5 =	vor.u32 s23, v33;
	_ =	sdelay $0x1  }
0x161: {  	v9 =	vld [tilespmem:$0x1FBB0]  }
0x162: {  	v54 =	vmovc v27;
	v27 =	vmov v33;
	v33 =	vmov v7;
	v8 =	vor.u32 v7, v2;
	v7 =	vld [tilespmem:$0x1FBA0];
	_ =	sdelay $0x1  }
0x163: {  	[tilespmem:v5+s16+$0x0] =	vst.idx.msk $0xffff, v3;
	v3 =	vld [tilespmem:$0x1FFB0];
	_ =	sdelay $0x2  }
0x164: {  	v7 =	vcombine.low v7, v9;
	_ =	sdelay $0x1  }
0x165: {  	v17 =	vmovc v10;
	v10 =	vmov v59;
	v8 =	vld.idx.msk [tilespmem:v8+s13+$0x0], $0xffff;
	v59 =	vand.u32 $0xF, v7;
	v5 =	vor.u32 s23, v3  }
0x166: {  	v31 =	vmovc v58;
	v58 =	vmovc v6;
	v6 =	vmov v52;
	v52 =	vmov v3;
	v3 =	vor.u32 v59, v2;
	_ =	sdelay $0x3  }
0x167: {  	[tilespmem:v5+s16+$0x0] =	vst.idx.msk $0xffff, v8  }
0x168: {  	v9 =	vld.idx.msk [tilespmem:v3+s13+$0x0], $0xffff  }
0x169: {  	v3 =	vld [tilespmem:$0x1FFC0];
	_ =	sdelay $0x1  }
0x16a: {  	v5 =	vld [tilespmem:$0x1FAC0]  }
0x16b: {  	v8 =	vld [tilespmem:$0x1FAD0];
	_ =	sdelay $0x1  }
0x16c: {  	v7 =	vmov v3;
	v3 =	vor.u32 s23, v3;
	_ =	sdelay $0x2  }
0x16d: {  	v5 =	vcombine.low v8, v5  }
0x16e: {  	s25 =	simm.s32 $0x10  }
0x16f: {  	s26 =	simm.s32 $0x20;
	s24 =	sshll.u32 s22, $0x1;
	v2 =	vor.u32 v5, v2;
	[tilespmem:v3+s16+$0x0] =	vst.idx.msk $0xffff, v9;
	v3 =	vmov s25  }
.LBB2_3:
0x170: {  	_ =	sdelay $0x2  }
0x171: {  	v3 =	vshll.u32 v3, $0x5  }
0x172: {  	v8 =	vld.idx.msk [tilespmem:v2+s13+$0x0], $0xffff;
	v9 =	vlaneseq.u32;
	v2 =	vor.u32 v0, v3;
	v3 =	vor.u32 s23, v11  }
0x173: {  	v9 =	vor.u32 v9, v2;
	_ =	sdelay $0x3  }
0x174: {  	s23 =	smov.u32 s25;
	[tilespmem:v3+s16+$0x0] =	vst.idx.msk $0xffff, v8  }
0x175: {  	v8 =	vor.u32 s23, v1;
	v3 =	vld.idx.msk [tilespmem:v9+s13+$0x0], $0xffff  }
0x176: {  	v9 =	vor.u32 v34, v2;
	_ =	sdelay $0x3  }
0x177: {  	[tilespmem:v8+s16+$0x0] =	vst.idx.msk $0xffff, v3  }
0x178: {  	v8 =	vor.u32 s23, v29;
	v3 =	vld.idx.msk [tilespmem:v9+s13+$0x0], $0xffff  }
0x179: {  	v9 =	vor.u32 v28, v2;
	_ =	sdelay $0x3  }
0x17a: {  	[tilespmem:v8+s16+$0x0] =	vst.idx.msk $0xffff, v3  }
0x17b: {  	v8 =	vor.u32 s23, v10;
	v3 =	vld.idx.msk [tilespmem:v9+s13+$0x0], $0xffff  }
0x17c: {  	v9 =	vor.u32 v36, v2;
	_ =	sdelay $0x3  }
0x17d: {  	[tilespmem:v8+s16+$0x0] =	vst.idx.msk $0xffff, v3  }
0x17e: {  	v8 =	vor.u32 s23, v41;
	v3 =	vld.idx.msk [tilespmem:v9+s13+$0x0], $0xffff  }
0x17f: {  	v9 =	vor.u32 v18, v2;
	_ =	sdelay $0x3  }
0x180: {  	[tilespmem:v8+s16+$0x0] =	vst.idx.msk $0xffff, v3  }
0x181: {  	v8 =	vor.u32 s23, v19;
	v3 =	vld.idx.msk [tilespmem:v9+s13+$0x0], $0xffff  }
0x182: {  	v9 =	vor.u32 v37, v2;
	_ =	sdelay $0x3  }
0x183: {  	[tilespmem:v8+s16+$0x0] =	vst.idx.msk $0xffff, v3  }
0x184: {  	v8 =	vor.u32 s23, v32;
	v3 =	vld.idx.msk [tilespmem:v9+s13+$0x0], $0xffff  }
0x185: {  	v9 =	vor.u32 v31, v2;
	_ =	sdelay $0x3  }
0x186: {  	[tilespmem:v8+s16+$0x0] =	vst.idx.msk $0xffff, v3  }
0x187: {  	v8 =	vor.u32 s23, v12;
	v3 =	vld.idx.msk [tilespmem:v9+s13+$0x0], $0xffff  }
0x188: {  	v9 =	vor.u32 v14, v2;
	_ =	sdelay $0x3  }
0x189: {  	[tilespmem:v8+s16+$0x0] =	vst.idx.msk $0xffff, v3  }
0x18a: {  	v8 =	vor.u32 s23, v38;
	v3 =	vld.idx.msk [tilespmem:v9+s13+$0x0], $0xffff  }
0x18b: {  	v9 =	vor.u32 v39, v2;
	_ =	sdelay $0x3  }
0x18c: {  	[tilespmem:v8+s16+$0x0] =	vst.idx.msk $0xffff, v3  }
0x18d: {  	v8 =	vor.u32 s23, v40;
	v3 =	vld.idx.msk [tilespmem:v9+s13+$0x0], $0xffff  }
0x18e: {  	v9 =	vor.u32 v25, v2;
	_ =	sdelay $0x3  }
0x18f: {  	[tilespmem:v8+s16+$0x0] =	vst.idx.msk $0xffff, v3  }
0x190: {  	v8 =	vor.u32 s23, v42;
	v3 =	vld.idx.msk [tilespmem:v9+s13+$0x0], $0xffff  }
0x191: {  	v9 =	vor.u32 v26, v2;
	_ =	sdelay $0x3  }
0x192: {  	[tilespmem:v8+s16+$0x0] =	vst.idx.msk $0xffff, v3  }
0x193: {  	v8 =	vor.u32 s23, v43;
	v3 =	vld.idx.msk [tilespmem:v9+s13+$0x0], $0xffff  }
0x194: {  	v9 =	vor.u32 v15, v2;
	_ =	sdelay $0x3  }
0x195: {  	[tilespmem:v8+s16+$0x0] =	vst.idx.msk $0xffff, v3  }
0x196: {  	v8 =	vor.u32 s23, v44;
	v3 =	vld.idx.msk [tilespmem:v9+s13+$0x0], $0xffff  }
0x197: {  	v9 =	vor.u32 v45, v2;
	_ =	sdelay $0x3  }
0x198: {  	[tilespmem:v8+s16+$0x0] =	vst.idx.msk $0xffff, v3  }
0x199: {  	v3 =	vld.idx.msk [tilespmem:v9+s13+$0x0], $0xffff  }
0x19a: {  	v9 =	vld [tilespmem:$0x1FA80];
	_ =	sdelay $0x3  }
0x19b: {  	v8 =	vor.u32 s23, v46  }
0x19c: {  	v9 =	vor.u32 v9, v2;
	_ =	sdelay $0x3  }
0x19d: {  	[tilespmem:v8+s16+$0x0] =	vst.idx.msk $0xffff, v3;
	v8 =	vld [tilespmem:$0x1FD20]  }
0x19e: {  	v3 =	vld.idx.msk [tilespmem:v9+s13+$0x0], $0xffff  }
0x19f: {  	v9 =	vld [tilespmem:$0x1FA90];
	_ =	sdelay $0x3  }
0x1a0: {  	v8 =	vor.u32 s23, v8  }
0x1a1: {  	v9 =	vor.u32 v9, v2;
	_ =	sdelay $0x3  }
0x1a2: {  	[tilespmem:v8+s16+$0x0] =	vst.idx.msk $0xffff, v3  }
0x1a3: {  	v8 =	vor.u32 s23, v63;
	v3 =	vld.idx.msk [tilespmem:v9+s13+$0x0], $0xffff  }
0x1a4: {  	v9 =	vor.u32 v17, v2;
	_ =	sdelay $0x3  }
0x1a5: {  	[tilespmem:v8+s16+$0x0] =	vst.idx.msk $0xffff, v3  }
0x1a6: {  	v3 =	vld.idx.msk [tilespmem:v9+s13+$0x0], $0xffff  }
0x1a7: {  	v9 =	vld [tilespmem:$0x1FD30];
	_ =	sdelay $0x3  }
0x1a8: {  	v8 =	vor.u32 s23, v56  }
0x1a9: {  	v9 =	vor.u32 v9, v2;
	_ =	sdelay $0x3  }
0x1aa: {  	[tilespmem:v8+s16+$0x0] =	vst.idx.msk $0xffff, v3  }
0x1ab: {  	v8 =	vor.u32 s23, v53;
	v3 =	vld.idx.msk [tilespmem:v9+s13+$0x0], $0xffff  }
0x1ac: {  	v9 =	vor.u32 v21, v2;
	_ =	sdelay $0x3  }
0x1ad: {  	[tilespmem:v8+s16+$0x0] =	vst.idx.msk $0xffff, v3  }
0x1ae: {  	v8 =	vor.u32 s23, v49;
	v3 =	vld.idx.msk [tilespmem:v9+s13+$0x0], $0xffff  }
0x1af: {  	v9 =	vor.u32 v55, v2;
	_ =	sdelay $0x3  }
0x1b0: {  	[tilespmem:v8+s16+$0x0] =	vst.idx.msk $0xffff, v3  }
0x1b1: {  	v8 =	vor.u32 s23, v47;
	v3 =	vld.idx.msk [tilespmem:v9+s13+$0x0], $0xffff  }
0x1b2: {  	v9 =	vor.u32 v35, v2;
	_ =	sdelay $0x3  }
0x1b3: {  	[tilespmem:v8+s16+$0x0] =	vst.idx.msk $0xffff, v3  }
0x1b4: {  	v8 =	vor.u32 s23, v50;
	v3 =	vld.idx.msk [tilespmem:v9+s13+$0x0], $0xffff  }
0x1b5: {  	v9 =	vor.u32 v22, v2;
	_ =	sdelay $0x3  }
0x1b6: {  	[tilespmem:v8+s16+$0x0] =	vst.idx.msk $0xffff, v3  }
0x1b7: {  	v8 =	vor.u32 s23, v57;
	v3 =	vld.idx.msk [tilespmem:v9+s13+$0x0], $0xffff  }
0x1b8: {  	v9 =	vor.u32 v60, v2;
	_ =	sdelay $0x3  }
0x1b9: {  	[tilespmem:v8+s16+$0x0] =	vst.idx.msk $0xffff, v3  }
0x1ba: {  	v8 =	vor.u32 s23, v51;
	v3 =	vld.idx.msk [tilespmem:v9+s13+$0x0], $0xffff  }
0x1bb: {  	v9 =	vor.u32 v62, v2;
	_ =	sdelay $0x3  }
0x1bc: {  	[tilespmem:v8+s16+$0x0] =	vst.idx.msk $0xffff, v3  }
0x1bd: {  	v8 =	vor.u32 s23, v54;
	v3 =	vld.idx.msk [tilespmem:v9+s13+$0x0], $0xffff  }
0x1be: {  	v9 =	vor.u32 v13, v2;
	_ =	sdelay $0x3  }
0x1bf: {  	[tilespmem:v8+s16+$0x0] =	vst.idx.msk $0xffff, v3  }
0x1c0: {  	v8 =	vor.u32 s23, v30;
	v3 =	vld.idx.msk [tilespmem:v9+s13+$0x0], $0xffff  }
0x1c1: {  	v9 =	vor.u32 v20, v2;
	_ =	sdelay $0x3  }
0x1c2: {  	[tilespmem:v8+s16+$0x0] =	vst.idx.msk $0xffff, v3  }
0x1c3: {  	v8 =	vor.u32 s23, v61;
	v3 =	vld.idx.msk [tilespmem:v9+s13+$0x0], $0xffff  }
0x1c4: {  	v9 =	vor.u32 v16, v2;
	_ =	sdelay $0x3  }
0x1c5: {  	[tilespmem:v8+s16+$0x0] =	vst.idx.msk $0xffff, v3  }
0x1c6: {  	v8 =	vor.u32 s23, v24;
	v3 =	vld.idx.msk [tilespmem:v9+s13+$0x0], $0xffff  }
0x1c7: {  	v9 =	vor.u32 v23, v2;
	_ =	sdelay $0x3  }
0x1c8: {  	[tilespmem:v8+s16+$0x0] =	vst.idx.msk $0xffff, v3  }
0x1c9: {  	v8 =	vor.u32 s23, v4;
	v3 =	vld.idx.msk [tilespmem:v9+s13+$0x0], $0xffff  }
0x1ca: {  	v9 =	vor.u32 v58, v2;
	_ =	sdelay $0x3  }
0x1cb: {  	[tilespmem:v8+s16+$0x0] =	vst.idx.msk $0xffff, v3  }
0x1cc: {  	v8 =	vor.u32 s23, v6;
	v3 =	vld.idx.msk [tilespmem:v9+s13+$0x0], $0xffff  }
0x1cd: {  	v9 =	vor.u32 v48, v2;
	_ =	sdelay $0x3  }
0x1ce: {  	[tilespmem:v8+s16+$0x0] =	vst.idx.msk $0xffff, v3  }
0x1cf: {  	v8 =	vor.u32 s23, v27;
	v3 =	vld.idx.msk [tilespmem:v9+s13+$0x0], $0xffff  }
0x1d0: {  	v9 =	vor.u32 v33, v2;
	_ =	sdelay $0x3  }
0x1d1: {  	[tilespmem:v8+s16+$0x0] =	vst.idx.msk $0xffff, v3  }
0x1d2: {  	v8 =	vor.u32 s23, v52;
	v3 =	vld.idx.msk [tilespmem:v9+s13+$0x0], $0xffff  }
0x1d3: {  	v9 =	vor.u32 v59, v2;
	_ =	sdelay $0x3  }
0x1d4: {  	[tilespmem:v8+s16+$0x0] =	vst.idx.msk $0xffff, v3  }
0x1d5: {  	p1 =	sne.s32 s26, $0x70;
	v8 =	vld.idx.msk [tilespmem:v9+s13+$0x0], $0xffff;
	v9 =	vor.u32 s23, v7  }
.Ltmp0:
0x1d6: {  	_ = 	snop;
	(pc) =	sbr.rel @p1 .LBB2_3-.Ltmp0, $3  }
0x1d7: {  	_ =	sdelay $0x1  }
0x1d8: {  	s25 =	smov.u32 s26  }
0x1d9: {  	s26 =	sadd.s32 $0x10, s26;
	v2 =	vor.u32 v5, v2;
	v3 =	vmov s25;
	[tilespmem:v9+s16+$0x0] =	vst.idx.msk $0xffff, v8  }
0x1da: {  	_ =	sdelay $0x2  }
0x1db: {  	v3 =	vshll.u32 v3, $0x5  }
0x1dc: {  	v2 =	vld.idx.msk [tilespmem:v2+s13+$0x0], $0xffff;
	v8 =	vor.u32 s23, v11;
	v9 =	vlaneseq.u32;
	v3 =	vor.u32 v0, v3  }
0x1dd: {  	v9 =	vor.u32 v9, v3;
	_ =	sdelay $0x3  }
0x1de: {  	[tilespmem:v8+s16+$0x0] =	vst.idx.msk $0xffff, v2  }
0x1df: {  	v2 =	vld.idx.msk [tilespmem:v9+s13+$0x0], $0xffff;
	_ =	sdelay $0x4  }
0x1e0: {  	[tilespmem:$0x1F7F0] =	vst v2  }
0x1e1: {  	v8 =	vor.u32 s25, v1;
	v2 =	vld [tilespmem:$0x1F7F0]  }
0x1e2: {  	v9 =	vor.u32 v34, v3;
	_ =	sdelay $0x3  }
0x1e3: {  	[tilespmem:v8+s16+$0x0] =	vst.idx.msk $0xffff, v2  }
0x1e4: {  	v2 =	vld.idx.msk [tilespmem:v9+s13+$0x0], $0xffff;
	_ =	sdelay $0x4  }
0x1e5: {  	[tilespmem:$0x1F800] =	vst v2  }
0x1e6: {  	v8 =	vor.u32 s25, v29;
	v2 =	vld [tilespmem:$0x1F800]  }
0x1e7: {  	v9 =	vor.u32 v28, v3;
	_ =	sdelay $0x3  }
0x1e8: {  	[tilespmem:v8+s16+$0x0] =	vst.idx.msk $0xffff, v2  }
0x1e9: {  	v2 =	vld.idx.msk [tilespmem:v9+s13+$0x0], $0xffff;
	_ =	sdelay $0x4  }
0x1ea: {  	[tilespmem:$0x1F810] =	vst v2  }
0x1eb: {  	v8 =	vor.u32 s25, v10;
	v2 =	vld [tilespmem:$0x1F810]  }
0x1ec: {  	v9 =	vor.u32 v36, v3;
	_ =	sdelay $0x3  }
0x1ed: {  	[tilespmem:v8+s16+$0x0] =	vst.idx.msk $0xffff, v2  }
0x1ee: {  	v2 =	vld.idx.msk [tilespmem:v9+s13+$0x0], $0xffff;
	_ =	sdelay $0x4  }
0x1ef: {  	[tilespmem:$0x1F820] =	vst v2  }
0x1f0: {  	v8 =	vor.u32 s25, v41;
	v2 =	vld [tilespmem:$0x1F820]  }
0x1f1: {  	v9 =	vor.u32 v18, v3;
	_ =	sdelay $0x3  }
0x1f2: {  	[tilespmem:v8+s16+$0x0] =	vst.idx.msk $0xffff, v2  }
0x1f3: {  	v2 =	vld.idx.msk [tilespmem:v9+s13+$0x0], $0xffff;
	_ =	sdelay $0x4  }
0x1f4: {  	[tilespmem:$0x1F830] =	vst v2  }
0x1f5: {  	v8 =	vor.u32 s25, v19;
	v2 =	vld [tilespmem:$0x1F830]  }
0x1f6: {  	v9 =	vor.u32 v37, v3;
	_ =	sdelay $0x3  }
0x1f7: {  	[tilespmem:v8+s16+$0x0] =	vst.idx.msk $0xffff, v2  }
0x1f8: {  	v2 =	vld.idx.msk [tilespmem:v9+s13+$0x0], $0xffff;
	_ =	sdelay $0x4  }
0x1f9: {  	[tilespmem:$0x1F840] =	vst v2  }
0x1fa: {  	v8 =	vor.u32 s25, v32;
	v2 =	vld [tilespmem:$0x1F840]  }
0x1fb: {  	v9 =	vor.u32 v31, v3;
	_ =	sdelay $0x3  }
0x1fc: {  	[tilespmem:v8+s16+$0x0] =	vst.idx.msk $0xffff, v2  }
0x1fd: {  	v2 =	vld.idx.msk [tilespmem:v9+s13+$0x0], $0xffff;
	_ =	sdelay $0x4  }
0x1fe: {  	[tilespmem:$0x1F850] =	vst v2  }
0x1ff: {  	v8 =	vor.u32 s25, v12;
	v2 =	vld [tilespmem:$0x1F850]  }
0x200: {  	v9 =	vor.u32 v14, v3;
	_ =	sdelay $0x3  }
0x201: {  	[tilespmem:v8+s16+$0x0] =	vst.idx.msk $0xffff, v2  }
0x202: {  	v2 =	vld.idx.msk [tilespmem:v9+s13+$0x0], $0xffff;
	_ =	sdelay $0x4  }
0x203: {  	[tilespmem:$0x1F860] =	vst v2  }
0x204: {  	v8 =	vor.u32 s25, v38;
	v2 =	vld [tilespmem:$0x1F860]  }
0x205: {  	v9 =	vor.u32 v39, v3;
	_ =	sdelay $0x3  }
0x206: {  	[tilespmem:v8+s16+$0x0] =	vst.idx.msk $0xffff, v2  }
0x207: {  	v2 =	vld.idx.msk [tilespmem:v9+s13+$0x0], $0xffff;
	_ =	sdelay $0x4  }
0x208: {  	[tilespmem:$0x1F870] =	vst v2  }
0x209: {  	v8 =	vor.u32 s25, v40;
	v2 =	vld [tilespmem:$0x1F870]  }
0x20a: {  	v9 =	vor.u32 v25, v3;
	_ =	sdelay $0x3  }
0x20b: {  	[tilespmem:v8+s16+$0x0] =	vst.idx.msk $0xffff, v2  }
0x20c: {  	v2 =	vld.idx.msk [tilespmem:v9+s13+$0x0], $0xffff;
	_ =	sdelay $0x4  }
0x20d: {  	[tilespmem:$0x1F880] =	vst v2  }
0x20e: {  	v8 =	vor.u32 s25, v42;
	v2 =	vld [tilespmem:$0x1F880]  }
0x20f: {  	v9 =	vor.u32 v26, v3;
	_ =	sdelay $0x3  }
0x210: {  	[tilespmem:v8+s16+$0x0] =	vst.idx.msk $0xffff, v2  }
0x211: {  	v2 =	vld.idx.msk [tilespmem:v9+s13+$0x0], $0xffff;
	_ =	sdelay $0x4  }
0x212: {  	[tilespmem:$0x1F890] =	vst v2  }
0x213: {  	v8 =	vor.u32 s25, v43;
	v2 =	vld [tilespmem:$0x1F890]  }
0x214: {  	v9 =	vor.u32 v15, v3;
	_ =	sdelay $0x3  }
0x215: {  	[tilespmem:v8+s16+$0x0] =	vst.idx.msk $0xffff, v2  }
0x216: {  	v2 =	vld.idx.msk [tilespmem:v9+s13+$0x0], $0xffff;
	_ =	sdelay $0x4  }
0x217: {  	[tilespmem:$0x1F8A0] =	vst v2  }
0x218: {  	v8 =	vor.u32 s25, v44;
	v2 =	vld [tilespmem:$0x1F8A0]  }
0x219: {  	v9 =	vor.u32 v45, v3;
	_ =	sdelay $0x3  }
0x21a: {  	[tilespmem:v8+s16+$0x0] =	vst.idx.msk $0xffff, v2  }
0x21b: {  	v2 =	vld.idx.msk [tilespmem:v9+s13+$0x0], $0xffff;
	_ =	sdelay $0x4  }
0x21c: {  	[tilespmem:$0x1F8B0] =	vst v2;
	v2 =	vld [tilespmem:$0x1FA80];
	_ =	sdelay $0x4  }
0x21d: {  	v8 =	vor.u32 s25, v46;
	v9 =	vor.u32 v2, v3;
	v2 =	vld [tilespmem:$0x1F8B0];
	_ =	sdelay $0x4  }
0x21e: {  	[tilespmem:v8+s16+$0x0] =	vst.idx.msk $0xffff, v2  }
0x21f: {  	v2 =	vld.idx.msk [tilespmem:v9+s13+$0x0], $0xffff;
	_ =	sdelay $0x4  }
0x220: {  	[tilespmem:$0x1F8C0] =	vst v2;
	v2 =	vld [tilespmem:$0x1FD20];
	_ =	sdelay $0x4  }
0x221: {  	v8 =	vor.u32 s25, v2;
	v2 =	vld [tilespmem:$0x1FA90];
	_ =	sdelay $0x4  }
0x222: {  	v9 =	vor.u32 v2, v3;
	v2 =	vld [tilespmem:$0x1F8C0];
	_ =	sdelay $0x4  }
0x223: {  	[tilespmem:v8+s16+$0x0] =	vst.idx.msk $0xffff, v2  }
0x224: {  	v2 =	vld.idx.msk [tilespmem:v9+s13+$0x0], $0xffff;
	_ =	sdelay $0x4  }
0x225: {  	[tilespmem:$0x1F8D0] =	vst v2  }
0x226: {  	v8 =	vor.u32 s25, v63;
	v2 =	vld [tilespmem:$0x1F8D0]  }
0x227: {  	v9 =	vor.u32 v17, v3;
	_ =	sdelay $0x3  }
0x228: {  	[tilespmem:v8+s16+$0x0] =	vst.idx.msk $0xffff, v2  }
0x229: {  	v2 =	vld.idx.msk [tilespmem:v9+s13+$0x0], $0xffff;
	_ =	sdelay $0x4  }
0x22a: {  	[tilespmem:$0x1F8E0] =	vst v2;
	v2 =	vld [tilespmem:$0x1FD30];
	_ =	sdelay $0x4  }
0x22b: {  	v8 =	vor.u32 s25, v56;
	v9 =	vor.u32 v2, v3;
	v2 =	vld [tilespmem:$0x1F8E0];
	_ =	sdelay $0x4  }
0x22c: {  	[tilespmem:v8+s16+$0x0] =	vst.idx.msk $0xffff, v2  }
0x22d: {  	v2 =	vld.idx.msk [tilespmem:v9+s13+$0x0], $0xffff;
	_ =	sdelay $0x4  }
0x22e: {  	[tilespmem:$0x1F8F0] =	vst v2  }
0x22f: {  	v8 =	vor.u32 s25, v53;
	v2 =	vld [tilespmem:$0x1F8F0]  }
0x230: {  	v9 =	vor.u32 v21, v3;
	_ =	sdelay $0x3  }
0x231: {  	[tilespmem:v8+s16+$0x0] =	vst.idx.msk $0xffff, v2  }
0x232: {  	v2 =	vld.idx.msk [tilespmem:v9+s13+$0x0], $0xffff;
	_ =	sdelay $0x4  }
0x233: {  	[tilespmem:$0x1F900] =	vst v2  }
0x234: {  	v8 =	vor.u32 s25, v49;
	v2 =	vld [tilespmem:$0x1F900]  }
0x235: {  	v9 =	vor.u32 v55, v3;
	_ =	sdelay $0x3  }
0x236: {  	[tilespmem:v8+s16+$0x0] =	vst.idx.msk $0xffff, v2  }
0x237: {  	v2 =	vld.idx.msk [tilespmem:v9+s13+$0x0], $0xffff;
	_ =	sdelay $0x4  }
0x238: {  	[tilespmem:$0x1F910] =	vst v2  }
0x239: {  	v8 =	vor.u32 s25, v47;
	v2 =	vld [tilespmem:$0x1F910]  }
0x23a: {  	v9 =	vor.u32 v35, v3;
	_ =	sdelay $0x3  }
0x23b: {  	[tilespmem:v8+s16+$0x0] =	vst.idx.msk $0xffff, v2  }
0x23c: {  	v2 =	vld.idx.msk [tilespmem:v9+s13+$0x0], $0xffff;
	_ =	sdelay $0x4  }
0x23d: {  	[tilespmem:$0x1F920] =	vst v2  }
0x23e: {  	v8 =	vor.u32 s25, v50;
	v2 =	vld [tilespmem:$0x1F920]  }
0x23f: {  	v9 =	vor.u32 v22, v3;
	_ =	sdelay $0x3  }
0x240: {  	[tilespmem:v8+s16+$0x0] =	vst.idx.msk $0xffff, v2  }
0x241: {  	v2 =	vld.idx.msk [tilespmem:v9+s13+$0x0], $0xffff;
	_ =	sdelay $0x4  }
0x242: {  	[tilespmem:$0x1F930] =	vst v2  }
0x243: {  	v8 =	vor.u32 s25, v57;
	v2 =	vld [tilespmem:$0x1F930]  }
0x244: {  	v9 =	vor.u32 v60, v3;
	_ =	sdelay $0x3  }
0x245: {  	[tilespmem:v8+s16+$0x0] =	vst.idx.msk $0xffff, v2  }
0x246: {  	v2 =	vld.idx.msk [tilespmem:v9+s13+$0x0], $0xffff;
	_ =	sdelay $0x4  }
0x247: {  	[tilespmem:$0x1F940] =	vst v2  }
0x248: {  	v8 =	vor.u32 s25, v51;
	v2 =	vld [tilespmem:$0x1F940]  }
0x249: {  	v9 =	vor.u32 v62, v3;
	_ =	sdelay $0x3  }
0x24a: {  	[tilespmem:v8+s16+$0x0] =	vst.idx.msk $0xffff, v2  }
0x24b: {  	v2 =	vld.idx.msk [tilespmem:v9+s13+$0x0], $0xffff;
	_ =	sdelay $0x4  }
0x24c: {  	[tilespmem:$0x1F950] =	vst v2  }
0x24d: {  	v8 =	vor.u32 s25, v54;
	v2 =	vld [tilespmem:$0x1F950]  }
0x24e: {  	v9 =	vor.u32 v13, v3;
	_ =	sdelay $0x3  }
0x24f: {  	[tilespmem:v8+s16+$0x0] =	vst.idx.msk $0xffff, v2  }
0x250: {  	v2 =	vld.idx.msk [tilespmem:v9+s13+$0x0], $0xffff;
	_ =	sdelay $0x4  }
0x251: {  	[tilespmem:$0x1F960] =	vst v2  }
0x252: {  	v8 =	vor.u32 s25, v30;
	v2 =	vld [tilespmem:$0x1F960]  }
0x253: {  	v9 =	vor.u32 v20, v3;
	_ =	sdelay $0x3  }
0x254: {  	[tilespmem:v8+s16+$0x0] =	vst.idx.msk $0xffff, v2  }
0x255: {  	v2 =	vld.idx.msk [tilespmem:v9+s13+$0x0], $0xffff;
	_ =	sdelay $0x4  }
0x256: {  	[tilespmem:$0x1F970] =	vst v2  }
0x257: {  	v8 =	vor.u32 s25, v61;
	v2 =	vld [tilespmem:$0x1F970]  }
0x258: {  	v9 =	vor.u32 v16, v3;
	_ =	sdelay $0x3  }
0x259: {  	[tilespmem:v8+s16+$0x0] =	vst.idx.msk $0xffff, v2  }
0x25a: {  	v2 =	vld.idx.msk [tilespmem:v9+s13+$0x0], $0xffff;
	_ =	sdelay $0x4  }
0x25b: {  	[tilespmem:$0x1F980] =	vst v2  }
0x25c: {  	v8 =	vor.u32 s25, v24;
	v2 =	vld [tilespmem:$0x1F980]  }
0x25d: {  	v9 =	vor.u32 v23, v3;
	_ =	sdelay $0x3  }
0x25e: {  	[tilespmem:v8+s16+$0x0] =	vst.idx.msk $0xffff, v2  }
0x25f: {  	v2 =	vld.idx.msk [tilespmem:v9+s13+$0x0], $0xffff;
	_ =	sdelay $0x4  }
0x260: {  	[tilespmem:$0x1F990] =	vst v2  }
0x261: {  	v8 =	vor.u32 s25, v4;
	v2 =	vld [tilespmem:$0x1F990]  }
0x262: {  	v9 =	vor.u32 v58, v3;
	_ =	sdelay $0x3  }
0x263: {  	[tilespmem:v8+s16+$0x0] =	vst.idx.msk $0xffff, v2  }
0x264: {  	v8 =	vor.u32 s25, v6;
	v2 =	vld.idx.msk [tilespmem:v9+s13+$0x0], $0xffff  }
0x265: {  	v9 =	vor.u32 v48, v3;
	_ =	sdelay $0x3  }
0x266: {  	[tilespmem:v8+s16+$0x0] =	vst.idx.msk $0xffff, v2  }
0x267: {  	v2 =	vld.idx.msk [tilespmem:v9+s13+$0x0], $0xffff;
	_ =	sdelay $0x4  }
0x268: {  	[tilespmem:$0x1F9A0] =	vst v2  }
0x269: {  	v8 =	vor.u32 s25, v27;
	v2 =	vld [tilespmem:$0x1F9A0]  }
0x26a: {  	v9 =	vor.u32 v33, v3;
	_ =	sdelay $0x3  }
0x26b: {  	[tilespmem:v8+s16+$0x0] =	vst.idx.msk $0xffff, v2  }
0x26c: {  	v8 =	vor.u32 s25, v52;
	v2 =	vld.idx.msk [tilespmem:v9+s13+$0x0], $0xffff  }
0x26d: {  	v9 =	vor.u32 v59, v3;
	_ =	sdelay $0x3  }
0x26e: {  	[tilespmem:v8+s16+$0x0] =	vst.idx.msk $0xffff, v2  }
0x26f: {  	v8 =	vor.u32 s25, v7;
	v2 =	vld.idx.msk [tilespmem:v9+s13+$0x0], $0xffff  }
0x270: {  	v3 =	vor.u32 v5, v3;
	_ =	sdelay $0x3  }
0x271: {  	[tilespmem:v8+s16+$0x0] =	vst.idx.msk $0xffff, v2  }
0x272: {  	v2 =	vld.idx.msk [tilespmem:v3+s13+$0x0], $0xffff  }
0x273: {  	[tilespmem:$0x1F9B0] =	vst v17;
	v3 =	vld [tilespmem:$0x1FFF0]  }
0x274: {  	[tilespmem:$0x1F9C0] =	vst v21  }
0x275: {  	[tilespmem:$0x1F9D0] =	vst v55  }
0x276: {  	[tilespmem:$0x1F9E0] =	vst v35  }
0x277: {  	[tilespmem:$0x1F9F0] =	vst v22  }
0x278: {  	[tilespmem:$0x1FA00] =	vst v60;
	v3 =	vor.u32 s25, v3  }
0x279: {  	[tilespmem:$0x1FA10] =	vst v62  }
0x27a: {  	[tilespmem:$0x1FA20] =	vst v13;
	p1 =	seq.s32 s22, $0x63  }
0x27b: {  	[tilespmem:$0x1FA30] =	vst v20;
	s23 =	sshll.u32 @!p1 s24, $0x7  }
0x27c: {  	[tilespmem:$0x1FA40] =	vst v16;
	s30 =	sshll.u32 s22, $0x12;
	s24 =	sadd.s32 @!p1 $0x100, s23  }
0x27d: {  	s26 =	simm.s32 @!p1 $0x6400;
	s24 =	sand.u32 @!p1 $0xFF00, s24;
	s25 =	simm.s32 @!p1 $0x80;
	[tilespmem:v3+s16+$0x0] =	vst.idx.msk $0xffff, v2  }
0x27e: {  	[tilespmem:s26], [sflag:$0x1] =	stream.indirect.gather @!p1 [hbm4b:s5+s25], $0x20, s24, s25, $0xb8;
	[tilespmem:$0xA400] =	vst v63  }
0x27f: {  	[tilespmem:$0x1FA50] =	vst v23;
	s24 =	sor.u32 s4, s30  }
0x280: {  	[tilespmem:$0x1FA60] =	vst v58;
	s24 =	sshrl.u32 s24, $0x3  }
0x281: {  	[tilespmem:$0x1FA70] =	vst v33;
	s31 =	sadd.s32 s1, s24  }
0x282: {  	[hbm4b:s31+s9] =	stream.strided.scatter [tilespmem:s16], [sflag:$0x3], $0x1000, s10, s9, $0x38;
	[tilespmem:$0xA400] =	vst v63  }
0x283: {  	_ =	swait.ge [sflag:s17], $0x1000  }
0x284: {  	v3 =	vld [tilespmem:$0x1FD40];
	_ =	sdelay $0x1  }
0x285: {  	s25 =	simm.s32 $0x0  }
0x286: {  	v2 =	vmov s25;
	[sflag:s17] =	ssyncset.done $0x0  }
0x287: {  	s26 =	simm.s32 @!p0 $0x4;
	v2 =	vshll.u32 v2, $0x5;
	[sflag:s17] =	ssyncadd.s32 $0xFFFFF000  }
0x288: {  	_ =	swait.ge @!p0 [sflag:s26], $0x1000;
	v2 =	vor.u32 v3, v2;
	v3 =	vlaneseq.u32  }
0x289: {  	v8 =	vld [tilespmem:$0x1FE90];
	v3 =	vor.u32 v3, v2  }
0x28a: {  	v9 =	vld [tilespmem:$0x1FFA0];
	_ =	sdelay $0x1  }
0x28b: {  	[sflag:s26] =	ssyncset.done @!p0 $0x0  }
0x28c: {  	[sflag:s26] =	ssyncadd.s32 @!p0 $0xFFFFF000  }
0x28d: {  	v8 =	vor.u32 s25, v8;
	v3 =	vld.idx.msk [tilespmem:v3+s14+$0x0], $0xffff  }
0x28e: {  	v9 =	vor.u32 v9, v2;
	_ =	sdelay $0x3  }
0x28f: {  	[tilespmem:v8+s18+$0x0] =	vst.idx.msk $0xffff, v3;
	v8 =	vld [tilespmem:$0x1FDB0]  }
0x290: {  	v3 =	vld.idx.msk [tilespmem:v9+s14+$0x0], $0xffff  }
0x291: {  	v9 =	vld [tilespmem:$0x1FFD0];
	_ =	sdelay $0x3  }
0x292: {  	v8 =	vor.u32 s25, v8  }
0x293: {  	v9 =	vor.u32 v9, v2;
	_ =	sdelay $0x3  }
0x294: {  	[tilespmem:v8+s18+$0x0] =	vst.idx.msk $0xffff, v3;
	v8 =	vld [tilespmem:$0x1FED0]  }
0x295: {  	v3 =	vld.idx.msk [tilespmem:v9+s14+$0x0], $0xffff  }
0x296: {  	v9 =	vld [tilespmem:$0x1FF00];
	_ =	sdelay $0x3  }
0x297: {  	v8 =	vor.u32 s25, v8  }
0x298: {  	v9 =	vor.u32 v9, v2;
	_ =	sdelay $0x3  }
0x299: {  	[tilespmem:v8+s18+$0x0] =	vst.idx.msk $0xffff, v3;
	v8 =	vld [tilespmem:$0x1FD70]  }
0x29a: {  	v3 =	vld.idx.msk [tilespmem:v9+s14+$0x0], $0xffff  }
0x29b: {  	v9 =	vld [tilespmem:$0x1FF40];
	_ =	sdelay $0x3  }
0x29c: {  	v8 =	vor.u32 s25, v8  }
0x29d: {  	v9 =	vor.u32 v9, v2;
	_ =	sdelay $0x3  }
0x29e: {  	[tilespmem:v8+s18+$0x0] =	vst.idx.msk $0xffff, v3;
	v8 =	vld [tilespmem:$0x1FD80]  }
0x29f: {  	v3 =	vld.idx.msk [tilespmem:v9+s14+$0x0], $0xffff  }
0x2a0: {  	v9 =	vld [tilespmem:$0x1FF10];
	_ =	sdelay $0x3  }
0x2a1: {  	v8 =	vor.u32 s25, v8  }
0x2a2: {  	v9 =	vor.u32 v9, v2;
	_ =	sdelay $0x3  }
0x2a3: {  	[tilespmem:v8+s18+$0x0] =	vst.idx.msk $0xffff, v3;
	v8 =	vld [tilespmem:$0x1FEE0]  }
0x2a4: {  	v3 =	vld.idx.msk [tilespmem:v9+s14+$0x0], $0xffff  }
0x2a5: {  	v9 =	vld [tilespmem:$0x1FFE0];
	_ =	sdelay $0x3  }
0x2a6: {  	v8 =	vor.u32 s25, v8  }
0x2a7: {  	v9 =	vor.u32 v9, v2;
	_ =	sdelay $0x3  }
0x2a8: {  	[tilespmem:v8+s18+$0x0] =	vst.idx.msk $0xffff, v3;
	v8 =	vld [tilespmem:$0x1FEF0]  }
0x2a9: {  	v3 =	vld.idx.msk [tilespmem:v9+s14+$0x0], $0xffff  }
0x2aa: {  	v9 =	vld [tilespmem:$0x1FF20];
	_ =	sdelay $0x3  }
0x2ab: {  	v8 =	vor.u32 s25, v8  }
0x2ac: {  	v9 =	vor.u32 v9, v2;
	_ =	sdelay $0x3  }
0x2ad: {  	[tilespmem:v8+s18+$0x0] =	vst.idx.msk $0xffff, v3;
	v8 =	vld [tilespmem:$0x1FD50]  }
0x2ae: {  	v3 =	vld.idx.msk [tilespmem:v9+s14+$0x0], $0xffff  }
0x2af: {  	v9 =	vld [tilespmem:$0x1FF30];
	_ =	sdelay $0x3  }
0x2b0: {  	v8 =	vor.u32 s25, v8  }
0x2b1: {  	v9 =	vor.u32 v9, v2;
	_ =	sdelay $0x3  }
0x2b2: {  	[tilespmem:v8+s18+$0x0] =	vst.idx.msk $0xffff, v3;
	v8 =	vld [tilespmem:$0x1FD60]  }
0x2b3: {  	v3 =	vld.idx.msk [tilespmem:v9+s14+$0x0], $0xffff  }
0x2b4: {  	v9 =	vld [tilespmem:$0x1FF70];
	_ =	sdelay $0x3  }
0x2b5: {  	v8 =	vor.u32 s25, v8  }
0x2b6: {  	v9 =	vor.u32 v9, v2;
	_ =	sdelay $0x3  }
0x2b7: {  	[tilespmem:v8+s18+$0x0] =	vst.idx.msk $0xffff, v3;
	v8 =	vld [tilespmem:$0x1FD90]  }
0x2b8: {  	v3 =	vld.idx.msk [tilespmem:v9+s14+$0x0], $0xffff  }
0x2b9: {  	v9 =	vld [tilespmem:$0x1FF50];
	_ =	sdelay $0x3  }
0x2ba: {  	v8 =	vor.u32 s25, v8  }
0x2bb: {  	v9 =	vor.u32 v9, v2;
	_ =	sdelay $0x3  }
0x2bc: {  	[tilespmem:v8+s18+$0x0] =	vst.idx.msk $0xffff, v3;
	v8 =	vld [tilespmem:$0x1FDA0]  }
0x2bd: {  	v3 =	vld.idx.msk [tilespmem:v9+s14+$0x0], $0xffff  }
0x2be: {  	v9 =	vld [tilespmem:$0x1FF60];
	_ =	sdelay $0x3  }
0x2bf: {  	v8 =	vor.u32 s25, v8  }
0x2c0: {  	v9 =	vor.u32 v9, v2;
	_ =	sdelay $0x3  }
0x2c1: {  	[tilespmem:v8+s18+$0x0] =	vst.idx.msk $0xffff, v3;
	v8 =	vld [tilespmem:$0x1FDC0]  }
0x2c2: {  	v3 =	vld.idx.msk [tilespmem:v9+s14+$0x0], $0xffff  }
0x2c3: {  	v9 =	vld [tilespmem:$0x1FF80];
	_ =	sdelay $0x3  }
0x2c4: {  	v8 =	vor.u32 s25, v8  }
0x2c5: {  	v9 =	vor.u32 v9, v2;
	_ =	sdelay $0x3  }
0x2c6: {  	[tilespmem:v8+s18+$0x0] =	vst.idx.msk $0xffff, v3;
	v8 =	vld [tilespmem:$0x1FDD0]  }
0x2c7: {  	v3 =	vld.idx.msk [tilespmem:v9+s14+$0x0], $0xffff  }
0x2c8: {  	v9 =	vld [tilespmem:$0x1FA80];
	_ =	sdelay $0x3  }
0x2c9: {  	v8 =	vor.u32 s25, v8  }
0x2ca: {  	v9 =	vor.u32 v9, v2;
	_ =	sdelay $0x3  }
0x2cb: {  	[tilespmem:v8+s18+$0x0] =	vst.idx.msk $0xffff, v3;
	v8 =	vld [tilespmem:$0x1FD20]  }
0x2cc: {  	v3 =	vld.idx.msk [tilespmem:v9+s14+$0x0], $0xffff  }
0x2cd: {  	v9 =	vld [tilespmem:$0x1FA90];
	_ =	sdelay $0x3  }
0x2ce: {  	v8 =	vor.u32 s25, v8  }
0x2cf: {  	v9 =	vor.u32 v9, v2;
	_ =	sdelay $0x3  }
0x2d0: {  	[tilespmem:v8+s18+$0x0] =	vst.idx.msk $0xffff, v3;
	v8 =	vld [tilespmem:$0x1FEB0]  }
0x2d1: {  	v3 =	vld.idx.msk [tilespmem:v9+s14+$0x0], $0xffff  }
0x2d2: {  	v9 =	vld [tilespmem:$0x1F9B0];
	_ =	sdelay $0x3  }
0x2d3: {  	v8 =	vor.u32 s25, v8  }
0x2d4: {  	v9 =	vor.u32 v9, v2;
	_ =	sdelay $0x3  }
0x2d5: {  	[tilespmem:v8+s18+$0x0] =	vst.idx.msk $0xffff, v3;
	v8 =	vld [tilespmem:$0x1FE00]  }
0x2d6: {  	v3 =	vld.idx.msk [tilespmem:v9+s14+$0x0], $0xffff  }
0x2d7: {  	v9 =	vld [tilespmem:$0x1FD30];
	_ =	sdelay $0x3  }
0x2d8: {  	v8 =	vor.u32 s25, v8  }
0x2d9: {  	v9 =	vor.u32 v9, v2;
	_ =	sdelay $0x3  }
0x2da: {  	[tilespmem:v8+s18+$0x0] =	vst.idx.msk $0xffff, v3;
	v8 =	vld [tilespmem:$0x1FE10]  }
0x2db: {  	v3 =	vld.idx.msk [tilespmem:v9+s14+$0x0], $0xffff  }
0x2dc: {  	v9 =	vld [tilespmem:$0x1F9C0];
	_ =	sdelay $0x3  }
0x2dd: {  	v8 =	vor.u32 s25, v8  }
0x2de: {  	v9 =	vor.u32 v9, v2;
	_ =	sdelay $0x3  }
0x2df: {  	[tilespmem:v8+s18+$0x0] =	vst.idx.msk $0xffff, v3;
	v8 =	vld [tilespmem:$0x1FDE0]  }
0x2e0: {  	v3 =	vld.idx.msk [tilespmem:v9+s14+$0x0], $0xffff  }
0x2e1: {  	v9 =	vld [tilespmem:$0x1F9D0];
	_ =	sdelay $0x3  }
0x2e2: {  	v8 =	vor.u32 s25, v8  }
0x2e3: {  	v9 =	vor.u32 v9, v2;
	_ =	sdelay $0x3  }
0x2e4: {  	[tilespmem:v8+s18+$0x0] =	vst.idx.msk $0xffff, v3;
	v8 =	vld [tilespmem:$0x1FE20]  }
0x2e5: {  	v3 =	vld.idx.msk [tilespmem:v9+s14+$0x0], $0xffff  }
0x2e6: {  	v9 =	vld [tilespmem:$0x1F9E0];
	_ =	sdelay $0x3  }
0x2e7: {  	v8 =	vor.u32 s25, v8  }
0x2e8: {  	v9 =	vor.u32 v9, v2;
	_ =	sdelay $0x3  }
0x2e9: {  	[tilespmem:v8+s18+$0x0] =	vst.idx.msk $0xffff, v3;
	v8 =	vld [tilespmem:$0x1FDF0]  }
0x2ea: {  	v3 =	vld.idx.msk [tilespmem:v9+s14+$0x0], $0xffff  }
0x2eb: {  	v9 =	vld [tilespmem:$0x1F9F0];
	_ =	sdelay $0x3  }
0x2ec: {  	v8 =	vor.u32 s25, v8  }
0x2ed: {  	v9 =	vor.u32 v9, v2;
	_ =	sdelay $0x3  }
0x2ee: {  	[tilespmem:v8+s18+$0x0] =	vst.idx.msk $0xffff, v3;
	v8 =	vld [tilespmem:$0x1FE30]  }
0x2ef: {  	v3 =	vld.idx.msk [tilespmem:v9+s14+$0x0], $0xffff  }
0x2f0: {  	v9 =	vld [tilespmem:$0x1FA00];
	_ =	sdelay $0x3  }
0x2f1: {  	v8 =	vor.u32 s25, v8  }
0x2f2: {  	v9 =	vor.u32 v9, v2;
	_ =	sdelay $0x3  }
0x2f3: {  	[tilespmem:v8+s18+$0x0] =	vst.idx.msk $0xffff, v3;
	v8 =	vld [tilespmem:$0x1FE40]  }
0x2f4: {  	v3 =	vld.idx.msk [tilespmem:v9+s14+$0x0], $0xffff  }
0x2f5: {  	v9 =	vld [tilespmem:$0x1FA10];
	_ =	sdelay $0x3  }
0x2f6: {  	v8 =	vor.u32 s25, v8  }
0x2f7: {  	v9 =	vor.u32 v9, v2;
	_ =	sdelay $0x3  }
0x2f8: {  	[tilespmem:v8+s18+$0x0] =	vst.idx.msk $0xffff, v3;
	v8 =	vld [tilespmem:$0x1FE50]  }
0x2f9: {  	v3 =	vld.idx.msk [tilespmem:v9+s14+$0x0], $0xffff  }
0x2fa: {  	v9 =	vld [tilespmem:$0x1FA20];
	_ =	sdelay $0x3  }
0x2fb: {  	v8 =	vor.u32 s25, v8  }
0x2fc: {  	v9 =	vor.u32 v9, v2;
	_ =	sdelay $0x3  }
0x2fd: {  	[tilespmem:v8+s18+$0x0] =	vst.idx.msk $0xffff, v3;
	v8 =	vld [tilespmem:$0x1FE60]  }
0x2fe: {  	v3 =	vld.idx.msk [tilespmem:v9+s14+$0x0], $0xffff  }
0x2ff: {  	v9 =	vld [tilespmem:$0x1FA30];
	_ =	sdelay $0x2  }
0x300: {  	v8 =	vor.u32 s25, v8;
	_ =	sdelay $0x1  }
0x301: {  	v9 =	vor.u32 v9, v2;
	_ =	sdelay $0x2  }
0x302: {  	[tilespmem:v8+s18+$0x0] =	vst.idx.msk $0xffff, v3;
	v8 =	vld [tilespmem:$0x1FE70];
	_ =	sdelay $0x1  }
0x303: {  	v3 =	vld.idx.msk [tilespmem:v9+s14+$0x0], $0xffff  }
0x304: {  	v9 =	vld [tilespmem:$0x1FA40];
	_ =	sdelay $0x1  }
0x305: {  	v8 =	vor.u32 s25, v8;
	_ =	sdelay $0x2  }
0x306: {  	v9 =	vor.u32 v9, v2;
	_ =	sdelay $0x1  }
0x307: {  	[tilespmem:v8+s18+$0x0] =	vst.idx.msk $0xffff, v3;
	v8 =	vld [tilespmem:$0x1FE80];
	_ =	sdelay $0x2  }
0x308: {  	v3 =	vld.idx.msk [tilespmem:v9+s14+$0x0], $0xffff  }
0x309: {  	v9 =	vld [tilespmem:$0x1FA50]  }
0x30a: {  	v8 =	vor.u32 s25, v8;
	_ =	sdelay $0x3  }
0x30b: {  	v9 =	vor.u32 v9, v2  }
0x30c: {  	[tilespmem:v8+s18+$0x0] =	vst.idx.msk $0xffff, v3;
	v8 =	vld [tilespmem:$0x1FEA0];
	_ =	sdelay $0x3  }
0x30d: {  	v3 =	vld.idx.msk [tilespmem:v9+s14+$0x0], $0xffff  }
0x30e: {  	v9 =	vld [tilespmem:$0x1FA60];
	v8 =	vor.u32 s25, v8;
	_ =	sdelay $0x4  }
0x30f: {  	v9 =	vor.u32 v9, v2;
	[tilespmem:v8+s18+$0x0] =	vst.idx.msk $0xffff, v3;
	v8 =	vld [tilespmem:$0x1FF90];
	_ =	sdelay $0x4  }
0x310: {  	v3 =	vld.idx.msk [tilespmem:v9+s14+$0x0], $0xffff;
	v8 =	vor.u32 s25, v8;
	_ =	sdelay $0x3  }
0x311: {  	v9 =	vor.u32 v48, v2  }
0x312: {  	[tilespmem:v8+s18+$0x0] =	vst.idx.msk $0xffff, v3;
	v8 =	vld [tilespmem:$0x1FEC0];
	_ =	sdelay $0x3  }
0x313: {  	v3 =	vld.idx.msk [tilespmem:v9+s14+$0x0], $0xffff  }
0x314: {  	v9 =	vld [tilespmem:$0x1FA70];
	v8 =	vor.u32 s25, v8;
	_ =	sdelay $0x4  }
0x315: {  	v9 =	vor.u32 v9, v2;
	[tilespmem:v8+s18+$0x0] =	vst.idx.msk $0xffff, v3;
	v8 =	vld [tilespmem:$0x1FFB0];
	_ =	sdelay $0x4  }
0x316: {  	v3 =	vld.idx.msk [tilespmem:v9+s14+$0x0], $0xffff;
	v8 =	vor.u32 s25, v8;
	_ =	sdelay $0x4  }
0x317: {  	v9 =	vor.u32 v59, v2;
	[tilespmem:v8+s18+$0x0] =	vst.idx.msk $0xffff, v3;
	v8 =	vld [tilespmem:$0x1FFC0];
	_ =	sdelay $0x4  }
0x318: {  	v3 =	vld.idx.msk [tilespmem:v9+s14+$0x0], $0xffff;
	v8 =	vor.u32 s25, v8;
	_ =	sdelay $0x3  }
0x319: {  	s26 =	simm.s32 $0x10  }
0x31a: {  	s28 =	simm.s32 $0x20;
	v2 =	vor.u32 v5, v2;
	[tilespmem:v8+s18+$0x0] =	vst.idx.msk $0xffff, v3;
	v3 =	vmov s26  }
.LBB2_5:
0x31b: {  	_ =	sdelay $0x2  }
0x31c: {  	v3 =	vshll.u32 v3, $0x5  }
0x31d: {  	v8 =	vld.idx.msk [tilespmem:v2+s14+$0x0], $0xffff;
	v9 =	vlaneseq.u32;
	v2 =	vor.u32 v0, v3;
	v3 =	vor.u32 s25, v11  }
0x31e: {  	v9 =	vor.u32 v9, v2;
	_ =	sdelay $0x3  }
0x31f: {  	s25 =	smov.u32 s26;
	[tilespmem:v3+s18+$0x0] =	vst.idx.msk $0xffff, v8  }
0x320: {  	v8 =	vor.u32 s25, v1;
	v3 =	vld.idx.msk [tilespmem:v9+s14+$0x0], $0xffff  }
0x321: {  	v9 =	vor.u32 v34, v2;
	_ =	sdelay $0x3  }
0x322: {  	[tilespmem:v8+s18+$0x0] =	vst.idx.msk $0xffff, v3  }
0x323: {  	v8 =	vor.u32 s25, v29;
	v3 =	vld.idx.msk [tilespmem:v9+s14+$0x0], $0xffff  }
0x324: {  	v9 =	vor.u32 v28, v2;
	_ =	sdelay $0x3  }
0x325: {  	[tilespmem:v8+s18+$0x0] =	vst.idx.msk $0xffff, v3  }
0x326: {  	v8 =	vor.u32 s25, v10;
	v3 =	vld.idx.msk [tilespmem:v9+s14+$0x0], $0xffff  }
0x327: {  	v9 =	vor.u32 v36, v2;
	_ =	sdelay $0x3  }
0x328: {  	[tilespmem:v8+s18+$0x0] =	vst.idx.msk $0xffff, v3  }
0x329: {  	v8 =	vor.u32 s25, v41;
	v3 =	vld.idx.msk [tilespmem:v9+s14+$0x0], $0xffff  }
0x32a: {  	v9 =	vor.u32 v18, v2;
	_ =	sdelay $0x3  }
0x32b: {  	[tilespmem:v8+s18+$0x0] =	vst.idx.msk $0xffff, v3  }
0x32c: {  	v8 =	vor.u32 s25, v19;
	v3 =	vld.idx.msk [tilespmem:v9+s14+$0x0], $0xffff  }
0x32d: {  	v9 =	vor.u32 v37, v2;
	_ =	sdelay $0x3  }
0x32e: {  	[tilespmem:v8+s18+$0x0] =	vst.idx.msk $0xffff, v3  }
0x32f: {  	v8 =	vor.u32 s25, v32;
	v3 =	vld.idx.msk [tilespmem:v9+s14+$0x0], $0xffff  }
0x330: {  	v9 =	vor.u32 v31, v2;
	_ =	sdelay $0x3  }
0x331: {  	[tilespmem:v8+s18+$0x0] =	vst.idx.msk $0xffff, v3  }
0x332: {  	v8 =	vor.u32 s25, v12;
	v3 =	vld.idx.msk [tilespmem:v9+s14+$0x0], $0xffff  }
0x333: {  	v9 =	vor.u32 v14, v2;
	_ =	sdelay $0x3  }
0x334: {  	[tilespmem:v8+s18+$0x0] =	vst.idx.msk $0xffff, v3  }
0x335: {  	v8 =	vor.u32 s25, v38;
	v3 =	vld.idx.msk [tilespmem:v9+s14+$0x0], $0xffff  }
0x336: {  	v9 =	vor.u32 v39, v2;
	_ =	sdelay $0x3  }
0x337: {  	[tilespmem:v8+s18+$0x0] =	vst.idx.msk $0xffff, v3  }
0x338: {  	v8 =	vor.u32 s25, v40;
	v3 =	vld.idx.msk [tilespmem:v9+s14+$0x0], $0xffff  }
0x339: {  	v9 =	vor.u32 v25, v2;
	_ =	sdelay $0x3  }
0x33a: {  	[tilespmem:v8+s18+$0x0] =	vst.idx.msk $0xffff, v3  }
0x33b: {  	v8 =	vor.u32 s25, v42;
	v3 =	vld.idx.msk [tilespmem:v9+s14+$0x0], $0xffff  }
0x33c: {  	v9 =	vor.u32 v26, v2;
	_ =	sdelay $0x3  }
0x33d: {  	[tilespmem:v8+s18+$0x0] =	vst.idx.msk $0xffff, v3  }
0x33e: {  	v8 =	vor.u32 s25, v43;
	v3 =	vld.idx.msk [tilespmem:v9+s14+$0x0], $0xffff  }
0x33f: {  	v9 =	vor.u32 v15, v2;
	_ =	sdelay $0x3  }
0x340: {  	[tilespmem:v8+s18+$0x0] =	vst.idx.msk $0xffff, v3  }
0x341: {  	v8 =	vor.u32 s25, v44;
	v3 =	vld.idx.msk [tilespmem:v9+s14+$0x0], $0xffff  }
0x342: {  	v9 =	vor.u32 v45, v2;
	_ =	sdelay $0x3  }
0x343: {  	[tilespmem:v8+s18+$0x0] =	vst.idx.msk $0xffff, v3  }
0x344: {  	v3 =	vld.idx.msk [tilespmem:v9+s14+$0x0], $0xffff  }
0x345: {  	v9 =	vld [tilespmem:$0x1FA80];
	_ =	sdelay $0x3  }
0x346: {  	v8 =	vor.u32 s25, v46  }
0x347: {  	v9 =	vor.u32 v9, v2;
	_ =	sdelay $0x3  }
0x348: {  	[tilespmem:v8+s18+$0x0] =	vst.idx.msk $0xffff, v3;
	v8 =	vld [tilespmem:$0x1FD20]  }
0x349: {  	v3 =	vld.idx.msk [tilespmem:v9+s14+$0x0], $0xffff  }
0x34a: {  	v9 =	vld [tilespmem:$0x1FA90];
	_ =	sdelay $0x3  }
0x34b: {  	v8 =	vor.u32 s25, v8  }
0x34c: {  	v9 =	vor.u32 v9, v2;
	_ =	sdelay $0x3  }
0x34d: {  	[tilespmem:v8+s18+$0x0] =	vst.idx.msk $0xffff, v3  }
0x34e: {  	v8 =	vor.u32 s25, v63;
	v3 =	vld.idx.msk [tilespmem:v9+s14+$0x0], $0xffff  }
0x34f: {  	v9 =	vor.u32 v17, v2;
	_ =	sdelay $0x3  }
0x350: {  	[tilespmem:v8+s18+$0x0] =	vst.idx.msk $0xffff, v3  }
0x351: {  	v3 =	vld.idx.msk [tilespmem:v9+s14+$0x0], $0xffff  }
0x352: {  	v9 =	vld [tilespmem:$0x1FD30];
	_ =	sdelay $0x3  }
0x353: {  	v8 =	vor.u32 s25, v56  }
0x354: {  	v9 =	vor.u32 v9, v2;
	_ =	sdelay $0x3  }
0x355: {  	[tilespmem:v8+s18+$0x0] =	vst.idx.msk $0xffff, v3  }
0x356: {  	v8 =	vor.u32 s25, v53;
	v3 =	vld.idx.msk [tilespmem:v9+s14+$0x0], $0xffff  }
0x357: {  	v9 =	vor.u32 v21, v2;
	_ =	sdelay $0x3  }
0x358: {  	[tilespmem:v8+s18+$0x0] =	vst.idx.msk $0xffff, v3  }
0x359: {  	v8 =	vor.u32 s25, v49;
	v3 =	vld.idx.msk [tilespmem:v9+s14+$0x0], $0xffff  }
0x35a: {  	v9 =	vor.u32 v55, v2;
	_ =	sdelay $0x3  }
0x35b: {  	[tilespmem:v8+s18+$0x0] =	vst.idx.msk $0xffff, v3  }
0x35c: {  	v8 =	vor.u32 s25, v47;
	v3 =	vld.idx.msk [tilespmem:v9+s14+$0x0], $0xffff  }
0x35d: {  	v9 =	vor.u32 v35, v2;
	_ =	sdelay $0x3  }
0x35e: {  	[tilespmem:v8+s18+$0x0] =	vst.idx.msk $0xffff, v3  }
0x35f: {  	v8 =	vor.u32 s25, v50;
	v3 =	vld.idx.msk [tilespmem:v9+s14+$0x0], $0xffff  }
0x360: {  	v9 =	vor.u32 v22, v2;
	_ =	sdelay $0x3  }
0x361: {  	[tilespmem:v8+s18+$0x0] =	vst.idx.msk $0xffff, v3  }
0x362: {  	v8 =	vor.u32 s25, v57;
	v3 =	vld.idx.msk [tilespmem:v9+s14+$0x0], $0xffff  }
0x363: {  	v9 =	vor.u32 v60, v2;
	_ =	sdelay $0x3  }
0x364: {  	[tilespmem:v8+s18+$0x0] =	vst.idx.msk $0xffff, v3  }
0x365: {  	v8 =	vor.u32 s25, v51;
	v3 =	vld.idx.msk [tilespmem:v9+s14+$0x0], $0xffff  }
0x366: {  	v9 =	vor.u32 v62, v2;
	_ =	sdelay $0x3  }
0x367: {  	[tilespmem:v8+s18+$0x0] =	vst.idx.msk $0xffff, v3  }
0x368: {  	v8 =	vor.u32 s25, v54;
	v3 =	vld.idx.msk [tilespmem:v9+s14+$0x0], $0xffff  }
0x369: {  	v9 =	vor.u32 v13, v2;
	_ =	sdelay $0x3  }
0x36a: {  	[tilespmem:v8+s18+$0x0] =	vst.idx.msk $0xffff, v3  }
0x36b: {  	v8 =	vor.u32 s25, v30;
	v3 =	vld.idx.msk [tilespmem:v9+s14+$0x0], $0xffff  }
0x36c: {  	v9 =	vor.u32 v20, v2;
	_ =	sdelay $0x3  }
0x36d: {  	[tilespmem:v8+s18+$0x0] =	vst.idx.msk $0xffff, v3  }
0x36e: {  	v8 =	vor.u32 s25, v61;
	v3 =	vld.idx.msk [tilespmem:v9+s14+$0x0], $0xffff  }
0x36f: {  	v9 =	vor.u32 v16, v2;
	_ =	sdelay $0x3  }
0x370: {  	[tilespmem:v8+s18+$0x0] =	vst.idx.msk $0xffff, v3  }
0x371: {  	v8 =	vor.u32 s25, v24;
	v3 =	vld.idx.msk [tilespmem:v9+s14+$0x0], $0xffff  }
0x372: {  	v9 =	vor.u32 v23, v2;
	_ =	sdelay $0x3  }
0x373: {  	[tilespmem:v8+s18+$0x0] =	vst.idx.msk $0xffff, v3  }
0x374: {  	v8 =	vor.u32 s25, v4;
	v3 =	vld.idx.msk [tilespmem:v9+s14+$0x0], $0xffff  }
0x375: {  	v9 =	vor.u32 v58, v2;
	_ =	sdelay $0x3  }
0x376: {  	[tilespmem:v8+s18+$0x0] =	vst.idx.msk $0xffff, v3  }
0x377: {  	v8 =	vor.u32 s25, v6;
	v3 =	vld.idx.msk [tilespmem:v9+s14+$0x0], $0xffff  }
0x378: {  	v9 =	vor.u32 v48, v2;
	_ =	sdelay $0x3  }
0x379: {  	[tilespmem:v8+s18+$0x0] =	vst.idx.msk $0xffff, v3  }
0x37a: {  	v8 =	vor.u32 s25, v27;
	v3 =	vld.idx.msk [tilespmem:v9+s14+$0x0], $0xffff  }
0x37b: {  	v9 =	vor.u32 v33, v2;
	_ =	sdelay $0x3  }
0x37c: {  	[tilespmem:v8+s18+$0x0] =	vst.idx.msk $0xffff, v3  }
0x37d: {  	v8 =	vor.u32 s25, v52;
	v3 =	vld.idx.msk [tilespmem:v9+s14+$0x0], $0xffff  }
0x37e: {  	v9 =	vor.u32 v59, v2;
	_ =	sdelay $0x3  }
0x37f: {  	[tilespmem:v8+s18+$0x0] =	vst.idx.msk $0xffff, v3  }
0x380: {  	p0 =	sne.s32 s28, $0x70;
	v8 =	vld.idx.msk [tilespmem:v9+s14+$0x0], $0xffff;
	v9 =	vor.u32 s25, v7  }
.Ltmp1:
0x381: {  	_ = 	snop;
	(pc) =	sbr.rel @p0 .LBB2_5-.Ltmp1, $3  }
0x382: {  	_ =	sdelay $0x1  }
0x383: {  	s26 =	smov.u32 s28  }
0x384: {  	s28 =	sadd.s32 $0x10, s28;
	v2 =	vor.u32 v5, v2;
	v3 =	vmov s26;
	[tilespmem:v9+s18+$0x0] =	vst.idx.msk $0xffff, v8  }
0x385: {  	_ =	sdelay $0x2  }
0x386: {  	v3 =	vshll.u32 v3, $0x5  }
0x387: {  	v2 =	vld.idx.msk [tilespmem:v2+s14+$0x0], $0xffff;
	v8 =	vor.u32 s25, v11;
	v3 =	vor.u32 v0, v3;
	v0 =	vlaneseq.u32  }
0x388: {  	v9 =	vor.u32 v0, v3;
	_ =	sdelay $0x3  }
0x389: {  	[tilespmem:v8+s18+$0x0] =	vst.idx.msk $0xffff, v2  }
0x38a: {  	v8 =	vor.u32 s26, v1;
	v2 =	vld.idx.msk [tilespmem:v9+s14+$0x0], $0xffff  }
0x38b: {  	v9 =	vor.u32 v34, v3;
	_ =	sdelay $0x3  }
0x38c: {  	[tilespmem:v8+s18+$0x0] =	vst.idx.msk $0xffff, v2  }
0x38d: {  	v8 =	vor.u32 s26, v29;
	v2 =	vld.idx.msk [tilespmem:v9+s14+$0x0], $0xffff  }
0x38e: {  	v9 =	vor.u32 v28, v3;
	_ =	sdelay $0x3  }
0x38f: {  	[tilespmem:v8+s18+$0x0] =	vst.idx.msk $0xffff, v2  }
0x390: {  	v8 =	vor.u32 s26, v10;
	v2 =	vld.idx.msk [tilespmem:v9+s14+$0x0], $0xffff  }
0x391: {  	v9 =	vor.u32 v36, v3;
	_ =	sdelay $0x3  }
0x392: {  	[tilespmem:v8+s18+$0x0] =	vst.idx.msk $0xffff, v2  }
0x393: {  	v8 =	vor.u32 s26, v41;
	v2 =	vld.idx.msk [tilespmem:v9+s14+$0x0], $0xffff  }
0x394: {  	v9 =	vor.u32 v18, v3;
	_ =	sdelay $0x3  }
0x395: {  	[tilespmem:v8+s18+$0x0] =	vst.idx.msk $0xffff, v2  }
0x396: {  	v8 =	vor.u32 s26, v19;
	v2 =	vld.idx.msk [tilespmem:v9+s14+$0x0], $0xffff  }
0x397: {  	v9 =	vor.u32 v37, v3;
	_ =	sdelay $0x3  }
0x398: {  	[tilespmem:v8+s18+$0x0] =	vst.idx.msk $0xffff, v2  }
0x399: {  	v8 =	vor.u32 s26, v32;
	v2 =	vld.idx.msk [tilespmem:v9+s14+$0x0], $0xffff  }
0x39a: {  	v9 =	vor.u32 v31, v3;
	_ =	sdelay $0x3  }
0x39b: {  	[tilespmem:v8+s18+$0x0] =	vst.idx.msk $0xffff, v2  }
0x39c: {  	v8 =	vor.u32 s26, v12;
	v2 =	vld.idx.msk [tilespmem:v9+s14+$0x0], $0xffff  }
0x39d: {  	v9 =	vor.u32 v14, v3;
	_ =	sdelay $0x3  }
0x39e: {  	[tilespmem:v8+s18+$0x0] =	vst.idx.msk $0xffff, v2  }
0x39f: {  	v8 =	vor.u32 s26, v38;
	v2 =	vld.idx.msk [tilespmem:v9+s14+$0x0], $0xffff  }
0x3a0: {  	v9 =	vor.u32 v39, v3;
	_ =	sdelay $0x3  }
0x3a1: {  	[tilespmem:v8+s18+$0x0] =	vst.idx.msk $0xffff, v2  }
0x3a2: {  	v8 =	vor.u32 s26, v40;
	v2 =	vld.idx.msk [tilespmem:v9+s14+$0x0], $0xffff  }
0x3a3: {  	v9 =	vor.u32 v25, v3;
	_ =	sdelay $0x3  }
0x3a4: {  	[tilespmem:v8+s18+$0x0] =	vst.idx.msk $0xffff, v2  }
0x3a5: {  	v8 =	vor.u32 s26, v42;
	v2 =	vld.idx.msk [tilespmem:v9+s14+$0x0], $0xffff  }
0x3a6: {  	v9 =	vor.u32 v26, v3;
	_ =	sdelay $0x3  }
0x3a7: {  	[tilespmem:v8+s18+$0x0] =	vst.idx.msk $0xffff, v2  }
0x3a8: {  	v8 =	vor.u32 s26, v43;
	v2 =	vld.idx.msk [tilespmem:v9+s14+$0x0], $0xffff  }
0x3a9: {  	v9 =	vor.u32 v15, v3;
	_ =	sdelay $0x3  }
0x3aa: {  	[tilespmem:v8+s18+$0x0] =	vst.idx.msk $0xffff, v2  }
0x3ab: {  	v8 =	vor.u32 s26, v44;
	v2 =	vld.idx.msk [tilespmem:v9+s14+$0x0], $0xffff  }
0x3ac: {  	v9 =	vor.u32 v45, v3  }
0x3ad: {  	v0 =	vld [tilespmem:$0x1FA80];
	_ =	sdelay $0x2  }
0x3ae: {  	[tilespmem:v8+s18+$0x0] =	vst.idx.msk $0xffff, v2  }
0x3af: {  	v8 =	vor.u32 s26, v46;
	v2 =	vld.idx.msk [tilespmem:v9+s14+$0x0], $0xffff  }
0x3b0: {  	v10 =	vld [tilespmem:$0x1FD20];
	v9 =	vor.u32 v0, v3  }
0x3b1: {  	v0 =	vld [tilespmem:$0x1FA90];
	_ =	sdelay $0x2  }
0x3b2: {  	[tilespmem:v8+s18+$0x0] =	vst.idx.msk $0xffff, v2  }
0x3b3: {  	v8 =	vor.u32 s26, v10;
	v2 =	vld.idx.msk [tilespmem:v9+s14+$0x0], $0xffff  }
0x3b4: {  	v9 =	vor.u32 v0, v3;
	_ =	sdelay $0x3  }
0x3b5: {  	[tilespmem:v8+s18+$0x0] =	vst.idx.msk $0xffff, v2  }
0x3b6: {  	v8 =	vor.u32 s26, v63;
	v2 =	vld.idx.msk [tilespmem:v9+s14+$0x0], $0xffff  }
0x3b7: {  	v9 =	vor.u32 v17, v3  }
0x3b8: {  	v17 =	vld [tilespmem:$0x1FD30];
	_ =	sdelay $0x2  }
0x3b9: {  	[tilespmem:v8+s18+$0x0] =	vst.idx.msk $0xffff, v2  }
0x3ba: {  	v8 =	vor.u32 s26, v56;
	v2 =	vld.idx.msk [tilespmem:v9+s14+$0x0], $0xffff  }
0x3bb: {  	v9 =	vor.u32 v17, v3;
	_ =	sdelay $0x3  }
0x3bc: {  	[tilespmem:v8+s18+$0x0] =	vst.idx.msk $0xffff, v2  }
0x3bd: {  	v8 =	vor.u32 s26, v53;
	v2 =	vld.idx.msk [tilespmem:v9+s14+$0x0], $0xffff  }
0x3be: {  	v9 =	vor.u32 v21, v3;
	_ =	sdelay $0x3  }
0x3bf: {  	[tilespmem:v8+s18+$0x0] =	vst.idx.msk $0xffff, v2  }
0x3c0: {  	v8 =	vor.u32 s26, v49;
	v2 =	vld.idx.msk [tilespmem:v9+s14+$0x0], $0xffff  }
0x3c1: {  	v9 =	vor.u32 v55, v3;
	_ =	sdelay $0x3  }
0x3c2: {  	[tilespmem:v8+s18+$0x0] =	vst.idx.msk $0xffff, v2  }
0x3c3: {  	v8 =	vor.u32 s26, v47;
	v2 =	vld.idx.msk [tilespmem:v9+s14+$0x0], $0xffff  }
0x3c4: {  	v9 =	vor.u32 v35, v3;
	_ =	sdelay $0x3  }
0x3c5: {  	[tilespmem:v8+s18+$0x0] =	vst.idx.msk $0xffff, v2  }
0x3c6: {  	v8 =	vor.u32 s26, v50;
	v2 =	vld.idx.msk [tilespmem:v9+s14+$0x0], $0xffff  }
0x3c7: {  	v9 =	vor.u32 v22, v3;
	_ =	sdelay $0x3  }
0x3c8: {  	[tilespmem:v8+s18+$0x0] =	vst.idx.msk $0xffff, v2  }
0x3c9: {  	v8 =	vor.u32 s26, v57;
	v2 =	vld.idx.msk [tilespmem:v9+s14+$0x0], $0xffff  }
0x3ca: {  	v9 =	vor.u32 v60, v3;
	_ =	sdelay $0x3  }
0x3cb: {  	[tilespmem:v8+s18+$0x0] =	vst.idx.msk $0xffff, v2  }
0x3cc: {  	v8 =	vor.u32 s26, v51;
	v2 =	vld.idx.msk [tilespmem:v9+s14+$0x0], $0xffff  }
0x3cd: {  	v9 =	vor.u32 v62, v3;
	_ =	sdelay $0x3  }
0x3ce: {  	[tilespmem:v8+s18+$0x0] =	vst.idx.msk $0xffff, v2  }
0x3cf: {  	v8 =	vor.u32 s26, v54;
	v2 =	vld.idx.msk [tilespmem:v9+s14+$0x0], $0xffff  }
0x3d0: {  	v9 =	vor.u32 v13, v3;
	_ =	sdelay $0x3  }
0x3d1: {  	[tilespmem:v8+s18+$0x0] =	vst.idx.msk $0xffff, v2  }
0x3d2: {  	v8 =	vor.u32 s26, v30;
	v2 =	vld.idx.msk [tilespmem:v9+s14+$0x0], $0xffff  }
0x3d3: {  	v9 =	vor.u32 v20, v3;
	_ =	sdelay $0x3  }
0x3d4: {  	[tilespmem:v8+s18+$0x0] =	vst.idx.msk $0xffff, v2  }
0x3d5: {  	v8 =	vor.u32 s26, v61;
	v2 =	vld.idx.msk [tilespmem:v9+s14+$0x0], $0xffff  }
0x3d6: {  	v9 =	vor.u32 v16, v3;
	_ =	sdelay $0x3  }
0x3d7: {  	[tilespmem:v8+s18+$0x0] =	vst.idx.msk $0xffff, v2  }
0x3d8: {  	v8 =	vor.u32 s26, v24;
	v2 =	vld.idx.msk [tilespmem:v9+s14+$0x0], $0xffff  }
0x3d9: {  	v9 =	vor.u32 v23, v3;
	_ =	sdelay $0x3  }
0x3da: {  	[tilespmem:v8+s18+$0x0] =	vst.idx.msk $0xffff, v2  }
0x3db: {  	v8 =	vor.u32 s26, v4;
	v2 =	vld.idx.msk [tilespmem:v9+s14+$0x0], $0xffff  }
0x3dc: {  	v9 =	vor.u32 v58, v3;
	_ =	sdelay $0x3  }
0x3dd: {  	[tilespmem:v8+s18+$0x0] =	vst.idx.msk $0xffff, v2  }
0x3de: {  	v8 =	vor.u32 s26, v6;
	v2 =	vld.idx.msk [tilespmem:v9+s14+$0x0], $0xffff  }
0x3df: {  	v9 =	vor.u32 v48, v3;
	_ =	sdelay $0x3  }
0x3e0: {  	[tilespmem:v8+s18+$0x0] =	vst.idx.msk $0xffff, v2  }
0x3e1: {  	v8 =	vor.u32 s26, v27;
	v2 =	vld.idx.msk [tilespmem:v9+s14+$0x0], $0xffff  }
0x3e2: {  	v9 =	vor.u32 v33, v3;
	_ =	sdelay $0x3  }
0x3e3: {  	[tilespmem:v8+s18+$0x0] =	vst.idx.msk $0xffff, v2  }
0x3e4: {  	v8 =	vor.u32 s26, v52;
	v2 =	vld.idx.msk [tilespmem:v9+s14+$0x0], $0xffff  }
0x3e5: {  	v9 =	vor.u32 v59, v3;
	_ =	sdelay $0x3  }
0x3e6: {  	[tilespmem:v8+s18+$0x0] =	vst.idx.msk $0xffff, v2  }
0x3e7: {  	v8 =	vor.u32 s26, v7;
	v2 =	vld.idx.msk [tilespmem:v9+s14+$0x0], $0xffff  }
0x3e8: {  	v3 =	vor.u32 v5, v3;
	v5 =	vld [tilespmem:$0x1FFF0];
	_ =	sdelay $0x3  }
0x3e9: {  	[tilespmem:v8+s18+$0x0] =	vst.idx.msk $0xffff, v2  }
0x3ea: {  	v2 =	vld.idx.msk [tilespmem:v3+s14+$0x0], $0xffff;
	v3 =	vor.u32 s26, v5;
	_ =	sdelay $0x1  }
0x3eb: {  	s22 =	sadd.s32 $0x1, s22  }
0x3ec: {  	p0 =	sne.s32 s22, $0x64;
	v1 =	vld [tilespmem:$0x1FE90]  }
.Ltmp2:
0x3ed: {  	s23 =	sadd.s32 @!p1 $0x180, s23;
	v34 =	vld [tilespmem:$0x1FFA0];
	(pc) =	sbr.rel @p0 .LBB2_2-.Ltmp2, $4  }
0x3ee: {  	v11 =	vmov v27;
	s25 =	simm.s32 @!p1 $0x80;
	s23 =	sand.u32 @!p1 $0xFF80, s23;
	v29 =	vld [tilespmem:$0x1FDB0];
	v0 =	vmov v56;
	s26 =	simm.s32 @!p1 $0x7400;
	[tilespmem:v3+s18+$0x0] =	vst.idx.msk $0xffff, v2  }
0x3ef: {  	v56 =	vmovc v47;
	v55 =	vmov v0;
	v0 =	vld [tilespmem:$0x1FD40];
	v47 =	vmov v10;
	v35 =	vmov v54;
	[tilespmem:s26], [sflag:$0x2] =	stream.indirect.gather @!p1 [hbm4b:s5+s25], $0x20, s23, s25, $0xb8  }
0x3f0: {  	s31 =	sadd.s32 s24, s7;
	v28 =	vmovc v35;
	v54 =	vmovc v30;
	v30 =	vmov v19;
	v58 =	vld [tilespmem:$0x1FFD0];
	v48 =	vmov v17;
	v17 =	vmov v24  }
0x3f1: {  	v27 =	vmovc v18;
	v18 =	vmovc v31;
	v33 =	vmov v4;
	v4 =	vmov v11;
	v59 =	vld [tilespmem:$0x1FED0];
	v11 =	vmov v5;
	[hbm4b:s31+s9] =	stream.strided.scatter [tilespmem:s18], [sflag:$0x4], $0x1000, s10, s9, $0x38  }
0x3f2: {  	s21 =	sadd.s32 $0x1, s21  }
0x3f3: {  	_ =	swait.ge [sflag:s19], $0x1000;
	p0 =	sne.s32 s21, s8  }
.Ltmp3:
0x3f4: {  	[sflag:s19] =	ssyncset.done $0x0;
	(pc) =	sbr.rel @p0 .LBB2_1-.Ltmp3, $4  }
0x3f5: {  	[sflag:s19] =	ssyncadd.s32 $0xFFFFF000  }
0x3f6: {  	_ =	swait.ge [sflag:s20], $0x1000  }
0x3f7: {  	[sflag:s20] =	ssyncset.done $0x0  }
0x3f8: {  	[sflag:s20] =	ssyncadd.s32 $0xFFFFF000  }
0x3f9: {  	_ =	sfence.sel $0x180000  }
0x3fa: {  	[bflag:$0x0] =	sbarrier.arrive $0xFFFF  }
0x3fb: {  	p0 =	sne.s32 s2, $0x0;
	_ =	strace $0x9000004A  }
0x3fc: {  	s0 =	sadd.s32 @!p0 $0x100000, s0;
	[bflag:$0x2] =	sbarrier.arrive $0xFFFF  }
0x3fd: {  	[sflag:s0] =	ssyncadd.tile.s32 @!p0 $0x1;
	_ =	shalt  }
.Lfunc_end2:
_tile_overlayer_lowered:
.L_overlay_start_2:
0x3fe: {  	(tag) =	ssettag $0x2  }
0x3ff: {  	s0 =	rddreg [dreg:$0x0];
	s2 =	stileid.u32  }
0x400: {  	s1 =	rddreg [dreg:$0x1];
	p0 =	sne.s32 s2, $0x0  }
0x401: {  	s3 =	rddreg [dreg:$0x2];
	[bflag:$0x3] =	sbarrier.arrive $0xFFFF;
	s2 =	simm.s32 @!p0 $0x1C05  }
0x402: {  	[timem:s3], [sflag:s2] =	dma.local @!p0 [hbm:s0], s1  }
0x403: {  	s0 =	simm.s32 @!p0 $0x5  }
0x404: {  	_ =	swait.ge @!p0 [sflag:s0], s1  }
0x405: {  	s1 =	ssub.s32 @!p0 $0x0, s1;
	[sflag:s0] =	ssyncset.done @!p0 $0x0  }
0x406: {  	[sflag:s0] =	ssyncadd.s32 @!p0 s1  }
0x407: {  	[bflag:$0x3] =	sbarrier.arrive $0xFFFF  }
0x408: {  	_ =	shalt  }

</sc_bundles>
